<compile_context>
chip_gen: v7x
topology: tpu7x:2x2x1
jax: 0.10.2.dev20260603
libtpu: 0.0.44.dev20260713+nightly
codegen_flags: <defaults>
</compile_context>

<pallas_src>
import functools

import jax
import jax.numpy as jnp
from jax import lax
from jax.experimental import pallas as pl
from jax.experimental.pallas import tpu as pltpu
from jax.experimental.pallas import tpu_sc as plsc

NC = 2
NS = 16
NW = NC * NS
LANES = 16

_NEG_BIG = -3.0e38


def _leaky(x):
    return jnp.where(x >= 0, x, 0.01 * x)


def _proj_body(x_ref, e_ref, wfc_ref, wa_ref, wc_ref, wb_ref, b_ref,
               z_ref, zsb_ref, zd_ref, ep_ref):
    x = x_ref[...]
    z = jnp.dot(x, wfc_ref[...], preferred_element_type=jnp.float32)
    z_ref[...] = z
    zsb_ref[...] = jnp.dot(z, wa_ref[...], preferred_element_type=jnp.float32) + b_ref[...]
    zd_ref[...] = jnp.dot(z, wc_ref[...], preferred_element_type=jnp.float32)
    ep_ref[...] = jnp.dot(e_ref[...], wb_ref[...], preferred_element_type=jnp.float32)


def _proj_tc(nfeats, efeats, wfc_t, wa_t, wc_t, wb_t, b2):
    n, din = nfeats.shape
    e, din_e = efeats.shape
    dout = wfc_t.shape[1]
    de = wa_t.shape[1]
    g = 125
    nb = n // g
    eb = e // g
    return pl.pallas_call(
        _proj_body,
        grid=(g,),
        in_specs=[
            pl.BlockSpec((nb, din), lambda i: (i, 0)),
            pl.BlockSpec((eb, din_e), lambda i: (i, 0)),
            pl.BlockSpec((din, dout), lambda i: (0, 0)),
            pl.BlockSpec((dout, de), lambda i: (0, 0)),
            pl.BlockSpec((dout, de), lambda i: (0, 0)),
            pl.BlockSpec((din_e, de), lambda i: (0, 0)),
            pl.BlockSpec((1, de), lambda i: (0, 0)),
        ],
        out_specs=[
            pl.BlockSpec((nb, dout), lambda i: (i, 0)),
            pl.BlockSpec((nb, de), lambda i: (i, 0)),
            pl.BlockSpec((nb, de), lambda i: (i, 0)),
            pl.BlockSpec((eb, de), lambda i: (i, 0)),
        ],
        out_shape=[
            jax.ShapeDtypeStruct((n, dout), jnp.float32),
            jax.ShapeDtypeStruct((n, de), jnp.float32),
            jax.ShapeDtypeStruct((n, de), jnp.float32),
            jax.ShapeDtypeStruct((e, de), jnp.float32),
        ],
    )(nfeats, efeats, wfc_t, wa_t, wc_t, wb_t, b2)


def _rot_gather(x, idx):
    return lax.gather(
        x,
        idx[:, None],
        lax.GatherDimensionNumbers(
            offset_dims=(), collapsed_slice_dims=(0,), start_index_map=(0,)),
        (1,),
        mode=lax.GatherScatterMode.PROMISE_IN_BOUNDS,
    )


def _feat_attn_sc(zsb, zd, ep, src, dst, wvec, n):
    e = src.shape[0]
    de = zsb.shape[1]
    ew = e // NW
    cb = 80
    nchunks = ew // cb
    mesh = plsc.VectorSubcoreMesh(core_axis_name="c", subcore_axis_name="s", num_cores=NC, num_subcores=NS)

    @functools.partial(
        pl.kernel,
        mesh=mesh,
        compiler_params=pltpu.CompilerParams(use_tc_tiling_on_sc=False, needs_layout_passes=False),
        out_type=[
            jax.ShapeDtypeStruct((e, de), jnp.float32),
            jax.ShapeDtypeStruct((e,), jnp.float32),
            jax.ShapeDtypeStruct((NC, n), jnp.float32),
        ],
        scratch_types=[
            pltpu.VMEM((4, cb), jnp.int32),
            pltpu.VMEM((4, cb), jnp.int32),
            pltpu.VMEM((2, cb, de), jnp.float32),
            pltpu.VMEM((2, cb, de), jnp.float32),
            pltpu.VMEM((2, cb, de), jnp.float32),
            pltpu.VMEM((2, cb, de), jnp.float32),
            pltpu.VMEM((2, cb), jnp.float32),
            pltpu.VMEM((16,), jnp.float32),
            pltpu.VMEM((n,), jnp.float32),
            pltpu.VMEM((640,), jnp.float32),
            pltpu.VMEM((640,), jnp.float32),
            pltpu.VMEM_SHARED((NS, n), jnp.float32),
            pltpu.SemaphoreType.DMA((4,)),
            pltpu.SemaphoreType.DMA((2,)),
            pltpu.SemaphoreType.DMA((2,)),
        ],
    )
    def body(zsb_hbm, zd_hbm, ep_hbm, src_hbm, dst_hbm, w_hbm,
             out_hbm, attn_hbm, part_hbm,
             srcv, dstv, zsr, zdr, epv, fv, avr, wv_ref, tbl,
             redb, stgb, shr, semi, semg, semo):
        cid = lax.axis_index("c")
        sid = lax.axis_index("s")
        wid = sid * NC + cid
        base = wid * ew
        nslc = 640
        pltpu.sync_copy(w_hbm, wv_ref)
        wv = wv_ref[...]
        iota = lax.iota(jnp.int32, LANES)
        neg = jnp.full((LANES,), _NEG_BIG, jnp.float32)

        def init(i, c):
            tbl[pl.ds(i * LANES, LANES)] = neg
            return c

        lax.fori_loop(0, n // LANES, init, 0)

        def fire_idx(ci):
            b4 = lax.rem(ci, 4)
            off = base + ci * cb
            pltpu.async_copy(src_hbm.at[pl.ds(off, cb)], srcv.at[b4], semi.at[b4])
            pltpu.async_copy(dst_hbm.at[pl.ds(off, cb)], dstv.at[b4], semi.at[b4])

        def wait_idx(b4):
            pltpu.make_async_copy(src_hbm.at[pl.ds(0, cb)], srcv.at[b4], semi.at[b4]).wait()
            pltpu.make_async_copy(dst_hbm.at[pl.ds(0, cb)], dstv.at[b4], semi.at[b4]).wait()

        def fire_rows(ci):
            b4 = lax.rem(ci, 4)
            b2 = lax.rem(ci, 2)
            off = base + ci * cb
            pltpu.async_copy(zsb_hbm.at[srcv.at[b4]], zsr.at[b2], semg.at[b2])
            pltpu.async_copy(zd_hbm.at[dstv.at[b4]], zdr.at[b2], semg.at[b2])
            pltpu.async_copy(ep_hbm.at[pl.ds(off, cb), :], epv.at[b2], semg.at[b2])

        def wait_rows(b2):
            pltpu.make_async_copy(zsb_hbm.at[srcv.at[0]], zsr.at[b2], semg.at[b2]).wait()
            pltpu.make_async_copy(zd_hbm.at[srcv.at[0]], zdr.at[b2], semg.at[b2]).wait()
            pltpu.make_async_copy(ep_hbm.at[pl.ds(0, cb), :], epv.at[b2], semg.at[b2]).wait()

        def wait_out(b2):
            pltpu.make_async_copy(fv.at[b2], out_hbm.at[pl.ds(0, cb), :], semo.at[b2]).wait()
            pltpu.make_async_copy(avr.at[b2], attn_hbm.at[pl.ds(0, cb)], semo.at[b2]).wait()

        fire_idx(0)
        fire_idx(1)
        wait_idx(0)
        fire_rows(0)

        def step(ci, carry):
            b4 = lax.rem(ci, 4)
            b2 = lax.rem(ci, 2)

            @pl.when(ci + 1 < nchunks)
            def _():
                wait_idx(lax.rem(ci + 1, 4))
                fire_rows(ci + 1)

            wait_rows(b2)

            @pl.when(ci >= 2)
            def _():
                wait_out(b2)

            def grp(g, c):
                acc = jnp.zeros((LANES,), jnp.float32)
                for l in range(LANES):
                    i = g * LANES + l
                    r = zsr[b2, i, :] + zdr[b2, i, :] + epv[b2, i, :]
                    f = _leaky(r)
                    fv[b2, i, :] = f
                    csum = plsc.cumsum(f * wv)
                    sv = _rot_gather(csum, iota * 0 + (LANES - 1))
                    acc = jnp.where(iota == l, sv, acc)
                attn16 = _leaky(_leaky(acc))
                avr[b2, pl.ds(g * LANES, LANES)] = attn16
                k = dstv[b4, pl.ds(g * LANES, LANES)]
                cnts, _ = plsc.scan_count(k)
                hasdup = jnp.max(cnts) > jnp.min(cnts)

                def dedup(xx):
                    def rot(r_, x_):
                        idx = (iota + r_) & (LANES - 1)
                        kr = _rot_gather(k, idx)
                        xr = _rot_gather(x_, idx)
                        return jnp.where(k == kr, jnp.maximum(x_, xr), x_)

                    return lax.fori_loop(1, LANES, rot, xx)

                x = lax.cond(hasdup, dedup, lambda xx: xx, attn16)
                old = plsc.load_gather(tbl, [k])
                plsc.store_scatter(tbl, [k], jnp.maximum(old, x))
                return c

            lax.fori_loop(0, cb // LANES, grp, 0)
            off = base + ci * cb
            pltpu.async_copy(fv.at[b2], out_hbm.at[pl.ds(off, cb), :], semo.at[b2])
            pltpu.async_copy(avr.at[b2], attn_hbm.at[pl.ds(off, cb)], semo.at[b2])

            @pl.when(ci + 2 < nchunks)
            def _():
                fire_idx(ci + 2)

            return carry

        lax.fori_loop(0, nchunks, step, 0)
        wait_out(0)
        wait_out(1)

        pltpu.sync_copy(tbl, shr.at[sid])
        plsc.subcore_barrier()

        def reduce_slice(o0, olen):
            pltpu.sync_copy(shr.at[0, pl.ds(o0, olen)], redb.at[pl.ds(0, olen)])

            def tred(t, c):
                pltpu.sync_copy(shr.at[t, pl.ds(o0, olen)], stgb.at[pl.ds(0, olen)])

                def mx(i, cc):
                    sl = pl.ds(i * LANES, LANES)
                    redb[sl] = jnp.maximum(redb[sl], stgb[sl])
                    return cc

                lax.fori_loop(0, olen // LANES, mx, 0)
                return c

            lax.fori_loop(1, NS, tred, 0)
            pltpu.sync_copy(redb.at[pl.ds(0, olen)],
                            part_hbm.at[cid, pl.ds(o0, olen)])

        @pl.when(sid < NS - 1)
        def _():
            reduce_slice(sid * nslc, nslc)

        @pl.when(sid == NS - 1)
        def _():
            reduce_slice((NS - 1) * nslc, n - (NS - 1) * nslc)

    return body(zsb, zd, ep, src, dst, wvec)


def _exp_sc(attn, part, dst, n):
    e = attn.shape[0]
    ew = e // NW
    cb = 80
    nchunks = ew // cb
    mesh = plsc.VectorSubcoreMesh(core_axis_name="c", subcore_axis_name="s", num_cores=NC, num_subcores=NS)

    @functools.partial(
        pl.kernel,
        mesh=mesh,
        compiler_params=pltpu.CompilerParams(use_tc_tiling_on_sc=False, needs_layout_passes=False),
        out_type=jax.ShapeDtypeStruct((e,), jnp.float32),
        scratch_types=[
            pltpu.VMEM((n,), jnp.float32),
            pltpu.VMEM((n,), jnp.float32),
            pltpu.VMEM((4, cb), jnp.int32),
            pltpu.VMEM((4, cb), jnp.float32),
            pltpu.VMEM((2, cb), jnp.float32),
            pltpu.SemaphoreType.DMA((4,)),
            pltpu.SemaphoreType.DMA((2,)),
        ],
    )
    def body(attn_hbm, part_hbm, dst_hbm, out_hbm, amaxv, ptv, dstv, attnv, exv,
             semi, semo):
        wid = lax.axis_index("s") * NC + lax.axis_index("c")
        base = wid * ew

        pltpu.sync_copy(part_hbm.at[0], amaxv)
        pltpu.sync_copy(part_hbm.at[1], ptv)

        def red(i, c):
            sl = pl.ds(i * LANES, LANES)
            amaxv[sl] = jnp.maximum(amaxv[sl], ptv[sl])
            return c

        lax.fori_loop(0, n // LANES, red, 0)

        def fire_idx(ci):
            b4 = lax.rem(ci, 4)
            off = base + ci * cb
            pltpu.async_copy(dst_hbm.at[pl.ds(off, cb)], dstv.at[b4], semi.at[b4])
            pltpu.async_copy(attn_hbm.at[pl.ds(off, cb)], attnv.at[b4], semi.at[b4])

        def wait_idx(b4):
            pltpu.make_async_copy(dst_hbm.at[pl.ds(0, cb)], dstv.at[b4], semi.at[b4]).wait()
            pltpu.make_async_copy(attn_hbm.at[pl.ds(0, cb)], attnv.at[b4], semi.at[b4]).wait()

        def wait_out(b2):
            pltpu.make_async_copy(exv.at[b2], out_hbm.at[pl.ds(0, cb)], semo.at[b2]).wait()

        fire_idx(0)
        fire_idx(1)

        def step(ci, carry):
            b4 = lax.rem(ci, 4)
            b2 = lax.rem(ci, 2)
            wait_idx(b4)

            @pl.when(ci >= 2)
            def _():
                wait_out(b2)

            def grp(g, c):
                k = dstv[b4, pl.ds(g * LANES, LANES)]
                a = attnv[b4, pl.ds(g * LANES, LANES)]
                am = plsc.load_gather(amaxv, [k])
                exv[b2, pl.ds(g * LANES, LANES)] = jnp.exp(a - am)
                return c

            lax.fori_loop(0, cb // LANES, grp, 0)
            off = base + ci * cb
            pltpu.async_copy(exv.at[b2], out_hbm.at[pl.ds(off, cb)], semo.at[b2])

            @pl.when(ci + 2 < nchunks)
            def _():
                fire_idx(ci + 2)

            return carry

        lax.fori_loop(0, nchunks, step, 0)
        wait_out(0)
        wait_out(1)

    return body(attn, part, dst)


def _agg_sc(ex, src, dst, z):
    e = ex.shape[0]
    n, d = z.shape
    dpad = d + 8
    ew = e // NW
    cb = 80
    nchunks = ew // cb
    rows_per_tile = n // NS
    mesh = plsc.VectorSubcoreMesh(core_axis_name="c", subcore_axis_name="s", num_cores=NC, num_subcores=NS)

    @functools.partial(
        pl.kernel,
        mesh=mesh,
        compiler_params=pltpu.CompilerParams(use_tc_tiling_on_sc=False, needs_layout_passes=False),
        out_type=jax.ShapeDtypeStruct((NC, n, dpad), jnp.float32),
        scratch_types=[
            pltpu.VMEM((4, cb), jnp.int32),
            pltpu.VMEM((4, cb), jnp.int32),
            pltpu.VMEM((4, cb), jnp.float32),
            pltpu.VMEM((2, cb, d), jnp.float32),
            pltpu.VMEM((2, cb, dpad), jnp.float32),
            pltpu.VMEM_SHARED((n, dpad), jnp.float32),
            pltpu.SemaphoreType.DMA((4,)),
            pltpu.SemaphoreType.DMA((2,)),
            pltpu.SemaphoreType.DMA((2,)),
        ],
    )
    def body(ex_hbm, src_hbm, dst_hbm, z_hbm, out_hbm,
             srcv, dstv, exvr, zrows, scaled, acc, semi, semz, semsc):
        cid = lax.axis_index("c")
        sid = lax.axis_index("s")
        wid = sid * NC + cid
        base = wid * ew
        iota = lax.iota(jnp.int32, LANES)
        zero16 = jnp.zeros((LANES,), jnp.float32)

        def zero_row(i, c):
            for j in range(dpad // LANES):
                scaled[0, i, pl.ds(j * LANES, LANES)] = zero16
            scaled[0, i, pl.ds(dpad - LANES, LANES)] = zero16
            scaled[1, i, pl.ds(dpad - LANES, LANES)] = zero16
            return c

        lax.fori_loop(0, cb, zero_row, 0)
        r0 = sid * rows_per_tile
        nfull = rows_per_tile // cb
        rrem = rows_per_tile - nfull * cb

        def zcp(i, c):
            pltpu.sync_copy(scaled.at[0],
                            acc.at[pl.ds(r0 + i * cb, cb), :])
            return c

        lax.fori_loop(0, nfull, zcp, 0)
        if rrem:
            pltpu.sync_copy(scaled.at[0, pl.ds(0, rrem), :],
                            acc.at[pl.ds(r0 + nfull * cb, rrem), :])
        plsc.subcore_barrier()

        def fire_idx(ci):
            b4 = lax.rem(ci, 4)
            off = base + ci * cb
            pltpu.async_copy(src_hbm.at[pl.ds(off, cb)], srcv.at[b4], semi.at[b4])
            pltpu.async_copy(dst_hbm.at[pl.ds(off, cb)], dstv.at[b4], semi.at[b4])
            pltpu.async_copy(ex_hbm.at[pl.ds(off, cb)], exvr.at[b4], semi.at[b4])

        def wait_idx(b4):
            pltpu.make_async_copy(src_hbm.at[pl.ds(0, cb)], srcv.at[b4], semi.at[b4]).wait()
            pltpu.make_async_copy(dst_hbm.at[pl.ds(0, cb)], dstv.at[b4], semi.at[b4]).wait()
            pltpu.make_async_copy(ex_hbm.at[pl.ds(0, cb)], exvr.at[b4], semi.at[b4]).wait()

        def fire_rows(ci):
            b4 = lax.rem(ci, 4)
            b2 = lax.rem(ci, 2)
            hf = cb // 2
            pltpu.async_copy(z_hbm.at[srcv.at[b4, pl.ds(0, hf)]],
                             zrows.at[b2, pl.ds(0, hf)], semz.at[b2])
            pltpu.async_copy(z_hbm.at[srcv.at[b4, pl.ds(hf, hf)]],
                             zrows.at[b2, pl.ds(hf, hf)], semz.at[b2])

        def wait_rows(b2):
            pltpu.make_async_copy(z_hbm.at[srcv.at[0]], zrows.at[b2], semz.at[b2]).wait()

        def wait_scat(b2):
            pltpu.make_async_copy(scaled.at[b2], acc.at[dstv.at[0]], semsc.at[b2]).wait()

        fire_idx(0)
        fire_idx(1)
        wait_idx(0)
        fire_rows(0)

        def step(ci, carry):
            b4 = lax.rem(ci, 4)
            b2 = lax.rem(ci, 2)

            @pl.when(ci + 1 < nchunks)
            def _():
                wait_idx(lax.rem(ci + 1, 4))
                fire_rows(ci + 1)

            wait_rows(b2)

            @pl.when(ci >= 2)
            def _():
                wait_scat(b2)

            b2s = iota * 0 + b2

            def egrp(g, c):
                ex16 = exvr[b4, pl.ds(g * LANES, LANES)]
                for l in range(LANES):
                    i = g * LANES + l
                    sv = _rot_gather(ex16, iota * 0 + l)
                    for j in range(d // LANES):
                        scaled[b2, i, pl.ds(j * LANES, LANES)] = (
                            zrows[b2, i, pl.ds(j * LANES, LANES)] * sv)
                rows = g * LANES + iota
                plsc.store_scatter(scaled, [b2s, rows, iota * 0 + d], ex16)
                return c

            lax.fori_loop(0, cb // LANES, egrp, 0)
            pltpu.async_copy(scaled.at[b2], acc.at[dstv.at[b4]], semsc.at[b2], add=True)

            @pl.when(ci + 2 < nchunks)
            def _():
                fire_idx(ci + 2)

            return carry

        lax.fori_loop(0, nchunks, step, 0)
        wait_scat(0)
        wait_scat(1)
        plsc.subcore_barrier()
        pltpu.sync_copy(acc.at[pl.ds(r0, rows_per_tile), :],
                        out_hbm.at[cid, pl.ds(r0, rows_per_tile), :])

    return body(ex, src, dst, z)


def _norm_body(hp_ref, h_ref):
    hs = hp_ref[0] + hp_ref[1]
    d = hs[:, 128:129]
    h_ref[...] = jnp.where(d > 0, hs[:, :128] / d, 0.0)


def _norm_tc(hpart):
    nc, n, dpad = hpart.shape
    d = 128
    rb = 1000
    return pl.pallas_call(
        _norm_body,
        grid=(n // rb,),
        in_specs=[pl.BlockSpec((nc, rb, dpad), lambda i: (0, i, 0))],
        out_specs=pl.BlockSpec((rb, d), lambda i: (i, 0)),
        out_shape=jax.ShapeDtypeStruct((n, d), jnp.float32),
    )(hpart)


def kernel(nfeats, efeats, edge_index, W_fc, W_edge, b_edge, W_coef):
    n, din_n = nfeats.shape
    e, din_e = efeats.shape
    dout = W_fc.shape[0]
    de = W_edge.shape[0]

    src = edge_index[0].astype(jnp.int32)
    dst = edge_index[1].astype(jnp.int32)

    wfc_t = W_fc.T
    wa_t = W_edge[:, :dout].T
    wb_t = W_edge[:, dout:dout + din_e].T
    wc_t = W_edge[:, dout + din_e:].T
    b2 = b_edge.reshape(1, de)

    z, zsb, zd, ep = _proj_tc(nfeats, efeats, wfc_t, wa_t, wc_t, wb_t, b2)
    feat, attn, part = _feat_attn_sc(zsb, zd, ep, src, dst, W_coef.reshape(de), n)
    ex = _exp_sc(attn, part, dst, n)
    hpart = _agg_sc(ex, src, dst, z)
    h = _norm_tc(hpart)
    return h, feat

# --- scband reference (transcript-rebuilt; emitter-appended) ---
"""Pipeline reference for scband-gatlayer-10385230922252 (READ-ONLY COPY).

The authoritative reference and input builder live on the scoring server;
editing this copy changes nothing except your own understanding.
"""

import jax, jax.numpy as jnp
import numpy as np

N = 10000
E = 320000
DIN_N = 128
DIN_E = 16
DOUT_N = 128
DOUT_E = 16


def _leaky_relu(x, slope=0.01):
    return jnp.where(x >= 0, x, slope * x)


def setup_inputs(seed: int = 0) -> dict:
    key = jax.random.key(seed)
    k1, k2, k3, k4, k5, k6, k7 = jax.random.split(key, 7)
    nfeats = jax.random.normal(k1, (N, DIN_N), dtype=jnp.float32)
    efeats = jax.random.normal(k2, (E, DIN_E), dtype=jnp.float32)
    edge_index = jax.random.randint(k3, (2, E), 0, N, dtype=jnp.int64 if jax.config.jax_enable_x64 else jnp.int32)
    # learned params
    W_fc = jax.random.normal(k4, (DOUT_N, DIN_N), dtype=jnp.float32) * (1.0 / np.sqrt(DIN_N))
    W_edge = jax.random.normal(k5, (DOUT_E, DIN_E + 2 * DOUT_N), dtype=jnp.float32) * (1.0 / np.sqrt(DIN_E + 2 * DOUT_N))
    b_edge = jnp.zeros((DOUT_E,), dtype=jnp.float32)
    W_coef = jax.random.normal(k6, (1, DOUT_E), dtype=jnp.float32) * (1.0 / np.sqrt(DOUT_E))
    return {"nfeats": nfeats, "efeats": efeats, "edge_index": edge_index,
            "W_fc": W_fc, "W_edge": W_edge, "b_edge": b_edge, "W_coef": W_coef}


def reference(nfeats, efeats, edge_index, W_fc, W_edge, b_edge, W_coef):
    # z = fc(nfeats)  (no bias)
    z = nfeats @ W_fc.T
    src = edge_index[0]
    dst = edge_index[1]
    # edge_attention: cat([src_z, efeats, dst_z]) -> attn_fc_edge -> leaky_relu
    stacked = jnp.concatenate([z[src], efeats, z[dst]], axis=1)
    feat = _leaky_relu(stacked @ W_edge.T + b_edge)
    a = _leaky_relu(feat @ W_coef.T)
    attn = _leaky_relu(a)  # leaky_relu applied again, faithful to source
    # reduce: softmax over incoming edges per dst node, weighted sum of src z
    amax = jax.ops.segment_max(attn, dst, num_segments=N)
    amax = jnp.where(jnp.isfinite(amax), amax, 0.0)
    ex = jnp.exp(attn - amax[dst])
    denom = jax.ops.segment_sum(ex, dst, num_segments=N)
    alpha = ex / denom[dst]
    h = jax.ops.segment_sum(alpha * z[src], dst, num_segments=N)
    return (h, feat)

if __name__ == "__main__":
    import jax
    _d = setup_inputs()
    print(jax.jit(kernel)(*tuple(_d.values())))

</pallas_src>

<mosaic_0001>
#map = affine_map<(d0, d1) -> (0)>
#map1 = affine_map<(d0, d1) -> (0, 0)>
module attributes {stable_mosaic.version = 14 : i64} {
  func.func @body(%arg0: i32, %arg1: i32, %arg2: memref<320000xf32, #tpu.memory_space<hbm>>, %arg3: memref<2x10000xf32, #tpu.memory_space<hbm>>, %arg4: memref<320000xi32, #tpu.memory_space<hbm>>, %arg5: memref<320000xf32, #tpu.memory_space<hbm>>, %arg6: memref<10000xf32, #tpu.memory_space<vmem>>, %arg7: memref<10000xf32, #tpu.memory_space<vmem>>, %arg8: memref<4x80xi32, #tpu.memory_space<vmem>>, %arg9: memref<4x80xf32, #tpu.memory_space<vmem>>, %arg10: memref<2x80xf32, #tpu.memory_space<vmem>>, %arg11: memref<4x!tpu.dma_semaphore, #tpu.memory_space<semaphore_mem>>, %arg12: memref<2x!tpu.dma_semaphore, #tpu.memory_space<semaphore_mem>>) attributes {dimension_semantics = [#tpu.dimension_semantics<core_parallel>, #tpu.dimension_semantics<subcore_parallel>], iteration_bounds = array<i64: 2, 16>, scalar_prefetch = 0 : i64, scratch_operands = 7 : i64, tpu.core_type = #tpu.core_type<sc_vector_subcore>, window_params = [{transform_indices = #map}, {transform_indices = #map1}, {transform_indices = #map}, {transform_indices = #map}]} {
    %mul3A = arith.constant 2 : i32
    %mul3A_0 = arith.muli %arg1, %mul3A : i32
    %add3A = arith.addi %mul3A_0, %arg0 : i32
    %mul3A_1 = arith.constant 10000 : i32
    %mul3A_2 = arith.muli %add3A, %mul3A_1 : i32
    %run_scoped3A = arith.constant 0 : i32
    "tpu.region"() ({
      %run_scoped3A_90 = tpu.sem_alloc : memref<!tpu.dma_semaphore, #tpu.memory_space<semaphore_mem>>
      %dma_start3A_91 = arith.constant 0 : i32
      %dma_start3A_92 = tpu.memref_slice %arg3[%run_scoped3A, %dma_start3A_91] : memref<2x10000xf32, #tpu.memory_space<hbm>> -> memref<1x10000xf32, #tpu.memory_space<hbm>>
      %dma_start3A_93 = tpu.memref_squeeze %dma_start3A_92 : memref<1x10000xf32, #tpu.memory_space<hbm>> -> memref<10000xf32, #tpu.memory_space<hbm>>
      %dma_start3A_94 = arith.constant 0 : i32
      %dma_start3A_95 = tpu.memref_slice %arg3[%run_scoped3A, %dma_start3A_94] : memref<2x10000xf32, #tpu.memory_space<hbm>> -> memref<1x10000xf32, #tpu.memory_space<hbm>>
      %dma_start3A_96 = tpu.memref_squeeze %dma_start3A_95 : memref<1x10000xf32, #tpu.memory_space<hbm>> -> memref<10000xf32, #tpu.memory_space<hbm>>
      tpu.enqueue_dma source(%dma_start3A_96 : memref<10000xf32, #tpu.memory_space<hbm>>) target(%arg6 : memref<10000xf32, #tpu.memory_space<vmem>>) target_semaphore(%run_scoped3A_90 : memref<!tpu.dma_semaphore, #tpu.memory_space<semaphore_mem>>)
      %dma_wait3A_97 = arith.constant 0 : i32
      %dma_wait3A_98 = tpu.memref_slice %arg3[%run_scoped3A, %dma_wait3A_97] : memref<2x10000xf32, #tpu.memory_space<hbm>> -> memref<1x10000xf32, #tpu.memory_space<hbm>>
      %dma_wait3A_99 = tpu.memref_squeeze %dma_wait3A_98 : memref<1x10000xf32, #tpu.memory_space<hbm>> -> memref<10000xf32, #tpu.memory_space<hbm>>
      %dma_wait3A_100 = arith.constant 0 : i32
      %dma_wait3A_101 = tpu.memref_slice %arg3[%run_scoped3A, %dma_wait3A_100] : memref<2x10000xf32, #tpu.memory_space<hbm>> -> memref<1x10000xf32, #tpu.memory_space<hbm>>
      %dma_wait3A_102 = tpu.memref_squeeze %dma_wait3A_101 : memref<1x10000xf32, #tpu.memory_space<hbm>> -> memref<10000xf32, #tpu.memory_space<hbm>>
      tpu.wait_dma2 semaphore(%run_scoped3A_90 : memref<!tpu.dma_semaphore, #tpu.memory_space<semaphore_mem>>) src(%dma_wait3A_102 : memref<10000xf32, #tpu.memory_space<hbm>>) dst(%arg6 : memref<10000xf32, #tpu.memory_space<vmem>>)
      tpu.yield
    }) : () -> ()
    %run_scoped3A_3 = arith.constant 1 : i32
    "tpu.region"() ({
      %run_scoped3A_90 = tpu.sem_alloc : memref<!tpu.dma_semaphore, #tpu.memory_space<semaphore_mem>>
      %dma_start3A_91 = arith.constant 0 : i32
      %dma_start3A_92 = tpu.memref_slice %arg3[%run_scoped3A_3, %dma_start3A_91] : memref<2x10000xf32, #tpu.memory_space<hbm>> -> memref<1x10000xf32, #tpu.memory_space<hbm>>
      %dma_start3A_93 = tpu.memref_squeeze %dma_start3A_92 : memref<1x10000xf32, #tpu.memory_space<hbm>> -> memref<10000xf32, #tpu.memory_space<hbm>>
      %dma_start3A_94 = arith.constant 0 : i32
      %dma_start3A_95 = tpu.memref_slice %arg3[%run_scoped3A_3, %dma_start3A_94] : memref<2x10000xf32, #tpu.memory_space<hbm>> -> memref<1x10000xf32, #tpu.memory_space<hbm>>
      %dma_start3A_96 = tpu.memref_squeeze %dma_start3A_95 : memref<1x10000xf32, #tpu.memory_space<hbm>> -> memref<10000xf32, #tpu.memory_space<hbm>>
      tpu.enqueue_dma source(%dma_start3A_96 : memref<10000xf32, #tpu.memory_space<hbm>>) target(%arg7 : memref<10000xf32, #tpu.memory_space<vmem>>) target_semaphore(%run_scoped3A_90 : memref<!tpu.dma_semaphore, #tpu.memory_space<semaphore_mem>>)
      %dma_wait3A_97 = arith.constant 0 : i32
      %dma_wait3A_98 = tpu.memref_slice %arg3[%run_scoped3A_3, %dma_wait3A_97] : memref<2x10000xf32, #tpu.memory_space<hbm>> -> memref<1x10000xf32, #tpu.memory_space<hbm>>
      %dma_wait3A_99 = tpu.memref_squeeze %dma_wait3A_98 : memref<1x10000xf32, #tpu.memory_space<hbm>> -> memref<10000xf32, #tpu.memory_space<hbm>>
      %dma_wait3A_100 = arith.constant 0 : i32
      %dma_wait3A_101 = tpu.memref_slice %arg3[%run_scoped3A_3, %dma_wait3A_100] : memref<2x10000xf32, #tpu.memory_space<hbm>> -> memref<1x10000xf32, #tpu.memory_space<hbm>>
      %dma_wait3A_102 = tpu.memref_squeeze %dma_wait3A_101 : memref<1x10000xf32, #tpu.memory_space<hbm>> -> memref<10000xf32, #tpu.memory_space<hbm>>
      tpu.wait_dma2 semaphore(%run_scoped3A_90 : memref<!tpu.dma_semaphore, #tpu.memory_space<semaphore_mem>>) src(%dma_wait3A_102 : memref<10000xf32, #tpu.memory_space<hbm>>) dst(%arg7 : memref<10000xf32, #tpu.memory_space<vmem>>)
      tpu.yield
    }) : () -> ()
    %scan3A = arith.constant 0 : i32
    %scan3A_4 = arith.constant 0 : i32
    %scan3A_5 = arith.constant 625 : i32
    %scan3A_6 = arith.addi %scan3A_4, %scan3A_5 : i32
    %scan3A_7 = arith.constant 1 : i32
    scf.for %scan3A_90 = %scan3A_4 to %scan3A_6 step %scan3A_7  : i32 {
      %mul3A_91 = arith.constant 16 : i32
      %mul3A_92 = arith.muli %scan3A_90, %mul3A_91 : i32
      %get3A = arith.index_cast %mul3A_92 : i32 to index
      %get3A_93 = tpu.vector_load %arg6[%get3A] {strides = array<i32>} : memref<10000xf32, #tpu.memory_space<vmem>>, vector<16xf32>,
      %get3A_94 = arith.index_cast %mul3A_92 : i32 to index
      %get3A_95 = tpu.vector_load %arg7[%get3A_94] {strides = array<i32>} : memref<10000xf32, #tpu.memory_space<vmem>>, vector<16xf32>,
      %max3A = arith.maximumf %get3A_93, %get3A_95 : vector<16xf32>
      %swap3A = arith.index_cast %mul3A_92 : i32 to index
      %swap3A_96 = tpu.vector_load %arg6[%swap3A] {strides = array<i32>} : memref<10000xf32, #tpu.memory_space<vmem>>, vector<16xf32>,
      tpu.vector_store %arg6[%swap3A], %max3A {strides = array<i32>} : memref<10000xf32, #tpu.memory_space<vmem>>, vector<16xf32>,
    }
    %scan3A_8 = arith.constant 625 : i32
    %rem3A = arith.constant 0 : i32
    %rem3A_9 = arith.constant 4 : i32
    %rem3A_10 = arith.remsi %rem3A, %rem3A_9 : i32
    %add3A_11 = arith.constant 0 : i32
    %add3A_12 = arith.addi %mul3A_2, %add3A_11 : i32
    %dma_start3A = arith.constant 0 : i32
    %dma_start3A_13 = tpu.memref_slice %arg8[%rem3A_10, %dma_start3A] : memref<4x80xi32, #tpu.memory_space<vmem>> -> memref<1x80xi32, #tpu.memory_space<vmem>>
    %dma_start3A_14 = tpu.memref_squeeze %dma_start3A_13 : memref<1x80xi32, #tpu.memory_space<vmem>> -> memref<80xi32, #tpu.memory_space<vmem>>
    %dma_start3A_15 = tpu.memref_slice %arg4[%add3A_12] : memref<320000xi32, #tpu.memory_space<hbm>> -> memref<80xi32, #tpu.memory_space<hbm>>
    %dma_start3A_16 = tpu.memref_slice %arg11[%rem3A_10] : memref<4x!tpu.dma_semaphore, #tpu.memory_space<semaphore_mem>> -> memref<1x!tpu.dma_semaphore, #tpu.memory_space<semaphore_mem>>
    %dma_start3A_17 = tpu.memref_squeeze %dma_start3A_16 : memref<1x!tpu.dma_semaphore, #tpu.memory_space<semaphore_mem>> -> memref<!tpu.dma_semaphore, #tpu.memory_space<semaphore_mem>>
    %dma_start3A_18 = arith.constant 0 : i32
    %dma_start3A_19 = tpu.memref_slice %arg8[%rem3A_10, %dma_start3A_18] : memref<4x80xi32, #tpu.memory_space<vmem>> -> memref<1x80xi32, #tpu.memory_space<vmem>>
    %dma_start3A_20 = tpu.memref_squeeze %dma_start3A_19 : memref<1x80xi32, #tpu.memory_space<vmem>> -> memref<80xi32, #tpu.memory_space<vmem>>
    %dma_start3A_21 = tpu.memref_slice %arg4[%add3A_12] : memref<320000xi32, #tpu.memory_space<hbm>> -> memref<80xi32, #tpu.memory_space<hbm>>
    tpu.enqueue_dma source(%dma_start3A_21 : memref<80xi32, #tpu.memory_space<hbm>>) target(%dma_start3A_20 : memref<80xi32, #tpu.memory_space<vmem>>) target_semaphore(%dma_start3A_17 : memref<!tpu.dma_semaphore, #tpu.memory_space<semaphore_mem>>)
    %dma_start3A_22 = arith.constant 0 : i32
    %dma_start3A_23 = tpu.memref_slice %arg9[%rem3A_10, %dma_start3A_22] : memref<4x80xf32, #tpu.memory_space<vmem>> -> memref<1x80xf32, #tpu.memory_space<vmem>>
    %dma_start3A_24 = tpu.memref_squeeze %dma_start3A_23 : memref<1x80xf32, #tpu.memory_space<vmem>> -> memref<80xf32, #tpu.memory_space<vmem>>
    %dma_start3A_25 = tpu.memref_slice %arg2[%add3A_12] : memref<320000xf32, #tpu.memory_space<hbm>> -> memref<80xf32, #tpu.memory_space<hbm>>
    %dma_start3A_26 = tpu.memref_slice %arg11[%rem3A_10] : memref<4x!tpu.dma_semaphore, #tpu.memory_space<semaphore_mem>> -> memref<1x!tpu.dma_semaphore, #tpu.memory_space<semaphore_mem>>
    %dma_start3A_27 = tpu.memref_squeeze %dma_start3A_26 : memref<1x!tpu.dma_semaphore, #tpu.memory_space<semaphore_mem>> -> memref<!tpu.dma_semaphore, #tpu.memory_space<semaphore_mem>>
    %dma_start3A_28 = arith.constant 0 : i32
    %dma_start3A_29 = tpu.memref_slice %arg9[%rem3A_10, %dma_start3A_28] : memref<4x80xf32, #tpu.memory_space<vmem>> -> memref<1x80xf32, #tpu.memory_space<vmem>>
    %dma_start3A_30 = tpu.memref_squeeze %dma_start3A_29 : memref<1x80xf32, #tpu.memory_space<vmem>> -> memref<80xf32, #tpu.memory_space<vmem>>
    %dma_start3A_31 = tpu.memref_slice %arg2[%add3A_12] : memref<320000xf32, #tpu.memory_space<hbm>> -> memref<80xf32, #tpu.memory_space<hbm>>
    tpu.enqueue_dma source(%dma_start3A_31 : memref<80xf32, #tpu.memory_space<hbm>>) target(%dma_start3A_30 : memref<80xf32, #tpu.memory_space<vmem>>) target_semaphore(%dma_start3A_27 : memref<!tpu.dma_semaphore, #tpu.memory_space<semaphore_mem>>)
    %rem3A_32 = arith.constant 1 : i32
    %rem3A_33 = arith.constant 4 : i32
    %rem3A_34 = arith.remsi %rem3A_32, %rem3A_33 : i32
    %add3A_35 = arith.constant 80 : i32
    %add3A_36 = arith.addi %mul3A_2, %add3A_35 : i32
    %dma_start3A_37 = arith.constant 0 : i32
    %dma_start3A_38 = tpu.memref_slice %arg8[%rem3A_34, %dma_start3A_37] : memref<4x80xi32, #tpu.memory_space<vmem>> -> memref<1x80xi32, #tpu.memory_space<vmem>>
    %dma_start3A_39 = tpu.memref_squeeze %dma_start3A_38 : memref<1x80xi32, #tpu.memory_space<vmem>> -> memref<80xi32, #tpu.memory_space<vmem>>
    %dma_start3A_40 = tpu.memref_slice %arg4[%add3A_36] : memref<320000xi32, #tpu.memory_space<hbm>> -> memref<80xi32, #tpu.memory_space<hbm>>
    %dma_start3A_41 = tpu.memref_slice %arg11[%rem3A_34] : memref<4x!tpu.dma_semaphore, #tpu.memory_space<semaphore_mem>> -> memref<1x!tpu.dma_semaphore, #tpu.memory_space<semaphore_mem>>
    %dma_start3A_42 = tpu.memref_squeeze %dma_start3A_41 : memref<1x!tpu.dma_semaphore, #tpu.memory_space<semaphore_mem>> -> memref<!tpu.dma_semaphore, #tpu.memory_space<semaphore_mem>>
    %dma_start3A_43 = arith.constant 0 : i32
    %dma_start3A_44 = tpu.memref_slice %arg8[%rem3A_34, %dma_start3A_43] : memref<4x80xi32, #tpu.memory_space<vmem>> -> memref<1x80xi32, #tpu.memory_space<vmem>>
    %dma_start3A_45 = tpu.memref_squeeze %dma_start3A_44 : memref<1x80xi32, #tpu.memory_space<vmem>> -> memref<80xi32, #tpu.memory_space<vmem>>
    %dma_start3A_46 = tpu.memref_slice %arg4[%add3A_36] : memref<320000xi32, #tpu.memory_space<hbm>> -> memref<80xi32, #tpu.memory_space<hbm>>
    tpu.enqueue_dma source(%dma_start3A_46 : memref<80xi32, #tpu.memory_space<hbm>>) target(%dma_start3A_45 : memref<80xi32, #tpu.memory_space<vmem>>) target_semaphore(%dma_start3A_42 : memref<!tpu.dma_semaphore, #tpu.memory_space<semaphore_mem>>)
    %dma_start3A_47 = arith.constant 0 : i32
    %dma_start3A_48 = tpu.memref_slice %arg9[%rem3A_34, %dma_start3A_47] : memref<4x80xf32, #tpu.memory_space<vmem>> -> memref<1x80xf32, #tpu.memory_space<vmem>>
    %dma_start3A_49 = tpu.memref_squeeze %dma_start3A_48 : memref<1x80xf32, #tpu.memory_space<vmem>> -> memref<80xf32, #tpu.memory_space<vmem>>
    %dma_start3A_50 = tpu.memref_slice %arg2[%add3A_36] : memref<320000xf32, #tpu.memory_space<hbm>> -> memref<80xf32, #tpu.memory_space<hbm>>
    %dma_start3A_51 = tpu.memref_slice %arg11[%rem3A_34] : memref<4x!tpu.dma_semaphore, #tpu.memory_space<semaphore_mem>> -> memref<1x!tpu.dma_semaphore, #tpu.memory_space<semaphore_mem>>
    %dma_start3A_52 = tpu.memref_squeeze %dma_start3A_51 : memref<1x!tpu.dma_semaphore, #tpu.memory_space<semaphore_mem>> -> memref<!tpu.dma_semaphore, #tpu.memory_space<semaphore_mem>>
    %dma_start3A_53 = arith.constant 0 : i32
    %dma_start3A_54 = tpu.memref_slice %arg9[%rem3A_34, %dma_start3A_53] : memref<4x80xf32, #tpu.memory_space<vmem>> -> memref<1x80xf32, #tpu.memory_space<vmem>>
    %dma_start3A_55 = tpu.memref_squeeze %dma_start3A_54 : memref<1x80xf32, #tpu.memory_space<vmem>> -> memref<80xf32, #tpu.memory_space<vmem>>
    %dma_start3A_56 = tpu.memref_slice %arg2[%add3A_36] : memref<320000xf32, #tpu.memory_space<hbm>> -> memref<80xf32, #tpu.memory_space<hbm>>
    tpu.enqueue_dma source(%dma_start3A_56 : memref<80xf32, #tpu.memory_space<hbm>>) target(%dma_start3A_55 : memref<80xf32, #tpu.memory_space<vmem>>) target_semaphore(%dma_start3A_52 : memref<!tpu.dma_semaphore, #tpu.memory_space<semaphore_mem>>)
    %scan3A_57 = arith.constant 0 : i32
    %scan3A_58 = arith.constant 0 : i32
    %scan3A_59 = arith.constant 125 : i32
    %scan3A_60 = arith.addi %scan3A_58, %scan3A_59 : i32
    %scan3A_61 = arith.constant 1 : i32
    scf.for %scan3A_90 = %scan3A_58 to %scan3A_60 step %scan3A_61  : i32 {
      %rem3A_91 = arith.constant 4 : i32
      %rem3A_92 = arith.remsi %scan3A_90, %rem3A_91 : i32
      %rem3A_93 = arith.constant 2 : i32
      %rem3A_94 = arith.remsi %scan3A_90, %rem3A_93 : i32
      %dma_wait3A_95 = arith.constant 0 : i32
      %dma_wait3A_96 = tpu.memref_slice %arg8[%rem3A_92, %dma_wait3A_95] : memref<4x80xi32, #tpu.memory_space<vmem>> -> memref<1x80xi32, #tpu.memory_space<vmem>>
      %dma_wait3A_97 = tpu.memref_squeeze %dma_wait3A_96 : memref<1x80xi32, #tpu.memory_space<vmem>> -> memref<80xi32, #tpu.memory_space<vmem>>
      %dma_wait3A_98 = arith.constant 0 : i32
      %dma_wait3A_99 = tpu.memref_slice %arg4[%dma_wait3A_98] : memref<320000xi32, #tpu.memory_space<hbm>> -> memref<80xi32, #tpu.memory_space<hbm>>
      %dma_wait3A_100 = tpu.memref_slice %arg11[%rem3A_92] : memref<4x!tpu.dma_semaphore, #tpu.memory_space<semaphore_mem>> -> memref<1x!tpu.dma_semaphore, #tpu.memory_space<semaphore_mem>>
      %dma_wait3A_101 = tpu.memref_squeeze %dma_wait3A_100 : memref<1x!tpu.dma_semaphore, #tpu.memory_space<semaphore_mem>> -> memref<!tpu.dma_semaphore, #tpu.memory_space<semaphore_mem>>
      %dma_wait3A_102 = arith.constant 0 : i32
      %dma_wait3A_103 = tpu.memref_slice %arg8[%rem3A_92, %dma_wait3A_102] : memref<4x80xi32, #tpu.memory_space<vmem>> -> memref<1x80xi32, #tpu.memory_space<vmem>>
      %dma_wait3A_104 = tpu.memref_squeeze %dma_wait3A_103 : memref<1x80xi32, #tpu.memory_space<vmem>> -> memref<80xi32, #tpu.memory_space<vmem>>
      %dma_wait3A_105 = arith.constant 0 : i32
      %dma_wait3A_106 = tpu.memref_slice %arg4[%dma_wait3A_105] : memref<320000xi32, #tpu.memory_space<hbm>> -> memref<80xi32, #tpu.memory_space<hbm>>
      tpu.wait_dma2 semaphore(%dma_wait3A_101 : memref<!tpu.dma_semaphore, #tpu.memory_space<semaphore_mem>>) src(%dma_wait3A_106 : memref<80xi32, #tpu.memory_space<hbm>>) dst(%dma_wait3A_104 : memref<80xi32, #tpu.memory_space<vmem>>)
      %dma_wait3A_107 = arith.constant 0 : i32
      %dma_wait3A_108 = tpu.memref_slice %arg9[%rem3A_92, %dma_wait3A_107] : memref<4x80xf32, #tpu.memory_space<vmem>> -> memref<1x80xf32, #tpu.memory_space<vmem>>
      %dma_wait3A_109 = tpu.memref_squeeze %dma_wait3A_108 : memref<1x80xf32, #tpu.memory_space<vmem>> -> memref<80xf32, #tpu.memory_space<vmem>>
      %dma_wait3A_110 = arith.constant 0 : i32
      %dma_wait3A_111 = tpu.memref_slice %arg2[%dma_wait3A_110] : memref<320000xf32, #tpu.memory_space<hbm>> -> memref<80xf32, #tpu.memory_space<hbm>>
      %dma_wait3A_112 = tpu.memref_slice %arg11[%rem3A_92] : memref<4x!tpu.dma_semaphore, #tpu.memory_space<semaphore_mem>> -> memref<1x!tpu.dma_semaphore, #tpu.memory_space<semaphore_mem>>
      %dma_wait3A_113 = tpu.memref_squeeze %dma_wait3A_112 : memref<1x!tpu.dma_semaphore, #tpu.memory_space<semaphore_mem>> -> memref<!tpu.dma_semaphore, #tpu.memory_space<semaphore_mem>>
      %dma_wait3A_114 = arith.constant 0 : i32
      %dma_wait3A_115 = tpu.memref_slice %arg9[%rem3A_92, %dma_wait3A_114] : memref<4x80xf32, #tpu.memory_space<vmem>> -> memref<1x80xf32, #tpu.memory_space<vmem>>
      %dma_wait3A_116 = tpu.memref_squeeze %dma_wait3A_115 : memref<1x80xf32, #tpu.memory_space<vmem>> -> memref<80xf32, #tpu.memory_space<vmem>>
      %dma_wait3A_117 = arith.constant 0 : i32
      %dma_wait3A_118 = tpu.memref_slice %arg2[%dma_wait3A_117] : memref<320000xf32, #tpu.memory_space<hbm>> -> memref<80xf32, #tpu.memory_space<hbm>>
      tpu.wait_dma2 semaphore(%dma_wait3A_113 : memref<!tpu.dma_semaphore, #tpu.memory_space<semaphore_mem>>) src(%dma_wait3A_118 : memref<80xf32, #tpu.memory_space<hbm>>) dst(%dma_wait3A_116 : memref<80xf32, #tpu.memory_space<vmem>>)
      %ge3A = arith.constant 2 : i32
      %ge3A_119 = arith.cmpi sge, %scan3A_90, %ge3A : i32
      %convert_element_type3A = arith.extui %ge3A_119 : i1 to i32
      %cond3A = arith.constant 0 : i32
      %cond3A_120 = arith.cmpi ne, %convert_element_type3A, %cond3A : i32
      scf.if %cond3A_120 {
        %dma_wait3A_146 = arith.constant 0 : i32
        %dma_wait3A_147 = tpu.memref_slice %arg10[%rem3A_94, %dma_wait3A_146] : memref<2x80xf32, #tpu.memory_space<vmem>> -> memref<1x80xf32, #tpu.memory_space<vmem>>
        %dma_wait3A_148 = tpu.memref_squeeze %dma_wait3A_147 : memref<1x80xf32, #tpu.memory_space<vmem>> -> memref<80xf32, #tpu.memory_space<vmem>>
        %dma_wait3A_149 = arith.constant 0 : i32
        %dma_wait3A_150 = tpu.memref_slice %arg5[%dma_wait3A_149] : memref<320000xf32, #tpu.memory_space<hbm>> -> memref<80xf32, #tpu.memory_space<hbm>>
        %dma_wait3A_151 = tpu.memref_slice %arg12[%rem3A_94] : memref<2x!tpu.dma_semaphore, #tpu.memory_space<semaphore_mem>> -> memref<1x!tpu.dma_semaphore, #tpu.memory_space<semaphore_mem>>
        %dma_wait3A_152 = tpu.memref_squeeze %dma_wait3A_151 : memref<1x!tpu.dma_semaphore, #tpu.memory_space<semaphore_mem>> -> memref<!tpu.dma_semaphore, #tpu.memory_space<semaphore_mem>>
        %dma_wait3A_153 = arith.constant 0 : i32
        %dma_wait3A_154 = tpu.memref_slice %arg5[%dma_wait3A_153] : memref<320000xf32, #tpu.memory_space<hbm>> -> memref<80xf32, #tpu.memory_space<hbm>>
        %dma_wait3A_155 = arith.constant 0 : i32
        %dma_wait3A_156 = tpu.memref_slice %arg10[%rem3A_94, %dma_wait3A_155] : memref<2x80xf32, #tpu.memory_space<vmem>> -> memref<1x80xf32, #tpu.memory_space<vmem>>
        %dma_wait3A_157 = tpu.memref_squeeze %dma_wait3A_156 : memref<1x80xf32, #tpu.memory_space<vmem>> -> memref<80xf32, #tpu.memory_space<vmem>>
        tpu.wait_dma2 semaphore(%dma_wait3A_152 : memref<!tpu.dma_semaphore, #tpu.memory_space<semaphore_mem>>) src(%dma_wait3A_157 : memref<80xf32, #tpu.memory_space<vmem>>) dst(%dma_wait3A_154 : memref<80xf32, #tpu.memory_space<hbm>>)
      } else {
      }
      %scan3A_121 = arith.constant 0 : i32
      %scan3A_122 = arith.constant 0 : i32
      %scan3A_123 = arith.constant 5 : i32
      %scan3A_124 = arith.addi %scan3A_122, %scan3A_123 : i32
      %scan3A_125 = arith.constant 1 : i32
      scf.for %scan3A_146 = %scan3A_122 to %scan3A_124 step %scan3A_125  : i32 {
        %mul3A_147 = arith.constant 16 : i32
        %mul3A_148 = arith.muli %scan3A_146, %mul3A_147 : i32
        %get3A = arith.index_cast %rem3A_92 : i32 to index
        %get3A_149 = arith.index_cast %mul3A_148 : i32 to index
        %get3A_150 = tpu.vector_load %arg8[%get3A, %get3A_149] {strides = array<i32>} : memref<4x80xi32, #tpu.memory_space<vmem>>, vector<16xi32>,
        %mul3A_151 = arith.constant 16 : i32
        %mul3A_152 = arith.muli %scan3A_146, %mul3A_151 : i32
        %get3A_153 = arith.index_cast %rem3A_92 : i32 to index
        %get3A_154 = arith.index_cast %mul3A_152 : i32 to index
        %get3A_155 = tpu.vector_load %arg9[%get3A_153, %get3A_154] {strides = array<i32>} : memref<4x80xf32, #tpu.memory_space<vmem>>, vector<16xf32>,
        %gather3A = tpu.vector_load_idx %arg6[%get3A_150] : memref<10000xf32, #tpu.memory_space<vmem>>[vector<16xi32>], vector<16xf32>,
        %sub3A = arith.subf %get3A_155, %gather3A : vector<16xf32>
        %exp3A = math.exp %sub3A : vector<16xf32>
        %mul3A_156 = arith.constant 16 : i32
        %mul3A_157 = arith.muli %scan3A_146, %mul3A_156 : i32
        %swap3A = arith.index_cast %rem3A_94 : i32 to index
        %swap3A_158 = arith.index_cast %mul3A_157 : i32 to index
        %swap3A_159 = tpu.vector_load %arg10[%swap3A, %swap3A_158] {strides = array<i32>} : memref<2x80xf32, #tpu.memory_space<vmem>>, vector<16xf32>,
        tpu.vector_store %arg10[%swap3A, %swap3A_158], %exp3A {strides = array<i32>} : memref<2x80xf32, #tpu.memory_space<vmem>>, vector<16xf32>,
      }
      %scan3A_126 = arith.constant 5 : i32
      %mul3A_127 = arith.constant 80 : i32
      %mul3A_128 = arith.muli %scan3A_90, %mul3A_127 : i32
      %add3A_129 = arith.addi %mul3A_2, %mul3A_128 : i32
      %dma_start3A_130 = arith.constant 0 : i32
      %dma_start3A_131 = tpu.memref_slice %arg10[%rem3A_94, %dma_start3A_130] : memref<2x80xf32, #tpu.memory_space<vmem>> -> memref<1x80xf32, #tpu.memory_space<vmem>>
      %dma_start3A_132 = tpu.memref_squeeze %dma_start3A_131 : memref<1x80xf32, #tpu.memory_space<vmem>> -> memref<80xf32, #tpu.memory_space<vmem>>
      %dma_start3A_133 = tpu.memref_slice %arg5[%add3A_129] : memref<320000xf32, #tpu.memory_space<hbm>> -> memref<80xf32, #tpu.memory_space<hbm>>
      %dma_start3A_134 = tpu.memref_slice %arg12[%rem3A_94] : memref<2x!tpu.dma_semaphore, #tpu.memory_space<semaphore_mem>> -> memref<1x!tpu.dma_semaphore, #tpu.memory_space<semaphore_mem>>
      %dma_start3A_135 = tpu.memref_squeeze %dma_start3A_134 : memref<1x!tpu.dma_semaphore, #tpu.memory_space<semaphore_mem>> -> memref<!tpu.dma_semaphore, #tpu.memory_space<semaphore_mem>>
      %dma_start3A_136 = tpu.memref_slice %arg5[%add3A_129] : memref<320000xf32, #tpu.memory_space<hbm>> -> memref<80xf32, #tpu.memory_space<hbm>>
      %dma_start3A_137 = arith.constant 0 : i32
      %dma_start3A_138 = tpu.memref_slice %arg10[%rem3A_94, %dma_start3A_137] : memref<2x80xf32, #tpu.memory_space<vmem>> -> memref<1x80xf32, #tpu.memory_space<vmem>>
      %dma_start3A_139 = tpu.memref_squeeze %dma_start3A_138 : memref<1x80xf32, #tpu.memory_space<vmem>> -> memref<80xf32, #tpu.memory_space<vmem>>
      tpu.enqueue_dma source(%dma_start3A_139 : memref<80xf32, #tpu.memory_space<vmem>>) target(%dma_start3A_136 : memref<80xf32, #tpu.memory_space<hbm>>) target_semaphore(%dma_start3A_135 : memref<!tpu.dma_semaphore, #tpu.memory_space<semaphore_mem>>)
      %add3A_140 = arith.constant 2 : i32
      %add3A_141 = arith.addi %scan3A_90, %add3A_140 : i32
      %lt3A = arith.constant 125 : i32
      %lt3A_142 = arith.cmpi slt, %add3A_141, %lt3A : i32
      %convert_element_type3A_143 = arith.extui %lt3A_142 : i1 to i32
      %cond3A_144 = arith.constant 0 : i32
      %cond3A_145 = arith.cmpi ne, %convert_element_type3A_143, %cond3A_144 : i32
      scf.if %cond3A_145 {
        %add3A_146 = arith.constant 2 : i32
        %add3A_147 = arith.addi %scan3A_90, %add3A_146 : i32
        %rem3A_148 = arith.constant 4 : i32
        %rem3A_149 = arith.remsi %add3A_147, %rem3A_148 : i32
        %mul3A_150 = arith.constant 80 : i32
        %mul3A_151 = arith.muli %add3A_147, %mul3A_150 : i32
        %add3A_152 = arith.addi %mul3A_2, %mul3A_151 : i32
        %dma_start3A_153 = arith.constant 0 : i32
        %dma_start3A_154 = tpu.memref_slice %arg8[%rem3A_149, %dma_start3A_153] : memref<4x80xi32, #tpu.memory_space<vmem>> -> memref<1x80xi32, #tpu.memory_space<vmem>>
        %dma_start3A_155 = tpu.memref_squeeze %dma_start3A_154 : memref<1x80xi32, #tpu.memory_space<vmem>> -> memref<80xi32, #tpu.memory_space<vmem>>
        %dma_start3A_156 = tpu.memref_slice %arg4[%add3A_152] : memref<320000xi32, #tpu.memory_space<hbm>> -> memref<80xi32, #tpu.memory_space<hbm>>
        %dma_start3A_157 = tpu.memref_slice %arg11[%rem3A_149] : memref<4x!tpu.dma_semaphore, #tpu.memory_space<semaphore_mem>> -> memref<1x!tpu.dma_semaphore, #tpu.memory_space<semaphore_mem>>
        %dma_start3A_158 = tpu.memref_squeeze %dma_start3A_157 : memref<1x!tpu.dma_semaphore, #tpu.memory_space<semaphore_mem>> -> memref<!tpu.dma_semaphore, #tpu.memory_space<semaphore_mem>>
        %dma_start3A_159 = arith.constant 0 : i32
        %dma_start3A_160 = tpu.memref_slice %arg8[%rem3A_149, %dma_start3A_159] : memref<4x80xi32, #tpu.memory_space<vmem>> -> memref<1x80xi32, #tpu.memory_space<vmem>>
        %dma_start3A_161 = tpu.memref_squeeze %dma_start3A_160 : memref<1x80xi32, #tpu.memory_space<vmem>> -> memref<80xi32, #tpu.memory_space<vmem>>
        %dma_start3A_162 = tpu.memref_slice %arg4[%add3A_152] : memref<320000xi32, #tpu.memory_space<hbm>> -> memref<80xi32, #tpu.memory_space<hbm>>
        tpu.enqueue_dma source(%dma_start3A_162 : memref<80xi32, #tpu.memory_space<hbm>>) target(%dma_start3A_161 : memref<80xi32, #tpu.memory_space<vmem>>) target_semaphore(%dma_start3A_158 : memref<!tpu.dma_semaphore, #tpu.memory_space<semaphore_mem>>)
        %dma_start3A_163 = arith.constant 0 : i32
        %dma_start3A_164 = tpu.memref_slice %arg9[%rem3A_149, %dma_start3A_163] : memref<4x80xf32, #tpu.memory_space<vmem>> -> memref<1x80xf32, #tpu.memory_space<vmem>>
        %dma_start3A_165 = tpu.memref_squeeze %dma_start3A_164 : memref<1x80xf32, #tpu.memory_space<vmem>> -> memref<80xf32, #tpu.memory_space<vmem>>
        %dma_start3A_166 = tpu.memref_slice %arg2[%add3A_152] : memref<320000xf32, #tpu.memory_space<hbm>> -> memref<80xf32, #tpu.memory_space<hbm>>
        %dma_start3A_167 = tpu.memref_slice %arg11[%rem3A_149] : memref<4x!tpu.dma_semaphore, #tpu.memory_space<semaphore_mem>> -> memref<1x!tpu.dma_semaphore, #tpu.memory_space<semaphore_mem>>
        %dma_start3A_168 = tpu.memref_squeeze %dma_start3A_167 : memref<1x!tpu.dma_semaphore, #tpu.memory_space<semaphore_mem>> -> memref<!tpu.dma_semaphore, #tpu.memory_space<semaphore_mem>>
        %dma_start3A_169 = arith.constant 0 : i32
        %dma_start3A_170 = tpu.memref_slice %arg9[%rem3A_149, %dma_start3A_169] : memref<4x80xf32, #tpu.memory_space<vmem>> -> memref<1x80xf32, #tpu.memory_space<vmem>>
        %dma_start3A_171 = tpu.memref_squeeze %dma_start3A_170 : memref<1x80xf32, #tpu.memory_space<vmem>> -> memref<80xf32, #tpu.memory_space<vmem>>
        %dma_start3A_172 = tpu.memref_slice %arg2[%add3A_152] : memref<320000xf32, #tpu.memory_space<hbm>> -> memref<80xf32, #tpu.memory_space<hbm>>
        tpu.enqueue_dma source(%dma_start3A_172 : memref<80xf32, #tpu.memory_space<hbm>>) target(%dma_start3A_171 : memref<80xf32, #tpu.memory_space<vmem>>) target_semaphore(%dma_start3A_168 : memref<!tpu.dma_semaphore, #tpu.memory_space<semaphore_mem>>)
      } else {
      }
    }
    %scan3A_62 = arith.constant 125 : i32
    %dma_wait3A = arith.constant 0 : i32
    %dma_wait3A_63 = arith.constant 0 : i32
    %dma_wait3A_64 = arith.constant 0 : i32
    %dma_wait3A_65 = tpu.memref_slice %arg10[%dma_wait3A, %dma_wait3A_64] : memref<2x80xf32, #tpu.memory_space<vmem>> -> memref<1x80xf32, #tpu.memory_space<vmem>>
    %dma_wait3A_66 = tpu.memref_squeeze %dma_wait3A_65 : memref<1x80xf32, #tpu.memory_space<vmem>> -> memref<80xf32, #tpu.memory_space<vmem>>
    %dma_wait3A_67 = arith.constant 0 : i32
    %dma_wait3A_68 = tpu.memref_slice %arg5[%dma_wait3A_67] : memref<320000xf32, #tpu.memory_space<hbm>> -> memref<80xf32, #tpu.memory_space<hbm>>
    %dma_wait3A_69 = tpu.memref_slice %arg12[%dma_wait3A_63] : memref<2x!tpu.dma_semaphore, #tpu.memory_space<semaphore_mem>> -> memref<1x!tpu.dma_semaphore, #tpu.memory_space<semaphore_mem>>
    %dma_wait3A_70 = tpu.memref_squeeze %dma_wait3A_69 : memref<1x!tpu.dma_semaphore, #tpu.memory_space<semaphore_mem>> -> memref<!tpu.dma_semaphore, #tpu.memory_space<semaphore_mem>>
    %dma_wait3A_71 = arith.constant 0 : i32
    %dma_wait3A_72 = tpu.memref_slice %arg5[%dma_wait3A_71] : memref<320000xf32, #tpu.memory_space<hbm>> -> memref<80xf32, #tpu.memory_space<hbm>>
    %dma_wait3A_73 = arith.constant 0 : i32
    %dma_wait3A_74 = tpu.memref_slice %arg10[%dma_wait3A, %dma_wait3A_73] : memref<2x80xf32, #tpu.memory_space<vmem>> -> memref<1x80xf32, #tpu.memory_space<vmem>>
    %dma_wait3A_75 = tpu.memref_squeeze %dma_wait3A_74 : memref<1x80xf32, #tpu.memory_space<vmem>> -> memref<80xf32, #tpu.memory_space<vmem>>
    tpu.wait_dma2 semaphore(%dma_wait3A_70 : memref<!tpu.dma_semaphore, #tpu.memory_space<semaphore_mem>>) src(%dma_wait3A_75 : memref<80xf32, #tpu.memory_space<vmem>>) dst(%dma_wait3A_72 : memref<80xf32, #tpu.memory_space<hbm>>)
    %dma_wait3A_76 = arith.constant 1 : i32
    %dma_wait3A_77 = arith.constant 1 : i32
    %dma_wait3A_78 = arith.constant 0 : i32
    %dma_wait3A_79 = tpu.memref_slice %arg10[%dma_wait3A_76, %dma_wait3A_78] : memref<2x80xf32, #tpu.memory_space<vmem>> -> memref<1x80xf32, #tpu.memory_space<vmem>>
    %dma_wait3A_80 = tpu.memref_squeeze %dma_wait3A_79 : memref<1x80xf32, #tpu.memory_space<vmem>> -> memref<80xf32, #tpu.memory_space<vmem>>
    %dma_wait3A_81 = arith.constant 0 : i32
    %dma_wait3A_82 = tpu.memref_slice %arg5[%dma_wait3A_81] : memref<320000xf32, #tpu.memory_space<hbm>> -> memref<80xf32, #tpu.memory_space<hbm>>
    %dma_wait3A_83 = tpu.memref_slice %arg12[%dma_wait3A_77] : memref<2x!tpu.dma_semaphore, #tpu.memory_space<semaphore_mem>> -> memref<1x!tpu.dma_semaphore, #tpu.memory_space<semaphore_mem>>
    %dma_wait3A_84 = tpu.memref_squeeze %dma_wait3A_83 : memref<1x!tpu.dma_semaphore, #tpu.memory_space<semaphore_mem>> -> memref<!tpu.dma_semaphore, #tpu.memory_space<semaphore_mem>>
    %dma_wait3A_85 = arith.constant 0 : i32
    %dma_wait3A_86 = tpu.memref_slice %arg5[%dma_wait3A_85] : memref<320000xf32, #tpu.memory_space<hbm>> -> memref<80xf32, #tpu.memory_space<hbm>>
    %dma_wait3A_87 = arith.constant 0 : i32
    %dma_wait3A_88 = tpu.memref_slice %arg10[%dma_wait3A_76, %dma_wait3A_87] : memref<2x80xf32, #tpu.memory_space<vmem>> -> memref<1x80xf32, #tpu.memory_space<vmem>>
    %dma_wait3A_89 = tpu.memref_squeeze %dma_wait3A_88 : memref<1x80xf32, #tpu.memory_space<vmem>> -> memref<80xf32, #tpu.memory_space<vmem>>
    tpu.wait_dma2 semaphore(%dma_wait3A_84 : memref<!tpu.dma_semaphore, #tpu.memory_space<semaphore_mem>>) src(%dma_wait3A_89 : memref<80xf32, #tpu.memory_space<vmem>>) dst(%dma_wait3A_86 : memref<80xf32, #tpu.memory_space<hbm>>)
    return
  }
}

#map = affine_map<(d0, d1) -> (0, 0)>
#map1 = affine_map<(d0, d1) -> (0)>
module attributes {stable_mosaic.version = 14 : i64} {
  func.func @body(%arg0: i32, %arg1: i32, %arg2: memref<10000x16xf32, #tpu.memory_space<hbm>>, %arg3: memref<10000x16xf32, #tpu.memory_space<hbm>>, %arg4: memref<320000x16xf32, #tpu.memory_space<hbm>>, %arg5: memref<320000xi32, #tpu.memory_space<hbm>>, %arg6: memref<320000xi32, #tpu.memory_space<hbm>>, %arg7: memref<16xf32, #tpu.memory_space<hbm>>, %arg8: memref<320000x16xf32, #tpu.memory_space<hbm>>, %arg9: memref<320000xf32, #tpu.memory_space<hbm>>, %arg10: memref<2x10000xf32, #tpu.memory_space<hbm>>, %arg11: memref<4x80xi32, #tpu.memory_space<vmem>>, %arg12: memref<4x80xi32, #tpu.memory_space<vmem>>, %arg13: memref<2x80x16xf32, #tpu.memory_space<vmem>>, %arg14: memref<2x80x16xf32, #tpu.memory_space<vmem>>, %arg15: memref<2x80x16xf32, #tpu.memory_space<vmem>>, %arg16: memref<2x80x16xf32, #tpu.memory_space<vmem>>, %arg17: memref<2x80xf32, #tpu.memory_space<vmem>>, %arg18: memref<16xf32, #tpu.memory_space<vmem>>, %arg19: memref<10000xf32, #tpu.memory_space<vmem>>, %arg20: memref<640xf32, #tpu.memory_space<vmem>>, %arg21: memref<640xf32, #tpu.memory_space<vmem>>, %arg22: memref<16x10000xf32, #tpu.memory_space<vmem_shared>>, %arg23: memref<4x!tpu.dma_semaphore, #tpu.memory_space<semaphore_mem>>, %arg24: memref<2x!tpu.dma_semaphore, #tpu.memory_space<semaphore_mem>>, %arg25: memref<2x!tpu.dma_semaphore, #tpu.memory_space<semaphore_mem>>) attributes {dimension_semantics = [#tpu.dimension_semantics<core_parallel>, #tpu.dimension_semantics<subcore_parallel>], iteration_bounds = array<i64: 2, 16>, scalar_prefetch = 0 : i64, scratch_operands = 15 : i64, tpu.core_type = #tpu.core_type<sc_vector_subcore>, window_params = [{transform_indices = #map}, {transform_indices = #map}, {transform_indices = #map}, {transform_indices = #map1}, {transform_indices = #map1}, {transform_indices = #map1}, {transform_indices = #map}, {transform_indices = #map1}, {transform_indices = #map}]} {
    %mul3A = arith.constant 2 : i32
    %mul3A_0 = arith.muli %arg1, %mul3A : i32
    %add3A = arith.addi %mul3A_0, %arg0 : i32
    %mul3A_1 = arith.constant 10000 : i32
    %mul3A_2 = arith.muli %add3A, %mul3A_1 : i32
    "tpu.region"() ({
      %run_scoped3A = tpu.sem_alloc : memref<!tpu.dma_semaphore, #tpu.memory_space<semaphore_mem>>
      tpu.enqueue_dma source(%arg7 : memref<16xf32, #tpu.memory_space<hbm>>) target(%arg18 : memref<16xf32, #tpu.memory_space<vmem>>) target_semaphore(%run_scoped3A : memref<!tpu.dma_semaphore, #tpu.memory_space<semaphore_mem>>)
      tpu.wait_dma2 semaphore(%run_scoped3A : memref<!tpu.dma_semaphore, #tpu.memory_space<semaphore_mem>>) src(%arg7 : memref<16xf32, #tpu.memory_space<hbm>>) dst(%arg18 : memref<16xf32, #tpu.memory_space<vmem>>)
      tpu.yield
    }) : () -> ()
    %get3A = arith.constant 0 : index
    %get3A_3 = tpu.vector_load %arg18[%get3A] {strides = array<i32>} : memref<16xf32, #tpu.memory_space<vmem>>, vector<16xf32>,
    %iota3A = tpu.iota {dimensions = array<i32: 0>} : vector<16xi32>
    %broadcast_in_dim3A = arith.constant -3.000000e+38 : f32
    %broadcast_in_dim3A_4 = vector.broadcast %broadcast_in_dim3A : f32 to vector<16xf32>
    %scan3A = arith.constant 0 : i32
    %scan3A_5 = arith.constant 0 : i32
    %scan3A_6 = arith.constant 625 : i32
    %scan3A_7 = arith.addi %scan3A_5, %scan3A_6 : i32
    %scan3A_8 = arith.constant 1 : i32
    scf.for %scan3A_207 = %scan3A_5 to %scan3A_7 step %scan3A_8  : i32 {
      %mul3A_208 = arith.constant 16 : i32
      %mul3A_209 = arith.muli %scan3A_207, %mul3A_208 : i32
      %swap3A = arith.index_cast %mul3A_209 : i32 to index
      %swap3A_210 = tpu.vector_load %arg19[%swap3A] {strides = array<i32>} : memref<10000xf32, #tpu.memory_space<vmem>>, vector<16xf32>,
      tpu.vector_store %arg19[%swap3A], %broadcast_in_dim3A_4 {strides = array<i32>} : memref<10000xf32, #tpu.memory_space<vmem>>, vector<16xf32>,
    }
    %scan3A_9 = arith.constant 625 : i32
    %rem3A = arith.constant 0 : i32
    %rem3A_10 = arith.constant 4 : i32
    %rem3A_11 = arith.remsi %rem3A, %rem3A_10 : i32
    %add3A_12 = arith.constant 0 : i32
    %add3A_13 = arith.addi %mul3A_2, %add3A_12 : i32
    %dma_start3A = arith.constant 0 : i32
    %dma_start3A_14 = tpu.memref_slice %arg11[%rem3A_11, %dma_start3A] : memref<4x80xi32, #tpu.memory_space<vmem>> -> memref<1x80xi32, #tpu.memory_space<vmem>>
    %dma_start3A_15 = tpu.memref_squeeze %dma_start3A_14 : memref<1x80xi32, #tpu.memory_space<vmem>> -> memref<80xi32, #tpu.memory_space<vmem>>
    %dma_start3A_16 = tpu.memref_slice %arg5[%add3A_13] : memref<320000xi32, #tpu.memory_space<hbm>> -> memref<80xi32, #tpu.memory_space<hbm>>
    %dma_start3A_17 = tpu.memref_slice %arg23[%rem3A_11] : memref<4x!tpu.dma_semaphore, #tpu.memory_space<semaphore_mem>> -> memref<1x!tpu.dma_semaphore, #tpu.memory_space<semaphore_mem>>
    %dma_start3A_18 = tpu.memref_squeeze %dma_start3A_17 : memref<1x!tpu.dma_semaphore, #tpu.memory_space<semaphore_mem>> -> memref<!tpu.dma_semaphore, #tpu.memory_space<semaphore_mem>>
    %dma_start3A_19 = arith.constant 0 : i32
    %dma_start3A_20 = tpu.memref_slice %arg11[%rem3A_11, %dma_start3A_19] : memref<4x80xi32, #tpu.memory_space<vmem>> -> memref<1x80xi32, #tpu.memory_space<vmem>>
    %dma_start3A_21 = tpu.memref_squeeze %dma_start3A_20 : memref<1x80xi32, #tpu.memory_space<vmem>> -> memref<80xi32, #tpu.memory_space<vmem>>
    %dma_start3A_22 = tpu.memref_slice %arg5[%add3A_13] : memref<320000xi32, #tpu.memory_space<hbm>> -> memref<80xi32, #tpu.memory_space<hbm>>
    tpu.enqueue_dma source(%dma_start3A_22 : memref<80xi32, #tpu.memory_space<hbm>>) target(%dma_start3A_21 : memref<80xi32, #tpu.memory_space<vmem>>) target_semaphore(%dma_start3A_18 : memref<!tpu.dma_semaphore, #tpu.memory_space<semaphore_mem>>)
    %dma_start3A_23 = arith.constant 0 : i32
    %dma_start3A_24 = tpu.memref_slice %arg12[%rem3A_11, %dma_start3A_23] : memref<4x80xi32, #tpu.memory_space<vmem>> -> memref<1x80xi32, #tpu.memory_space<vmem>>
    %dma_start3A_25 = tpu.memref_squeeze %dma_start3A_24 : memref<1x80xi32, #tpu.memory_space<vmem>> -> memref<80xi32, #tpu.memory_space<vmem>>
    %dma_start3A_26 = tpu.memref_slice %arg6[%add3A_13] : memref<320000xi32, #tpu.memory_space<hbm>> -> memref<80xi32, #tpu.memory_space<hbm>>
    %dma_start3A_27 = tpu.memref_slice %arg23[%rem3A_11] : memref<4x!tpu.dma_semaphore, #tpu.memory_space<semaphore_mem>> -> memref<1x!tpu.dma_semaphore, #tpu.memory_space<semaphore_mem>>
    %dma_start3A_28 = tpu.memref_squeeze %dma_start3A_27 : memref<1x!tpu.dma_semaphore, #tpu.memory_space<semaphore_mem>> -> memref<!tpu.dma_semaphore, #tpu.memory_space<semaphore_mem>>
    %dma_start3A_29 = arith.constant 0 : i32
    %dma_start3A_30 = tpu.memref_slice %arg12[%rem3A_11, %dma_start3A_29] : memref<4x80xi32, #tpu.memory_space<vmem>> -> memref<1x80xi32, #tpu.memory_space<vmem>>
    %dma_start3A_31 = tpu.memref_squeeze %dma_start3A_30 : memref<1x80xi32, #tpu.memory_space<vmem>> -> memref<80xi32, #tpu.memory_space<vmem>>
    %dma_start3A_32 = tpu.memref_slice %arg6[%add3A_13] : memref<320000xi32, #tpu.memory_space<hbm>> -> memref<80xi32, #tpu.memory_space<hbm>>
    tpu.enqueue_dma source(%dma_start3A_32 : memref<80xi32, #tpu.memory_space<hbm>>) target(%dma_start3A_31 : memref<80xi32, #tpu.memory_space<vmem>>) target_semaphore(%dma_start3A_28 : memref<!tpu.dma_semaphore, #tpu.memory_space<semaphore_mem>>)
    %rem3A_33 = arith.constant 1 : i32
    %rem3A_34 = arith.constant 4 : i32
    %rem3A_35 = arith.remsi %rem3A_33, %rem3A_34 : i32
    %add3A_36 = arith.constant 80 : i32
    %add3A_37 = arith.addi %mul3A_2, %add3A_36 : i32
    %dma_start3A_38 = arith.constant 0 : i32
    %dma_start3A_39 = tpu.memref_slice %arg11[%rem3A_35, %dma_start3A_38] : memref<4x80xi32, #tpu.memory_space<vmem>> -> memref<1x80xi32, #tpu.memory_space<vmem>>
    %dma_start3A_40 = tpu.memref_squeeze %dma_start3A_39 : memref<1x80xi32, #tpu.memory_space<vmem>> -> memref<80xi32, #tpu.memory_space<vmem>>
    %dma_start3A_41 = tpu.memref_slice %arg5[%add3A_37] : memref<320000xi32, #tpu.memory_space<hbm>> -> memref<80xi32, #tpu.memory_space<hbm>>
    %dma_start3A_42 = tpu.memref_slice %arg23[%rem3A_35] : memref<4x!tpu.dma_semaphore, #tpu.memory_space<semaphore_mem>> -> memref<1x!tpu.dma_semaphore, #tpu.memory_space<semaphore_mem>>
    %dma_start3A_43 = tpu.memref_squeeze %dma_start3A_42 : memref<1x!tpu.dma_semaphore, #tpu.memory_space<semaphore_mem>> -> memref<!tpu.dma_semaphore, #tpu.memory_space<semaphore_mem>>
    %dma_start3A_44 = arith.constant 0 : i32
    %dma_start3A_45 = tpu.memref_slice %arg11[%rem3A_35, %dma_start3A_44] : memref<4x80xi32, #tpu.memory_space<vmem>> -> memref<1x80xi32, #tpu.memory_space<vmem>>
    %dma_start3A_46 = tpu.memref_squeeze %dma_start3A_45 : memref<1x80xi32, #tpu.memory_space<vmem>> -> memref<80xi32, #tpu.memory_space<vmem>>
    %dma_start3A_47 = tpu.memref_slice %arg5[%add3A_37] : memref<320000xi32, #tpu.memory_space<hbm>> -> memref<80xi32, #tpu.memory_space<hbm>>
    tpu.enqueue_dma source(%dma_start3A_47 : memref<80xi32, #tpu.memory_space<hbm>>) target(%dma_start3A_46 : memref<80xi32, #tpu.memory_space<vmem>>) target_semaphore(%dma_start3A_43 : memref<!tpu.dma_semaphore, #tpu.memory_space<semaphore_mem>>)
    %dma_start3A_48 = arith.constant 0 : i32
    %dma_start3A_49 = tpu.memref_slice %arg12[%rem3A_35, %dma_start3A_48] : memref<4x80xi32, #tpu.memory_space<vmem>> -> memref<1x80xi32, #tpu.memory_space<vmem>>
    %dma_start3A_50 = tpu.memref_squeeze %dma_start3A_49 : memref<1x80xi32, #tpu.memory_space<vmem>> -> memref<80xi32, #tpu.memory_space<vmem>>
    %dma_start3A_51 = tpu.memref_slice %arg6[%add3A_37] : memref<320000xi32, #tpu.memory_space<hbm>> -> memref<80xi32, #tpu.memory_space<hbm>>
    %dma_start3A_52 = tpu.memref_slice %arg23[%rem3A_35] : memref<4x!tpu.dma_semaphore, #tpu.memory_space<semaphore_mem>> -> memref<1x!tpu.dma_semaphore, #tpu.memory_space<semaphore_mem>>
    %dma_start3A_53 = tpu.memref_squeeze %dma_start3A_52 : memref<1x!tpu.dma_semaphore, #tpu.memory_space<semaphore_mem>> -> memref<!tpu.dma_semaphore, #tpu.memory_space<semaphore_mem>>
    %dma_start3A_54 = arith.constant 0 : i32
    %dma_start3A_55 = tpu.memref_slice %arg12[%rem3A_35, %dma_start3A_54] : memref<4x80xi32, #tpu.memory_space<vmem>> -> memref<1x80xi32, #tpu.memory_space<vmem>>
    %dma_start3A_56 = tpu.memref_squeeze %dma_start3A_55 : memref<1x80xi32, #tpu.memory_space<vmem>> -> memref<80xi32, #tpu.memory_space<vmem>>
    %dma_start3A_57 = tpu.memref_slice %arg6[%add3A_37] : memref<320000xi32, #tpu.memory_space<hbm>> -> memref<80xi32, #tpu.memory_space<hbm>>
    tpu.enqueue_dma source(%dma_start3A_57 : memref<80xi32, #tpu.memory_space<hbm>>) target(%dma_start3A_56 : memref<80xi32, #tpu.memory_space<vmem>>) target_semaphore(%dma_start3A_53 : memref<!tpu.dma_semaphore, #tpu.memory_space<semaphore_mem>>)
    %dma_wait3A = arith.constant 0 : i32
    %dma_wait3A_58 = arith.constant 0 : i32
    %dma_wait3A_59 = arith.constant 0 : i32
    %dma_wait3A_60 = tpu.memref_slice %arg11[%dma_wait3A, %dma_wait3A_59] : memref<4x80xi32, #tpu.memory_space<vmem>> -> memref<1x80xi32, #tpu.memory_space<vmem>>
    %dma_wait3A_61 = tpu.memref_squeeze %dma_wait3A_60 : memref<1x80xi32, #tpu.memory_space<vmem>> -> memref<80xi32, #tpu.memory_space<vmem>>
    %dma_wait3A_62 = arith.constant 0 : i32
    %dma_wait3A_63 = tpu.memref_slice %arg5[%dma_wait3A_62] : memref<320000xi32, #tpu.memory_space<hbm>> -> memref<80xi32, #tpu.memory_space<hbm>>
    %dma_wait3A_64 = tpu.memref_slice %arg23[%dma_wait3A_58] : memref<4x!tpu.dma_semaphore, #tpu.memory_space<semaphore_mem>> -> memref<1x!tpu.dma_semaphore, #tpu.memory_space<semaphore_mem>>
    %dma_wait3A_65 = tpu.memref_squeeze %dma_wait3A_64 : memref<1x!tpu.dma_semaphore, #tpu.memory_space<semaphore_mem>> -> memref<!tpu.dma_semaphore, #tpu.memory_space<semaphore_mem>>
    %dma_wait3A_66 = arith.constant 0 : i32
    %dma_wait3A_67 = tpu.memref_slice %arg11[%dma_wait3A, %dma_wait3A_66] : memref<4x80xi32, #tpu.memory_space<vmem>> -> memref<1x80xi32, #tpu.memory_space<vmem>>
    %dma_wait3A_68 = tpu.memref_squeeze %dma_wait3A_67 : memref<1x80xi32, #tpu.memory_space<vmem>> -> memref<80xi32, #tpu.memory_space<vmem>>
    %dma_wait3A_69 = arith.constant 0 : i32
    %dma_wait3A_70 = tpu.memref_slice %arg5[%dma_wait3A_69] : memref<320000xi32, #tpu.memory_space<hbm>> -> memref<80xi32, #tpu.memory_space<hbm>>
    tpu.wait_dma2 semaphore(%dma_wait3A_65 : memref<!tpu.dma_semaphore, #tpu.memory_space<semaphore_mem>>) src(%dma_wait3A_70 : memref<80xi32, #tpu.memory_space<hbm>>) dst(%dma_wait3A_68 : memref<80xi32, #tpu.memory_space<vmem>>)
    %dma_wait3A_71 = arith.constant 0 : i32
    %dma_wait3A_72 = arith.constant 0 : i32
    %dma_wait3A_73 = arith.constant 0 : i32
    %dma_wait3A_74 = tpu.memref_slice %arg12[%dma_wait3A_71, %dma_wait3A_73] : memref<4x80xi32, #tpu.memory_space<vmem>> -> memref<1x80xi32, #tpu.memory_space<vmem>>
    %dma_wait3A_75 = tpu.memref_squeeze %dma_wait3A_74 : memref<1x80xi32, #tpu.memory_space<vmem>> -> memref<80xi32, #tpu.memory_space<vmem>>
    %dma_wait3A_76 = arith.constant 0 : i32
    %dma_wait3A_77 = tpu.memref_slice %arg6[%dma_wait3A_76] : memref<320000xi32, #tpu.memory_space<hbm>> -> memref<80xi32, #tpu.memory_space<hbm>>
    %dma_wait3A_78 = tpu.memref_slice %arg23[%dma_wait3A_72] : memref<4x!tpu.dma_semaphore, #tpu.memory_space<semaphore_mem>> -> memref<1x!tpu.dma_semaphore, #tpu.memory_space<semaphore_mem>>
    %dma_wait3A_79 = tpu.memref_squeeze %dma_wait3A_78 : memref<1x!tpu.dma_semaphore, #tpu.memory_space<semaphore_mem>> -> memref<!tpu.dma_semaphore, #tpu.memory_space<semaphore_mem>>
    %dma_wait3A_80 = arith.constant 0 : i32
    %dma_wait3A_81 = tpu.memref_slice %arg12[%dma_wait3A_71, %dma_wait3A_80] : memref<4x80xi32, #tpu.memory_space<vmem>> -> memref<1x80xi32, #tpu.memory_space<vmem>>
    %dma_wait3A_82 = tpu.memref_squeeze %dma_wait3A_81 : memref<1x80xi32, #tpu.memory_space<vmem>> -> memref<80xi32, #tpu.memory_space<vmem>>
    %dma_wait3A_83 = arith.constant 0 : i32
    %dma_wait3A_84 = tpu.memref_slice %arg6[%dma_wait3A_83] : memref<320000xi32, #tpu.memory_space<hbm>> -> memref<80xi32, #tpu.memory_space<hbm>>
    tpu.wait_dma2 semaphore(%dma_wait3A_79 : memref<!tpu.dma_semaphore, #tpu.memory_space<semaphore_mem>>) src(%dma_wait3A_84 : memref<80xi32, #tpu.memory_space<hbm>>) dst(%dma_wait3A_82 : memref<80xi32, #tpu.memory_space<vmem>>)
    %rem3A_85 = arith.constant 0 : i32
    %rem3A_86 = arith.constant 4 : i32
    %rem3A_87 = arith.remsi %rem3A_85, %rem3A_86 : i32
    %rem3A_88 = arith.constant 0 : i32
    %rem3A_89 = arith.constant 2 : i32
    %rem3A_90 = arith.remsi %rem3A_88, %rem3A_89 : i32
    %add3A_91 = arith.constant 0 : i32
    %add3A_92 = arith.addi %mul3A_2, %add3A_91 : i32
    %dma_start3A_93 = arith.constant 0 : i32
    %dma_start3A_94 = arith.constant 0 : i32
    %dma_start3A_95 = tpu.memref_slice %arg13[%rem3A_90, %dma_start3A_93, %dma_start3A_94] : memref<2x80x16xf32, #tpu.memory_space<vmem>> -> memref<1x80x16xf32, #tpu.memory_space<vmem>>
    %dma_start3A_96 = tpu.memref_squeeze %dma_start3A_95 : memref<1x80x16xf32, #tpu.memory_space<vmem>> -> memref<80x16xf32, #tpu.memory_space<vmem>>
    %dma_start3A_97 = arith.constant 0 : i32
    %dma_start3A_98 = tpu.memref_slice %arg11[%rem3A_87, %dma_start3A_97] : memref<4x80xi32, #tpu.memory_space<vmem>> -> memref<1x80xi32, #tpu.memory_space<vmem>>
    %dma_start3A_99 = tpu.memref_squeeze %dma_start3A_98 : memref<1x80xi32, #tpu.memory_space<vmem>> -> memref<80xi32, #tpu.memory_space<vmem>>
    %dma_start3A_100 = arith.constant 0 : i32
    %dma_start3A_101 = arith.constant 0 : i32
    %dma_start3A_102 = tpu.memref_slice %arg2[%dma_start3A_100, %dma_start3A_101] : memref<10000x16xf32, #tpu.memory_space<hbm>> -> memref<10000x16xf32, #tpu.memory_space<hbm>>
    %dma_start3A_103 = tpu.memref_slice %arg24[%rem3A_90] : memref<2x!tpu.dma_semaphore, #tpu.memory_space<semaphore_mem>> -> memref<1x!tpu.dma_semaphore, #tpu.memory_space<semaphore_mem>>
    %dma_start3A_104 = tpu.memref_squeeze %dma_start3A_103 : memref<1x!tpu.dma_semaphore, #tpu.memory_space<semaphore_mem>> -> memref<!tpu.dma_semaphore, #tpu.memory_space<semaphore_mem>>
    tpu.enqueue_indirect_dma source(%dma_start3A_102 : memref<10000x16xf32, #tpu.memory_space<hbm>>) target(%dma_start3A_96 : memref<80x16xf32, #tpu.memory_space<vmem>>) offsets(%dma_start3A_99 : memref<80xi32, #tpu.memory_space<vmem>>) semaphore(%dma_start3A_104 : memref<!tpu.dma_semaphore, #tpu.memory_space<semaphore_mem>>)
    %dma_start3A_105 = arith.constant 0 : i32
    %dma_start3A_106 = arith.constant 0 : i32
    %dma_start3A_107 = tpu.memref_slice %arg14[%rem3A_90, %dma_start3A_105, %dma_start3A_106] : memref<2x80x16xf32, #tpu.memory_space<vmem>> -> memref<1x80x16xf32, #tpu.memory_space<vmem>>
    %dma_start3A_108 = tpu.memref_squeeze %dma_start3A_107 : memref<1x80x16xf32, #tpu.memory_space<vmem>> -> memref<80x16xf32, #tpu.memory_space<vmem>>
    %dma_start3A_109 = arith.constant 0 : i32
    %dma_start3A_110 = tpu.memref_slice %arg12[%rem3A_87, %dma_start3A_109] : memref<4x80xi32, #tpu.memory_space<vmem>> -> memref<1x80xi32, #tpu.memory_space<vmem>>
    %dma_start3A_111 = tpu.memref_squeeze %dma_start3A_110 : memref<1x80xi32, #tpu.memory_space<vmem>> -> memref<80xi32, #tpu.memory_space<vmem>>
    %dma_start3A_112 = arith.constant 0 : i32
    %dma_start3A_113 = arith.constant 0 : i32
    %dma_start3A_114 = tpu.memref_slice %arg3[%dma_start3A_112, %dma_start3A_113] : memref<10000x16xf32, #tpu.memory_space<hbm>> -> memref<10000x16xf32, #tpu.memory_space<hbm>>
    %dma_start3A_115 = tpu.memref_slice %arg24[%rem3A_90] : memref<2x!tpu.dma_semaphore, #tpu.memory_space<semaphore_mem>> -> memref<1x!tpu.dma_semaphore, #tpu.memory_space<semaphore_mem>>
    %dma_start3A_116 = tpu.memref_squeeze %dma_start3A_115 : memref<1x!tpu.dma_semaphore, #tpu.memory_space<semaphore_mem>> -> memref<!tpu.dma_semaphore, #tpu.memory_space<semaphore_mem>>
    tpu.enqueue_indirect_dma source(%dma_start3A_114 : memref<10000x16xf32, #tpu.memory_space<hbm>>) target(%dma_start3A_108 : memref<80x16xf32, #tpu.memory_space<vmem>>) offsets(%dma_start3A_111 : memref<80xi32, #tpu.memory_space<vmem>>) semaphore(%dma_start3A_116 : memref<!tpu.dma_semaphore, #tpu.memory_space<semaphore_mem>>)
    %dma_start3A_117 = arith.constant 0 : i32
    %dma_start3A_118 = arith.constant 0 : i32
    %dma_start3A_119 = tpu.memref_slice %arg15[%rem3A_90, %dma_start3A_117, %dma_start3A_118] : memref<2x80x16xf32, #tpu.memory_space<vmem>> -> memref<1x80x16xf32, #tpu.memory_space<vmem>>
    %dma_start3A_120 = tpu.memref_squeeze %dma_start3A_119 : memref<1x80x16xf32, #tpu.memory_space<vmem>> -> memref<80x16xf32, #tpu.memory_space<vmem>>
    %dma_start3A_121 = arith.constant 0 : i32
    %dma_start3A_122 = tpu.memref_slice %arg4[%add3A_92, %dma_start3A_121] : memref<320000x16xf32, #tpu.memory_space<hbm>> -> memref<80x16xf32, #tpu.memory_space<hbm>>
    %dma_start3A_123 = tpu.memref_slice %arg24[%rem3A_90] : memref<2x!tpu.dma_semaphore, #tpu.memory_space<semaphore_mem>> -> memref<1x!tpu.dma_semaphore, #tpu.memory_space<semaphore_mem>>
    %dma_start3A_124 = tpu.memref_squeeze %dma_start3A_123 : memref<1x!tpu.dma_semaphore, #tpu.memory_space<semaphore_mem>> -> memref<!tpu.dma_semaphore, #tpu.memory_space<semaphore_mem>>
    %dma_start3A_125 = arith.constant 0 : i32
    %dma_start3A_126 = arith.constant 0 : i32
    %dma_start3A_127 = tpu.memref_slice %arg15[%rem3A_90, %dma_start3A_125, %dma_start3A_126] : memref<2x80x16xf32, #tpu.memory_space<vmem>> -> memref<1x80x16xf32, #tpu.memory_space<vmem>>
    %dma_start3A_128 = tpu.memref_squeeze %dma_start3A_127 : memref<1x80x16xf32, #tpu.memory_space<vmem>> -> memref<80x16xf32, #tpu.memory_space<vmem>>
    %dma_start3A_129 = arith.constant 0 : i32
    %dma_start3A_130 = tpu.memref_slice %arg4[%add3A_92, %dma_start3A_129] : memref<320000x16xf32, #tpu.memory_space<hbm>> -> memref<80x16xf32, #tpu.memory_space<hbm>>
    tpu.enqueue_dma source(%dma_start3A_130 : memref<80x16xf32, #tpu.memory_space<hbm>>) target(%dma_start3A_128 : memref<80x16xf32, #tpu.memory_space<vmem>>) target_semaphore(%dma_start3A_124 : memref<!tpu.dma_semaphore, #tpu.memory_space<semaphore_mem>>)
    %scan3A_131 = arith.constant 0 : i32
    %scan3A_132 = arith.constant 0 : i32
    %scan3A_133 = arith.constant 125 : i32
    %scan3A_134 = arith.addi %scan3A_132, %scan3A_133 : i32
    %scan3A_135 = arith.constant 1 : i32
    scf.for %scan3A_207 = %scan3A_132 to %scan3A_134 step %scan3A_135  : i32 {
      %rem3A_208 = arith.constant 4 : i32
      %rem3A_209 = arith.remsi %scan3A_207, %rem3A_208 : i32
      %rem3A_210 = arith.constant 2 : i32
      %rem3A_211 = arith.remsi %scan3A_207, %rem3A_210 : i32
      %add3A_212 = arith.constant 1 : i32
      %add3A_213 = arith.addi %scan3A_207, %add3A_212 : i32
      %lt3A_214 = arith.constant 125 : i32
      %lt3A_215 = arith.cmpi slt, %add3A_213, %lt3A_214 : i32
      %convert_element_type3A_216 = arith.extui %lt3A_215 : i1 to i32
      %cond3A_217 = arith.constant 0 : i32
      %cond3A_218 = arith.cmpi ne, %convert_element_type3A_216, %cond3A_217 : i32
      scf.if %cond3A_218 {
        %add3A_305 = arith.constant 1 : i32
        %add3A_306 = arith.addi %scan3A_207, %add3A_305 : i32
        %rem3A_307 = arith.constant 4 : i32
        %rem3A_308 = arith.remsi %add3A_306, %rem3A_307 : i32
        %dma_wait3A_309 = arith.constant 0 : i32
        %dma_wait3A_310 = tpu.memref_slice %arg11[%rem3A_308, %dma_wait3A_309] : memref<4x80xi32, #tpu.memory_space<vmem>> -> memref<1x80xi32, #tpu.memory_space<vmem>>
        %dma_wait3A_311 = tpu.memref_squeeze %dma_wait3A_310 : memref<1x80xi32, #tpu.memory_space<vmem>> -> memref<80xi32, #tpu.memory_space<vmem>>
        %dma_wait3A_312 = arith.constant 0 : i32
        %dma_wait3A_313 = tpu.memref_slice %arg5[%dma_wait3A_312] : memref<320000xi32, #tpu.memory_space<hbm>> -> memref<80xi32, #tpu.memory_space<hbm>>
        %dma_wait3A_314 = tpu.memref_slice %arg23[%rem3A_308] : memref<4x!tpu.dma_semaphore, #tpu.memory_space<semaphore_mem>> -> memref<1x!tpu.dma_semaphore, #tpu.memory_space<semaphore_mem>>
        %dma_wait3A_315 = tpu.memref_squeeze %dma_wait3A_314 : memref<1x!tpu.dma_semaphore, #tpu.memory_space<semaphore_mem>> -> memref<!tpu.dma_semaphore, #tpu.memory_space<semaphore_mem>>
        %dma_wait3A_316 = arith.constant 0 : i32
        %dma_wait3A_317 = tpu.memref_slice %arg11[%rem3A_308, %dma_wait3A_316] : memref<4x80xi32, #tpu.memory_space<vmem>> -> memref<1x80xi32, #tpu.memory_space<vmem>>
        %dma_wait3A_318 = tpu.memref_squeeze %dma_wait3A_317 : memref<1x80xi32, #tpu.memory_space<vmem>> -> memref<80xi32, #tpu.memory_space<vmem>>
        %dma_wait3A_319 = arith.constant 0 : i32
        %dma_wait3A_320 = tpu.memref_slice %arg5[%dma_wait3A_319] : memref<320000xi32, #tpu.memory_space<hbm>> -> memref<80xi32, #tpu.memory_space<hbm>>
        tpu.wait_dma2 semaphore(%dma_wait3A_315 : memref<!tpu.dma_semaphore, #tpu.memory_space<semaphore_mem>>) src(%dma_wait3A_320 : memref<80xi32, #tpu.memory_space<hbm>>) dst(%dma_wait3A_318 : memref<80xi32, #tpu.memory_space<vmem>>)
        %dma_wait3A_321 = arith.constant 0 : i32
        %dma_wait3A_322 = tpu.memref_slice %arg12[%rem3A_308, %dma_wait3A_321] : memref<4x80xi32, #tpu.memory_space<vmem>> -> memref<1x80xi32, #tpu.memory_space<vmem>>
        %dma_wait3A_323 = tpu.memref_squeeze %dma_wait3A_322 : memref<1x80xi32, #tpu.memory_space<vmem>> -> memref<80xi32, #tpu.memory_space<vmem>>
        %dma_wait3A_324 = arith.constant 0 : i32
        %dma_wait3A_325 = tpu.memref_slice %arg6[%dma_wait3A_324] : memref<320000xi32, #tpu.memory_space<hbm>> -> memref<80xi32, #tpu.memory_space<hbm>>
        %dma_wait3A_326 = tpu.memref_slice %arg23[%rem3A_308] : memref<4x!tpu.dma_semaphore, #tpu.memory_space<semaphore_mem>> -> memref<1x!tpu.dma_semaphore, #tpu.memory_space<semaphore_mem>>
        %dma_wait3A_327 = tpu.memref_squeeze %dma_wait3A_326 : memref<1x!tpu.dma_semaphore, #tpu.memory_space<semaphore_mem>> -> memref<!tpu.dma_semaphore, #tpu.memory_space<semaphore_mem>>
        %dma_wait3A_328 = arith.constant 0 : i32
        %dma_wait3A_329 = tpu.memref_slice %arg12[%rem3A_308, %dma_wait3A_328] : memref<4x80xi32, #tpu.memory_space<vmem>> -> memref<1x80xi32, #tpu.memory_space<vmem>>
        %dma_wait3A_330 = tpu.memref_squeeze %dma_wait3A_329 : memref<1x80xi32, #tpu.memory_space<vmem>> -> memref<80xi32, #tpu.memory_space<vmem>>
        %dma_wait3A_331 = arith.constant 0 : i32
        %dma_wait3A_332 = tpu.memref_slice %arg6[%dma_wait3A_331] : memref<320000xi32, #tpu.memory_space<hbm>> -> memref<80xi32, #tpu.memory_space<hbm>>
        tpu.wait_dma2 semaphore(%dma_wait3A_327 : memref<!tpu.dma_semaphore, #tpu.memory_space<semaphore_mem>>) src(%dma_wait3A_332 : memref<80xi32, #tpu.memory_space<hbm>>) dst(%dma_wait3A_330 : memref<80xi32, #tpu.memory_space<vmem>>)
        %add3A_333 = arith.constant 1 : i32
        %add3A_334 = arith.addi %scan3A_207, %add3A_333 : i32
        %rem3A_335 = arith.constant 4 : i32
        %rem3A_336 = arith.remsi %add3A_334, %rem3A_335 : i32
        %rem3A_337 = arith.constant 2 : i32
        %rem3A_338 = arith.remsi %add3A_334, %rem3A_337 : i32
        %mul3A_339 = arith.constant 80 : i32
        %mul3A_340 = arith.muli %add3A_334, %mul3A_339 : i32
        %add3A_341 = arith.addi %mul3A_2, %mul3A_340 : i32
        %dma_start3A_342 = arith.constant 0 : i32
        %dma_start3A_343 = arith.constant 0 : i32
        %dma_start3A_344 = tpu.memref_slice %arg13[%rem3A_338, %dma_start3A_342, %dma_start3A_343] : memref<2x80x16xf32, #tpu.memory_space<vmem>> -> memref<1x80x16xf32, #tpu.memory_space<vmem>>
        %dma_start3A_345 = tpu.memref_squeeze %dma_start3A_344 : memref<1x80x16xf32, #tpu.memory_space<vmem>> -> memref<80x16xf32, #tpu.memory_space<vmem>>
        %dma_start3A_346 = arith.constant 0 : i32
        %dma_start3A_347 = tpu.memref_slice %arg11[%rem3A_336, %dma_start3A_346] : memref<4x80xi32, #tpu.memory_space<vmem>> -> memref<1x80xi32, #tpu.memory_space<vmem>>
        %dma_start3A_348 = tpu.memref_squeeze %dma_start3A_347 : memref<1x80xi32, #tpu.memory_space<vmem>> -> memref<80xi32, #tpu.memory_space<vmem>>
        %dma_start3A_349 = arith.constant 0 : i32
        %dma_start3A_350 = arith.constant 0 : i32
        %dma_start3A_351 = tpu.memref_slice %arg2[%dma_start3A_349, %dma_start3A_350] : memref<10000x16xf32, #tpu.memory_space<hbm>> -> memref<10000x16xf32, #tpu.memory_space<hbm>>
        %dma_start3A_352 = tpu.memref_slice %arg24[%rem3A_338] : memref<2x!tpu.dma_semaphore, #tpu.memory_space<semaphore_mem>> -> memref<1x!tpu.dma_semaphore, #tpu.memory_space<semaphore_mem>>
        %dma_start3A_353 = tpu.memref_squeeze %dma_start3A_352 : memref<1x!tpu.dma_semaphore, #tpu.memory_space<semaphore_mem>> -> memref<!tpu.dma_semaphore, #tpu.memory_space<semaphore_mem>>
        tpu.enqueue_indirect_dma source(%dma_start3A_351 : memref<10000x16xf32, #tpu.memory_space<hbm>>) target(%dma_start3A_345 : memref<80x16xf32, #tpu.memory_space<vmem>>) offsets(%dma_start3A_348 : memref<80xi32, #tpu.memory_space<vmem>>) semaphore(%dma_start3A_353 : memref<!tpu.dma_semaphore, #tpu.memory_space<semaphore_mem>>)
        %dma_start3A_354 = arith.constant 0 : i32
        %dma_start3A_355 = arith.constant 0 : i32
        %dma_start3A_356 = tpu.memref_slice %arg14[%rem3A_338, %dma_start3A_354, %dma_start3A_355] : memref<2x80x16xf32, #tpu.memory_space<vmem>> -> memref<1x80x16xf32, #tpu.memory_space<vmem>>
        %dma_start3A_357 = tpu.memref_squeeze %dma_start3A_356 : memref<1x80x16xf32, #tpu.memory_space<vmem>> -> memref<80x16xf32, #tpu.memory_space<vmem>>
        %dma_start3A_358 = arith.constant 0 : i32
        %dma_start3A_359 = tpu.memref_slice %arg12[%rem3A_336, %dma_start3A_358] : memref<4x80xi32, #tpu.memory_space<vmem>> -> memref<1x80xi32, #tpu.memory_space<vmem>>
        %dma_start3A_360 = tpu.memref_squeeze %dma_start3A_359 : memref<1x80xi32, #tpu.memory_space<vmem>> -> memref<80xi32, #tpu.memory_space<vmem>>
        %dma_start3A_361 = arith.constant 0 : i32
        %dma_start3A_362 = arith.constant 0 : i32
        %dma_start3A_363 = tpu.memref_slice %arg3[%dma_start3A_361, %dma_start3A_362] : memref<10000x16xf32, #tpu.memory_space<hbm>> -> memref<10000x16xf32, #tpu.memory_space<hbm>>
        %dma_start3A_364 = tpu.memref_slice %arg24[%rem3A_338] : memref<2x!tpu.dma_semaphore, #tpu.memory_space<semaphore_mem>> -> memref<1x!tpu.dma_semaphore, #tpu.memory_space<semaphore_mem>>
        %dma_start3A_365 = tpu.memref_squeeze %dma_start3A_364 : memref<1x!tpu.dma_semaphore, #tpu.memory_space<semaphore_mem>> -> memref<!tpu.dma_semaphore, #tpu.memory_space<semaphore_mem>>
        tpu.enqueue_indirect_dma source(%dma_start3A_363 : memref<10000x16xf32, #tpu.memory_space<hbm>>) target(%dma_start3A_357 : memref<80x16xf32, #tpu.memory_space<vmem>>) offsets(%dma_start3A_360 : memref<80xi32, #tpu.memory_space<vmem>>) semaphore(%dma_start3A_365 : memref<!tpu.dma_semaphore, #tpu.memory_space<semaphore_mem>>)
        %dma_start3A_366 = arith.constant 0 : i32
        %dma_start3A_367 = arith.constant 0 : i32
        %dma_start3A_368 = tpu.memref_slice %arg15[%rem3A_338, %dma_start3A_366, %dma_start3A_367] : memref<2x80x16xf32, #tpu.memory_space<vmem>> -> memref<1x80x16xf32, #tpu.memory_space<vmem>>
        %dma_start3A_369 = tpu.memref_squeeze %dma_start3A_368 : memref<1x80x16xf32, #tpu.memory_space<vmem>> -> memref<80x16xf32, #tpu.memory_space<vmem>>
        %dma_start3A_370 = arith.constant 0 : i32
        %dma_start3A_371 = tpu.memref_slice %arg4[%add3A_341, %dma_start3A_370] : memref<320000x16xf32, #tpu.memory_space<hbm>> -> memref<80x16xf32, #tpu.memory_space<hbm>>
        %dma_start3A_372 = tpu.memref_slice %arg24[%rem3A_338] : memref<2x!tpu.dma_semaphore, #tpu.memory_space<semaphore_mem>> -> memref<1x!tpu.dma_semaphore, #tpu.memory_space<semaphore_mem>>
        %dma_start3A_373 = tpu.memref_squeeze %dma_start3A_372 : memref<1x!tpu.dma_semaphore, #tpu.memory_space<semaphore_mem>> -> memref<!tpu.dma_semaphore, #tpu.memory_space<semaphore_mem>>
        %dma_start3A_374 = arith.constant 0 : i32
        %dma_start3A_375 = arith.constant 0 : i32
        %dma_start3A_376 = tpu.memref_slice %arg15[%rem3A_338, %dma_start3A_374, %dma_start3A_375] : memref<2x80x16xf32, #tpu.memory_space<vmem>> -> memref<1x80x16xf32, #tpu.memory_space<vmem>>
        %dma_start3A_377 = tpu.memref_squeeze %dma_start3A_376 : memref<1x80x16xf32, #tpu.memory_space<vmem>> -> memref<80x16xf32, #tpu.memory_space<vmem>>
        %dma_start3A_378 = arith.constant 0 : i32
        %dma_start3A_379 = tpu.memref_slice %arg4[%add3A_341, %dma_start3A_378] : memref<320000x16xf32, #tpu.memory_space<hbm>> -> memref<80x16xf32, #tpu.memory_space<hbm>>
        tpu.enqueue_dma source(%dma_start3A_379 : memref<80x16xf32, #tpu.memory_space<hbm>>) target(%dma_start3A_377 : memref<80x16xf32, #tpu.memory_space<vmem>>) target_semaphore(%dma_start3A_373 : memref<!tpu.dma_semaphore, #tpu.memory_space<semaphore_mem>>)
      } else {
      }
      %dma_wait3A_219 = arith.constant 0 : i32
      %dma_wait3A_220 = arith.constant 0 : i32
      %dma_wait3A_221 = arith.constant 0 : i32
      %dma_wait3A_222 = tpu.memref_slice %arg13[%rem3A_211, %dma_wait3A_220, %dma_wait3A_221] : memref<2x80x16xf32, #tpu.memory_space<vmem>> -> memref<1x80x16xf32, #tpu.memory_space<vmem>>
      %dma_wait3A_223 = tpu.memref_squeeze %dma_wait3A_222 : memref<1x80x16xf32, #tpu.memory_space<vmem>> -> memref<80x16xf32, #tpu.memory_space<vmem>>
      %dma_wait3A_224 = arith.constant 0 : i32
      %dma_wait3A_225 = tpu.memref_slice %arg11[%dma_wait3A_219, %dma_wait3A_224] : memref<4x80xi32, #tpu.memory_space<vmem>> -> memref<1x80xi32, #tpu.memory_space<vmem>>
      %dma_wait3A_226 = tpu.memref_squeeze %dma_wait3A_225 : memref<1x80xi32, #tpu.memory_space<vmem>> -> memref<80xi32, #tpu.memory_space<vmem>>
      %dma_wait3A_227 = arith.constant 0 : i32
      %dma_wait3A_228 = arith.constant 0 : i32
      %dma_wait3A_229 = tpu.memref_slice %arg2[%dma_wait3A_227, %dma_wait3A_228] : memref<10000x16xf32, #tpu.memory_space<hbm>> -> memref<10000x16xf32, #tpu.memory_space<hbm>>
      %dma_wait3A_230 = tpu.memref_slice %arg24[%rem3A_211] : memref<2x!tpu.dma_semaphore, #tpu.memory_space<semaphore_mem>> -> memref<1x!tpu.dma_semaphore, #tpu.memory_space<semaphore_mem>>
      %dma_wait3A_231 = tpu.memref_squeeze %dma_wait3A_230 : memref<1x!tpu.dma_semaphore, #tpu.memory_space<semaphore_mem>> -> memref<!tpu.dma_semaphore, #tpu.memory_space<semaphore_mem>>
      tpu.wait_indirect_dma semaphore(%dma_wait3A_231 : memref<!tpu.dma_semaphore, #tpu.memory_space<semaphore_mem>>) src(%dma_wait3A_229 : memref<10000x16xf32, #tpu.memory_space<hbm>>) dst(%dma_wait3A_223 : memref<80x16xf32, #tpu.memory_space<vmem>>)
      %dma_wait3A_232 = arith.constant 0 : i32
      %dma_wait3A_233 = arith.constant 0 : i32
      %dma_wait3A_234 = arith.constant 0 : i32
      %dma_wait3A_235 = tpu.memref_slice %arg14[%rem3A_211, %dma_wait3A_233, %dma_wait3A_234] : memref<2x80x16xf32, #tpu.memory_space<vmem>> -> memref<1x80x16xf32, #tpu.memory_space<vmem>>
      %dma_wait3A_236 = tpu.memref_squeeze %dma_wait3A_235 : memref<1x80x16xf32, #tpu.memory_space<vmem>> -> memref<80x16xf32, #tpu.memory_space<vmem>>
      %dma_wait3A_237 = arith.constant 0 : i32
      %dma_wait3A_238 = tpu.memref_slice %arg11[%dma_wait3A_232, %dma_wait3A_237] : memref<4x80xi32, #tpu.memory_space<vmem>> -> memref<1x80xi32, #tpu.memory_space<vmem>>
      %dma_wait3A_239 = tpu.memref_squeeze %dma_wait3A_238 : memref<1x80xi32, #tpu.memory_space<vmem>> -> memref<80xi32, #tpu.memory_space<vmem>>
      %dma_wait3A_240 = arith.constant 0 : i32
      %dma_wait3A_241 = arith.constant 0 : i32
      %dma_wait3A_242 = tpu.memref_slice %arg3[%dma_wait3A_240, %dma_wait3A_241] : memref<10000x16xf32, #tpu.memory_space<hbm>> -> memref<10000x16xf32, #tpu.memory_space<hbm>>
      %dma_wait3A_243 = tpu.memref_slice %arg24[%rem3A_211] : memref<2x!tpu.dma_semaphore, #tpu.memory_space<semaphore_mem>> -> memref<1x!tpu.dma_semaphore, #tpu.memory_space<semaphore_mem>>
      %dma_wait3A_244 = tpu.memref_squeeze %dma_wait3A_243 : memref<1x!tpu.dma_semaphore, #tpu.memory_space<semaphore_mem>> -> memref<!tpu.dma_semaphore, #tpu.memory_space<semaphore_mem>>
      tpu.wait_indirect_dma semaphore(%dma_wait3A_244 : memref<!tpu.dma_semaphore, #tpu.memory_space<semaphore_mem>>) src(%dma_wait3A_242 : memref<10000x16xf32, #tpu.memory_space<hbm>>) dst(%dma_wait3A_236 : memref<80x16xf32, #tpu.memory_space<vmem>>)
      %dma_wait3A_245 = arith.constant 0 : i32
      %dma_wait3A_246 = arith.constant 0 : i32
      %dma_wait3A_247 = tpu.memref_slice %arg15[%rem3A_211, %dma_wait3A_245, %dma_wait3A_246] : memref<2x80x16xf32, #tpu.memory_space<vmem>> -> memref<1x80x16xf32, #tpu.memory_space<vmem>>
      %dma_wait3A_248 = tpu.memref_squeeze %dma_wait3A_247 : memref<1x80x16xf32, #tpu.memory_space<vmem>> -> memref<80x16xf32, #tpu.memory_space<vmem>>
      %dma_wait3A_249 = arith.constant 0 : i32
      %dma_wait3A_250 = arith.constant 0 : i32
      %dma_wait3A_251 = tpu.memref_slice %arg4[%dma_wait3A_249, %dma_wait3A_250] : memref<320000x16xf32, #tpu.memory_space<hbm>> -> memref<80x16xf32, #tpu.memory_space<hbm>>
      %dma_wait3A_252 = tpu.memref_slice %arg24[%rem3A_211] : memref<2x!tpu.dma_semaphore, #tpu.memory_space<semaphore_mem>> -> memref<1x!tpu.dma_semaphore, #tpu.memory_space<semaphore_mem>>
      %dma_wait3A_253 = tpu.memref_squeeze %dma_wait3A_252 : memref<1x!tpu.dma_semaphore, #tpu.memory_space<semaphore_mem>> -> memref<!tpu.dma_semaphore, #tpu.memory_space<semaphore_mem>>
      %dma_wait3A_254 = arith.constant 0 : i32
      %dma_wait3A_255 = arith.constant 0 : i32
      %dma_wait3A_256 = tpu.memref_slice %arg15[%rem3A_211, %dma_wait3A_254, %dma_wait3A_255] : memref<2x80x16xf32, #tpu.memory_space<vmem>> -> memref<1x80x16xf32, #tpu.memory_space<vmem>>
      %dma_wait3A_257 = tpu.memref_squeeze %dma_wait3A_256 : memref<1x80x16xf32, #tpu.memory_space<vmem>> -> memref<80x16xf32, #tpu.memory_space<vmem>>
      %dma_wait3A_258 = arith.constant 0 : i32
      %dma_wait3A_259 = arith.constant 0 : i32
      %dma_wait3A_260 = tpu.memref_slice %arg4[%dma_wait3A_258, %dma_wait3A_259] : memref<320000x16xf32, #tpu.memory_space<hbm>> -> memref<80x16xf32, #tpu.memory_space<hbm>>
      tpu.wait_dma2 semaphore(%dma_wait3A_253 : memref<!tpu.dma_semaphore, #tpu.memory_space<semaphore_mem>>) src(%dma_wait3A_260 : memref<80x16xf32, #tpu.memory_space<hbm>>) dst(%dma_wait3A_257 : memref<80x16xf32, #tpu.memory_space<vmem>>)
      %ge3A = arith.constant 2 : i32
      %ge3A_261 = arith.cmpi sge, %scan3A_207, %ge3A : i32
      %convert_element_type3A_262 = arith.extui %ge3A_261 : i1 to i32
      %cond3A_263 = arith.constant 0 : i32
      %cond3A_264 = arith.cmpi ne, %convert_element_type3A_262, %cond3A_263 : i32
      scf.if %cond3A_264 {
        %dma_wait3A_305 = arith.constant 0 : i32
        %dma_wait3A_306 = arith.constant 0 : i32
        %dma_wait3A_307 = tpu.memref_slice %arg16[%rem3A_211, %dma_wait3A_305, %dma_wait3A_306] : memref<2x80x16xf32, #tpu.memory_space<vmem>> -> memref<1x80x16xf32, #tpu.memory_space<vmem>>
        %dma_wait3A_308 = tpu.memref_squeeze %dma_wait3A_307 : memref<1x80x16xf32, #tpu.memory_space<vmem>> -> memref<80x16xf32, #tpu.memory_space<vmem>>
        %dma_wait3A_309 = arith.constant 0 : i32
        %dma_wait3A_310 = arith.constant 0 : i32
        %dma_wait3A_311 = tpu.memref_slice %arg8[%dma_wait3A_309, %dma_wait3A_310] : memref<320000x16xf32, #tpu.memory_space<hbm>> -> memref<80x16xf32, #tpu.memory_space<hbm>>
        %dma_wait3A_312 = tpu.memref_slice %arg25[%rem3A_211] : memref<2x!tpu.dma_semaphore, #tpu.memory_space<semaphore_mem>> -> memref<1x!tpu.dma_semaphore, #tpu.memory_space<semaphore_mem>>
        %dma_wait3A_313 = tpu.memref_squeeze %dma_wait3A_312 : memref<1x!tpu.dma_semaphore, #tpu.memory_space<semaphore_mem>> -> memref<!tpu.dma_semaphore, #tpu.memory_space<semaphore_mem>>
        %dma_wait3A_314 = arith.constant 0 : i32
        %dma_wait3A_315 = arith.constant 0 : i32
        %dma_wait3A_316 = tpu.memref_slice %arg8[%dma_wait3A_314, %dma_wait3A_315] : memref<320000x16xf32, #tpu.memory_space<hbm>> -> memref<80x16xf32, #tpu.memory_space<hbm>>
        %dma_wait3A_317 = arith.constant 0 : i32
        %dma_wait3A_318 = arith.constant 0 : i32
        %dma_wait3A_319 = tpu.memref_slice %arg16[%rem3A_211, %dma_wait3A_317, %dma_wait3A_318] : memref<2x80x16xf32, #tpu.memory_space<vmem>> -> memref<1x80x16xf32, #tpu.memory_space<vmem>>
        %dma_wait3A_320 = tpu.memref_squeeze %dma_wait3A_319 : memref<1x80x16xf32, #tpu.memory_space<vmem>> -> memref<80x16xf32, #tpu.memory_space<vmem>>
        tpu.wait_dma2 semaphore(%dma_wait3A_313 : memref<!tpu.dma_semaphore, #tpu.memory_space<semaphore_mem>>) src(%dma_wait3A_320 : memref<80x16xf32, #tpu.memory_space<vmem>>) dst(%dma_wait3A_316 : memref<80x16xf32, #tpu.memory_space<hbm>>)
        %dma_wait3A_321 = arith.constant 0 : i32
        %dma_wait3A_322 = tpu.memref_slice %arg17[%rem3A_211, %dma_wait3A_321] : memref<2x80xf32, #tpu.memory_space<vmem>> -> memref<1x80xf32, #tpu.memory_space<vmem>>
        %dma_wait3A_323 = tpu.memref_squeeze %dma_wait3A_322 : memref<1x80xf32, #tpu.memory_space<vmem>> -> memref<80xf32, #tpu.memory_space<vmem>>
        %dma_wait3A_324 = arith.constant 0 : i32
        %dma_wait3A_325 = tpu.memref_slice %arg9[%dma_wait3A_324] : memref<320000xf32, #tpu.memory_space<hbm>> -> memref<80xf32, #tpu.memory_space<hbm>>
        %dma_wait3A_326 = tpu.memref_slice %arg25[%rem3A_211] : memref<2x!tpu.dma_semaphore, #tpu.memory_space<semaphore_mem>> -> memref<1x!tpu.dma_semaphore, #tpu.memory_space<semaphore_mem>>
        %dma_wait3A_327 = tpu.memref_squeeze %dma_wait3A_326 : memref<1x!tpu.dma_semaphore, #tpu.memory_space<semaphore_mem>> -> memref<!tpu.dma_semaphore, #tpu.memory_space<semaphore_mem>>
        %dma_wait3A_328 = arith.constant 0 : i32
        %dma_wait3A_329 = tpu.memref_slice %arg9[%dma_wait3A_328] : memref<320000xf32, #tpu.memory_space<hbm>> -> memref<80xf32, #tpu.memory_space<hbm>>
        %dma_wait3A_330 = arith.constant 0 : i32
        %dma_wait3A_331 = tpu.memref_slice %arg17[%rem3A_211, %dma_wait3A_330] : memref<2x80xf32, #tpu.memory_space<vmem>> -> memref<1x80xf32, #tpu.memory_space<vmem>>
        %dma_wait3A_332 = tpu.memref_squeeze %dma_wait3A_331 : memref<1x80xf32, #tpu.memory_space<vmem>> -> memref<80xf32, #tpu.memory_space<vmem>>
        tpu.wait_dma2 semaphore(%dma_wait3A_327 : memref<!tpu.dma_semaphore, #tpu.memory_space<semaphore_mem>>) src(%dma_wait3A_332 : memref<80xf32, #tpu.memory_space<vmem>>) dst(%dma_wait3A_329 : memref<80xf32, #tpu.memory_space<hbm>>)
      } else {
      }
      %scan3A_265 = arith.constant 0 : i32
      %scan3A_266 = arith.constant 0 : i32
      %scan3A_267 = arith.constant 5 : i32
      %scan3A_268 = arith.addi %scan3A_266, %scan3A_267 : i32
      %scan3A_269 = arith.constant 1 : i32
      scf.for %scan3A_305 = %scan3A_266 to %scan3A_268 step %scan3A_269  : i32 {
        %broadcast_in_dim3A_306 = arith.constant 0.000000e+00 : f32
        %broadcast_in_dim3A_307 = vector.broadcast %broadcast_in_dim3A_306 : f32 to vector<16xf32>
        %mul3A_308 = arith.constant 16 : i32
        %mul3A_309 = arith.muli %scan3A_305, %mul3A_308 : i32
        %add3A_310 = arith.constant 0 : i32
        %add3A_311 = arith.addi %mul3A_309, %add3A_310 : i32
        %get3A_312 = arith.index_cast %rem3A_211 : i32 to index
        %get3A_313 = arith.index_cast %add3A_311 : i32 to index
        %get3A_314 = arith.constant 0 : index
        %get3A_315 = tpu.vector_load %arg13[%get3A_312, %get3A_313, %get3A_314] {strides = array<i32>} : memref<2x80x16xf32, #tpu.memory_space<vmem>>, vector<16xf32>,
        %get3A_316 = arith.index_cast %rem3A_211 : i32 to index
        %get3A_317 = arith.index_cast %add3A_311 : i32 to index
        %get3A_318 = arith.constant 0 : index
        %get3A_319 = tpu.vector_load %arg14[%get3A_316, %get3A_317, %get3A_318] {strides = array<i32>} : memref<2x80x16xf32, #tpu.memory_space<vmem>>, vector<16xf32>,
        %add3A_320 = arith.addf %get3A_315, %get3A_319 : vector<16xf32>
        %get3A_321 = arith.index_cast %rem3A_211 : i32 to index
        %get3A_322 = arith.index_cast %add3A_311 : i32 to index
        %get3A_323 = arith.constant 0 : index
        %get3A_324 = tpu.vector_load %arg15[%get3A_321, %get3A_322, %get3A_323] {strides = array<i32>} : memref<2x80x16xf32, #tpu.memory_space<vmem>>, vector<16xf32>,
        %add3A_325 = arith.addf %add3A_320, %get3A_324 : vector<16xf32>
        %ge3A_326 = arith.constant 0.000000e+00 : f32
        %ge3A_327 = vector.broadcast %ge3A_326 : f32 to vector<16xf32>
        %ge3A_328 = arith.cmpf oge, %add3A_325, %ge3A_327 : vector<16xf32>
        %mul3A_329 = arith.constant 0.00999999977 : f32
        %mul3A_330 = vector.broadcast %mul3A_329 : f32 to vector<16xf32>
        %mul3A_331 = arith.mulf %mul3A_330, %add3A_325 : vector<16xf32>
        %select_n3A = arith.select %ge3A_328, %add3A_325, %mul3A_331 : vector<16xi1>, vector<16xf32>
        %swap3A = arith.index_cast %rem3A_211 : i32 to index
        %swap3A_332 = arith.index_cast %add3A_311 : i32 to index
        %swap3A_333 = arith.constant 0 : index
        %swap3A_334 = tpu.vector_load %arg16[%swap3A, %swap3A_332, %swap3A_333] {strides = array<i32>} : memref<2x80x16xf32, #tpu.memory_space<vmem>>, vector<16xf32>,
        tpu.vector_store %arg16[%swap3A, %swap3A_332, %swap3A_333], %select_n3A {strides = array<i32>} : memref<2x80x16xf32, #tpu.memory_space<vmem>>, vector<16xf32>,
        %mul3A_335 = arith.mulf %select_n3A, %get3A_3 : vector<16xf32>
        %broadcast_in_dim3A_336 = arith.constant true
        %broadcast_in_dim3A_337 = vector.broadcast %broadcast_in_dim3A_336 : i1 to vector<16xi1>
        %masked_cumsum3A = tpu.scan <sum>, %mul3A_335 masked %broadcast_in_dim3A_337 : vector<16xf32>, vector<16xi1> -> vector<16xf32>
        %mul3A_338 = arith.constant 0 : i32
        %mul3A_339 = vector.broadcast %mul3A_338 : i32 to vector<16xi32>
        %mul3A_340 = arith.muli %iota3A, %mul3A_339 : vector<16xi32>
        %add3A_341 = arith.constant 15 : i32
        %add3A_342 = vector.broadcast %add3A_341 : i32 to vector<16xi32>
        %add3A_343 = arith.addi %mul3A_340, %add3A_342 : vector<16xi32>
        %broadcast_in_dim3A_344 = vector.shape_cast %add3A_343 : vector<16xi32> to vector<16x1xi32>
        %gather3A = vector.shape_cast %broadcast_in_dim3A_344 : vector<16x1xi32> to vector<16xi32>
        %gather3A_345 = tpu.dynamic_gather %masked_cumsum3A[%gather3A] in [0] : vector<16xf32>, vector<16xi32> -> vector<16xf32>
        %eq3A_346 = arith.constant 0 : i32
        %eq3A_347 = vector.broadcast %eq3A_346 : i32 to vector<16xi32>
        %eq3A_348 = arith.cmpi eq, %iota3A, %eq3A_347 : vector<16xi32>
        %select_n3A_349 = arith.select %eq3A_348, %gather3A_345, %broadcast_in_dim3A_307 : vector<16xi1>, vector<16xf32>
        %mul3A_350 = arith.constant 16 : i32
        %mul3A_351 = arith.muli %scan3A_305, %mul3A_350 : i32
        %add3A_352 = arith.constant 1 : i32
        %add3A_353 = arith.addi %mul3A_351, %add3A_352 : i32
        %get3A_354 = arith.index_cast %rem3A_211 : i32 to index
        %get3A_355 = arith.index_cast %add3A_353 : i32 to index
        %get3A_356 = arith.constant 0 : index
        %get3A_357 = tpu.vector_load %arg13[%get3A_354, %get3A_355, %get3A_356] {strides = array<i32>} : memref<2x80x16xf32, #tpu.memory_space<vmem>>, vector<16xf32>,
        %get3A_358 = arith.index_cast %rem3A_211 : i32 to index
        %get3A_359 = arith.index_cast %add3A_353 : i32 to index
        %get3A_360 = arith.constant 0 : index
        %get3A_361 = tpu.vector_load %arg14[%get3A_358, %get3A_359, %get3A_360] {strides = array<i32>} : memref<2x80x16xf32, #tpu.memory_space<vmem>>, vector<16xf32>,
        %add3A_362 = arith.addf %get3A_357, %get3A_361 : vector<16xf32>
        %get3A_363 = arith.index_cast %rem3A_211 : i32 to index
        %get3A_364 = arith.index_cast %add3A_353 : i32 to index
        %get3A_365 = arith.constant 0 : index
        %get3A_366 = tpu.vector_load %arg15[%get3A_363, %get3A_364, %get3A_365] {strides = array<i32>} : memref<2x80x16xf32, #tpu.memory_space<vmem>>, vector<16xf32>,
        %add3A_367 = arith.addf %add3A_362, %get3A_366 : vector<16xf32>
        %ge3A_368 = arith.constant 0.000000e+00 : f32
        %ge3A_369 = vector.broadcast %ge3A_368 : f32 to vector<16xf32>
        %ge3A_370 = arith.cmpf oge, %add3A_367, %ge3A_369 : vector<16xf32>
        %mul3A_371 = arith.constant 0.00999999977 : f32
        %mul3A_372 = vector.broadcast %mul3A_371 : f32 to vector<16xf32>
        %mul3A_373 = arith.mulf %mul3A_372, %add3A_367 : vector<16xf32>
        %select_n3A_374 = arith.select %ge3A_370, %add3A_367, %mul3A_373 : vector<16xi1>, vector<16xf32>
        %swap3A_375 = arith.index_cast %rem3A_211 : i32 to index
        %swap3A_376 = arith.index_cast %add3A_353 : i32 to index
        %swap3A_377 = arith.constant 0 : index
        %swap3A_378 = tpu.vector_load %arg16[%swap3A_375, %swap3A_376, %swap3A_377] {strides = array<i32>} : memref<2x80x16xf32, #tpu.memory_space<vmem>>, vector<16xf32>,
        tpu.vector_store %arg16[%swap3A_375, %swap3A_376, %swap3A_377], %select_n3A_374 {strides = array<i32>} : memref<2x80x16xf32, #tpu.memory_space<vmem>>, vector<16xf32>,
        %mul3A_379 = arith.mulf %select_n3A_374, %get3A_3 : vector<16xf32>
        %broadcast_in_dim3A_380 = arith.constant true
        %broadcast_in_dim3A_381 = vector.broadcast %broadcast_in_dim3A_380 : i1 to vector<16xi1>
        %masked_cumsum3A_382 = tpu.scan <sum>, %mul3A_379 masked %broadcast_in_dim3A_381 : vector<16xf32>, vector<16xi1> -> vector<16xf32>
        %mul3A_383 = arith.constant 0 : i32
        %mul3A_384 = vector.broadcast %mul3A_383 : i32 to vector<16xi32>
        %mul3A_385 = arith.muli %iota3A, %mul3A_384 : vector<16xi32>
        %add3A_386 = arith.constant 15 : i32
        %add3A_387 = vector.broadcast %add3A_386 : i32 to vector<16xi32>
        %add3A_388 = arith.addi %mul3A_385, %add3A_387 : vector<16xi32>
        %broadcast_in_dim3A_389 = vector.shape_cast %add3A_388 : vector<16xi32> to vector<16x1xi32>
        %gather3A_390 = vector.shape_cast %broadcast_in_dim3A_389 : vector<16x1xi32> to vector<16xi32>
        %gather3A_391 = tpu.dynamic_gather %masked_cumsum3A_382[%gather3A_390] in [0] : vector<16xf32>, vector<16xi32> -> vector<16xf32>
        %eq3A_392 = arith.constant 1 : i32
        %eq3A_393 = vector.broadcast %eq3A_392 : i32 to vector<16xi32>
        %eq3A_394 = arith.cmpi eq, %iota3A, %eq3A_393 : vector<16xi32>
        %select_n3A_395 = arith.select %eq3A_394, %gather3A_391, %select_n3A_349 : vector<16xi1>, vector<16xf32>
        %mul3A_396 = arith.constant 16 : i32
        %mul3A_397 = arith.muli %scan3A_305, %mul3A_396 : i32
        %add3A_398 = arith.constant 2 : i32
        %add3A_399 = arith.addi %mul3A_397, %add3A_398 : i32
        %get3A_400 = arith.index_cast %rem3A_211 : i32 to index
        %get3A_401 = arith.index_cast %add3A_399 : i32 to index
        %get3A_402 = arith.constant 0 : index
        %get3A_403 = tpu.vector_load %arg13[%get3A_400, %get3A_401, %get3A_402] {strides = array<i32>} : memref<2x80x16xf32, #tpu.memory_space<vmem>>, vector<16xf32>,
        %get3A_404 = arith.index_cast %rem3A_211 : i32 to index
        %get3A_405 = arith.index_cast %add3A_399 : i32 to index
        %get3A_406 = arith.constant 0 : index
        %get3A_407 = tpu.vector_load %arg14[%get3A_404, %get3A_405, %get3A_406] {strides = array<i32>} : memref<2x80x16xf32, #tpu.memory_space<vmem>>, vector<16xf32>,
        %add3A_408 = arith.addf %get3A_403, %get3A_407 : vector<16xf32>
        %get3A_409 = arith.index_cast %rem3A_211 : i32 to index
        %get3A_410 = arith.index_cast %add3A_399 : i32 to index
        %get3A_411 = arith.constant 0 : index
        %get3A_412 = tpu.vector_load %arg15[%get3A_409, %get3A_410, %get3A_411] {strides = array<i32>} : memref<2x80x16xf32, #tpu.memory_space<vmem>>, vector<16xf32>,
        %add3A_413 = arith.addf %add3A_408, %get3A_412 : vector<16xf32>
        %ge3A_414 = arith.constant 0.000000e+00 : f32
        %ge3A_415 = vector.broadcast %ge3A_414 : f32 to vector<16xf32>
        %ge3A_416 = arith.cmpf oge, %add3A_413, %ge3A_415 : vector<16xf32>
        %mul3A_417 = arith.constant 0.00999999977 : f32
        %mul3A_418 = vector.broadcast %mul3A_417 : f32 to vector<16xf32>
        %mul3A_419 = arith.mulf %mul3A_418, %add3A_413 : vector<16xf32>
        %select_n3A_420 = arith.select %ge3A_416, %add3A_413, %mul3A_419 : vector<16xi1>, vector<16xf32>
        %swap3A_421 = arith.index_cast %rem3A_211 : i32 to index
        %swap3A_422 = arith.index_cast %add3A_399 : i32 to index
        %swap3A_423 = arith.constant 0 : index
        %swap3A_424 = tpu.vector_load %arg16[%swap3A_421, %swap3A_422, %swap3A_423] {strides = array<i32>} : memref<2x80x16xf32, #tpu.memory_space<vmem>>, vector<16xf32>,
        tpu.vector_store %arg16[%swap3A_421, %swap3A_422, %swap3A_423], %select_n3A_420 {strides = array<i32>} : memref<2x80x16xf32, #tpu.memory_space<vmem>>, vector<16xf32>,
        %mul3A_425 = arith.mulf %select_n3A_420, %get3A_3 : vector<16xf32>
        %broadcast_in_dim3A_426 = arith.constant true
        %broadcast_in_dim3A_427 = vector.broadcast %broadcast_in_dim3A_426 : i1 to vector<16xi1>
        %masked_cumsum3A_428 = tpu.scan <sum>, %mul3A_425 masked %broadcast_in_dim3A_427 : vector<16xf32>, vector<16xi1> -> vector<16xf32>
        %mul3A_429 = arith.constant 0 : i32
        %mul3A_430 = vector.broadcast %mul3A_429 : i32 to vector<16xi32>
        %mul3A_431 = arith.muli %iota3A, %mul3A_430 : vector<16xi32>
        %add3A_432 = arith.constant 15 : i32
        %add3A_433 = vector.broadcast %add3A_432 : i32 to vector<16xi32>
        %add3A_434 = arith.addi %mul3A_431, %add3A_433 : vector<16xi32>
        %broadcast_in_dim3A_435 = vector.shape_cast %add3A_434 : vector<16xi32> to vector<16x1xi32>
        %gather3A_436 = vector.shape_cast %broadcast_in_dim3A_435 : vector<16x1xi32> to vector<16xi32>
        %gather3A_437 = tpu.dynamic_gather %masked_cumsum3A_428[%gather3A_436] in [0] : vector<16xf32>, vector<16xi32> -> vector<16xf32>
        %eq3A_438 = arith.constant 2 : i32
        %eq3A_439 = vector.broadcast %eq3A_438 : i32 to vector<16xi32>
        %eq3A_440 = arith.cmpi eq, %iota3A, %eq3A_439 : vector<16xi32>
        %select_n3A_441 = arith.select %eq3A_440, %gather3A_437, %select_n3A_395 : vector<16xi1>, vector<16xf32>
        %mul3A_442 = arith.constant 16 : i32
        %mul3A_443 = arith.muli %scan3A_305, %mul3A_442 : i32
        %add3A_444 = arith.constant 3 : i32
        %add3A_445 = arith.addi %mul3A_443, %add3A_444 : i32
        %get3A_446 = arith.index_cast %rem3A_211 : i32 to index
        %get3A_447 = arith.index_cast %add3A_445 : i32 to index
        %get3A_448 = arith.constant 0 : index
        %get3A_449 = tpu.vector_load %arg13[%get3A_446, %get3A_447, %get3A_448] {strides = array<i32>} : memref<2x80x16xf32, #tpu.memory_space<vmem>>, vector<16xf32>,
        %get3A_450 = arith.index_cast %rem3A_211 : i32 to index
        %get3A_451 = arith.index_cast %add3A_445 : i32 to index
        %get3A_452 = arith.constant 0 : index
        %get3A_453 = tpu.vector_load %arg14[%get3A_450, %get3A_451, %get3A_452] {strides = array<i32>} : memref<2x80x16xf32, #tpu.memory_space<vmem>>, vector<16xf32>,
        %add3A_454 = arith.addf %get3A_449, %get3A_453 : vector<16xf32>
        %get3A_455 = arith.index_cast %rem3A_211 : i32 to index
        %get3A_456 = arith.index_cast %add3A_445 : i32 to index
        %get3A_457 = arith.constant 0 : index
        %get3A_458 = tpu.vector_load %arg15[%get3A_455, %get3A_456, %get3A_457] {strides = array<i32>} : memref<2x80x16xf32, #tpu.memory_space<vmem>>, vector<16xf32>,
        %add3A_459 = arith.addf %add3A_454, %get3A_458 : vector<16xf32>
        %ge3A_460 = arith.constant 0.000000e+00 : f32
        %ge3A_461 = vector.broadcast %ge3A_460 : f32 to vector<16xf32>
        %ge3A_462 = arith.cmpf oge, %add3A_459, %ge3A_461 : vector<16xf32>
        %mul3A_463 = arith.constant 0.00999999977 : f32
        %mul3A_464 = vector.broadcast %mul3A_463 : f32 to vector<16xf32>
        %mul3A_465 = arith.mulf %mul3A_464, %add3A_459 : vector<16xf32>
        %select_n3A_466 = arith.select %ge3A_462, %add3A_459, %mul3A_465 : vector<16xi1>, vector<16xf32>
        %swap3A_467 = arith.index_cast %rem3A_211 : i32 to index
        %swap3A_468 = arith.index_cast %add3A_445 : i32 to index
        %swap3A_469 = arith.constant 0 : index
        %swap3A_470 = tpu.vector_load %arg16[%swap3A_467, %swap3A_468, %swap3A_469] {strides = array<i32>} : memref<2x80x16xf32, #tpu.memory_space<vmem>>, vector<16xf32>,
        tpu.vector_store %arg16[%swap3A_467, %swap3A_468, %swap3A_469], %select_n3A_466 {strides = array<i32>} : memref<2x80x16xf32, #tpu.memory_space<vmem>>, vector<16xf32>,
        %mul3A_471 = arith.mulf %select_n3A_466, %get3A_3 : vector<16xf32>
        %broadcast_in_dim3A_472 = arith.constant true
        %broadcast_in_dim3A_473 = vector.broadcast %broadcast_in_dim3A_472 : i1 to vector<16xi1>
        %masked_cumsum3A_474 = tpu.scan <sum>, %mul3A_471 masked %broadcast_in_dim3A_473 : vector<16xf32>, vector<16xi1> -> vector<16xf32>
        %mul3A_475 = arith.constant 0 : i32
        %mul3A_476 = vector.broadcast %mul3A_475 : i32 to vector<16xi32>
        %mul3A_477 = arith.muli %iota3A, %mul3A_476 : vector<16xi32>
        %add3A_478 = arith.constant 15 : i32
        %add3A_479 = vector.broadcast %add3A_478 : i32 to vector<16xi32>
        %add3A_480 = arith.addi %mul3A_477, %add3A_479 : vector<16xi32>
        %broadcast_in_dim3A_481 = vector.shape_cast %add3A_480 : vector<16xi32> to vector<16x1xi32>
        %gather3A_482 = vector.shape_cast %broadcast_in_dim3A_481 : vector<16x1xi32> to vector<16xi32>
        %gather3A_483 = tpu.dynamic_gather %masked_cumsum3A_474[%gather3A_482] in [0] : vector<16xf32>, vector<16xi32> -> vector<16xf32>
        %eq3A_484 = arith.constant 3 : i32
        %eq3A_485 = vector.broadcast %eq3A_484 : i32 to vector<16xi32>
        %eq3A_486 = arith.cmpi eq, %iota3A, %eq3A_485 : vector<16xi32>
        %select_n3A_487 = arith.select %eq3A_486, %gather3A_483, %select_n3A_441 : vector<16xi1>, vector<16xf32>
        %mul3A_488 = arith.constant 16 : i32
        %mul3A_489 = arith.muli %scan3A_305, %mul3A_488 : i32
        %add3A_490 = arith.constant 4 : i32
        %add3A_491 = arith.addi %mul3A_489, %add3A_490 : i32
        %get3A_492 = arith.index_cast %rem3A_211 : i32 to index
        %get3A_493 = arith.index_cast %add3A_491 : i32 to index
        %get3A_494 = arith.constant 0 : index
        %get3A_495 = tpu.vector_load %arg13[%get3A_492, %get3A_493, %get3A_494] {strides = array<i32>} : memref<2x80x16xf32, #tpu.memory_space<vmem>>, vector<16xf32>,
        %get3A_496 = arith.index_cast %rem3A_211 : i32 to index
        %get3A_497 = arith.index_cast %add3A_491 : i32 to index
        %get3A_498 = arith.constant 0 : index
        %get3A_499 = tpu.vector_load %arg14[%get3A_496, %get3A_497, %get3A_498] {strides = array<i32>} : memref<2x80x16xf32, #tpu.memory_space<vmem>>, vector<16xf32>,
        %add3A_500 = arith.addf %get3A_495, %get3A_499 : vector<16xf32>
        %get3A_501 = arith.index_cast %rem3A_211 : i32 to index
        %get3A_502 = arith.index_cast %add3A_491 : i32 to index
        %get3A_503 = arith.constant 0 : index
        %get3A_504 = tpu.vector_load %arg15[%get3A_501, %get3A_502, %get3A_503] {strides = array<i32>} : memref<2x80x16xf32, #tpu.memory_space<vmem>>, vector<16xf32>,
        %add3A_505 = arith.addf %add3A_500, %get3A_504 : vector<16xf32>
        %ge3A_506 = arith.constant 0.000000e+00 : f32
        %ge3A_507 = vector.broadcast %ge3A_506 : f32 to vector<16xf32>
        %ge3A_508 = arith.cmpf oge, %add3A_505, %ge3A_507 : vector<16xf32>
        %mul3A_509 = arith.constant 0.00999999977 : f32
        %mul3A_510 = vector.broadcast %mul3A_509 : f32 to vector<16xf32>
        %mul3A_511 = arith.mulf %mul3A_510, %add3A_505 : vector<16xf32>
        %select_n3A_512 = arith.select %ge3A_508, %add3A_505, %mul3A_511 : vector<16xi1>, vector<16xf32>
        %swap3A_513 = arith.index_cast %rem3A_211 : i32 to index
        %swap3A_514 = arith.index_cast %add3A_491 : i32 to index
        %swap3A_515 = arith.constant 0 : index
        %swap3A_516 = tpu.vector_load %arg16[%swap3A_513, %swap3A_514, %swap3A_515] {strides = array<i32>} : memref<2x80x16xf32, #tpu.memory_space<vmem>>, vector<16xf32>,
        tpu.vector_store %arg16[%swap3A_513, %swap3A_514, %swap3A_515], %select_n3A_512 {strides = array<i32>} : memref<2x80x16xf32, #tpu.memory_space<vmem>>, vector<16xf32>,
        %mul3A_517 = arith.mulf %select_n3A_512, %get3A_3 : vector<16xf32>
        %broadcast_in_dim3A_518 = arith.constant true
        %broadcast_in_dim3A_519 = vector.broadcast %broadcast_in_dim3A_518 : i1 to vector<16xi1>
        %masked_cumsum3A_520 = tpu.scan <sum>, %mul3A_517 masked %broadcast_in_dim3A_519 : vector<16xf32>, vector<16xi1> -> vector<16xf32>
        %mul3A_521 = arith.constant 0 : i32
        %mul3A_522 = vector.broadcast %mul3A_521 : i32 to vector<16xi32>
        %mul3A_523 = arith.muli %iota3A, %mul3A_522 : vector<16xi32>
        %add3A_524 = arith.constant 15 : i32
        %add3A_525 = vector.broadcast %add3A_524 : i32 to vector<16xi32>
        %add3A_526 = arith.addi %mul3A_523, %add3A_525 : vector<16xi32>
        %broadcast_in_dim3A_527 = vector.shape_cast %add3A_526 : vector<16xi32> to vector<16x1xi32>
        %gather3A_528 = vector.shape_cast %broadcast_in_dim3A_527 : vector<16x1xi32> to vector<16xi32>
        %gather3A_529 = tpu.dynamic_gather %masked_cumsum3A_520[%gather3A_528] in [0] : vector<16xf32>, vector<16xi32> -> vector<16xf32>
        %eq3A_530 = arith.constant 4 : i32
        %eq3A_531 = vector.broadcast %eq3A_530 : i32 to vector<16xi32>
        %eq3A_532 = arith.cmpi eq, %iota3A, %eq3A_531 : vector<16xi32>
        %select_n3A_533 = arith.select %eq3A_532, %gather3A_529, %select_n3A_487 : vector<16xi1>, vector<16xf32>
        %mul3A_534 = arith.constant 16 : i32
        %mul3A_535 = arith.muli %scan3A_305, %mul3A_534 : i32
        %add3A_536 = arith.constant 5 : i32
        %add3A_537 = arith.addi %mul3A_535, %add3A_536 : i32
        %get3A_538 = arith.index_cast %rem3A_211 : i32 to index
        %get3A_539 = arith.index_cast %add3A_537 : i32 to index
        %get3A_540 = arith.constant 0 : index
        %get3A_541 = tpu.vector_load %arg13[%get3A_538, %get3A_539, %get3A_540] {strides = array<i32>} : memref<2x80x16xf32, #tpu.memory_space<vmem>>, vector<16xf32>,
        %get3A_542 = arith.index_cast %rem3A_211 : i32 to index
        %get3A_543 = arith.index_cast %add3A_537 : i32 to index
        %get3A_544 = arith.constant 0 : index
        %get3A_545 = tpu.vector_load %arg14[%get3A_542, %get3A_543, %get3A_544] {strides = array<i32>} : memref<2x80x16xf32, #tpu.memory_space<vmem>>, vector<16xf32>,
        %add3A_546 = arith.addf %get3A_541, %get3A_545 : vector<16xf32>
        %get3A_547 = arith.index_cast %rem3A_211 : i32 to index
        %get3A_548 = arith.index_cast %add3A_537 : i32 to index
        %get3A_549 = arith.constant 0 : index
        %get3A_550 = tpu.vector_load %arg15[%get3A_547, %get3A_548, %get3A_549] {strides = array<i32>} : memref<2x80x16xf32, #tpu.memory_space<vmem>>, vector<16xf32>,
        %add3A_551 = arith.addf %add3A_546, %get3A_550 : vector<16xf32>
        %ge3A_552 = arith.constant 0.000000e+00 : f32
        %ge3A_553 = vector.broadcast %ge3A_552 : f32 to vector<16xf32>
        %ge3A_554 = arith.cmpf oge, %add3A_551, %ge3A_553 : vector<16xf32>
        %mul3A_555 = arith.constant 0.00999999977 : f32
        %mul3A_556 = vector.broadcast %mul3A_555 : f32 to vector<16xf32>
        %mul3A_557 = arith.mulf %mul3A_556, %add3A_551 : vector<16xf32>
        %select_n3A_558 = arith.select %ge3A_554, %add3A_551, %mul3A_557 : vector<16xi1>, vector<16xf32>
        %swap3A_559 = arith.index_cast %rem3A_211 : i32 to index
        %swap3A_560 = arith.index_cast %add3A_537 : i32 to index
        %swap3A_561 = arith.constant 0 : index
        %swap3A_562 = tpu.vector_load %arg16[%swap3A_559, %swap3A_560, %swap3A_561] {strides = array<i32>} : memref<2x80x16xf32, #tpu.memory_space<vmem>>, vector<16xf32>,
        tpu.vector_store %arg16[%swap3A_559, %swap3A_560, %swap3A_561], %select_n3A_558 {strides = array<i32>} : memref<2x80x16xf32, #tpu.memory_space<vmem>>, vector<16xf32>,
        %mul3A_563 = arith.mulf %select_n3A_558, %get3A_3 : vector<16xf32>
        %broadcast_in_dim3A_564 = arith.constant true
        %broadcast_in_dim3A_565 = vector.broadcast %broadcast_in_dim3A_564 : i1 to vector<16xi1>
        %masked_cumsum3A_566 = tpu.scan <sum>, %mul3A_563 masked %broadcast_in_dim3A_565 : vector<16xf32>, vector<16xi1> -> vector<16xf32>
        %mul3A_567 = arith.constant 0 : i32
        %mul3A_568 = vector.broadcast %mul3A_567 : i32 to vector<16xi32>
        %mul3A_569 = arith.muli %iota3A, %mul3A_568 : vector<16xi32>
        %add3A_570 = arith.constant 15 : i32
        %add3A_571 = vector.broadcast %add3A_570 : i32 to vector<16xi32>
        %add3A_572 = arith.addi %mul3A_569, %add3A_571 : vector<16xi32>
        %broadcast_in_dim3A_573 = vector.shape_cast %add3A_572 : vector<16xi32> to vector<16x1xi32>
        %gather3A_574 = vector.shape_cast %broadcast_in_dim3A_573 : vector<16x1xi32> to vector<16xi32>
        %gather3A_575 = tpu.dynamic_gather %masked_cumsum3A_566[%gather3A_574] in [0] : vector<16xf32>, vector<16xi32> -> vector<16xf32>
        %eq3A_576 = arith.constant 5 : i32
        %eq3A_577 = vector.broadcast %eq3A_576 : i32 to vector<16xi32>
        %eq3A_578 = arith.cmpi eq, %iota3A, %eq3A_577 : vector<16xi32>
        %select_n3A_579 = arith.select %eq3A_578, %gather3A_575, %select_n3A_533 : vector<16xi1>, vector<16xf32>
        %mul3A_580 = arith.constant 16 : i32
        %mul3A_581 = arith.muli %scan3A_305, %mul3A_580 : i32
        %add3A_582 = arith.constant 6 : i32
        %add3A_583 = arith.addi %mul3A_581, %add3A_582 : i32
        %get3A_584 = arith.index_cast %rem3A_211 : i32 to index
        %get3A_585 = arith.index_cast %add3A_583 : i32 to index
        %get3A_586 = arith.constant 0 : index
        %get3A_587 = tpu.vector_load %arg13[%get3A_584, %get3A_585, %get3A_586] {strides = array<i32>} : memref<2x80x16xf32, #tpu.memory_space<vmem>>, vector<16xf32>,
        %get3A_588 = arith.index_cast %rem3A_211 : i32 to index
        %get3A_589 = arith.index_cast %add3A_583 : i32 to index
        %get3A_590 = arith.constant 0 : index
        %get3A_591 = tpu.vector_load %arg14[%get3A_588, %get3A_589, %get3A_590] {strides = array<i32>} : memref<2x80x16xf32, #tpu.memory_space<vmem>>, vector<16xf32>,
        %add3A_592 = arith.addf %get3A_587, %get3A_591 : vector<16xf32>
        %get3A_593 = arith.index_cast %rem3A_211 : i32 to index
        %get3A_594 = arith.index_cast %add3A_583 : i32 to index
        %get3A_595 = arith.constant 0 : index
        %get3A_596 = tpu.vector_load %arg15[%get3A_593, %get3A_594, %get3A_595] {strides = array<i32>} : memref<2x80x16xf32, #tpu.memory_space<vmem>>, vector<16xf32>,
        %add3A_597 = arith.addf %add3A_592, %get3A_596 : vector<16xf32>
        %ge3A_598 = arith.constant 0.000000e+00 : f32
        %ge3A_599 = vector.broadcast %ge3A_598 : f32 to vector<16xf32>
        %ge3A_600 = arith.cmpf oge, %add3A_597, %ge3A_599 : vector<16xf32>
        %mul3A_601 = arith.constant 0.00999999977 : f32
        %mul3A_602 = vector.broadcast %mul3A_601 : f32 to vector<16xf32>
        %mul3A_603 = arith.mulf %mul3A_602, %add3A_597 : vector<16xf32>
        %select_n3A_604 = arith.select %ge3A_600, %add3A_597, %mul3A_603 : vector<16xi1>, vector<16xf32>
        %swap3A_605 = arith.index_cast %rem3A_211 : i32 to index
        %swap3A_606 = arith.index_cast %add3A_583 : i32 to index
        %swap3A_607 = arith.constant 0 : index
        %swap3A_608 = tpu.vector_load %arg16[%swap3A_605, %swap3A_606, %swap3A_607] {strides = array<i32>} : memref<2x80x16xf32, #tpu.memory_space<vmem>>, vector<16xf32>,
        tpu.vector_store %arg16[%swap3A_605, %swap3A_606, %swap3A_607], %select_n3A_604 {strides = array<i32>} : memref<2x80x16xf32, #tpu.memory_space<vmem>>, vector<16xf32>,
        %mul3A_609 = arith.mulf %select_n3A_604, %get3A_3 : vector<16xf32>
        %broadcast_in_dim3A_610 = arith.constant true
        %broadcast_in_dim3A_611 = vector.broadcast %broadcast_in_dim3A_610 : i1 to vector<16xi1>
        %masked_cumsum3A_612 = tpu.scan <sum>, %mul3A_609 masked %broadcast_in_dim3A_611 : vector<16xf32>, vector<16xi1> -> vector<16xf32>
        %mul3A_613 = arith.constant 0 : i32
        %mul3A_614 = vector.broadcast %mul3A_613 : i32 to vector<16xi32>
        %mul3A_615 = arith.muli %iota3A, %mul3A_614 : vector<16xi32>
        %add3A_616 = arith.constant 15 : i32
        %add3A_617 = vector.broadcast %add3A_616 : i32 to vector<16xi32>
        %add3A_618 = arith.addi %mul3A_615, %add3A_617 : vector<16xi32>
        %broadcast_in_dim3A_619 = vector.shape_cast %add3A_618 : vector<16xi32> to vector<16x1xi32>
        %gather3A_620 = vector.shape_cast %broadcast_in_dim3A_619 : vector<16x1xi32> to vector<16xi32>
        %gather3A_621 = tpu.dynamic_gather %masked_cumsum3A_612[%gather3A_620] in [0] : vector<16xf32>, vector<16xi32> -> vector<16xf32>
        %eq3A_622 = arith.constant 6 : i32
        %eq3A_623 = vector.broadcast %eq3A_622 : i32 to vector<16xi32>
        %eq3A_624 = arith.cmpi eq, %iota3A, %eq3A_623 : vector<16xi32>
        %select_n3A_625 = arith.select %eq3A_624, %gather3A_621, %select_n3A_579 : vector<16xi1>, vector<16xf32>
        %mul3A_626 = arith.constant 16 : i32
        %mul3A_627 = arith.muli %scan3A_305, %mul3A_626 : i32
        %add3A_628 = arith.constant 7 : i32
        %add3A_629 = arith.addi %mul3A_627, %add3A_628 : i32
        %get3A_630 = arith.index_cast %rem3A_211 : i32 to index
        %get3A_631 = arith.index_cast %add3A_629 : i32 to index
        %get3A_632 = arith.constant 0 : index
        %get3A_633 = tpu.vector_load %arg13[%get3A_630, %get3A_631, %get3A_632] {strides = array<i32>} : memref<2x80x16xf32, #tpu.memory_space<vmem>>, vector<16xf32>,
        %get3A_634 = arith.index_cast %rem3A_211 : i32 to index
        %get3A_635 = arith.index_cast %add3A_629 : i32 to index
        %get3A_636 = arith.constant 0 : index
        %get3A_637 = tpu.vector_load %arg14[%get3A_634, %get3A_635, %get3A_636] {strides = array<i32>} : memref<2x80x16xf32, #tpu.memory_space<vmem>>, vector<16xf32>,
        %add3A_638 = arith.addf %get3A_633, %get3A_637 : vector<16xf32>
        %get3A_639 = arith.index_cast %rem3A_211 : i32 to index
        %get3A_640 = arith.index_cast %add3A_629 : i32 to index
        %get3A_641 = arith.constant 0 : index
        %get3A_642 = tpu.vector_load %arg15[%get3A_639, %get3A_640, %get3A_641] {strides = array<i32>} : memref<2x80x16xf32, #tpu.memory_space<vmem>>, vector<16xf32>,
        %add3A_643 = arith.addf %add3A_638, %get3A_642 : vector<16xf32>
        %ge3A_644 = arith.constant 0.000000e+00 : f32
        %ge3A_645 = vector.broadcast %ge3A_644 : f32 to vector<16xf32>
        %ge3A_646 = arith.cmpf oge, %add3A_643, %ge3A_645 : vector<16xf32>
        %mul3A_647 = arith.constant 0.00999999977 : f32
        %mul3A_648 = vector.broadcast %mul3A_647 : f32 to vector<16xf32>
        %mul3A_649 = arith.mulf %mul3A_648, %add3A_643 : vector<16xf32>
        %select_n3A_650 = arith.select %ge3A_646, %add3A_643, %mul3A_649 : vector<16xi1>, vector<16xf32>
        %swap3A_651 = arith.index_cast %rem3A_211 : i32 to index
        %swap3A_652 = arith.index_cast %add3A_629 : i32 to index
        %swap3A_653 = arith.constant 0 : index
        %swap3A_654 = tpu.vector_load %arg16[%swap3A_651, %swap3A_652, %swap3A_653] {strides = array<i32>} : memref<2x80x16xf32, #tpu.memory_space<vmem>>, vector<16xf32>,
        tpu.vector_store %arg16[%swap3A_651, %swap3A_652, %swap3A_653], %select_n3A_650 {strides = array<i32>} : memref<2x80x16xf32, #tpu.memory_space<vmem>>, vector<16xf32>,
        %mul3A_655 = arith.mulf %select_n3A_650, %get3A_3 : vector<16xf32>
        %broadcast_in_dim3A_656 = arith.constant true
        %broadcast_in_dim3A_657 = vector.broadcast %broadcast_in_dim3A_656 : i1 to vector<16xi1>
        %masked_cumsum3A_658 = tpu.scan <sum>, %mul3A_655 masked %broadcast_in_dim3A_657 : vector<16xf32>, vector<16xi1> -> vector<16xf32>
        %mul3A_659 = arith.constant 0 : i32
        %mul3A_660 = vector.broadcast %mul3A_659 : i32 to vector<16xi32>
        %mul3A_661 = arith.muli %iota3A, %mul3A_660 : vector<16xi32>
        %add3A_662 = arith.constant 15 : i32
        %add3A_663 = vector.broadcast %add3A_662 : i32 to vector<16xi32>
        %add3A_664 = arith.addi %mul3A_661, %add3A_663 : vector<16xi32>
        %broadcast_in_dim3A_665 = vector.shape_cast %add3A_664 : vector<16xi32> to vector<16x1xi32>
        %gather3A_666 = vector.shape_cast %broadcast_in_dim3A_665 : vector<16x1xi32> to vector<16xi32>
        %gather3A_667 = tpu.dynamic_gather %masked_cumsum3A_658[%gather3A_666] in [0] : vector<16xf32>, vector<16xi32> -> vector<16xf32>
        %eq3A_668 = arith.constant 7 : i32
        %eq3A_669 = vector.broadcast %eq3A_668 : i32 to vector<16xi32>
        %eq3A_670 = arith.cmpi eq, %iota3A, %eq3A_669 : vector<16xi32>
        %select_n3A_671 = arith.select %eq3A_670, %gather3A_667, %select_n3A_625 : vector<16xi1>, vector<16xf32>
        %mul3A_672 = arith.constant 16 : i32
        %mul3A_673 = arith.muli %scan3A_305, %mul3A_672 : i32
        %add3A_674 = arith.constant 8 : i32
        %add3A_675 = arith.addi %mul3A_673, %add3A_674 : i32
        %get3A_676 = arith.index_cast %rem3A_211 : i32 to index
        %get3A_677 = arith.index_cast %add3A_675 : i32 to index
        %get3A_678 = arith.constant 0 : index
        %get3A_679 = tpu.vector_load %arg13[%get3A_676, %get3A_677, %get3A_678] {strides = array<i32>} : memref<2x80x16xf32, #tpu.memory_space<vmem>>, vector<16xf32>,
        %get3A_680 = arith.index_cast %rem3A_211 : i32 to index
        %get3A_681 = arith.index_cast %add3A_675 : i32 to index
        %get3A_682 = arith.constant 0 : index
        %get3A_683 = tpu.vector_load %arg14[%get3A_680, %get3A_681, %get3A_682] {strides = array<i32>} : memref<2x80x16xf32, #tpu.memory_space<vmem>>, vector<16xf32>,
        %add3A_684 = arith.addf %get3A_679, %get3A_683 : vector<16xf32>
        %get3A_685 = arith.index_cast %rem3A_211 : i32 to index
        %get3A_686 = arith.index_cast %add3A_675 : i32 to index
        %get3A_687 = arith.constant 0 : index
        %get3A_688 = tpu.vector_load %arg15[%get3A_685, %get3A_686, %get3A_687] {strides = array<i32>} : memref<2x80x16xf32, #tpu.memory_space<vmem>>, vector<16xf32>,
        %add3A_689 = arith.addf %add3A_684, %get3A_688 : vector<16xf32>
        %ge3A_690 = arith.constant 0.000000e+00 : f32
        %ge3A_691 = vector.broadcast %ge3A_690 : f32 to vector<16xf32>
        %ge3A_692 = arith.cmpf oge, %add3A_689, %ge3A_691 : vector<16xf32>
        %mul3A_693 = arith.constant 0.00999999977 : f32
        %mul3A_694 = vector.broadcast %mul3A_693 : f32 to vector<16xf32>
        %mul3A_695 = arith.mulf %mul3A_694, %add3A_689 : vector<16xf32>
        %select_n3A_696 = arith.select %ge3A_692, %add3A_689, %mul3A_695 : vector<16xi1>, vector<16xf32>
        %swap3A_697 = arith.index_cast %rem3A_211 : i32 to index
        %swap3A_698 = arith.index_cast %add3A_675 : i32 to index
        %swap3A_699 = arith.constant 0 : index
        %swap3A_700 = tpu.vector_load %arg16[%swap3A_697, %swap3A_698, %swap3A_699] {strides = array<i32>} : memref<2x80x16xf32, #tpu.memory_space<vmem>>, vector<16xf32>,
        tpu.vector_store %arg16[%swap3A_697, %swap3A_698, %swap3A_699], %select_n3A_696 {strides = array<i32>} : memref<2x80x16xf32, #tpu.memory_space<vmem>>, vector<16xf32>,
        %mul3A_701 = arith.mulf %select_n3A_696, %get3A_3 : vector<16xf32>
        %broadcast_in_dim3A_702 = arith.constant true
        %broadcast_in_dim3A_703 = vector.broadcast %broadcast_in_dim3A_702 : i1 to vector<16xi1>
        %masked_cumsum3A_704 = tpu.scan <sum>, %mul3A_701 masked %broadcast_in_dim3A_703 : vector<16xf32>, vector<16xi1> -> vector<16xf32>
        %mul3A_705 = arith.constant 0 : i32
        %mul3A_706 = vector.broadcast %mul3A_705 : i32 to vector<16xi32>
        %mul3A_707 = arith.muli %iota3A, %mul3A_706 : vector<16xi32>
        %add3A_708 = arith.constant 15 : i32
        %add3A_709 = vector.broadcast %add3A_708 : i32 to vector<16xi32>
        %add3A_710 = arith.addi %mul3A_707, %add3A_709 : vector<16xi32>
        %broadcast_in_dim3A_711 = vector.shape_cast %add3A_710 : vector<16xi32> to vector<16x1xi32>
        %gather3A_712 = vector.shape_cast %broadcast_in_dim3A_711 : vector<16x1xi32> to vector<16xi32>
        %gather3A_713 = tpu.dynamic_gather %masked_cumsum3A_704[%gather3A_712] in [0] : vector<16xf32>, vector<16xi32> -> vector<16xf32>
        %eq3A_714 = arith.constant 8 : i32
        %eq3A_715 = vector.broadcast %eq3A_714 : i32 to vector<16xi32>
        %eq3A_716 = arith.cmpi eq, %iota3A, %eq3A_715 : vector<16xi32>
        %select_n3A_717 = arith.select %eq3A_716, %gather3A_713, %select_n3A_671 : vector<16xi1>, vector<16xf32>
        %mul3A_718 = arith.constant 16 : i32
        %mul3A_719 = arith.muli %scan3A_305, %mul3A_718 : i32
        %add3A_720 = arith.constant 9 : i32
        %add3A_721 = arith.addi %mul3A_719, %add3A_720 : i32
        %get3A_722 = arith.index_cast %rem3A_211 : i32 to index
        %get3A_723 = arith.index_cast %add3A_721 : i32 to index
        %get3A_724 = arith.constant 0 : index
        %get3A_725 = tpu.vector_load %arg13[%get3A_722, %get3A_723, %get3A_724] {strides = array<i32>} : memref<2x80x16xf32, #tpu.memory_space<vmem>>, vector<16xf32>,
        %get3A_726 = arith.index_cast %rem3A_211 : i32 to index
        %get3A_727 = arith.index_cast %add3A_721 : i32 to index
        %get3A_728 = arith.constant 0 : index
        %get3A_729 = tpu.vector_load %arg14[%get3A_726, %get3A_727, %get3A_728] {strides = array<i32>} : memref<2x80x16xf32, #tpu.memory_space<vmem>>, vector<16xf32>,
        %add3A_730 = arith.addf %get3A_725, %get3A_729 : vector<16xf32>
        %get3A_731 = arith.index_cast %rem3A_211 : i32 to index
        %get3A_732 = arith.index_cast %add3A_721 : i32 to index
        %get3A_733 = arith.constant 0 : index
        %get3A_734 = tpu.vector_load %arg15[%get3A_731, %get3A_732, %get3A_733] {strides = array<i32>} : memref<2x80x16xf32, #tpu.memory_space<vmem>>, vector<16xf32>,
        %add3A_735 = arith.addf %add3A_730, %get3A_734 : vector<16xf32>
        %ge3A_736 = arith.constant 0.000000e+00 : f32
        %ge3A_737 = vector.broadcast %ge3A_736 : f32 to vector<16xf32>
        %ge3A_738 = arith.cmpf oge, %add3A_735, %ge3A_737 : vector<16xf32>
        %mul3A_739 = arith.constant 0.00999999977 : f32
        %mul3A_740 = vector.broadcast %mul3A_739 : f32 to vector<16xf32>
        %mul3A_741 = arith.mulf %mul3A_740, %add3A_735 : vector<16xf32>
        %select_n3A_742 = arith.select %ge3A_738, %add3A_735, %mul3A_741 : vector<16xi1>, vector<16xf32>
        %swap3A_743 = arith.index_cast %rem3A_211 : i32 to index
        %swap3A_744 = arith.index_cast %add3A_721 : i32 to index
        %swap3A_745 = arith.constant 0 : index
        %swap3A_746 = tpu.vector_load %arg16[%swap3A_743, %swap3A_744, %swap3A_745] {strides = array<i32>} : memref<2x80x16xf32, #tpu.memory_space<vmem>>, vector<16xf32>,
        tpu.vector_store %arg16[%swap3A_743, %swap3A_744, %swap3A_745], %select_n3A_742 {strides = array<i32>} : memref<2x80x16xf32, #tpu.memory_space<vmem>>, vector<16xf32>,
        %mul3A_747 = arith.mulf %select_n3A_742, %get3A_3 : vector<16xf32>
        %broadcast_in_dim3A_748 = arith.constant true
        %broadcast_in_dim3A_749 = vector.broadcast %broadcast_in_dim3A_748 : i1 to vector<16xi1>
        %masked_cumsum3A_750 = tpu.scan <sum>, %mul3A_747 masked %broadcast_in_dim3A_749 : vector<16xf32>, vector<16xi1> -> vector<16xf32>
        %mul3A_751 = arith.constant 0 : i32
        %mul3A_752 = vector.broadcast %mul3A_751 : i32 to vector<16xi32>
        %mul3A_753 = arith.muli %iota3A, %mul3A_752 : vector<16xi32>
        %add3A_754 = arith.constant 15 : i32
        %add3A_755 = vector.broadcast %add3A_754 : i32 to vector<16xi32>
        %add3A_756 = arith.addi %mul3A_753, %add3A_755 : vector<16xi32>
        %broadcast_in_dim3A_757 = vector.shape_cast %add3A_756 : vector<16xi32> to vector<16x1xi32>
        %gather3A_758 = vector.shape_cast %broadcast_in_dim3A_757 : vector<16x1xi32> to vector<16xi32>
        %gather3A_759 = tpu.dynamic_gather %masked_cumsum3A_750[%gather3A_758] in [0] : vector<16xf32>, vector<16xi32> -> vector<16xf32>
        %eq3A_760 = arith.constant 9 : i32
        %eq3A_761 = vector.broadcast %eq3A_760 : i32 to vector<16xi32>
        %eq3A_762 = arith.cmpi eq, %iota3A, %eq3A_761 : vector<16xi32>
        %select_n3A_763 = arith.select %eq3A_762, %gather3A_759, %select_n3A_717 : vector<16xi1>, vector<16xf32>
        %mul3A_764 = arith.constant 16 : i32
        %mul3A_765 = arith.muli %scan3A_305, %mul3A_764 : i32
        %add3A_766 = arith.constant 10 : i32
        %add3A_767 = arith.addi %mul3A_765, %add3A_766 : i32
        %get3A_768 = arith.index_cast %rem3A_211 : i32 to index
        %get3A_769 = arith.index_cast %add3A_767 : i32 to index
        %get3A_770 = arith.constant 0 : index
        %get3A_771 = tpu.vector_load %arg13[%get3A_768, %get3A_769, %get3A_770] {strides = array<i32>} : memref<2x80x16xf32, #tpu.memory_space<vmem>>, vector<16xf32>,
        %get3A_772 = arith.index_cast %rem3A_211 : i32 to index
        %get3A_773 = arith.index_cast %add3A_767 : i32 to index
        %get3A_774 = arith.constant 0 : index
        %get3A_775 = tpu.vector_load %arg14[%get3A_772, %get3A_773, %get3A_774] {strides = array<i32>} : memref<2x80x16xf32, #tpu.memory_space<vmem>>, vector<16xf32>,
        %add3A_776 = arith.addf %get3A_771, %get3A_775 : vector<16xf32>
        %get3A_777 = arith.index_cast %rem3A_211 : i32 to index
        %get3A_778 = arith.index_cast %add3A_767 : i32 to index
        %get3A_779 = arith.constant 0 : index
        %get3A_780 = tpu.vector_load %arg15[%get3A_777, %get3A_778, %get3A_779] {strides = array<i32>} : memref<2x80x16xf32, #tpu.memory_space<vmem>>, vector<16xf32>,
        %add3A_781 = arith.addf %add3A_776, %get3A_780 : vector<16xf32>
        %ge3A_782 = arith.constant 0.000000e+00 : f32
        %ge3A_783 = vector.broadcast %ge3A_782 : f32 to vector<16xf32>
        %ge3A_784 = arith.cmpf oge, %add3A_781, %ge3A_783 : vector<16xf32>
        %mul3A_785 = arith.constant 0.00999999977 : f32
        %mul3A_786 = vector.broadcast %mul3A_785 : f32 to vector<16xf32>
        %mul3A_787 = arith.mulf %mul3A_786, %add3A_781 : vector<16xf32>
        %select_n3A_788 = arith.select %ge3A_784, %add3A_781, %mul3A_787 : vector<16xi1>, vector<16xf32>
        %swap3A_789 = arith.index_cast %rem3A_211 : i32 to index
        %swap3A_790 = arith.index_cast %add3A_767 : i32 to index
        %swap3A_791 = arith.constant 0 : index
        %swap3A_792 = tpu.vector_load %arg16[%swap3A_789, %swap3A_790, %swap3A_791] {strides = array<i32>} : memref<2x80x16xf32, #tpu.memory_space<vmem>>, vector<16xf32>,
        tpu.vector_store %arg16[%swap3A_789, %swap3A_790, %swap3A_791], %select_n3A_788 {strides = array<i32>} : memref<2x80x16xf32, #tpu.memory_space<vmem>>, vector<16xf32>,
        %mul3A_793 = arith.mulf %select_n3A_788, %get3A_3 : vector<16xf32>
        %broadcast_in_dim3A_794 = arith.constant true
        %broadcast_in_dim3A_795 = vector.broadcast %broadcast_in_dim3A_794 : i1 to vector<16xi1>
        %masked_cumsum3A_796 = tpu.scan <sum>, %mul3A_793 masked %broadcast_in_dim3A_795 : vector<16xf32>, vector<16xi1> -> vector<16xf32>
        %mul3A_797 = arith.constant 0 : i32
        %mul3A_798 = vector.broadcast %mul3A_797 : i32 to vector<16xi32>
        %mul3A_799 = arith.muli %iota3A, %mul3A_798 : vector<16xi32>
        %add3A_800 = arith.constant 15 : i32
        %add3A_801 = vector.broadcast %add3A_800 : i32 to vector<16xi32>
        %add3A_802 = arith.addi %mul3A_799, %add3A_801 : vector<16xi32>
        %broadcast_in_dim3A_803 = vector.shape_cast %add3A_802 : vector<16xi32> to vector<16x1xi32>
        %gather3A_804 = vector.shape_cast %broadcast_in_dim3A_803 : vector<16x1xi32> to vector<16xi32>
        %gather3A_805 = tpu.dynamic_gather %masked_cumsum3A_796[%gather3A_804] in [0] : vector<16xf32>, vector<16xi32> -> vector<16xf32>
        %eq3A_806 = arith.constant 10 : i32
        %eq3A_807 = vector.broadcast %eq3A_806 : i32 to vector<16xi32>
        %eq3A_808 = arith.cmpi eq, %iota3A, %eq3A_807 : vector<16xi32>
        %select_n3A_809 = arith.select %eq3A_808, %gather3A_805, %select_n3A_763 : vector<16xi1>, vector<16xf32>
        %mul3A_810 = arith.constant 16 : i32
        %mul3A_811 = arith.muli %scan3A_305, %mul3A_810 : i32
        %add3A_812 = arith.constant 11 : i32
        %add3A_813 = arith.addi %mul3A_811, %add3A_812 : i32
        %get3A_814 = arith.index_cast %rem3A_211 : i32 to index
        %get3A_815 = arith.index_cast %add3A_813 : i32 to index
        %get3A_816 = arith.constant 0 : index
        %get3A_817 = tpu.vector_load %arg13[%get3A_814, %get3A_815, %get3A_816] {strides = array<i32>} : memref<2x80x16xf32, #tpu.memory_space<vmem>>, vector<16xf32>,
        %get3A_818 = arith.index_cast %rem3A_211 : i32 to index
        %get3A_819 = arith.index_cast %add3A_813 : i32 to index
        %get3A_820 = arith.constant 0 : index
        %get3A_821 = tpu.vector_load %arg14[%get3A_818, %get3A_819, %get3A_820] {strides = array<i32>} : memref<2x80x16xf32, #tpu.memory_space<vmem>>, vector<16xf32>,
        %add3A_822 = arith.addf %get3A_817, %get3A_821 : vector<16xf32>
        %get3A_823 = arith.index_cast %rem3A_211 : i32 to index
        %get3A_824 = arith.index_cast %add3A_813 : i32 to index
        %get3A_825 = arith.constant 0 : index
        %get3A_826 = tpu.vector_load %arg15[%get3A_823, %get3A_824, %get3A_825] {strides = array<i32>} : memref<2x80x16xf32, #tpu.memory_space<vmem>>, vector<16xf32>,
        %add3A_827 = arith.addf %add3A_822, %get3A_826 : vector<16xf32>
        %ge3A_828 = arith.constant 0.000000e+00 : f32
        %ge3A_829 = vector.broadcast %ge3A_828 : f32 to vector<16xf32>
        %ge3A_830 = arith.cmpf oge, %add3A_827, %ge3A_829 : vector<16xf32>
        %mul3A_831 = arith.constant 0.00999999977 : f32
        %mul3A_832 = vector.broadcast %mul3A_831 : f32 to vector<16xf32>
        %mul3A_833 = arith.mulf %mul3A_832, %add3A_827 : vector<16xf32>
        %select_n3A_834 = arith.select %ge3A_830, %add3A_827, %mul3A_833 : vector<16xi1>, vector<16xf32>
        %swap3A_835 = arith.index_cast %rem3A_211 : i32 to index
        %swap3A_836 = arith.index_cast %add3A_813 : i32 to index
        %swap3A_837 = arith.constant 0 : index
        %swap3A_838 = tpu.vector_load %arg16[%swap3A_835, %swap3A_836, %swap3A_837] {strides = array<i32>} : memref<2x80x16xf32, #tpu.memory_space<vmem>>, vector<16xf32>,
        tpu.vector_store %arg16[%swap3A_835, %swap3A_836, %swap3A_837], %select_n3A_834 {strides = array<i32>} : memref<2x80x16xf32, #tpu.memory_space<vmem>>, vector<16xf32>,
        %mul3A_839 = arith.mulf %select_n3A_834, %get3A_3 : vector<16xf32>
        %broadcast_in_dim3A_840 = arith.constant true
        %broadcast_in_dim3A_841 = vector.broadcast %broadcast_in_dim3A_840 : i1 to vector<16xi1>
        %masked_cumsum3A_842 = tpu.scan <sum>, %mul3A_839 masked %broadcast_in_dim3A_841 : vector<16xf32>, vector<16xi1> -> vector<16xf32>
        %mul3A_843 = arith.constant 0 : i32
        %mul3A_844 = vector.broadcast %mul3A_843 : i32 to vector<16xi32>
        %mul3A_845 = arith.muli %iota3A, %mul3A_844 : vector<16xi32>
        %add3A_846 = arith.constant 15 : i32
        %add3A_847 = vector.broadcast %add3A_846 : i32 to vector<16xi32>
        %add3A_848 = arith.addi %mul3A_845, %add3A_847 : vector<16xi32>
        %broadcast_in_dim3A_849 = vector.shape_cast %add3A_848 : vector<16xi32> to vector<16x1xi32>
        %gather3A_850 = vector.shape_cast %broadcast_in_dim3A_849 : vector<16x1xi32> to vector<16xi32>
        %gather3A_851 = tpu.dynamic_gather %masked_cumsum3A_842[%gather3A_850] in [0] : vector<16xf32>, vector<16xi32> -> vector<16xf32>
        %eq3A_852 = arith.constant 11 : i32
        %eq3A_853 = vector.broadcast %eq3A_852 : i32 to vector<16xi32>
        %eq3A_854 = arith.cmpi eq, %iota3A, %eq3A_853 : vector<16xi32>
        %select_n3A_855 = arith.select %eq3A_854, %gather3A_851, %select_n3A_809 : vector<16xi1>, vector<16xf32>
        %mul3A_856 = arith.constant 16 : i32
        %mul3A_857 = arith.muli %scan3A_305, %mul3A_856 : i32
        %add3A_858 = arith.constant 12 : i32
        %add3A_859 = arith.addi %mul3A_857, %add3A_858 : i32
        %get3A_860 = arith.index_cast %rem3A_211 : i32 to index
        %get3A_861 = arith.index_cast %add3A_859 : i32 to index
        %get3A_862 = arith.constant 0 : index
        %get3A_863 = tpu.vector_load %arg13[%get3A_860, %get3A_861, %get3A_862] {strides = array<i32>} : memref<2x80x16xf32, #tpu.memory_space<vmem>>, vector<16xf32>,
        %get3A_864 = arith.index_cast %rem3A_211 : i32 to index
        %get3A_865 = arith.index_cast %add3A_859 : i32 to index
        %get3A_866 = arith.constant 0 : index
        %get3A_867 = tpu.vector_load %arg14[%get3A_864, %get3A_865, %get3A_866] {strides = array<i32>} : memref<2x80x16xf32, #tpu.memory_space<vmem>>, vector<16xf32>,
        %add3A_868 = arith.addf %get3A_863, %get3A_867 : vector<16xf32>
        %get3A_869 = arith.index_cast %rem3A_211 : i32 to index
        %get3A_870 = arith.index_cast %add3A_859 : i32 to index
        %get3A_871 = arith.constant 0 : index
        %get3A_872 = tpu.vector_load %arg15[%get3A_869, %get3A_870, %get3A_871] {strides = array<i32>} : memref<2x80x16xf32, #tpu.memory_space<vmem>>, vector<16xf32>,
        %add3A_873 = arith.addf %add3A_868, %get3A_872 : vector<16xf32>
        %ge3A_874 = arith.constant 0.000000e+00 : f32
        %ge3A_875 = vector.broadcast %ge3A_874 : f32 to vector<16xf32>
        %ge3A_876 = arith.cmpf oge, %add3A_873, %ge3A_875 : vector<16xf32>
        %mul3A_877 = arith.constant 0.00999999977 : f32
        %mul3A_878 = vector.broadcast %mul3A_877 : f32 to vector<16xf32>
        %mul3A_879 = arith.mulf %mul3A_878, %add3A_873 : vector<16xf32>
        %select_n3A_880 = arith.select %ge3A_876, %add3A_873, %mul3A_879 : vector<16xi1>, vector<16xf32>
        %swap3A_881 = arith.index_cast %rem3A_211 : i32 to index
        %swap3A_882 = arith.index_cast %add3A_859 : i32 to index
        %swap3A_883 = arith.constant 0 : index
        %swap3A_884 = tpu.vector_load %arg16[%swap3A_881, %swap3A_882, %swap3A_883] {strides = array<i32>} : memref<2x80x16xf32, #tpu.memory_space<vmem>>, vector<16xf32>,
        tpu.vector_store %arg16[%swap3A_881, %swap3A_882, %swap3A_883], %select_n3A_880 {strides = array<i32>} : memref<2x80x16xf32, #tpu.memory_space<vmem>>, vector<16xf32>,
        %mul3A_885 = arith.mulf %select_n3A_880, %get3A_3 : vector<16xf32>
        %broadcast_in_dim3A_886 = arith.constant true
        %broadcast_in_dim3A_887 = vector.broadcast %broadcast_in_dim3A_886 : i1 to vector<16xi1>
        %masked_cumsum3A_888 = tpu.scan <sum>, %mul3A_885 masked %broadcast_in_dim3A_887 : vector<16xf32>, vector<16xi1> -> vector<16xf32>
        %mul3A_889 = arith.constant 0 : i32
        %mul3A_890 = vector.broadcast %mul3A_889 : i32 to vector<16xi32>
        %mul3A_891 = arith.muli %iota3A, %mul3A_890 : vector<16xi32>
        %add3A_892 = arith.constant 15 : i32
        %add3A_893 = vector.broadcast %add3A_892 : i32 to vector<16xi32>
        %add3A_894 = arith.addi %mul3A_891, %add3A_893 : vector<16xi32>
        %broadcast_in_dim3A_895 = vector.shape_cast %add3A_894 : vector<16xi32> to vector<16x1xi32>
        %gather3A_896 = vector.shape_cast %broadcast_in_dim3A_895 : vector<16x1xi32> to vector<16xi32>
        %gather3A_897 = tpu.dynamic_gather %masked_cumsum3A_888[%gather3A_896] in [0] : vector<16xf32>, vector<16xi32> -> vector<16xf32>
        %eq3A_898 = arith.constant 12 : i32
        %eq3A_899 = vector.broadcast %eq3A_898 : i32 to vector<16xi32>
        %eq3A_900 = arith.cmpi eq, %iota3A, %eq3A_899 : vector<16xi32>
        %select_n3A_901 = arith.select %eq3A_900, %gather3A_897, %select_n3A_855 : vector<16xi1>, vector<16xf32>
        %mul3A_902 = arith.constant 16 : i32
        %mul3A_903 = arith.muli %scan3A_305, %mul3A_902 : i32
        %add3A_904 = arith.constant 13 : i32
        %add3A_905 = arith.addi %mul3A_903, %add3A_904 : i32
        %get3A_906 = arith.index_cast %rem3A_211 : i32 to index
        %get3A_907 = arith.index_cast %add3A_905 : i32 to index
        %get3A_908 = arith.constant 0 : index
        %get3A_909 = tpu.vector_load %arg13[%get3A_906, %get3A_907, %get3A_908] {strides = array<i32>} : memref<2x80x16xf32, #tpu.memory_space<vmem>>, vector<16xf32>,
        %get3A_910 = arith.index_cast %rem3A_211 : i32 to index
        %get3A_911 = arith.index_cast %add3A_905 : i32 to index
        %get3A_912 = arith.constant 0 : index
        %get3A_913 = tpu.vector_load %arg14[%get3A_910, %get3A_911, %get3A_912] {strides = array<i32>} : memref<2x80x16xf32, #tpu.memory_space<vmem>>, vector<16xf32>,
        %add3A_914 = arith.addf %get3A_909, %get3A_913 : vector<16xf32>
        %get3A_915 = arith.index_cast %rem3A_211 : i32 to index
        %get3A_916 = arith.index_cast %add3A_905 : i32 to index
        %get3A_917 = arith.constant 0 : index
        %get3A_918 = tpu.vector_load %arg15[%get3A_915, %get3A_916, %get3A_917] {strides = array<i32>} : memref<2x80x16xf32, #tpu.memory_space<vmem>>, vector<16xf32>,
        %add3A_919 = arith.addf %add3A_914, %get3A_918 : vector<16xf32>
        %ge3A_920 = arith.constant 0.000000e+00 : f32
        %ge3A_921 = vector.broadcast %ge3A_920 : f32 to vector<16xf32>
        %ge3A_922 = arith.cmpf oge, %add3A_919, %ge3A_921 : vector<16xf32>
        %mul3A_923 = arith.constant 0.00999999977 : f32
        %mul3A_924 = vector.broadcast %mul3A_923 : f32 to vector<16xf32>
        %mul3A_925 = arith.mulf %mul3A_924, %add3A_919 : vector<16xf32>
        %select_n3A_926 = arith.select %ge3A_922, %add3A_919, %mul3A_925 : vector<16xi1>, vector<16xf32>
        %swap3A_927 = arith.index_cast %rem3A_211 : i32 to index
        %swap3A_928 = arith.index_cast %add3A_905 : i32 to index
        %swap3A_929 = arith.constant 0 : index
        %swap3A_930 = tpu.vector_load %arg16[%swap3A_927, %swap3A_928, %swap3A_929] {strides = array<i32>} : memref<2x80x16xf32, #tpu.memory_space<vmem>>, vector<16xf32>,
        tpu.vector_store %arg16[%swap3A_927, %swap3A_928, %swap3A_929], %select_n3A_926 {strides = array<i32>} : memref<2x80x16xf32, #tpu.memory_space<vmem>>, vector<16xf32>,
        %mul3A_931 = arith.mulf %select_n3A_926, %get3A_3 : vector<16xf32>
        %broadcast_in_dim3A_932 = arith.constant true
        %broadcast_in_dim3A_933 = vector.broadcast %broadcast_in_dim3A_932 : i1 to vector<16xi1>
        %masked_cumsum3A_934 = tpu.scan <sum>, %mul3A_931 masked %broadcast_in_dim3A_933 : vector<16xf32>, vector<16xi1> -> vector<16xf32>
        %mul3A_935 = arith.constant 0 : i32
        %mul3A_936 = vector.broadcast %mul3A_935 : i32 to vector<16xi32>
        %mul3A_937 = arith.muli %iota3A, %mul3A_936 : vector<16xi32>
        %add3A_938 = arith.constant 15 : i32
        %add3A_939 = vector.broadcast %add3A_938 : i32 to vector<16xi32>
        %add3A_940 = arith.addi %mul3A_937, %add3A_939 : vector<16xi32>
        %broadcast_in_dim3A_941 = vector.shape_cast %add3A_940 : vector<16xi32> to vector<16x1xi32>
        %gather3A_942 = vector.shape_cast %broadcast_in_dim3A_941 : vector<16x1xi32> to vector<16xi32>
        %gather3A_943 = tpu.dynamic_gather %masked_cumsum3A_934[%gather3A_942] in [0] : vector<16xf32>, vector<16xi32> -> vector<16xf32>
        %eq3A_944 = arith.constant 13 : i32
        %eq3A_945 = vector.broadcast %eq3A_944 : i32 to vector<16xi32>
        %eq3A_946 = arith.cmpi eq, %iota3A, %eq3A_945 : vector<16xi32>
        %select_n3A_947 = arith.select %eq3A_946, %gather3A_943, %select_n3A_901 : vector<16xi1>, vector<16xf32>
        %mul3A_948 = arith.constant 16 : i32
        %mul3A_949 = arith.muli %scan3A_305, %mul3A_948 : i32
        %add3A_950 = arith.constant 14 : i32
        %add3A_951 = arith.addi %mul3A_949, %add3A_950 : i32
        %get3A_952 = arith.index_cast %rem3A_211 : i32 to index
        %get3A_953 = arith.index_cast %add3A_951 : i32 to index
        %get3A_954 = arith.constant 0 : index
        %get3A_955 = tpu.vector_load %arg13[%get3A_952, %get3A_953, %get3A_954] {strides = array<i32>} : memref<2x80x16xf32, #tpu.memory_space<vmem>>, vector<16xf32>,
        %get3A_956 = arith.index_cast %rem3A_211 : i32 to index
        %get3A_957 = arith.index_cast %add3A_951 : i32 to index
        %get3A_958 = arith.constant 0 : index
        %get3A_959 = tpu.vector_load %arg14[%get3A_956, %get3A_957, %get3A_958] {strides = array<i32>} : memref<2x80x16xf32, #tpu.memory_space<vmem>>, vector<16xf32>,
        %add3A_960 = arith.addf %get3A_955, %get3A_959 : vector<16xf32>
        %get3A_961 = arith.index_cast %rem3A_211 : i32 to index
        %get3A_962 = arith.index_cast %add3A_951 : i32 to index
        %get3A_963 = arith.constant 0 : index
        %get3A_964 = tpu.vector_load %arg15[%get3A_961, %get3A_962, %get3A_963] {strides = array<i32>} : memref<2x80x16xf32, #tpu.memory_space<vmem>>, vector<16xf32>,
        %add3A_965 = arith.addf %add3A_960, %get3A_964 : vector<16xf32>
        %ge3A_966 = arith.constant 0.000000e+00 : f32
        %ge3A_967 = vector.broadcast %ge3A_966 : f32 to vector<16xf32>
        %ge3A_968 = arith.cmpf oge, %add3A_965, %ge3A_967 : vector<16xf32>
        %mul3A_969 = arith.constant 0.00999999977 : f32
        %mul3A_970 = vector.broadcast %mul3A_969 : f32 to vector<16xf32>
        %mul3A_971 = arith.mulf %mul3A_970, %add3A_965 : vector<16xf32>
        %select_n3A_972 = arith.select %ge3A_968, %add3A_965, %mul3A_971 : vector<16xi1>, vector<16xf32>
        %swap3A_973 = arith.index_cast %rem3A_211 : i32 to index
        %swap3A_974 = arith.index_cast %add3A_951 : i32 to index
        %swap3A_975 = arith.constant 0 : index
        %swap3A_976 = tpu.vector_load %arg16[%swap3A_973, %swap3A_974, %swap3A_975] {strides = array<i32>} : memref<2x80x16xf32, #tpu.memory_space<vmem>>, vector<16xf32>,
        tpu.vector_store %arg16[%swap3A_973, %swap3A_974, %swap3A_975], %select_n3A_972 {strides = array<i32>} : memref<2x80x16xf32, #tpu.memory_space<vmem>>, vector<16xf32>,
        %mul3A_977 = arith.mulf %select_n3A_972, %get3A_3 : vector<16xf32>
        %broadcast_in_dim3A_978 = arith.constant true
        %broadcast_in_dim3A_979 = vector.broadcast %broadcast_in_dim3A_978 : i1 to vector<16xi1>
        %masked_cumsum3A_980 = tpu.scan <sum>, %mul3A_977 masked %broadcast_in_dim3A_979 : vector<16xf32>, vector<16xi1> -> vector<16xf32>
        %mul3A_981 = arith.constant 0 : i32
        %mul3A_982 = vector.broadcast %mul3A_981 : i32 to vector<16xi32>
        %mul3A_983 = arith.muli %iota3A, %mul3A_982 : vector<16xi32>
        %add3A_984 = arith.constant 15 : i32
        %add3A_985 = vector.broadcast %add3A_984 : i32 to vector<16xi32>
        %add3A_986 = arith.addi %mul3A_983, %add3A_985 : vector<16xi32>
        %broadcast_in_dim3A_987 = vector.shape_cast %add3A_986 : vector<16xi32> to vector<16x1xi32>
        %gather3A_988 = vector.shape_cast %broadcast_in_dim3A_987 : vector<16x1xi32> to vector<16xi32>
        %gather3A_989 = tpu.dynamic_gather %masked_cumsum3A_980[%gather3A_988] in [0] : vector<16xf32>, vector<16xi32> -> vector<16xf32>
        %eq3A_990 = arith.constant 14 : i32
        %eq3A_991 = vector.broadcast %eq3A_990 : i32 to vector<16xi32>
        %eq3A_992 = arith.cmpi eq, %iota3A, %eq3A_991 : vector<16xi32>
        %select_n3A_993 = arith.select %eq3A_992, %gather3A_989, %select_n3A_947 : vector<16xi1>, vector<16xf32>
        %mul3A_994 = arith.constant 16 : i32
        %mul3A_995 = arith.muli %scan3A_305, %mul3A_994 : i32
        %add3A_996 = arith.constant 15 : i32
        %add3A_997 = arith.addi %mul3A_995, %add3A_996 : i32
        %get3A_998 = arith.index_cast %rem3A_211 : i32 to index
        %get3A_999 = arith.index_cast %add3A_997 : i32 to index
        %get3A_1000 = arith.constant 0 : index
        %get3A_1001 = tpu.vector_load %arg13[%get3A_998, %get3A_999, %get3A_1000] {strides = array<i32>} : memref<2x80x16xf32, #tpu.memory_space<vmem>>, vector<16xf32>,
        %get3A_1002 = arith.index_cast %rem3A_211 : i32 to index
        %get3A_1003 = arith.index_cast %add3A_997 : i32 to index
        %get3A_1004 = arith.constant 0 : index
        %get3A_1005 = tpu.vector_load %arg14[%get3A_1002, %get3A_1003, %get3A_1004] {strides = array<i32>} : memref<2x80x16xf32, #tpu.memory_space<vmem>>, vector<16xf32>,
        %add3A_1006 = arith.addf %get3A_1001, %get3A_1005 : vector<16xf32>
        %get3A_1007 = arith.index_cast %rem3A_211 : i32 to index
        %get3A_1008 = arith.index_cast %add3A_997 : i32 to index
        %get3A_1009 = arith.constant 0 : index
        %get3A_1010 = tpu.vector_load %arg15[%get3A_1007, %get3A_1008, %get3A_1009] {strides = array<i32>} : memref<2x80x16xf32, #tpu.memory_space<vmem>>, vector<16xf32>,
        %add3A_1011 = arith.addf %add3A_1006, %get3A_1010 : vector<16xf32>
        %ge3A_1012 = arith.constant 0.000000e+00 : f32
        %ge3A_1013 = vector.broadcast %ge3A_1012 : f32 to vector<16xf32>
        %ge3A_1014 = arith.cmpf oge, %add3A_1011, %ge3A_1013 : vector<16xf32>
        %mul3A_1015 = arith.constant 0.00999999977 : f32
        %mul3A_1016 = vector.broadcast %mul3A_1015 : f32 to vector<16xf32>
        %mul3A_1017 = arith.mulf %mul3A_1016, %add3A_1011 : vector<16xf32>
        %select_n3A_1018 = arith.select %ge3A_1014, %add3A_1011, %mul3A_1017 : vector<16xi1>, vector<16xf32>
        %swap3A_1019 = arith.index_cast %rem3A_211 : i32 to index
        %swap3A_1020 = arith.index_cast %add3A_997 : i32 to index
        %swap3A_1021 = arith.constant 0 : index
        %swap3A_1022 = tpu.vector_load %arg16[%swap3A_1019, %swap3A_1020, %swap3A_1021] {strides = array<i32>} : memref<2x80x16xf32, #tpu.memory_space<vmem>>, vector<16xf32>,
        tpu.vector_store %arg16[%swap3A_1019, %swap3A_1020, %swap3A_1021], %select_n3A_1018 {strides = array<i32>} : memref<2x80x16xf32, #tpu.memory_space<vmem>>, vector<16xf32>,
        %mul3A_1023 = arith.mulf %select_n3A_1018, %get3A_3 : vector<16xf32>
        %broadcast_in_dim3A_1024 = arith.constant true
        %broadcast_in_dim3A_1025 = vector.broadcast %broadcast_in_dim3A_1024 : i1 to vector<16xi1>
        %masked_cumsum3A_1026 = tpu.scan <sum>, %mul3A_1023 masked %broadcast_in_dim3A_1025 : vector<16xf32>, vector<16xi1> -> vector<16xf32>
        %mul3A_1027 = arith.constant 0 : i32
        %mul3A_1028 = vector.broadcast %mul3A_1027 : i32 to vector<16xi32>
        %mul3A_1029 = arith.muli %iota3A, %mul3A_1028 : vector<16xi32>
        %add3A_1030 = arith.constant 15 : i32
        %add3A_1031 = vector.broadcast %add3A_1030 : i32 to vector<16xi32>
        %add3A_1032 = arith.addi %mul3A_1029, %add3A_1031 : vector<16xi32>
        %broadcast_in_dim3A_1033 = vector.shape_cast %add3A_1032 : vector<16xi32> to vector<16x1xi32>
        %gather3A_1034 = vector.shape_cast %broadcast_in_dim3A_1033 : vector<16x1xi32> to vector<16xi32>
        %gather3A_1035 = tpu.dynamic_gather %masked_cumsum3A_1026[%gather3A_1034] in [0] : vector<16xf32>, vector<16xi32> -> vector<16xf32>
        %eq3A_1036 = arith.constant 15 : i32
        %eq3A_1037 = vector.broadcast %eq3A_1036 : i32 to vector<16xi32>
        %eq3A_1038 = arith.cmpi eq, %iota3A, %eq3A_1037 : vector<16xi32>
        %select_n3A_1039 = arith.select %eq3A_1038, %gather3A_1035, %select_n3A_993 : vector<16xi1>, vector<16xf32>
        %ge3A_1040 = arith.constant 0.000000e+00 : f32
        %ge3A_1041 = vector.broadcast %ge3A_1040 : f32 to vector<16xf32>
        %ge3A_1042 = arith.cmpf oge, %select_n3A_1039, %ge3A_1041 : vector<16xf32>
        %mul3A_1043 = arith.constant 0.00999999977 : f32
        %mul3A_1044 = vector.broadcast %mul3A_1043 : f32 to vector<16xf32>
        %mul3A_1045 = arith.mulf %mul3A_1044, %select_n3A_1039 : vector<16xf32>
        %select_n3A_1046 = arith.select %ge3A_1042, %select_n3A_1039, %mul3A_1045 : vector<16xi1>, vector<16xf32>
        %ge3A_1047 = arith.constant 0.000000e+00 : f32
        %ge3A_1048 = vector.broadcast %ge3A_1047 : f32 to vector<16xf32>
        %ge3A_1049 = arith.cmpf oge, %select_n3A_1046, %ge3A_1048 : vector<16xf32>
        %mul3A_1050 = arith.constant 0.00999999977 : f32
        %mul3A_1051 = vector.broadcast %mul3A_1050 : f32 to vector<16xf32>
        %mul3A_1052 = arith.mulf %mul3A_1051, %select_n3A_1046 : vector<16xf32>
        %select_n3A_1053 = arith.select %ge3A_1049, %select_n3A_1046, %mul3A_1052 : vector<16xi1>, vector<16xf32>
        %mul3A_1054 = arith.constant 16 : i32
        %mul3A_1055 = arith.muli %scan3A_305, %mul3A_1054 : i32
        %swap3A_1056 = arith.index_cast %rem3A_211 : i32 to index
        %swap3A_1057 = arith.index_cast %mul3A_1055 : i32 to index
        %swap3A_1058 = tpu.vector_load %arg17[%swap3A_1056, %swap3A_1057] {strides = array<i32>} : memref<2x80xf32, #tpu.memory_space<vmem>>, vector<16xf32>,
        tpu.vector_store %arg17[%swap3A_1056, %swap3A_1057], %select_n3A_1053 {strides = array<i32>} : memref<2x80xf32, #tpu.memory_space<vmem>>, vector<16xf32>,
        %mul3A_1059 = arith.constant 16 : i32
        %mul3A_1060 = arith.muli %scan3A_305, %mul3A_1059 : i32
        %get3A_1061 = arith.index_cast %rem3A_209 : i32 to index
        %get3A_1062 = arith.index_cast %mul3A_1060 : i32 to index
        %get3A_1063 = tpu.vector_load %arg12[%get3A_1061, %get3A_1062] {strides = array<i32>} : memref<4x80xi32, #tpu.memory_space<vmem>>, vector<16xi32>,
        %broadcast_in_dim3A_1064 = arith.constant true
        %broadcast_in_dim3A_1065 = vector.broadcast %broadcast_in_dim3A_1064 : i1 to vector<16xi1>
        %unique3A, %unique3A_1066 = tpu.scan_count mask(%broadcast_in_dim3A_1065 : vector<16xi1>) value(%get3A_1063 : vector<16xi32>) : vector<16xi1>, vector<16xi32>
        %reduce_max3A = arith.constant true
        %reduce_max3A_1067 = vector.broadcast %reduce_max3A : i1 to vector<16xi1>
        %reduce_max3A_1068 = arith.constant -2147483648 : i32
        %reduce_max3A_1069 = vector.broadcast %reduce_max3A_1068 : i32 to vector<16xi32>
        %reduce_max3A_1070 = arith.xori %unique3A_1066, %reduce_max3A_1069 : vector<16xi32>
        %reduce_max3A_1071 = tpu.scan <max>, %reduce_max3A_1070 masked %reduce_max3A_1067 : vector<16xi32>, vector<16xi1> -> vector<16xi32>
        %reduce_max3A_1072 = arith.xori %reduce_max3A_1071, %reduce_max3A_1069 : vector<16xi32>
        %reduce_max3A_1073 = vector.extract %reduce_max3A_1072[15] : i32 from vector<16xi32>
        %reduce_min3A = arith.constant true
        %reduce_min3A_1074 = vector.broadcast %reduce_min3A : i1 to vector<16xi1>
        %reduce_min3A_1075 = arith.constant -2147483648 : i32
        %reduce_min3A_1076 = vector.broadcast %reduce_min3A_1075 : i32 to vector<16xi32>
        %reduce_min3A_1077 = arith.xori %unique3A_1066, %reduce_min3A_1076 : vector<16xi32>
        %reduce_min3A_1078 = tpu.scan <min>, %reduce_min3A_1077 masked %reduce_min3A_1074 : vector<16xi32>, vector<16xi1> -> vector<16xi32>
        %reduce_min3A_1079 = arith.xori %reduce_min3A_1078, %reduce_min3A_1076 : vector<16xi32>
        %reduce_min3A_1080 = vector.extract %reduce_min3A_1079[15] : i32 from vector<16xi32>
        %gt3A = arith.cmpi sgt, %reduce_max3A_1073, %reduce_min3A_1080 : i32
        %convert_element_type3A_1081 = arith.extui %gt3A : i1 to i32
        %cond3A_1082 = arith.constant 0 : i32
        %cond3A_1083 = arith.cmpi ne, %convert_element_type3A_1081, %cond3A_1082 : i32
        %cond3A_1084 = scf.if %cond3A_1083 -> (vector<16xf32>) {
          %scan3A_1086 = arith.constant 1 : i32
          %scan3A_1087 = arith.constant 15 : i32
          %scan3A_1088 = arith.addi %scan3A_1086, %scan3A_1087 : i32
          %scan3A_1089 = arith.constant 1 : i32
          %scan3A_1090 = scf.for %scan3A_1092 = %scan3A_1086 to %scan3A_1088 step %scan3A_1089 iter_args(%scan3A_1093 = %select_n3A_1053) -> (vector<16xf32>)  : i32 {
            %add3A_1094 = vector.broadcast %scan3A_1092 : i32 to vector<16xi32>
            %add3A_1095 = arith.addi %iota3A, %add3A_1094 : vector<16xi32>
            %and3A = arith.constant 15 : i32
            %and3A_1096 = vector.broadcast %and3A : i32 to vector<16xi32>
            %and3A_1097 = arith.andi %add3A_1095, %and3A_1096 : vector<16xi32>
            %broadcast_in_dim3A_1098 = vector.shape_cast %and3A_1097 : vector<16xi32> to vector<16x1xi32>
            %gather3A_1099 = vector.shape_cast %broadcast_in_dim3A_1098 : vector<16x1xi32> to vector<16xi32>
            %gather3A_1100 = tpu.dynamic_gather %get3A_1063[%gather3A_1099] in [0] : vector<16xi32>, vector<16xi32> -> vector<16xi32>
            %broadcast_in_dim3A_1101 = vector.shape_cast %and3A_1097 : vector<16xi32> to vector<16x1xi32>
            %gather3A_1102 = vector.shape_cast %broadcast_in_dim3A_1101 : vector<16x1xi32> to vector<16xi32>
            %gather3A_1103 = tpu.dynamic_gather %scan3A_1093[%gather3A_1102] in [0] : vector<16xf32>, vector<16xi32> -> vector<16xf32>
            %eq3A_1104 = arith.cmpi eq, %get3A_1063, %gather3A_1100 : vector<16xi32>
            %max3A_1105 = arith.maximumf %scan3A_1093, %gather3A_1103 : vector<16xf32>
            %select_n3A_1106 = arith.select %eq3A_1104, %max3A_1105, %scan3A_1093 : vector<16xi1>, vector<16xf32>
            scf.yield %select_n3A_1106 : vector<16xf32>
          }
          %scan3A_1091 = arith.constant 15 : i32
          scf.yield %scan3A_1090 : vector<16xf32>
        } else {
          scf.yield %select_n3A_1053 : vector<16xf32>
        }
        %gather3A_1085 = tpu.vector_load_idx %arg19[%get3A_1063] : memref<10000xf32, #tpu.memory_space<vmem>>[vector<16xi32>], vector<16xf32>,
        %max3A = arith.maximumf %gather3A_1085, %cond3A_1084 : vector<16xf32>
        tpu.vector_store_idx %arg19[%get3A_1063], %max3A : memref<10000xf32, #tpu.memory_space<vmem>>[vector<16xi32>], vector<16xf32>,
      }
      %scan3A_270 = arith.constant 5 : i32
      %mul3A_271 = arith.constant 80 : i32
      %mul3A_272 = arith.muli %scan3A_207, %mul3A_271 : i32
      %add3A_273 = arith.addi %mul3A_2, %mul3A_272 : i32
      %dma_start3A_274 = arith.constant 0 : i32
      %dma_start3A_275 = arith.constant 0 : i32
      %dma_start3A_276 = tpu.memref_slice %arg16[%rem3A_211, %dma_start3A_274, %dma_start3A_275] : memref<2x80x16xf32, #tpu.memory_space<vmem>> -> memref<1x80x16xf32, #tpu.memory_space<vmem>>
      %dma_start3A_277 = tpu.memref_squeeze %dma_start3A_276 : memref<1x80x16xf32, #tpu.memory_space<vmem>> -> memref<80x16xf32, #tpu.memory_space<vmem>>
      %dma_start3A_278 = arith.constant 0 : i32
      %dma_start3A_279 = tpu.memref_slice %arg8[%add3A_273, %dma_start3A_278] : memref<320000x16xf32, #tpu.memory_space<hbm>> -> memref<80x16xf32, #tpu.memory_space<hbm>>
      %dma_start3A_280 = tpu.memref_slice %arg25[%rem3A_211] : memref<2x!tpu.dma_semaphore, #tpu.memory_space<semaphore_mem>> -> memref<1x!tpu.dma_semaphore, #tpu.memory_space<semaphore_mem>>
      %dma_start3A_281 = tpu.memref_squeeze %dma_start3A_280 : memref<1x!tpu.dma_semaphore, #tpu.memory_space<semaphore_mem>> -> memref<!tpu.dma_semaphore, #tpu.memory_space<semaphore_mem>>
      %dma_start3A_282 = arith.constant 0 : i32
      %dma_start3A_283 = tpu.memref_slice %arg8[%add3A_273, %dma_start3A_282] : memref<320000x16xf32, #tpu.memory_space<hbm>> -> memref<80x16xf32, #tpu.memory_space<hbm>>
      %dma_start3A_284 = arith.constant 0 : i32
      %dma_start3A_285 = arith.constant 0 : i32
      %dma_start3A_286 = tpu.memref_slice %arg16[%rem3A_211, %dma_start3A_284, %dma_start3A_285] : memref<2x80x16xf32, #tpu.memory_space<vmem>> -> memref<1x80x16xf32, #tpu.memory_space<vmem>>
      %dma_start3A_287 = tpu.memref_squeeze %dma_start3A_286 : memref<1x80x16xf32, #tpu.memory_space<vmem>> -> memref<80x16xf32, #tpu.memory_space<vmem>>
      tpu.enqueue_dma source(%dma_start3A_287 : memref<80x16xf32, #tpu.memory_space<vmem>>) target(%dma_start3A_283 : memref<80x16xf32, #tpu.memory_space<hbm>>) target_semaphore(%dma_start3A_281 : memref<!tpu.dma_semaphore, #tpu.memory_space<semaphore_mem>>)
      %dma_start3A_288 = arith.constant 0 : i32
      %dma_start3A_289 = tpu.memref_slice %arg17[%rem3A_211, %dma_start3A_288] : memref<2x80xf32, #tpu.memory_space<vmem>> -> memref<1x80xf32, #tpu.memory_space<vmem>>
      %dma_start3A_290 = tpu.memref_squeeze %dma_start3A_289 : memref<1x80xf32, #tpu.memory_space<vmem>> -> memref<80xf32, #tpu.memory_space<vmem>>
      %dma_start3A_291 = tpu.memref_slice %arg9[%add3A_273] : memref<320000xf32, #tpu.memory_space<hbm>> -> memref<80xf32, #tpu.memory_space<hbm>>
      %dma_start3A_292 = tpu.memref_slice %arg25[%rem3A_211] : memref<2x!tpu.dma_semaphore, #tpu.memory_space<semaphore_mem>> -> memref<1x!tpu.dma_semaphore, #tpu.memory_space<semaphore_mem>>
      %dma_start3A_293 = tpu.memref_squeeze %dma_start3A_292 : memref<1x!tpu.dma_semaphore, #tpu.memory_space<semaphore_mem>> -> memref<!tpu.dma_semaphore, #tpu.memory_space<semaphore_mem>>
      %dma_start3A_294 = tpu.memref_slice %arg9[%add3A_273] : memref<320000xf32, #tpu.memory_space<hbm>> -> memref<80xf32, #tpu.memory_space<hbm>>
      %dma_start3A_295 = arith.constant 0 : i32
      %dma_start3A_296 = tpu.memref_slice %arg17[%rem3A_211, %dma_start3A_295] : memref<2x80xf32, #tpu.memory_space<vmem>> -> memref<1x80xf32, #tpu.memory_space<vmem>>
      %dma_start3A_297 = tpu.memref_squeeze %dma_start3A_296 : memref<1x80xf32, #tpu.memory_space<vmem>> -> memref<80xf32, #tpu.memory_space<vmem>>
      tpu.enqueue_dma source(%dma_start3A_297 : memref<80xf32, #tpu.memory_space<vmem>>) target(%dma_start3A_294 : memref<80xf32, #tpu.memory_space<hbm>>) target_semaphore(%dma_start3A_293 : memref<!tpu.dma_semaphore, #tpu.memory_space<semaphore_mem>>)
      %add3A_298 = arith.constant 2 : i32
      %add3A_299 = arith.addi %scan3A_207, %add3A_298 : i32
      %lt3A_300 = arith.constant 125 : i32
      %lt3A_301 = arith.cmpi slt, %add3A_299, %lt3A_300 : i32
      %convert_element_type3A_302 = arith.extui %lt3A_301 : i1 to i32
      %cond3A_303 = arith.constant 0 : i32
      %cond3A_304 = arith.cmpi ne, %convert_element_type3A_302, %cond3A_303 : i32
      scf.if %cond3A_304 {
        %add3A_305 = arith.constant 2 : i32
        %add3A_306 = arith.addi %scan3A_207, %add3A_305 : i32
        %rem3A_307 = arith.constant 4 : i32
        %rem3A_308 = arith.remsi %add3A_306, %rem3A_307 : i32
        %mul3A_309 = arith.constant 80 : i32
        %mul3A_310 = arith.muli %add3A_306, %mul3A_309 : i32
        %add3A_311 = arith.addi %mul3A_2, %mul3A_310 : i32
        %dma_start3A_312 = arith.constant 0 : i32
        %dma_start3A_313 = tpu.memref_slice %arg11[%rem3A_308, %dma_start3A_312] : memref<4x80xi32, #tpu.memory_space<vmem>> -> memref<1x80xi32, #tpu.memory_space<vmem>>
        %dma_start3A_314 = tpu.memref_squeeze %dma_start3A_313 : memref<1x80xi32, #tpu.memory_space<vmem>> -> memref<80xi32, #tpu.memory_space<vmem>>
        %dma_start3A_315 = tpu.memref_slice %arg5[%add3A_311] : memref<320000xi32, #tpu.memory_space<hbm>> -> memref<80xi32, #tpu.memory_space<hbm>>
        %dma_start3A_316 = tpu.memref_slice %arg23[%rem3A_308] : memref<4x!tpu.dma_semaphore, #tpu.memory_space<semaphore_mem>> -> memref<1x!tpu.dma_semaphore, #tpu.memory_space<semaphore_mem>>
        %dma_start3A_317 = tpu.memref_squeeze %dma_start3A_316 : memref<1x!tpu.dma_semaphore, #tpu.memory_space<semaphore_mem>> -> memref<!tpu.dma_semaphore, #tpu.memory_space<semaphore_mem>>
        %dma_start3A_318 = arith.constant 0 : i32
        %dma_start3A_319 = tpu.memref_slice %arg11[%rem3A_308, %dma_start3A_318] : memref<4x80xi32, #tpu.memory_space<vmem>> -> memref<1x80xi32, #tpu.memory_space<vmem>>
        %dma_start3A_320 = tpu.memref_squeeze %dma_start3A_319 : memref<1x80xi32, #tpu.memory_space<vmem>> -> memref<80xi32, #tpu.memory_space<vmem>>
        %dma_start3A_321 = tpu.memref_slice %arg5[%add3A_311] : memref<320000xi32, #tpu.memory_space<hbm>> -> memref<80xi32, #tpu.memory_space<hbm>>
        tpu.enqueue_dma source(%dma_start3A_321 : memref<80xi32, #tpu.memory_space<hbm>>) target(%dma_start3A_320 : memref<80xi32, #tpu.memory_space<vmem>>) target_semaphore(%dma_start3A_317 : memref<!tpu.dma_semaphore, #tpu.memory_space<semaphore_mem>>)
        %dma_start3A_322 = arith.constant 0 : i32
        %dma_start3A_323 = tpu.memref_slice %arg12[%rem3A_308, %dma_start3A_322] : memref<4x80xi32, #tpu.memory_space<vmem>> -> memref<1x80xi32, #tpu.memory_space<vmem>>
        %dma_start3A_324 = tpu.memref_squeeze %dma_start3A_323 : memref<1x80xi32, #tpu.memory_space<vmem>> -> memref<80xi32, #tpu.memory_space<vmem>>
        %dma_start3A_325 = tpu.memref_slice %arg6[%add3A_311] : memref<320000xi32, #tpu.memory_space<hbm>> -> memref<80xi32, #tpu.memory_space<hbm>>
        %dma_start3A_326 = tpu.memref_slice %arg23[%rem3A_308] : memref<4x!tpu.dma_semaphore, #tpu.memory_space<semaphore_mem>> -> memref<1x!tpu.dma_semaphore, #tpu.memory_space<semaphore_mem>>
        %dma_start3A_327 = tpu.memref_squeeze %dma_start3A_326 : memref<1x!tpu.dma_semaphore, #tpu.memory_space<semaphore_mem>> -> memref<!tpu.dma_semaphore, #tpu.memory_space<semaphore_mem>>
        %dma_start3A_328 = arith.constant 0 : i32
        %dma_start3A_329 = tpu.memref_slice %arg12[%rem3A_308, %dma_start3A_328] : memref<4x80xi32, #tpu.memory_space<vmem>> -> memref<1x80xi32, #tpu.memory_space<vmem>>
        %dma_start3A_330 = tpu.memref_squeeze %dma_start3A_329 : memref<1x80xi32, #tpu.memory_space<vmem>> -> memref<80xi32, #tpu.memory_space<vmem>>
        %dma_start3A_331 = tpu.memref_slice %arg6[%add3A_311] : memref<320000xi32, #tpu.memory_space<hbm>> -> memref<80xi32, #tpu.memory_space<hbm>>
        tpu.enqueue_dma source(%dma_start3A_331 : memref<80xi32, #tpu.memory_space<hbm>>) target(%dma_start3A_330 : memref<80xi32, #tpu.memory_space<vmem>>) target_semaphore(%dma_start3A_327 : memref<!tpu.dma_semaphore, #tpu.memory_space<semaphore_mem>>)
      } else {
      }
    }
    %scan3A_136 = arith.constant 125 : i32
    %dma_wait3A_137 = arith.constant 0 : i32
    %dma_wait3A_138 = arith.constant 0 : i32
    %dma_wait3A_139 = arith.constant 0 : i32
    %dma_wait3A_140 = arith.constant 0 : i32
    %dma_wait3A_141 = tpu.memref_slice %arg16[%dma_wait3A_137, %dma_wait3A_139, %dma_wait3A_140] : memref<2x80x16xf32, #tpu.memory_space<vmem>> -> memref<1x80x16xf32, #tpu.memory_space<vmem>>
    %dma_wait3A_142 = tpu.memref_squeeze %dma_wait3A_141 : memref<1x80x16xf32, #tpu.memory_space<vmem>> -> memref<80x16xf32, #tpu.memory_space<vmem>>
    %dma_wait3A_143 = arith.constant 0 : i32
    %dma_wait3A_144 = arith.constant 0 : i32
    %dma_wait3A_145 = tpu.memref_slice %arg8[%dma_wait3A_143, %dma_wait3A_144] : memref<320000x16xf32, #tpu.memory_space<hbm>> -> memref<80x16xf32, #tpu.memory_space<hbm>>
    %dma_wait3A_146 = tpu.memref_slice %arg25[%dma_wait3A_138] : memref<2x!tpu.dma_semaphore, #tpu.memory_space<semaphore_mem>> -> memref<1x!tpu.dma_semaphore, #tpu.memory_space<semaphore_mem>>
    %dma_wait3A_147 = tpu.memref_squeeze %dma_wait3A_146 : memref<1x!tpu.dma_semaphore, #tpu.memory_space<semaphore_mem>> -> memref<!tpu.dma_semaphore, #tpu.memory_space<semaphore_mem>>
    %dma_wait3A_148 = arith.constant 0 : i32
    %dma_wait3A_149 = arith.constant 0 : i32
    %dma_wait3A_150 = tpu.memref_slice %arg8[%dma_wait3A_148, %dma_wait3A_149] : memref<320000x16xf32, #tpu.memory_space<hbm>> -> memref<80x16xf32, #tpu.memory_space<hbm>>
    %dma_wait3A_151 = arith.constant 0 : i32
    %dma_wait3A_152 = arith.constant 0 : i32
    %dma_wait3A_153 = tpu.memref_slice %arg16[%dma_wait3A_137, %dma_wait3A_151, %dma_wait3A_152] : memref<2x80x16xf32, #tpu.memory_space<vmem>> -> memref<1x80x16xf32, #tpu.memory_space<vmem>>
    %dma_wait3A_154 = tpu.memref_squeeze %dma_wait3A_153 : memref<1x80x16xf32, #tpu.memory_space<vmem>> -> memref<80x16xf32, #tpu.memory_space<vmem>>
    tpu.wait_dma2 semaphore(%dma_wait3A_147 : memref<!tpu.dma_semaphore, #tpu.memory_space<semaphore_mem>>) src(%dma_wait3A_154 : memref<80x16xf32, #tpu.memory_space<vmem>>) dst(%dma_wait3A_150 : memref<80x16xf32, #tpu.memory_space<hbm>>)
    %dma_wait3A_155 = arith.constant 0 : i32
    %dma_wait3A_156 = arith.constant 0 : i32
    %dma_wait3A_157 = arith.constant 0 : i32
    %dma_wait3A_158 = tpu.memref_slice %arg17[%dma_wait3A_155, %dma_wait3A_157] : memref<2x80xf32, #tpu.memory_space<vmem>> -> memref<1x80xf32, #tpu.memory_space<vmem>>
    %dma_wait3A_159 = tpu.memref_squeeze %dma_wait3A_158 : memref<1x80xf32, #tpu.memory_space<vmem>> -> memref<80xf32, #tpu.memory_space<vmem>>
    %dma_wait3A_160 = arith.constant 0 : i32
    %dma_wait3A_161 = tpu.memref_slice %arg9[%dma_wait3A_160] : memref<320000xf32, #tpu.memory_space<hbm>> -> memref<80xf32, #tpu.memory_space<hbm>>
    %dma_wait3A_162 = tpu.memref_slice %arg25[%dma_wait3A_156] : memref<2x!tpu.dma_semaphore, #tpu.memory_space<semaphore_mem>> -> memref<1x!tpu.dma_semaphore, #tpu.memory_space<semaphore_mem>>
    %dma_wait3A_163 = tpu.memref_squeeze %dma_wait3A_162 : memref<1x!tpu.dma_semaphore, #tpu.memory_space<semaphore_mem>> -> memref<!tpu.dma_semaphore, #tpu.memory_space<semaphore_mem>>
    %dma_wait3A_164 = arith.constant 0 : i32
    %dma_wait3A_165 = tpu.memref_slice %arg9[%dma_wait3A_164] : memref<320000xf32, #tpu.memory_space<hbm>> -> memref<80xf32, #tpu.memory_space<hbm>>
    %dma_wait3A_166 = arith.constant 0 : i32
    %dma_wait3A_167 = tpu.memref_slice %arg17[%dma_wait3A_155, %dma_wait3A_166] : memref<2x80xf32, #tpu.memory_space<vmem>> -> memref<1x80xf32, #tpu.memory_space<vmem>>
    %dma_wait3A_168 = tpu.memref_squeeze %dma_wait3A_167 : memref<1x80xf32, #tpu.memory_space<vmem>> -> memref<80xf32, #tpu.memory_space<vmem>>
    tpu.wait_dma2 semaphore(%dma_wait3A_163 : memref<!tpu.dma_semaphore, #tpu.memory_space<semaphore_mem>>) src(%dma_wait3A_168 : memref<80xf32, #tpu.memory_space<vmem>>) dst(%dma_wait3A_165 : memref<80xf32, #tpu.memory_space<hbm>>)
    %dma_wait3A_169 = arith.constant 1 : i32
    %dma_wait3A_170 = arith.constant 1 : i32
    %dma_wait3A_171 = arith.constant 0 : i32
    %dma_wait3A_172 = arith.constant 0 : i32
    %dma_wait3A_173 = tpu.memref_slice %arg16[%dma_wait3A_169, %dma_wait3A_171, %dma_wait3A_172] : memref<2x80x16xf32, #tpu.memory_space<vmem>> -> memref<1x80x16xf32, #tpu.memory_space<vmem>>
    %dma_wait3A_174 = tpu.memref_squeeze %dma_wait3A_173 : memref<1x80x16xf32, #tpu.memory_space<vmem>> -> memref<80x16xf32, #tpu.memory_space<vmem>>
    %dma_wait3A_175 = arith.constant 0 : i32
    %dma_wait3A_176 = arith.constant 0 : i32
    %dma_wait3A_177 = tpu.memref_slice %arg8[%dma_wait3A_175, %dma_wait3A_176] : memref<320000x16xf32, #tpu.memory_space<hbm>> -> memref<80x16xf32, #tpu.memory_space<hbm>>
    %dma_wait3A_178 = tpu.memref_slice %arg25[%dma_wait3A_170] : memref<2x!tpu.dma_semaphore, #tpu.memory_space<semaphore_mem>> -> memref<1x!tpu.dma_semaphore, #tpu.memory_space<semaphore_mem>>
    %dma_wait3A_179 = tpu.memref_squeeze %dma_wait3A_178 : memref<1x!tpu.dma_semaphore, #tpu.memory_space<semaphore_mem>> -> memref<!tpu.dma_semaphore, #tpu.memory_space<semaphore_mem>>
    %dma_wait3A_180 = arith.constant 0 : i32
    %dma_wait3A_181 = arith.constant 0 : i32
    %dma_wait3A_182 = tpu.memref_slice %arg8[%dma_wait3A_180, %dma_wait3A_181] : memref<320000x16xf32, #tpu.memory_space<hbm>> -> memref<80x16xf32, #tpu.memory_space<hbm>>
    %dma_wait3A_183 = arith.constant 0 : i32
    %dma_wait3A_184 = arith.constant 0 : i32
    %dma_wait3A_185 = tpu.memref_slice %arg16[%dma_wait3A_169, %dma_wait3A_183, %dma_wait3A_184] : memref<2x80x16xf32, #tpu.memory_space<vmem>> -> memref<1x80x16xf32, #tpu.memory_space<vmem>>
    %dma_wait3A_186 = tpu.memref_squeeze %dma_wait3A_185 : memref<1x80x16xf32, #tpu.memory_space<vmem>> -> memref<80x16xf32, #tpu.memory_space<vmem>>
    tpu.wait_dma2 semaphore(%dma_wait3A_179 : memref<!tpu.dma_semaphore, #tpu.memory_space<semaphore_mem>>) src(%dma_wait3A_186 : memref<80x16xf32, #tpu.memory_space<vmem>>) dst(%dma_wait3A_182 : memref<80x16xf32, #tpu.memory_space<hbm>>)
    %dma_wait3A_187 = arith.constant 1 : i32
    %dma_wait3A_188 = arith.constant 1 : i32
    %dma_wait3A_189 = arith.constant 0 : i32
    %dma_wait3A_190 = tpu.memref_slice %arg17[%dma_wait3A_187, %dma_wait3A_189] : memref<2x80xf32, #tpu.memory_space<vmem>> -> memref<1x80xf32, #tpu.memory_space<vmem>>
    %dma_wait3A_191 = tpu.memref_squeeze %dma_wait3A_190 : memref<1x80xf32, #tpu.memory_space<vmem>> -> memref<80xf32, #tpu.memory_space<vmem>>
    %dma_wait3A_192 = arith.constant 0 : i32
    %dma_wait3A_193 = tpu.memref_slice %arg9[%dma_wait3A_192] : memref<320000xf32, #tpu.memory_space<hbm>> -> memref<80xf32, #tpu.memory_space<hbm>>
    %dma_wait3A_194 = tpu.memref_slice %arg25[%dma_wait3A_188] : memref<2x!tpu.dma_semaphore, #tpu.memory_space<semaphore_mem>> -> memref<1x!tpu.dma_semaphore, #tpu.memory_space<semaphore_mem>>
    %dma_wait3A_195 = tpu.memref_squeeze %dma_wait3A_194 : memref<1x!tpu.dma_semaphore, #tpu.memory_space<semaphore_mem>> -> memref<!tpu.dma_semaphore, #tpu.memory_space<semaphore_mem>>
    %dma_wait3A_196 = arith.constant 0 : i32
    %dma_wait3A_197 = tpu.memref_slice %arg9[%dma_wait3A_196] : memref<320000xf32, #tpu.memory_space<hbm>> -> memref<80xf32, #tpu.memory_space<hbm>>
    %dma_wait3A_198 = arith.constant 0 : i32
    %dma_wait3A_199 = tpu.memref_slice %arg17[%dma_wait3A_187, %dma_wait3A_198] : memref<2x80xf32, #tpu.memory_space<vmem>> -> memref<1x80xf32, #tpu.memory_space<vmem>>
    %dma_wait3A_200 = tpu.memref_squeeze %dma_wait3A_199 : memref<1x80xf32, #tpu.memory_space<vmem>> -> memref<80xf32, #tpu.memory_space<vmem>>
    tpu.wait_dma2 semaphore(%dma_wait3A_195 : memref<!tpu.dma_semaphore, #tpu.memory_space<semaphore_mem>>) src(%dma_wait3A_200 : memref<80xf32, #tpu.memory_space<vmem>>) dst(%dma_wait3A_197 : memref<80xf32, #tpu.memory_space<hbm>>)
    "tpu.region"() ({
      %run_scoped3A = tpu.sem_alloc : memref<!tpu.dma_semaphore, #tpu.memory_space<semaphore_mem>>
      %dma_start3A_207 = arith.constant 0 : i32
      %dma_start3A_208 = tpu.memref_slice %arg22[%arg1, %dma_start3A_207] : memref<16x10000xf32, #tpu.memory_space<vmem_shared>> -> memref<1x10000xf32, #tpu.memory_space<vmem_shared>>
      %dma_start3A_209 = tpu.memref_squeeze %dma_start3A_208 : memref<1x10000xf32, #tpu.memory_space<vmem_shared>> -> memref<10000xf32, #tpu.memory_space<vmem_shared>>
      %dma_start3A_210 = arith.constant 0 : i32
      %dma_start3A_211 = tpu.memref_slice %arg22[%arg1, %dma_start3A_210] : memref<16x10000xf32, #tpu.memory_space<vmem_shared>> -> memref<1x10000xf32, #tpu.memory_space<vmem_shared>>
      %dma_start3A_212 = tpu.memref_squeeze %dma_start3A_211 : memref<1x10000xf32, #tpu.memory_space<vmem_shared>> -> memref<10000xf32, #tpu.memory_space<vmem_shared>>
      tpu.enqueue_dma source(%arg19 : memref<10000xf32, #tpu.memory_space<vmem>>) target(%dma_start3A_212 : memref<10000xf32, #tpu.memory_space<vmem_shared>>) target_semaphore(%run_scoped3A : memref<!tpu.dma_semaphore, #tpu.memory_space<semaphore_mem>>)
      %dma_wait3A_213 = arith.constant 0 : i32
      %dma_wait3A_214 = tpu.memref_slice %arg22[%arg1, %dma_wait3A_213] : memref<16x10000xf32, #tpu.memory_space<vmem_shared>> -> memref<1x10000xf32, #tpu.memory_space<vmem_shared>>
      %dma_wait3A_215 = tpu.memref_squeeze %dma_wait3A_214 : memref<1x10000xf32, #tpu.memory_space<vmem_shared>> -> memref<10000xf32, #tpu.memory_space<vmem_shared>>
      %dma_wait3A_216 = arith.constant 0 : i32
      %dma_wait3A_217 = tpu.memref_slice %arg22[%arg1, %dma_wait3A_216] : memref<16x10000xf32, #tpu.memory_space<vmem_shared>> -> memref<1x10000xf32, #tpu.memory_space<vmem_shared>>
      %dma_wait3A_218 = tpu.memref_squeeze %dma_wait3A_217 : memref<1x10000xf32, #tpu.memory_space<vmem_shared>> -> memref<10000xf32, #tpu.memory_space<vmem_shared>>
      tpu.wait_dma2 semaphore(%run_scoped3A : memref<!tpu.dma_semaphore, #tpu.memory_space<semaphore_mem>>) src(%arg19 : memref<10000xf32, #tpu.memory_space<vmem>>) dst(%dma_wait3A_218 : memref<10000xf32, #tpu.memory_space<vmem_shared>>)
      tpu.yield
    }) : () -> ()
    %barrier3A = arith.constant 0 : index
    tpu.barrier barrier_id(%barrier3A)
    %lt3A = arith.constant 15 : i32
    %lt3A_201 = arith.cmpi slt, %arg1, %lt3A : i32
    %convert_element_type3A = arith.extui %lt3A_201 : i1 to i32
    %cond3A = arith.constant 0 : i32
    %cond3A_202 = arith.cmpi ne, %convert_element_type3A, %cond3A : i32
    scf.if %cond3A_202 {
      %mul3A_207 = arith.constant 640 : i32
      %mul3A_208 = arith.muli %arg1, %mul3A_207 : i32
      %run_scoped3A = arith.constant 0 : i32
      "tpu.region"() ({
        %run_scoped3A_215 = tpu.sem_alloc : memref<!tpu.dma_semaphore, #tpu.memory_space<semaphore_mem>>
        %dma_start3A_216 = arith.constant 0 : i32
        %dma_start3A_217 = tpu.memref_slice %arg20[%dma_start3A_216] : memref<640xf32, #tpu.memory_space<vmem>> -> memref<640xf32, #tpu.memory_space<vmem>>
        %dma_start3A_218 = tpu.memref_slice %arg22[%run_scoped3A, %mul3A_208] : memref<16x10000xf32, #tpu.memory_space<vmem_shared>> -> memref<1x640xf32, #tpu.memory_space<vmem_shared>>
        %dma_start3A_219 = tpu.memref_squeeze %dma_start3A_218 : memref<1x640xf32, #tpu.memory_space<vmem_shared>> -> memref<640xf32, #tpu.memory_space<vmem_shared>>
        %dma_start3A_220 = arith.constant 0 : i32
        %dma_start3A_221 = tpu.memref_slice %arg20[%dma_start3A_220] : memref<640xf32, #tpu.memory_space<vmem>> -> memref<640xf32, #tpu.memory_space<vmem>>
        %dma_start3A_222 = tpu.memref_slice %arg22[%run_scoped3A, %mul3A_208] : memref<16x10000xf32, #tpu.memory_space<vmem_shared>> -> memref<1x640xf32, #tpu.memory_space<vmem_shared>>
        %dma_start3A_223 = tpu.memref_squeeze %dma_start3A_222 : memref<1x640xf32, #tpu.memory_space<vmem_shared>> -> memref<640xf32, #tpu.memory_space<vmem_shared>>
        tpu.enqueue_dma source(%dma_start3A_223 : memref<640xf32, #tpu.memory_space<vmem_shared>>) target(%dma_start3A_221 : memref<640xf32, #tpu.memory_space<vmem>>) target_semaphore(%run_scoped3A_215 : memref<!tpu.dma_semaphore, #tpu.memory_space<semaphore_mem>>)
        %dma_wait3A_224 = arith.constant 0 : i32
        %dma_wait3A_225 = tpu.memref_slice %arg20[%dma_wait3A_224] : memref<640xf32, #tpu.memory_space<vmem>> -> memref<640xf32, #tpu.memory_space<vmem>>
        %dma_wait3A_226 = tpu.memref_slice %arg22[%run_scoped3A, %mul3A_208] : memref<16x10000xf32, #tpu.memory_space<vmem_shared>> -> memref<1x640xf32, #tpu.memory_space<vmem_shared>>
        %dma_wait3A_227 = tpu.memref_squeeze %dma_wait3A_226 : memref<1x640xf32, #tpu.memory_space<vmem_shared>> -> memref<640xf32, #tpu.memory_space<vmem_shared>>
        %dma_wait3A_228 = arith.constant 0 : i32
        %dma_wait3A_229 = tpu.memref_slice %arg20[%dma_wait3A_228] : memref<640xf32, #tpu.memory_space<vmem>> -> memref<640xf32, #tpu.memory_space<vmem>>
        %dma_wait3A_230 = tpu.memref_slice %arg22[%run_scoped3A, %mul3A_208] : memref<16x10000xf32, #tpu.memory_space<vmem_shared>> -> memref<1x640xf32, #tpu.memory_space<vmem_shared>>
        %dma_wait3A_231 = tpu.memref_squeeze %dma_wait3A_230 : memref<1x640xf32, #tpu.memory_space<vmem_shared>> -> memref<640xf32, #tpu.memory_space<vmem_shared>>
        tpu.wait_dma2 semaphore(%run_scoped3A_215 : memref<!tpu.dma_semaphore, #tpu.memory_space<semaphore_mem>>) src(%dma_wait3A_231 : memref<640xf32, #tpu.memory_space<vmem_shared>>) dst(%dma_wait3A_229 : memref<640xf32, #tpu.memory_space<vmem>>)
        tpu.yield
      }) : () -> ()
      %scan3A_209 = arith.constant 0 : i32
      %scan3A_210 = arith.constant 1 : i32
      %scan3A_211 = arith.constant 15 : i32
      %scan3A_212 = arith.addi %scan3A_210, %scan3A_211 : i32
      %scan3A_213 = arith.constant 1 : i32
      scf.for %scan3A_215 = %scan3A_210 to %scan3A_212 step %scan3A_213  : i32 {
        "tpu.region"() ({
          %run_scoped3A_222 = tpu.sem_alloc : memref<!tpu.dma_semaphore, #tpu.memory_space<semaphore_mem>>
          %dma_start3A_223 = arith.constant 0 : i32
          %dma_start3A_224 = tpu.memref_slice %arg21[%dma_start3A_223] : memref<640xf32, #tpu.memory_space<vmem>> -> memref<640xf32, #tpu.memory_space<vmem>>
          %dma_start3A_225 = tpu.memref_slice %arg22[%scan3A_215, %mul3A_208] : memref<16x10000xf32, #tpu.memory_space<vmem_shared>> -> memref<1x640xf32, #tpu.memory_space<vmem_shared>>
          %dma_start3A_226 = tpu.memref_squeeze %dma_start3A_225 : memref<1x640xf32, #tpu.memory_space<vmem_shared>> -> memref<640xf32, #tpu.memory_space<vmem_shared>>
          %dma_start3A_227 = arith.constant 0 : i32
          %dma_start3A_228 = tpu.memref_slice %arg21[%dma_start3A_227] : memref<640xf32, #tpu.memory_space<vmem>> -> memref<640xf32, #tpu.memory_space<vmem>>
          %dma_start3A_229 = tpu.memref_slice %arg22[%scan3A_215, %mul3A_208] : memref<16x10000xf32, #tpu.memory_space<vmem_shared>> -> memref<1x640xf32, #tpu.memory_space<vmem_shared>>
          %dma_start3A_230 = tpu.memref_squeeze %dma_start3A_229 : memref<1x640xf32, #tpu.memory_space<vmem_shared>> -> memref<640xf32, #tpu.memory_space<vmem_shared>>
          tpu.enqueue_dma source(%dma_start3A_230 : memref<640xf32, #tpu.memory_space<vmem_shared>>) target(%dma_start3A_228 : memref<640xf32, #tpu.memory_space<vmem>>) target_semaphore(%run_scoped3A_222 : memref<!tpu.dma_semaphore, #tpu.memory_space<semaphore_mem>>)
          %dma_wait3A_231 = arith.constant 0 : i32
          %dma_wait3A_232 = tpu.memref_slice %arg21[%dma_wait3A_231] : memref<640xf32, #tpu.memory_space<vmem>> -> memref<640xf32, #tpu.memory_space<vmem>>
          %dma_wait3A_233 = tpu.memref_slice %arg22[%scan3A_215, %mul3A_208] : memref<16x10000xf32, #tpu.memory_space<vmem_shared>> -> memref<1x640xf32, #tpu.memory_space<vmem_shared>>
          %dma_wait3A_234 = tpu.memref_squeeze %dma_wait3A_233 : memref<1x640xf32, #tpu.memory_space<vmem_shared>> -> memref<640xf32, #tpu.memory_space<vmem_shared>>
          %dma_wait3A_235 = arith.constant 0 : i32
          %dma_wait3A_236 = tpu.memref_slice %arg21[%dma_wait3A_235] : memref<640xf32, #tpu.memory_space<vmem>> -> memref<640xf32, #tpu.memory_space<vmem>>
          %dma_wait3A_237 = tpu.memref_slice %arg22[%scan3A_215, %mul3A_208] : memref<16x10000xf32, #tpu.memory_space<vmem_shared>> -> memref<1x640xf32, #tpu.memory_space<vmem_shared>>
          %dma_wait3A_238 = tpu.memref_squeeze %dma_wait3A_237 : memref<1x640xf32, #tpu.memory_space<vmem_shared>> -> memref<640xf32, #tpu.memory_space<vmem_shared>>
          tpu.wait_dma2 semaphore(%run_scoped3A_222 : memref<!tpu.dma_semaphore, #tpu.memory_space<semaphore_mem>>) src(%dma_wait3A_238 : memref<640xf32, #tpu.memory_space<vmem_shared>>) dst(%dma_wait3A_236 : memref<640xf32, #tpu.memory_space<vmem>>)
          tpu.yield
        }) : () -> ()
        %scan3A_216 = arith.constant 0 : i32
        %scan3A_217 = arith.constant 0 : i32
        %scan3A_218 = arith.constant 40 : i32
        %scan3A_219 = arith.addi %scan3A_217, %scan3A_218 : i32
        %scan3A_220 = arith.constant 1 : i32
        scf.for %scan3A_222 = %scan3A_217 to %scan3A_219 step %scan3A_220  : i32 {
          %mul3A_223 = arith.constant 16 : i32
          %mul3A_224 = arith.muli %scan3A_222, %mul3A_223 : i32
          %get3A_225 = arith.index_cast %mul3A_224 : i32 to index
          %get3A_226 = tpu.vector_load %arg20[%get3A_225] {strides = array<i32>} : memref<640xf32, #tpu.memory_space<vmem>>, vector<16xf32>,
          %get3A_227 = arith.index_cast %mul3A_224 : i32 to index
          %get3A_228 = tpu.vector_load %arg21[%get3A_227] {strides = array<i32>} : memref<640xf32, #tpu.memory_space<vmem>>, vector<16xf32>,
          %max3A = arith.maximumf %get3A_226, %get3A_228 : vector<16xf32>
          %swap3A = arith.index_cast %mul3A_224 : i32 to index
          %swap3A_229 = tpu.vector_load %arg20[%swap3A] {strides = array<i32>} : memref<640xf32, #tpu.memory_space<vmem>>, vector<16xf32>,
          tpu.vector_store %arg20[%swap3A], %max3A {strides = array<i32>} : memref<640xf32, #tpu.memory_space<vmem>>, vector<16xf32>,
        }
        %scan3A_221 = arith.constant 40 : i32
      }
      %scan3A_214 = arith.constant 15 : i32
      "tpu.region"() ({
        %run_scoped3A_215 = tpu.sem_alloc : memref<!tpu.dma_semaphore, #tpu.memory_space<semaphore_mem>>
        %dma_start3A_216 = arith.constant 0 : i32
        %dma_start3A_217 = tpu.memref_slice %arg20[%dma_start3A_216] : memref<640xf32, #tpu.memory_space<vmem>> -> memref<640xf32, #tpu.memory_space<vmem>>
        %dma_start3A_218 = tpu.memref_slice %arg10[%arg0, %mul3A_208] : memref<2x10000xf32, #tpu.memory_space<hbm>> -> memref<1x640xf32, #tpu.memory_space<hbm>>
        %dma_start3A_219 = tpu.memref_squeeze %dma_start3A_218 : memref<1x640xf32, #tpu.memory_space<hbm>> -> memref<640xf32, #tpu.memory_space<hbm>>
        %dma_start3A_220 = tpu.memref_slice %arg10[%arg0, %mul3A_208] : memref<2x10000xf32, #tpu.memory_space<hbm>> -> memref<1x640xf32, #tpu.memory_space<hbm>>
        %dma_start3A_221 = tpu.memref_squeeze %dma_start3A_220 : memref<1x640xf32, #tpu.memory_space<hbm>> -> memref<640xf32, #tpu.memory_space<hbm>>
        %dma_start3A_222 = arith.constant 0 : i32
        %dma_start3A_223 = tpu.memref_slice %arg20[%dma_start3A_222] : memref<640xf32, #tpu.memory_space<vmem>> -> memref<640xf32, #tpu.memory_space<vmem>>
        tpu.enqueue_dma source(%dma_start3A_223 : memref<640xf32, #tpu.memory_space<vmem>>) target(%dma_start3A_221 : memref<640xf32, #tpu.memory_space<hbm>>) target_semaphore(%run_scoped3A_215 : memref<!tpu.dma_semaphore, #tpu.memory_space<semaphore_mem>>)
        %dma_wait3A_224 = arith.constant 0 : i32
        %dma_wait3A_225 = tpu.memref_slice %arg20[%dma_wait3A_224] : memref<640xf32, #tpu.memory_space<vmem>> -> memref<640xf32, #tpu.memory_space<vmem>>
        %dma_wait3A_226 = tpu.memref_slice %arg10[%arg0, %mul3A_208] : memref<2x10000xf32, #tpu.memory_space<hbm>> -> memref<1x640xf32, #tpu.memory_space<hbm>>
        %dma_wait3A_227 = tpu.memref_squeeze %dma_wait3A_226 : memref<1x640xf32, #tpu.memory_space<hbm>> -> memref<640xf32, #tpu.memory_space<hbm>>
        %dma_wait3A_228 = tpu.memref_slice %arg10[%arg0, %mul3A_208] : memref<2x10000xf32, #tpu.memory_space<hbm>> -> memref<1x640xf32, #tpu.memory_space<hbm>>
        %dma_wait3A_229 = tpu.memref_squeeze %dma_wait3A_228 : memref<1x640xf32, #tpu.memory_space<hbm>> -> memref<640xf32, #tpu.memory_space<hbm>>
        %dma_wait3A_230 = arith.constant 0 : i32
        %dma_wait3A_231 = tpu.memref_slice %arg20[%dma_wait3A_230] : memref<640xf32, #tpu.memory_space<vmem>> -> memref<640xf32, #tpu.memory_space<vmem>>
        tpu.wait_dma2 semaphore(%run_scoped3A_215 : memref<!tpu.dma_semaphore, #tpu.memory_space<semaphore_mem>>) src(%dma_wait3A_231 : memref<640xf32, #tpu.memory_space<vmem>>) dst(%dma_wait3A_229 : memref<640xf32, #tpu.memory_space<hbm>>)
        tpu.yield
      }) : () -> ()
    } else {
    }
    %eq3A = arith.constant 15 : i32
    %eq3A_203 = arith.cmpi eq, %arg1, %eq3A : i32
    %convert_element_type3A_204 = arith.extui %eq3A_203 : i1 to i32
    %cond3A_205 = arith.constant 0 : i32
    %cond3A_206 = arith.cmpi ne, %convert_element_type3A_204, %cond3A_205 : i32
    scf.if %cond3A_206 {
      %run_scoped3A = arith.constant 0 : i32
      "tpu.region"() ({
        %run_scoped3A_213 = tpu.sem_alloc : memref<!tpu.dma_semaphore, #tpu.memory_space<semaphore_mem>>
        %dma_start3A_214 = arith.constant 0 : i32
        %dma_start3A_215 = tpu.memref_slice %arg20[%dma_start3A_214] : memref<640xf32, #tpu.memory_space<vmem>> -> memref<400xf32, #tpu.memory_space<vmem>>
        %dma_start3A_216 = arith.constant 9600 : i32
        %dma_start3A_217 = tpu.memref_slice %arg22[%run_scoped3A, %dma_start3A_216] : memref<16x10000xf32, #tpu.memory_space<vmem_shared>> -> memref<1x400xf32, #tpu.memory_space<vmem_shared>>
        %dma_start3A_218 = tpu.memref_squeeze %dma_start3A_217 : memref<1x400xf32, #tpu.memory_space<vmem_shared>> -> memref<400xf32, #tpu.memory_space<vmem_shared>>
        %dma_start3A_219 = arith.constant 0 : i32
        %dma_start3A_220 = tpu.memref_slice %arg20[%dma_start3A_219] : memref<640xf32, #tpu.memory_space<vmem>> -> memref<400xf32, #tpu.memory_space<vmem>>
        %dma_start3A_221 = arith.constant 9600 : i32
        %dma_start3A_222 = tpu.memref_slice %arg22[%run_scoped3A, %dma_start3A_221] : memref<16x10000xf32, #tpu.memory_space<vmem_shared>> -> memref<1x400xf32, #tpu.memory_space<vmem_shared>>
        %dma_start3A_223 = tpu.memref_squeeze %dma_start3A_222 : memref<1x400xf32, #tpu.memory_space<vmem_shared>> -> memref<400xf32, #tpu.memory_space<vmem_shared>>
        tpu.enqueue_dma source(%dma_start3A_223 : memref<400xf32, #tpu.memory_space<vmem_shared>>) target(%dma_start3A_220 : memref<400xf32, #tpu.memory_space<vmem>>) target_semaphore(%run_scoped3A_213 : memref<!tpu.dma_semaphore, #tpu.memory_space<semaphore_mem>>)
        %dma_wait3A_224 = arith.constant 0 : i32
        %dma_wait3A_225 = tpu.memref_slice %arg20[%dma_wait3A_224] : memref<640xf32, #tpu.memory_space<vmem>> -> memref<400xf32, #tpu.memory_space<vmem>>
        %dma_wait3A_226 = arith.constant 9600 : i32
        %dma_wait3A_227 = tpu.memref_slice %arg22[%run_scoped3A, %dma_wait3A_226] : memref<16x10000xf32, #tpu.memory_space<vmem_shared>> -> memref<1x400xf32, #tpu.memory_space<vmem_shared>>
        %dma_wait3A_228 = tpu.memref_squeeze %dma_wait3A_227 : memref<1x400xf32, #tpu.memory_space<vmem_shared>> -> memref<400xf32, #tpu.memory_space<vmem_shared>>
        %dma_wait3A_229 = arith.constant 0 : i32
        %dma_wait3A_230 = tpu.memref_slice %arg20[%dma_wait3A_229] : memref<640xf32, #tpu.memory_space<vmem>> -> memref<400xf32, #tpu.memory_space<vmem>>
        %dma_wait3A_231 = arith.constant 9600 : i32
        %dma_wait3A_232 = tpu.memref_slice %arg22[%run_scoped3A, %dma_wait3A_231] : memref<16x10000xf32, #tpu.memory_space<vmem_shared>> -> memref<1x400xf32, #tpu.memory_space<vmem_shared>>
        %dma_wait3A_233 = tpu.memref_squeeze %dma_wait3A_232 : memref<1x400xf32, #tpu.memory_space<vmem_shared>> -> memref<400xf32, #tpu.memory_space<vmem_shared>>
        tpu.wait_dma2 semaphore(%run_scoped3A_213 : memref<!tpu.dma_semaphore, #tpu.memory_space<semaphore_mem>>) src(%dma_wait3A_233 : memref<400xf32, #tpu.memory_space<vmem_shared>>) dst(%dma_wait3A_230 : memref<400xf32, #tpu.memory_space<vmem>>)
        tpu.yield
      }) : () -> ()
      %scan3A_207 = arith.constant 0 : i32
      %scan3A_208 = arith.constant 1 : i32
      %scan3A_209 = arith.constant 15 : i32
      %scan3A_210 = arith.addi %scan3A_208, %scan3A_209 : i32
      %scan3A_211 = arith.constant 1 : i32
      scf.for %scan3A_213 = %scan3A_208 to %scan3A_210 step %scan3A_211  : i32 {
        "tpu.region"() ({
          %run_scoped3A_220 = tpu.sem_alloc : memref<!tpu.dma_semaphore, #tpu.memory_space<semaphore_mem>>
          %dma_start3A_221 = arith.constant 0 : i32
          %dma_start3A_222 = tpu.memref_slice %arg21[%dma_start3A_221] : memref<640xf32, #tpu.memory_space<vmem>> -> memref<400xf32, #tpu.memory_space<vmem>>
          %dma_start3A_223 = arith.constant 9600 : i32
          %dma_start3A_224 = tpu.memref_slice %arg22[%scan3A_213, %dma_start3A_223] : memref<16x10000xf32, #tpu.memory_space<vmem_shared>> -> memref<1x400xf32, #tpu.memory_space<vmem_shared>>
          %dma_start3A_225 = tpu.memref_squeeze %dma_start3A_224 : memref<1x400xf32, #tpu.memory_space<vmem_shared>> -> memref<400xf32, #tpu.memory_space<vmem_shared>>
          %dma_start3A_226 = arith.constant 0 : i32
          %dma_start3A_227 = tpu.memref_slice %arg21[%dma_start3A_226] : memref<640xf32, #tpu.memory_space<vmem>> -> memref<400xf32, #tpu.memory_space<vmem>>
          %dma_start3A_228 = arith.constant 9600 : i32
          %dma_start3A_229 = tpu.memref_slice %arg22[%scan3A_213, %dma_start3A_228] : memref<16x10000xf32, #tpu.memory_space<vmem_shared>> -> memref<1x400xf32, #tpu.memory_space<vmem_shared>>
          %dma_start3A_230 = tpu.memref_squeeze %dma_start3A_229 : memref<1x400xf32, #tpu.memory_space<vmem_shared>> -> memref<400xf32, #tpu.memory_space<vmem_shared>>
          tpu.enqueue_dma source(%dma_start3A_230 : memref<400xf32, #tpu.memory_space<vmem_shared>>) target(%dma_start3A_227 : memref<400xf32, #tpu.memory_space<vmem>>) target_semaphore(%run_scoped3A_220 : memref<!tpu.dma_semaphore, #tpu.memory_space<semaphore_mem>>)
          %dma_wait3A_231 = arith.constant 0 : i32
          %dma_wait3A_232 = tpu.memref_slice %arg21[%dma_wait3A_231] : memref<640xf32, #tpu.memory_space<vmem>> -> memref<400xf32, #tpu.memory_space<vmem>>
          %dma_wait3A_233 = arith.constant 9600 : i32
          %dma_wait3A_234 = tpu.memref_slice %arg22[%scan3A_213, %dma_wait3A_233] : memref<16x10000xf32, #tpu.memory_space<vmem_shared>> -> memref<1x400xf32, #tpu.memory_space<vmem_shared>>
          %dma_wait3A_235 = tpu.memref_squeeze %dma_wait3A_234 : memref<1x400xf32, #tpu.memory_space<vmem_shared>> -> memref<400xf32, #tpu.memory_space<vmem_shared>>
          %dma_wait3A_236 = arith.constant 0 : i32
          %dma_wait3A_237 = tpu.memref_slice %arg21[%dma_wait3A_236] : memref<640xf32, #tpu.memory_space<vmem>> -> memref<400xf32, #tpu.memory_space<vmem>>
          %dma_wait3A_238 = arith.constant 9600 : i32
          %dma_wait3A_239 = tpu.memref_slice %arg22[%scan3A_213, %dma_wait3A_238] : memref<16x10000xf32, #tpu.memory_space<vmem_shared>> -> memref<1x400xf32, #tpu.memory_space<vmem_shared>>
          %dma_wait3A_240 = tpu.memref_squeeze %dma_wait3A_239 : memref<1x400xf32, #tpu.memory_space<vmem_shared>> -> memref<400xf32, #tpu.memory_space<vmem_shared>>
          tpu.wait_dma2 semaphore(%run_scoped3A_220 : memref<!tpu.dma_semaphore, #tpu.memory_space<semaphore_mem>>) src(%dma_wait3A_240 : memref<400xf32, #tpu.memory_space<vmem_shared>>) dst(%dma_wait3A_237 : memref<400xf32, #tpu.memory_space<vmem>>)
          tpu.yield
        }) : () -> ()
        %scan3A_214 = arith.constant 0 : i32
        %scan3A_215 = arith.constant 0 : i32
        %scan3A_216 = arith.constant 25 : i32
        %scan3A_217 = arith.addi %scan3A_215, %scan3A_216 : i32
        %scan3A_218 = arith.constant 1 : i32
        scf.for %scan3A_220 = %scan3A_215 to %scan3A_217 step %scan3A_218  : i32 {
          %mul3A_221 = arith.constant 16 : i32
          %mul3A_222 = arith.muli %scan3A_220, %mul3A_221 : i32
          %get3A_223 = arith.index_cast %mul3A_222 : i32 to index
          %get3A_224 = tpu.vector_load %arg20[%get3A_223] {strides = array<i32>} : memref<640xf32, #tpu.memory_space<vmem>>, vector<16xf32>,
          %get3A_225 = arith.index_cast %mul3A_222 : i32 to index
          %get3A_226 = tpu.vector_load %arg21[%get3A_225] {strides = array<i32>} : memref<640xf32, #tpu.memory_space<vmem>>, vector<16xf32>,
          %max3A = arith.maximumf %get3A_224, %get3A_226 : vector<16xf32>
          %swap3A = arith.index_cast %mul3A_222 : i32 to index
          %swap3A_227 = tpu.vector_load %arg20[%swap3A] {strides = array<i32>} : memref<640xf32, #tpu.memory_space<vmem>>, vector<16xf32>,
          tpu.vector_store %arg20[%swap3A], %max3A {strides = array<i32>} : memref<640xf32, #tpu.memory_space<vmem>>, vector<16xf32>,
        }
        %scan3A_219 = arith.constant 25 : i32
      }
      %scan3A_212 = arith.constant 15 : i32
      "tpu.region"() ({
        %run_scoped3A_213 = tpu.sem_alloc : memref<!tpu.dma_semaphore, #tpu.memory_space<semaphore_mem>>
        %dma_start3A_214 = arith.constant 0 : i32
        %dma_start3A_215 = tpu.memref_slice %arg20[%dma_start3A_214] : memref<640xf32, #tpu.memory_space<vmem>> -> memref<400xf32, #tpu.memory_space<vmem>>
        %dma_start3A_216 = arith.constant 9600 : i32
        %dma_start3A_217 = tpu.memref_slice %arg10[%arg0, %dma_start3A_216] : memref<2x10000xf32, #tpu.memory_space<hbm>> -> memref<1x400xf32, #tpu.memory_space<hbm>>
        %dma_start3A_218 = tpu.memref_squeeze %dma_start3A_217 : memref<1x400xf32, #tpu.memory_space<hbm>> -> memref<400xf32, #tpu.memory_space<hbm>>
        %dma_start3A_219 = arith.constant 9600 : i32
        %dma_start3A_220 = tpu.memref_slice %arg10[%arg0, %dma_start3A_219] : memref<2x10000xf32, #tpu.memory_space<hbm>> -> memref<1x400xf32, #tpu.memory_space<hbm>>
        %dma_start3A_221 = tpu.memref_squeeze %dma_start3A_220 : memref<1x400xf32, #tpu.memory_space<hbm>> -> memref<400xf32, #tpu.memory_space<hbm>>
        %dma_start3A_222 = arith.constant 0 : i32
        %dma_start3A_223 = tpu.memref_slice %arg20[%dma_start3A_222] : memref<640xf32, #tpu.memory_space<vmem>> -> memref<400xf32, #tpu.memory_space<vmem>>
        tpu.enqueue_dma source(%dma_start3A_223 : memref<400xf32, #tpu.memory_space<vmem>>) target(%dma_start3A_221 : memref<400xf32, #tpu.memory_space<hbm>>) target_semaphore(%run_scoped3A_213 : memref<!tpu.dma_semaphore, #tpu.memory_space<semaphore_mem>>)
        %dma_wait3A_224 = arith.constant 0 : i32
        %dma_wait3A_225 = tpu.memref_slice %arg20[%dma_wait3A_224] : memref<640xf32, #tpu.memory_space<vmem>> -> memref<400xf32, #tpu.memory_space<vmem>>
        %dma_wait3A_226 = arith.constant 9600 : i32
        %dma_wait3A_227 = tpu.memref_slice %arg10[%arg0, %dma_wait3A_226] : memref<2x10000xf32, #tpu.memory_space<hbm>> -> memref<1x400xf32, #tpu.memory_space<hbm>>
        %dma_wait3A_228 = tpu.memref_squeeze %dma_wait3A_227 : memref<1x400xf32, #tpu.memory_space<hbm>> -> memref<400xf32, #tpu.memory_space<hbm>>
        %dma_wait3A_229 = arith.constant 9600 : i32
        %dma_wait3A_230 = tpu.memref_slice %arg10[%arg0, %dma_wait3A_229] : memref<2x10000xf32, #tpu.memory_space<hbm>> -> memref<1x400xf32, #tpu.memory_space<hbm>>
        %dma_wait3A_231 = tpu.memref_squeeze %dma_wait3A_230 : memref<1x400xf32, #tpu.memory_space<hbm>> -> memref<400xf32, #tpu.memory_space<hbm>>
        %dma_wait3A_232 = arith.constant 0 : i32
        %dma_wait3A_233 = tpu.memref_slice %arg20[%dma_wait3A_232] : memref<640xf32, #tpu.memory_space<vmem>> -> memref<400xf32, #tpu.memory_space<vmem>>
        tpu.wait_dma2 semaphore(%run_scoped3A_213 : memref<!tpu.dma_semaphore, #tpu.memory_space<semaphore_mem>>) src(%dma_wait3A_233 : memref<400xf32, #tpu.memory_space<vmem>>) dst(%dma_wait3A_231 : memref<400xf32, #tpu.memory_space<hbm>>)
        tpu.yield
      }) : () -> ()
    } else {
    }
    return
  }
}

#map = affine_map<(d0, d1) -> (0)>
#map1 = affine_map<(d0, d1) -> (0, 0)>
#map2 = affine_map<(d0, d1) -> (0, 0, 0)>
module attributes {stable_mosaic.version = 14 : i64} {
  func.func @body(%arg0: i32, %arg1: i32, %arg2: memref<320000xf32, #tpu.memory_space<hbm>>, %arg3: memref<320000xi32, #tpu.memory_space<hbm>>, %arg4: memref<320000xi32, #tpu.memory_space<hbm>>, %arg5: memref<10000x128xf32, #tpu.memory_space<hbm>>, %arg6: memref<2x10000x136xf32, #tpu.memory_space<hbm>>, %arg7: memref<4x80xi32, #tpu.memory_space<vmem>>, %arg8: memref<4x80xi32, #tpu.memory_space<vmem>>, %arg9: memref<4x80xf32, #tpu.memory_space<vmem>>, %arg10: memref<2x80x128xf32, #tpu.memory_space<vmem>>, %arg11: memref<2x80x136xf32, #tpu.memory_space<vmem>>, %arg12: memref<10000x136xf32, #tpu.memory_space<vmem_shared>>, %arg13: memref<4x!tpu.dma_semaphore, #tpu.memory_space<semaphore_mem>>, %arg14: memref<2x!tpu.dma_semaphore, #tpu.memory_space<semaphore_mem>>, %arg15: memref<2x!tpu.dma_semaphore, #tpu.memory_space<semaphore_mem>>) attributes {dimension_semantics = [#tpu.dimension_semantics<core_parallel>, #tpu.dimension_semantics<subcore_parallel>], iteration_bounds = array<i64: 2, 16>, scalar_prefetch = 0 : i64, scratch_operands = 9 : i64, tpu.core_type = #tpu.core_type<sc_vector_subcore>, window_params = [{transform_indices = #map}, {transform_indices = #map}, {transform_indices = #map}, {transform_indices = #map1}, {transform_indices = #map2}]} {
    %mul3A = arith.constant 2 : i32
    %mul3A_0 = arith.muli %arg1, %mul3A : i32
    %add3A = arith.addi %mul3A_0, %arg0 : i32
    %mul3A_1 = arith.constant 10000 : i32
    %mul3A_2 = arith.muli %add3A, %mul3A_1 : i32
    %iota3A = tpu.iota {dimensions = array<i32: 0>} : vector<16xi32>
    %broadcast_in_dim3A = arith.constant 0.000000e+00 : f32
    %broadcast_in_dim3A_3 = vector.broadcast %broadcast_in_dim3A : f32 to vector<16xf32>
    %scan3A = arith.constant 0 : i32
    %scan3A_4 = arith.constant 0 : i32
    %scan3A_5 = arith.constant 80 : i32
    %scan3A_6 = arith.addi %scan3A_4, %scan3A_5 : i32
    %scan3A_7 = arith.constant 1 : i32
    scf.for %scan3A_195 = %scan3A_4 to %scan3A_6 step %scan3A_7  : i32 {
      %swap3A = arith.constant 0 : i32
      %swap3A_196 = arith.index_cast %swap3A : i32 to index
      %swap3A_197 = arith.index_cast %scan3A_195 : i32 to index
      %swap3A_198 = arith.constant 0 : index
      %swap3A_199 = tpu.vector_load %arg11[%swap3A_196, %swap3A_197, %swap3A_198] {strides = array<i32>} : memref<2x80x136xf32, #tpu.memory_space<vmem>>, vector<16xf32>,
      tpu.vector_store %arg11[%swap3A_196, %swap3A_197, %swap3A_198], %broadcast_in_dim3A_3 {strides = array<i32>} : memref<2x80x136xf32, #tpu.memory_space<vmem>>, vector<16xf32>,
      %swap3A_200 = arith.constant 0 : i32
      %swap3A_201 = arith.index_cast %swap3A_200 : i32 to index
      %swap3A_202 = arith.index_cast %scan3A_195 : i32 to index
      %swap3A_203 = arith.constant 16 : index
      %swap3A_204 = tpu.vector_load %arg11[%swap3A_201, %swap3A_202, %swap3A_203] {strides = array<i32>} : memref<2x80x136xf32, #tpu.memory_space<vmem>>, vector<16xf32>,
      tpu.vector_store %arg11[%swap3A_201, %swap3A_202, %swap3A_203], %broadcast_in_dim3A_3 {strides = array<i32>} : memref<2x80x136xf32, #tpu.memory_space<vmem>>, vector<16xf32>,
      %swap3A_205 = arith.constant 0 : i32
      %swap3A_206 = arith.index_cast %swap3A_205 : i32 to index
      %swap3A_207 = arith.index_cast %scan3A_195 : i32 to index
      %swap3A_208 = arith.constant 32 : index
      %swap3A_209 = tpu.vector_load %arg11[%swap3A_206, %swap3A_207, %swap3A_208] {strides = array<i32>} : memref<2x80x136xf32, #tpu.memory_space<vmem>>, vector<16xf32>,
      tpu.vector_store %arg11[%swap3A_206, %swap3A_207, %swap3A_208], %broadcast_in_dim3A_3 {strides = array<i32>} : memref<2x80x136xf32, #tpu.memory_space<vmem>>, vector<16xf32>,
      %swap3A_210 = arith.constant 0 : i32
      %swap3A_211 = arith.index_cast %swap3A_210 : i32 to index
      %swap3A_212 = arith.index_cast %scan3A_195 : i32 to index
      %swap3A_213 = arith.constant 48 : index
      %swap3A_214 = tpu.vector_load %arg11[%swap3A_211, %swap3A_212, %swap3A_213] {strides = array<i32>} : memref<2x80x136xf32, #tpu.memory_space<vmem>>, vector<16xf32>,
      tpu.vector_store %arg11[%swap3A_211, %swap3A_212, %swap3A_213], %broadcast_in_dim3A_3 {strides = array<i32>} : memref<2x80x136xf32, #tpu.memory_space<vmem>>, vector<16xf32>,
      %swap3A_215 = arith.constant 0 : i32
      %swap3A_216 = arith.index_cast %swap3A_215 : i32 to index
      %swap3A_217 = arith.index_cast %scan3A_195 : i32 to index
      %swap3A_218 = arith.constant 64 : index
      %swap3A_219 = tpu.vector_load %arg11[%swap3A_216, %swap3A_217, %swap3A_218] {strides = array<i32>} : memref<2x80x136xf32, #tpu.memory_space<vmem>>, vector<16xf32>,
      tpu.vector_store %arg11[%swap3A_216, %swap3A_217, %swap3A_218], %broadcast_in_dim3A_3 {strides = array<i32>} : memref<2x80x136xf32, #tpu.memory_space<vmem>>, vector<16xf32>,
      %swap3A_220 = arith.constant 0 : i32
      %swap3A_221 = arith.index_cast %swap3A_220 : i32 to index
      %swap3A_222 = arith.index_cast %scan3A_195 : i32 to index
      %swap3A_223 = arith.constant 80 : index
      %swap3A_224 = tpu.vector_load %arg11[%swap3A_221, %swap3A_222, %swap3A_223] {strides = array<i32>} : memref<2x80x136xf32, #tpu.memory_space<vmem>>, vector<16xf32>,
      tpu.vector_store %arg11[%swap3A_221, %swap3A_222, %swap3A_223], %broadcast_in_dim3A_3 {strides = array<i32>} : memref<2x80x136xf32, #tpu.memory_space<vmem>>, vector<16xf32>,
      %swap3A_225 = arith.constant 0 : i32
      %swap3A_226 = arith.index_cast %swap3A_225 : i32 to index
      %swap3A_227 = arith.index_cast %scan3A_195 : i32 to index
      %swap3A_228 = arith.constant 96 : index
      %swap3A_229 = tpu.vector_load %arg11[%swap3A_226, %swap3A_227, %swap3A_228] {strides = array<i32>} : memref<2x80x136xf32, #tpu.memory_space<vmem>>, vector<16xf32>,
      tpu.vector_store %arg11[%swap3A_226, %swap3A_227, %swap3A_228], %broadcast_in_dim3A_3 {strides = array<i32>} : memref<2x80x136xf32, #tpu.memory_space<vmem>>, vector<16xf32>,
      %swap3A_230 = arith.constant 0 : i32
      %swap3A_231 = arith.index_cast %swap3A_230 : i32 to index
      %swap3A_232 = arith.index_cast %scan3A_195 : i32 to index
      %swap3A_233 = arith.constant 112 : index
      %swap3A_234 = tpu.vector_load %arg11[%swap3A_231, %swap3A_232, %swap3A_233] {strides = array<i32>} : memref<2x80x136xf32, #tpu.memory_space<vmem>>, vector<16xf32>,
      tpu.vector_store %arg11[%swap3A_231, %swap3A_232, %swap3A_233], %broadcast_in_dim3A_3 {strides = array<i32>} : memref<2x80x136xf32, #tpu.memory_space<vmem>>, vector<16xf32>,
      %swap3A_235 = arith.constant 0 : i32
      %swap3A_236 = arith.index_cast %swap3A_235 : i32 to index
      %swap3A_237 = arith.index_cast %scan3A_195 : i32 to index
      %swap3A_238 = arith.constant 120 : index
      %swap3A_239 = tpu.vector_load %arg11[%swap3A_236, %swap3A_237, %swap3A_238] {strides = array<i32>} : memref<2x80x136xf32, #tpu.memory_space<vmem>>, vector<16xf32>,
      tpu.vector_store %arg11[%swap3A_236, %swap3A_237, %swap3A_238], %broadcast_in_dim3A_3 {strides = array<i32>} : memref<2x80x136xf32, #tpu.memory_space<vmem>>, vector<16xf32>,
      %swap3A_240 = arith.constant 1 : i32
      %swap3A_241 = arith.index_cast %swap3A_240 : i32 to index
      %swap3A_242 = arith.index_cast %scan3A_195 : i32 to index
      %swap3A_243 = arith.constant 120 : index
      %swap3A_244 = tpu.vector_load %arg11[%swap3A_241, %swap3A_242, %swap3A_243] {strides = array<i32>} : memref<2x80x136xf32, #tpu.memory_space<vmem>>, vector<16xf32>,
      tpu.vector_store %arg11[%swap3A_241, %swap3A_242, %swap3A_243], %broadcast_in_dim3A_3 {strides = array<i32>} : memref<2x80x136xf32, #tpu.memory_space<vmem>>, vector<16xf32>,
    }
    %scan3A_8 = arith.constant 80 : i32
    %mul3A_9 = arith.constant 625 : i32
    %mul3A_10 = arith.muli %arg1, %mul3A_9 : i32
    %scan3A_11 = arith.constant 0 : i32
    %scan3A_12 = arith.constant 0 : i32
    %scan3A_13 = arith.constant 7 : i32
    %scan3A_14 = arith.addi %scan3A_12, %scan3A_13 : i32
    %scan3A_15 = arith.constant 1 : i32
    scf.for %scan3A_195 = %scan3A_12 to %scan3A_14 step %scan3A_15  : i32 {
      %mul3A_196 = arith.constant 80 : i32
      %mul3A_197 = arith.muli %scan3A_195, %mul3A_196 : i32
      %add3A_198 = arith.addi %mul3A_10, %mul3A_197 : i32
      %run_scoped3A_199 = arith.constant 0 : i32
      "tpu.region"() ({
        %run_scoped3A_200 = tpu.sem_alloc : memref<!tpu.dma_semaphore, #tpu.memory_space<semaphore_mem>>
        %dma_start3A_201 = arith.constant 0 : i32
        %dma_start3A_202 = arith.constant 0 : i32
        %dma_start3A_203 = tpu.memref_slice %arg11[%run_scoped3A_199, %dma_start3A_201, %dma_start3A_202] : memref<2x80x136xf32, #tpu.memory_space<vmem>> -> memref<1x80x136xf32, #tpu.memory_space<vmem>>
        %dma_start3A_204 = tpu.memref_squeeze %dma_start3A_203 : memref<1x80x136xf32, #tpu.memory_space<vmem>> -> memref<80x136xf32, #tpu.memory_space<vmem>>
        %dma_start3A_205 = arith.constant 0 : i32
        %dma_start3A_206 = tpu.memref_slice %arg12[%add3A_198, %dma_start3A_205] : memref<10000x136xf32, #tpu.memory_space<vmem_shared>> -> memref<80x136xf32, #tpu.memory_space<vmem_shared>>
        %dma_start3A_207 = arith.constant 0 : i32
        %dma_start3A_208 = tpu.memref_slice %arg12[%add3A_198, %dma_start3A_207] : memref<10000x136xf32, #tpu.memory_space<vmem_shared>> -> memref<80x136xf32, #tpu.memory_space<vmem_shared>>
        %dma_start3A_209 = arith.constant 0 : i32
        %dma_start3A_210 = arith.constant 0 : i32
        %dma_start3A_211 = tpu.memref_slice %arg11[%run_scoped3A_199, %dma_start3A_209, %dma_start3A_210] : memref<2x80x136xf32, #tpu.memory_space<vmem>> -> memref<1x80x136xf32, #tpu.memory_space<vmem>>
        %dma_start3A_212 = tpu.memref_squeeze %dma_start3A_211 : memref<1x80x136xf32, #tpu.memory_space<vmem>> -> memref<80x136xf32, #tpu.memory_space<vmem>>
        tpu.enqueue_dma source(%dma_start3A_212 : memref<80x136xf32, #tpu.memory_space<vmem>>) target(%dma_start3A_208 : memref<80x136xf32, #tpu.memory_space<vmem_shared>>) target_semaphore(%run_scoped3A_200 : memref<!tpu.dma_semaphore, #tpu.memory_space<semaphore_mem>>)
        %dma_wait3A_213 = arith.constant 0 : i32
        %dma_wait3A_214 = arith.constant 0 : i32
        %dma_wait3A_215 = tpu.memref_slice %arg11[%run_scoped3A_199, %dma_wait3A_213, %dma_wait3A_214] : memref<2x80x136xf32, #tpu.memory_space<vmem>> -> memref<1x80x136xf32, #tpu.memory_space<vmem>>
        %dma_wait3A_216 = tpu.memref_squeeze %dma_wait3A_215 : memref<1x80x136xf32, #tpu.memory_space<vmem>> -> memref<80x136xf32, #tpu.memory_space<vmem>>
        %dma_wait3A_217 = arith.constant 0 : i32
        %dma_wait3A_218 = tpu.memref_slice %arg12[%add3A_198, %dma_wait3A_217] : memref<10000x136xf32, #tpu.memory_space<vmem_shared>> -> memref<80x136xf32, #tpu.memory_space<vmem_shared>>
        %dma_wait3A_219 = arith.constant 0 : i32
        %dma_wait3A_220 = tpu.memref_slice %arg12[%add3A_198, %dma_wait3A_219] : memref<10000x136xf32, #tpu.memory_space<vmem_shared>> -> memref<80x136xf32, #tpu.memory_space<vmem_shared>>
        %dma_wait3A_221 = arith.constant 0 : i32
        %dma_wait3A_222 = arith.constant 0 : i32
        %dma_wait3A_223 = tpu.memref_slice %arg11[%run_scoped3A_199, %dma_wait3A_221, %dma_wait3A_222] : memref<2x80x136xf32, #tpu.memory_space<vmem>> -> memref<1x80x136xf32, #tpu.memory_space<vmem>>
        %dma_wait3A_224 = tpu.memref_squeeze %dma_wait3A_223 : memref<1x80x136xf32, #tpu.memory_space<vmem>> -> memref<80x136xf32, #tpu.memory_space<vmem>>
        tpu.wait_dma2 semaphore(%run_scoped3A_200 : memref<!tpu.dma_semaphore, #tpu.memory_space<semaphore_mem>>) src(%dma_wait3A_224 : memref<80x136xf32, #tpu.memory_space<vmem>>) dst(%dma_wait3A_220 : memref<80x136xf32, #tpu.memory_space<vmem_shared>>)
        tpu.yield
      }) : () -> ()
    }
    %scan3A_16 = arith.constant 7 : i32
    %add3A_17 = arith.constant 560 : i32
    %add3A_18 = arith.addi %mul3A_10, %add3A_17 : i32
    %run_scoped3A = arith.constant 0 : i32
    "tpu.region"() ({
      %run_scoped3A_195 = tpu.sem_alloc : memref<!tpu.dma_semaphore, #tpu.memory_space<semaphore_mem>>
      %dma_start3A_196 = arith.constant 0 : i32
      %dma_start3A_197 = arith.constant 0 : i32
      %dma_start3A_198 = tpu.memref_slice %arg11[%run_scoped3A, %dma_start3A_196, %dma_start3A_197] : memref<2x80x136xf32, #tpu.memory_space<vmem>> -> memref<1x65x136xf32, #tpu.memory_space<vmem>>
      %dma_start3A_199 = tpu.memref_squeeze %dma_start3A_198 : memref<1x65x136xf32, #tpu.memory_space<vmem>> -> memref<65x136xf32, #tpu.memory_space<vmem>>
      %dma_start3A_200 = arith.constant 0 : i32
      %dma_start3A_201 = tpu.memref_slice %arg12[%add3A_18, %dma_start3A_200] : memref<10000x136xf32, #tpu.memory_space<vmem_shared>> -> memref<65x136xf32, #tpu.memory_space<vmem_shared>>
      %dma_start3A_202 = arith.constant 0 : i32
      %dma_start3A_203 = tpu.memref_slice %arg12[%add3A_18, %dma_start3A_202] : memref<10000x136xf32, #tpu.memory_space<vmem_shared>> -> memref<65x136xf32, #tpu.memory_space<vmem_shared>>
      %dma_start3A_204 = arith.constant 0 : i32
      %dma_start3A_205 = arith.constant 0 : i32
      %dma_start3A_206 = tpu.memref_slice %arg11[%run_scoped3A, %dma_start3A_204, %dma_start3A_205] : memref<2x80x136xf32, #tpu.memory_space<vmem>> -> memref<1x65x136xf32, #tpu.memory_space<vmem>>
      %dma_start3A_207 = tpu.memref_squeeze %dma_start3A_206 : memref<1x65x136xf32, #tpu.memory_space<vmem>> -> memref<65x136xf32, #tpu.memory_space<vmem>>
      tpu.enqueue_dma source(%dma_start3A_207 : memref<65x136xf32, #tpu.memory_space<vmem>>) target(%dma_start3A_203 : memref<65x136xf32, #tpu.memory_space<vmem_shared>>) target_semaphore(%run_scoped3A_195 : memref<!tpu.dma_semaphore, #tpu.memory_space<semaphore_mem>>)
      %dma_wait3A_208 = arith.constant 0 : i32
      %dma_wait3A_209 = arith.constant 0 : i32
      %dma_wait3A_210 = tpu.memref_slice %arg11[%run_scoped3A, %dma_wait3A_208, %dma_wait3A_209] : memref<2x80x136xf32, #tpu.memory_space<vmem>> -> memref<1x65x136xf32, #tpu.memory_space<vmem>>
      %dma_wait3A_211 = tpu.memref_squeeze %dma_wait3A_210 : memref<1x65x136xf32, #tpu.memory_space<vmem>> -> memref<65x136xf32, #tpu.memory_space<vmem>>
      %dma_wait3A_212 = arith.constant 0 : i32
      %dma_wait3A_213 = tpu.memref_slice %arg12[%add3A_18, %dma_wait3A_212] : memref<10000x136xf32, #tpu.memory_space<vmem_shared>> -> memref<65x136xf32, #tpu.memory_space<vmem_shared>>
      %dma_wait3A_214 = arith.constant 0 : i32
      %dma_wait3A_215 = tpu.memref_slice %arg12[%add3A_18, %dma_wait3A_214] : memref<10000x136xf32, #tpu.memory_space<vmem_shared>> -> memref<65x136xf32, #tpu.memory_space<vmem_shared>>
      %dma_wait3A_216 = arith.constant 0 : i32
      %dma_wait3A_217 = arith.constant 0 : i32
      %dma_wait3A_218 = tpu.memref_slice %arg11[%run_scoped3A, %dma_wait3A_216, %dma_wait3A_217] : memref<2x80x136xf32, #tpu.memory_space<vmem>> -> memref<1x65x136xf32, #tpu.memory_space<vmem>>
      %dma_wait3A_219 = tpu.memref_squeeze %dma_wait3A_218 : memref<1x65x136xf32, #tpu.memory_space<vmem>> -> memref<65x136xf32, #tpu.memory_space<vmem>>
      tpu.wait_dma2 semaphore(%run_scoped3A_195 : memref<!tpu.dma_semaphore, #tpu.memory_space<semaphore_mem>>) src(%dma_wait3A_219 : memref<65x136xf32, #tpu.memory_space<vmem>>) dst(%dma_wait3A_215 : memref<65x136xf32, #tpu.memory_space<vmem_shared>>)
      tpu.yield
    }) : () -> ()
    %barrier3A = arith.constant 0 : index
    tpu.barrier barrier_id(%barrier3A)
    %rem3A = arith.constant 0 : i32
    %rem3A_19 = arith.constant 4 : i32
    %rem3A_20 = arith.remsi %rem3A, %rem3A_19 : i32
    %add3A_21 = arith.constant 0 : i32
    %add3A_22 = arith.addi %mul3A_2, %add3A_21 : i32
    %dma_start3A = arith.constant 0 : i32
    %dma_start3A_23 = tpu.memref_slice %arg7[%rem3A_20, %dma_start3A] : memref<4x80xi32, #tpu.memory_space<vmem>> -> memref<1x80xi32, #tpu.memory_space<vmem>>
    %dma_start3A_24 = tpu.memref_squeeze %dma_start3A_23 : memref<1x80xi32, #tpu.memory_space<vmem>> -> memref<80xi32, #tpu.memory_space<vmem>>
    %dma_start3A_25 = tpu.memref_slice %arg3[%add3A_22] : memref<320000xi32, #tpu.memory_space<hbm>> -> memref<80xi32, #tpu.memory_space<hbm>>
    %dma_start3A_26 = tpu.memref_slice %arg13[%rem3A_20] : memref<4x!tpu.dma_semaphore, #tpu.memory_space<semaphore_mem>> -> memref<1x!tpu.dma_semaphore, #tpu.memory_space<semaphore_mem>>
    %dma_start3A_27 = tpu.memref_squeeze %dma_start3A_26 : memref<1x!tpu.dma_semaphore, #tpu.memory_space<semaphore_mem>> -> memref<!tpu.dma_semaphore, #tpu.memory_space<semaphore_mem>>
    %dma_start3A_28 = arith.constant 0 : i32
    %dma_start3A_29 = tpu.memref_slice %arg7[%rem3A_20, %dma_start3A_28] : memref<4x80xi32, #tpu.memory_space<vmem>> -> memref<1x80xi32, #tpu.memory_space<vmem>>
    %dma_start3A_30 = tpu.memref_squeeze %dma_start3A_29 : memref<1x80xi32, #tpu.memory_space<vmem>> -> memref<80xi32, #tpu.memory_space<vmem>>
    %dma_start3A_31 = tpu.memref_slice %arg3[%add3A_22] : memref<320000xi32, #tpu.memory_space<hbm>> -> memref<80xi32, #tpu.memory_space<hbm>>
    tpu.enqueue_dma source(%dma_start3A_31 : memref<80xi32, #tpu.memory_space<hbm>>) target(%dma_start3A_30 : memref<80xi32, #tpu.memory_space<vmem>>) target_semaphore(%dma_start3A_27 : memref<!tpu.dma_semaphore, #tpu.memory_space<semaphore_mem>>)
    %dma_start3A_32 = arith.constant 0 : i32
    %dma_start3A_33 = tpu.memref_slice %arg8[%rem3A_20, %dma_start3A_32] : memref<4x80xi32, #tpu.memory_space<vmem>> -> memref<1x80xi32, #tpu.memory_space<vmem>>
    %dma_start3A_34 = tpu.memref_squeeze %dma_start3A_33 : memref<1x80xi32, #tpu.memory_space<vmem>> -> memref<80xi32, #tpu.memory_space<vmem>>
    %dma_start3A_35 = tpu.memref_slice %arg4[%add3A_22] : memref<320000xi32, #tpu.memory_space<hbm>> -> memref<80xi32, #tpu.memory_space<hbm>>
    %dma_start3A_36 = tpu.memref_slice %arg13[%rem3A_20] : memref<4x!tpu.dma_semaphore, #tpu.memory_space<semaphore_mem>> -> memref<1x!tpu.dma_semaphore, #tpu.memory_space<semaphore_mem>>
    %dma_start3A_37 = tpu.memref_squeeze %dma_start3A_36 : memref<1x!tpu.dma_semaphore, #tpu.memory_space<semaphore_mem>> -> memref<!tpu.dma_semaphore, #tpu.memory_space<semaphore_mem>>
    %dma_start3A_38 = arith.constant 0 : i32
    %dma_start3A_39 = tpu.memref_slice %arg8[%rem3A_20, %dma_start3A_38] : memref<4x80xi32, #tpu.memory_space<vmem>> -> memref<1x80xi32, #tpu.memory_space<vmem>>
    %dma_start3A_40 = tpu.memref_squeeze %dma_start3A_39 : memref<1x80xi32, #tpu.memory_space<vmem>> -> memref<80xi32, #tpu.memory_space<vmem>>
    %dma_start3A_41 = tpu.memref_slice %arg4[%add3A_22] : memref<320000xi32, #tpu.memory_space<hbm>> -> memref<80xi32, #tpu.memory_space<hbm>>
    tpu.enqueue_dma source(%dma_start3A_41 : memref<80xi32, #tpu.memory_space<hbm>>) target(%dma_start3A_40 : memref<80xi32, #tpu.memory_space<vmem>>) target_semaphore(%dma_start3A_37 : memref<!tpu.dma_semaphore, #tpu.memory_space<semaphore_mem>>)
    %dma_start3A_42 = arith.constant 0 : i32
    %dma_start3A_43 = tpu.memref_slice %arg9[%rem3A_20, %dma_start3A_42] : memref<4x80xf32, #tpu.memory_space<vmem>> -> memref<1x80xf32, #tpu.memory_space<vmem>>
    %dma_start3A_44 = tpu.memref_squeeze %dma_start3A_43 : memref<1x80xf32, #tpu.memory_space<vmem>> -> memref<80xf32, #tpu.memory_space<vmem>>
    %dma_start3A_45 = tpu.memref_slice %arg2[%add3A_22] : memref<320000xf32, #tpu.memory_space<hbm>> -> memref<80xf32, #tpu.memory_space<hbm>>
    %dma_start3A_46 = tpu.memref_slice %arg13[%rem3A_20] : memref<4x!tpu.dma_semaphore, #tpu.memory_space<semaphore_mem>> -> memref<1x!tpu.dma_semaphore, #tpu.memory_space<semaphore_mem>>
    %dma_start3A_47 = tpu.memref_squeeze %dma_start3A_46 : memref<1x!tpu.dma_semaphore, #tpu.memory_space<semaphore_mem>> -> memref<!tpu.dma_semaphore, #tpu.memory_space<semaphore_mem>>
    %dma_start3A_48 = arith.constant 0 : i32
    %dma_start3A_49 = tpu.memref_slice %arg9[%rem3A_20, %dma_start3A_48] : memref<4x80xf32, #tpu.memory_space<vmem>> -> memref<1x80xf32, #tpu.memory_space<vmem>>
    %dma_start3A_50 = tpu.memref_squeeze %dma_start3A_49 : memref<1x80xf32, #tpu.memory_space<vmem>> -> memref<80xf32, #tpu.memory_space<vmem>>
    %dma_start3A_51 = tpu.memref_slice %arg2[%add3A_22] : memref<320000xf32, #tpu.memory_space<hbm>> -> memref<80xf32, #tpu.memory_space<hbm>>
    tpu.enqueue_dma source(%dma_start3A_51 : memref<80xf32, #tpu.memory_space<hbm>>) target(%dma_start3A_50 : memref<80xf32, #tpu.memory_space<vmem>>) target_semaphore(%dma_start3A_47 : memref<!tpu.dma_semaphore, #tpu.memory_space<semaphore_mem>>)
    %rem3A_52 = arith.constant 1 : i32
    %rem3A_53 = arith.constant 4 : i32
    %rem3A_54 = arith.remsi %rem3A_52, %rem3A_53 : i32
    %add3A_55 = arith.constant 80 : i32
    %add3A_56 = arith.addi %mul3A_2, %add3A_55 : i32
    %dma_start3A_57 = arith.constant 0 : i32
    %dma_start3A_58 = tpu.memref_slice %arg7[%rem3A_54, %dma_start3A_57] : memref<4x80xi32, #tpu.memory_space<vmem>> -> memref<1x80xi32, #tpu.memory_space<vmem>>
    %dma_start3A_59 = tpu.memref_squeeze %dma_start3A_58 : memref<1x80xi32, #tpu.memory_space<vmem>> -> memref<80xi32, #tpu.memory_space<vmem>>
    %dma_start3A_60 = tpu.memref_slice %arg3[%add3A_56] : memref<320000xi32, #tpu.memory_space<hbm>> -> memref<80xi32, #tpu.memory_space<hbm>>
    %dma_start3A_61 = tpu.memref_slice %arg13[%rem3A_54] : memref<4x!tpu.dma_semaphore, #tpu.memory_space<semaphore_mem>> -> memref<1x!tpu.dma_semaphore, #tpu.memory_space<semaphore_mem>>
    %dma_start3A_62 = tpu.memref_squeeze %dma_start3A_61 : memref<1x!tpu.dma_semaphore, #tpu.memory_space<semaphore_mem>> -> memref<!tpu.dma_semaphore, #tpu.memory_space<semaphore_mem>>
    %dma_start3A_63 = arith.constant 0 : i32
    %dma_start3A_64 = tpu.memref_slice %arg7[%rem3A_54, %dma_start3A_63] : memref<4x80xi32, #tpu.memory_space<vmem>> -> memref<1x80xi32, #tpu.memory_space<vmem>>
    %dma_start3A_65 = tpu.memref_squeeze %dma_start3A_64 : memref<1x80xi32, #tpu.memory_space<vmem>> -> memref<80xi32, #tpu.memory_space<vmem>>
    %dma_start3A_66 = tpu.memref_slice %arg3[%add3A_56] : memref<320000xi32, #tpu.memory_space<hbm>> -> memref<80xi32, #tpu.memory_space<hbm>>
    tpu.enqueue_dma source(%dma_start3A_66 : memref<80xi32, #tpu.memory_space<hbm>>) target(%dma_start3A_65 : memref<80xi32, #tpu.memory_space<vmem>>) target_semaphore(%dma_start3A_62 : memref<!tpu.dma_semaphore, #tpu.memory_space<semaphore_mem>>)
    %dma_start3A_67 = arith.constant 0 : i32
    %dma_start3A_68 = tpu.memref_slice %arg8[%rem3A_54, %dma_start3A_67] : memref<4x80xi32, #tpu.memory_space<vmem>> -> memref<1x80xi32, #tpu.memory_space<vmem>>
    %dma_start3A_69 = tpu.memref_squeeze %dma_start3A_68 : memref<1x80xi32, #tpu.memory_space<vmem>> -> memref<80xi32, #tpu.memory_space<vmem>>
    %dma_start3A_70 = tpu.memref_slice %arg4[%add3A_56] : memref<320000xi32, #tpu.memory_space<hbm>> -> memref<80xi32, #tpu.memory_space<hbm>>
    %dma_start3A_71 = tpu.memref_slice %arg13[%rem3A_54] : memref<4x!tpu.dma_semaphore, #tpu.memory_space<semaphore_mem>> -> memref<1x!tpu.dma_semaphore, #tpu.memory_space<semaphore_mem>>
    %dma_start3A_72 = tpu.memref_squeeze %dma_start3A_71 : memref<1x!tpu.dma_semaphore, #tpu.memory_space<semaphore_mem>> -> memref<!tpu.dma_semaphore, #tpu.memory_space<semaphore_mem>>
    %dma_start3A_73 = arith.constant 0 : i32
    %dma_start3A_74 = tpu.memref_slice %arg8[%rem3A_54, %dma_start3A_73] : memref<4x80xi32, #tpu.memory_space<vmem>> -> memref<1x80xi32, #tpu.memory_space<vmem>>
    %dma_start3A_75 = tpu.memref_squeeze %dma_start3A_74 : memref<1x80xi32, #tpu.memory_space<vmem>> -> memref<80xi32, #tpu.memory_space<vmem>>
    %dma_start3A_76 = tpu.memref_slice %arg4[%add3A_56] : memref<320000xi32, #tpu.memory_space<hbm>> -> memref<80xi32, #tpu.memory_space<hbm>>
    tpu.enqueue_dma source(%dma_start3A_76 : memref<80xi32, #tpu.memory_space<hbm>>) target(%dma_start3A_75 : memref<80xi32, #tpu.memory_space<vmem>>) target_semaphore(%dma_start3A_72 : memref<!tpu.dma_semaphore, #tpu.memory_space<semaphore_mem>>)
    %dma_start3A_77 = arith.constant 0 : i32
    %dma_start3A_78 = tpu.memref_slice %arg9[%rem3A_54, %dma_start3A_77] : memref<4x80xf32, #tpu.memory_space<vmem>> -> memref<1x80xf32, #tpu.memory_space<vmem>>
    %dma_start3A_79 = tpu.memref_squeeze %dma_start3A_78 : memref<1x80xf32, #tpu.memory_space<vmem>> -> memref<80xf32, #tpu.memory_space<vmem>>
    %dma_start3A_80 = tpu.memref_slice %arg2[%add3A_56] : memref<320000xf32, #tpu.memory_space<hbm>> -> memref<80xf32, #tpu.memory_space<hbm>>
    %dma_start3A_81 = tpu.memref_slice %arg13[%rem3A_54] : memref<4x!tpu.dma_semaphore, #tpu.memory_space<semaphore_mem>> -> memref<1x!tpu.dma_semaphore, #tpu.memory_space<semaphore_mem>>
    %dma_start3A_82 = tpu.memref_squeeze %dma_start3A_81 : memref<1x!tpu.dma_semaphore, #tpu.memory_space<semaphore_mem>> -> memref<!tpu.dma_semaphore, #tpu.memory_space<semaphore_mem>>
    %dma_start3A_83 = arith.constant 0 : i32
    %dma_start3A_84 = tpu.memref_slice %arg9[%rem3A_54, %dma_start3A_83] : memref<4x80xf32, #tpu.memory_space<vmem>> -> memref<1x80xf32, #tpu.memory_space<vmem>>
    %dma_start3A_85 = tpu.memref_squeeze %dma_start3A_84 : memref<1x80xf32, #tpu.memory_space<vmem>> -> memref<80xf32, #tpu.memory_space<vmem>>
    %dma_start3A_86 = tpu.memref_slice %arg2[%add3A_56] : memref<320000xf32, #tpu.memory_space<hbm>> -> memref<80xf32, #tpu.memory_space<hbm>>
    tpu.enqueue_dma source(%dma_start3A_86 : memref<80xf32, #tpu.memory_space<hbm>>) target(%dma_start3A_85 : memref<80xf32, #tpu.memory_space<vmem>>) target_semaphore(%dma_start3A_82 : memref<!tpu.dma_semaphore, #tpu.memory_space<semaphore_mem>>)
    %dma_wait3A = arith.constant 0 : i32
    %dma_wait3A_87 = arith.constant 0 : i32
    %dma_wait3A_88 = arith.constant 0 : i32
    %dma_wait3A_89 = tpu.memref_slice %arg7[%dma_wait3A, %dma_wait3A_88] : memref<4x80xi32, #tpu.memory_space<vmem>> -> memref<1x80xi32, #tpu.memory_space<vmem>>
    %dma_wait3A_90 = tpu.memref_squeeze %dma_wait3A_89 : memref<1x80xi32, #tpu.memory_space<vmem>> -> memref<80xi32, #tpu.memory_space<vmem>>
    %dma_wait3A_91 = arith.constant 0 : i32
    %dma_wait3A_92 = tpu.memref_slice %arg3[%dma_wait3A_91] : memref<320000xi32, #tpu.memory_space<hbm>> -> memref<80xi32, #tpu.memory_space<hbm>>
    %dma_wait3A_93 = tpu.memref_slice %arg13[%dma_wait3A_87] : memref<4x!tpu.dma_semaphore, #tpu.memory_space<semaphore_mem>> -> memref<1x!tpu.dma_semaphore, #tpu.memory_space<semaphore_mem>>
    %dma_wait3A_94 = tpu.memref_squeeze %dma_wait3A_93 : memref<1x!tpu.dma_semaphore, #tpu.memory_space<semaphore_mem>> -> memref<!tpu.dma_semaphore, #tpu.memory_space<semaphore_mem>>
    %dma_wait3A_95 = arith.constant 0 : i32
    %dma_wait3A_96 = tpu.memref_slice %arg7[%dma_wait3A, %dma_wait3A_95] : memref<4x80xi32, #tpu.memory_space<vmem>> -> memref<1x80xi32, #tpu.memory_space<vmem>>
    %dma_wait3A_97 = tpu.memref_squeeze %dma_wait3A_96 : memref<1x80xi32, #tpu.memory_space<vmem>> -> memref<80xi32, #tpu.memory_space<vmem>>
    %dma_wait3A_98 = arith.constant 0 : i32
    %dma_wait3A_99 = tpu.memref_slice %arg3[%dma_wait3A_98] : memref<320000xi32, #tpu.memory_space<hbm>> -> memref<80xi32, #tpu.memory_space<hbm>>
    tpu.wait_dma2 semaphore(%dma_wait3A_94 : memref<!tpu.dma_semaphore, #tpu.memory_space<semaphore_mem>>) src(%dma_wait3A_99 : memref<80xi32, #tpu.memory_space<hbm>>) dst(%dma_wait3A_97 : memref<80xi32, #tpu.memory_space<vmem>>)
    %dma_wait3A_100 = arith.constant 0 : i32
    %dma_wait3A_101 = arith.constant 0 : i32
    %dma_wait3A_102 = arith.constant 0 : i32
    %dma_wait3A_103 = tpu.memref_slice %arg8[%dma_wait3A_100, %dma_wait3A_102] : memref<4x80xi32, #tpu.memory_space<vmem>> -> memref<1x80xi32, #tpu.memory_space<vmem>>
    %dma_wait3A_104 = tpu.memref_squeeze %dma_wait3A_103 : memref<1x80xi32, #tpu.memory_space<vmem>> -> memref<80xi32, #tpu.memory_space<vmem>>
    %dma_wait3A_105 = arith.constant 0 : i32
    %dma_wait3A_106 = tpu.memref_slice %arg4[%dma_wait3A_105] : memref<320000xi32, #tpu.memory_space<hbm>> -> memref<80xi32, #tpu.memory_space<hbm>>
    %dma_wait3A_107 = tpu.memref_slice %arg13[%dma_wait3A_101] : memref<4x!tpu.dma_semaphore, #tpu.memory_space<semaphore_mem>> -> memref<1x!tpu.dma_semaphore, #tpu.memory_space<semaphore_mem>>
    %dma_wait3A_108 = tpu.memref_squeeze %dma_wait3A_107 : memref<1x!tpu.dma_semaphore, #tpu.memory_space<semaphore_mem>> -> memref<!tpu.dma_semaphore, #tpu.memory_space<semaphore_mem>>
    %dma_wait3A_109 = arith.constant 0 : i32
    %dma_wait3A_110 = tpu.memref_slice %arg8[%dma_wait3A_100, %dma_wait3A_109] : memref<4x80xi32, #tpu.memory_space<vmem>> -> memref<1x80xi32, #tpu.memory_space<vmem>>
    %dma_wait3A_111 = tpu.memref_squeeze %dma_wait3A_110 : memref<1x80xi32, #tpu.memory_space<vmem>> -> memref<80xi32, #tpu.memory_space<vmem>>
    %dma_wait3A_112 = arith.constant 0 : i32
    %dma_wait3A_113 = tpu.memref_slice %arg4[%dma_wait3A_112] : memref<320000xi32, #tpu.memory_space<hbm>> -> memref<80xi32, #tpu.memory_space<hbm>>
    tpu.wait_dma2 semaphore(%dma_wait3A_108 : memref<!tpu.dma_semaphore, #tpu.memory_space<semaphore_mem>>) src(%dma_wait3A_113 : memref<80xi32, #tpu.memory_space<hbm>>) dst(%dma_wait3A_111 : memref<80xi32, #tpu.memory_space<vmem>>)
    %dma_wait3A_114 = arith.constant 0 : i32
    %dma_wait3A_115 = arith.constant 0 : i32
    %dma_wait3A_116 = arith.constant 0 : i32
    %dma_wait3A_117 = tpu.memref_slice %arg9[%dma_wait3A_114, %dma_wait3A_116] : memref<4x80xf32, #tpu.memory_space<vmem>> -> memref<1x80xf32, #tpu.memory_space<vmem>>
    %dma_wait3A_118 = tpu.memref_squeeze %dma_wait3A_117 : memref<1x80xf32, #tpu.memory_space<vmem>> -> memref<80xf32, #tpu.memory_space<vmem>>
    %dma_wait3A_119 = arith.constant 0 : i32
    %dma_wait3A_120 = tpu.memref_slice %arg2[%dma_wait3A_119] : memref<320000xf32, #tpu.memory_space<hbm>> -> memref<80xf32, #tpu.memory_space<hbm>>
    %dma_wait3A_121 = tpu.memref_slice %arg13[%dma_wait3A_115] : memref<4x!tpu.dma_semaphore, #tpu.memory_space<semaphore_mem>> -> memref<1x!tpu.dma_semaphore, #tpu.memory_space<semaphore_mem>>
    %dma_wait3A_122 = tpu.memref_squeeze %dma_wait3A_121 : memref<1x!tpu.dma_semaphore, #tpu.memory_space<semaphore_mem>> -> memref<!tpu.dma_semaphore, #tpu.memory_space<semaphore_mem>>
    %dma_wait3A_123 = arith.constant 0 : i32
    %dma_wait3A_124 = tpu.memref_slice %arg9[%dma_wait3A_114, %dma_wait3A_123] : memref<4x80xf32, #tpu.memory_space<vmem>> -> memref<1x80xf32, #tpu.memory_space<vmem>>
    %dma_wait3A_125 = tpu.memref_squeeze %dma_wait3A_124 : memref<1x80xf32, #tpu.memory_space<vmem>> -> memref<80xf32, #tpu.memory_space<vmem>>
    %dma_wait3A_126 = arith.constant 0 : i32
    %dma_wait3A_127 = tpu.memref_slice %arg2[%dma_wait3A_126] : memref<320000xf32, #tpu.memory_space<hbm>> -> memref<80xf32, #tpu.memory_space<hbm>>
    tpu.wait_dma2 semaphore(%dma_wait3A_122 : memref<!tpu.dma_semaphore, #tpu.memory_space<semaphore_mem>>) src(%dma_wait3A_127 : memref<80xf32, #tpu.memory_space<hbm>>) dst(%dma_wait3A_125 : memref<80xf32, #tpu.memory_space<vmem>>)
    %rem3A_128 = arith.constant 0 : i32
    %rem3A_129 = arith.constant 4 : i32
    %rem3A_130 = arith.remsi %rem3A_128, %rem3A_129 : i32
    %rem3A_131 = arith.constant 0 : i32
    %rem3A_132 = arith.constant 2 : i32
    %rem3A_133 = arith.remsi %rem3A_131, %rem3A_132 : i32
    %dma_start3A_134 = arith.constant 0 : i32
    %dma_start3A_135 = arith.constant 0 : i32
    %dma_start3A_136 = tpu.memref_slice %arg10[%rem3A_133, %dma_start3A_134, %dma_start3A_135] : memref<2x80x128xf32, #tpu.memory_space<vmem>> -> memref<1x40x128xf32, #tpu.memory_space<vmem>>
    %dma_start3A_137 = tpu.memref_squeeze %dma_start3A_136 : memref<1x40x128xf32, #tpu.memory_space<vmem>> -> memref<40x128xf32, #tpu.memory_space<vmem>>
    %dma_start3A_138 = arith.constant 0 : i32
    %dma_start3A_139 = tpu.memref_slice %arg7[%rem3A_130, %dma_start3A_138] : memref<4x80xi32, #tpu.memory_space<vmem>> -> memref<1x40xi32, #tpu.memory_space<vmem>>
    %dma_start3A_140 = tpu.memref_squeeze %dma_start3A_139 : memref<1x40xi32, #tpu.memory_space<vmem>> -> memref<40xi32, #tpu.memory_space<vmem>>
    %dma_start3A_141 = arith.constant 0 : i32
    %dma_start3A_142 = arith.constant 0 : i32
    %dma_start3A_143 = tpu.memref_slice %arg5[%dma_start3A_141, %dma_start3A_142] : memref<10000x128xf32, #tpu.memory_space<hbm>> -> memref<10000x128xf32, #tpu.memory_space<hbm>>
    %dma_start3A_144 = tpu.memref_slice %arg14[%rem3A_133] : memref<2x!tpu.dma_semaphore, #tpu.memory_space<semaphore_mem>> -> memref<1x!tpu.dma_semaphore, #tpu.memory_space<semaphore_mem>>
    %dma_start3A_145 = tpu.memref_squeeze %dma_start3A_144 : memref<1x!tpu.dma_semaphore, #tpu.memory_space<semaphore_mem>> -> memref<!tpu.dma_semaphore, #tpu.memory_space<semaphore_mem>>
    tpu.enqueue_indirect_dma source(%dma_start3A_143 : memref<10000x128xf32, #tpu.memory_space<hbm>>) target(%dma_start3A_137 : memref<40x128xf32, #tpu.memory_space<vmem>>) offsets(%dma_start3A_140 : memref<40xi32, #tpu.memory_space<vmem>>) semaphore(%dma_start3A_145 : memref<!tpu.dma_semaphore, #tpu.memory_space<semaphore_mem>>)
    %dma_start3A_146 = arith.constant 40 : i32
    %dma_start3A_147 = arith.constant 0 : i32
    %dma_start3A_148 = tpu.memref_slice %arg10[%rem3A_133, %dma_start3A_146, %dma_start3A_147] : memref<2x80x128xf32, #tpu.memory_space<vmem>> -> memref<1x40x128xf32, #tpu.memory_space<vmem>>
    %dma_start3A_149 = tpu.memref_squeeze %dma_start3A_148 : memref<1x40x128xf32, #tpu.memory_space<vmem>> -> memref<40x128xf32, #tpu.memory_space<vmem>>
    %dma_start3A_150 = arith.constant 40 : i32
    %dma_start3A_151 = tpu.memref_slice %arg7[%rem3A_130, %dma_start3A_150] : memref<4x80xi32, #tpu.memory_space<vmem>> -> memref<1x40xi32, #tpu.memory_space<vmem>>
    %dma_start3A_152 = tpu.memref_squeeze %dma_start3A_151 : memref<1x40xi32, #tpu.memory_space<vmem>> -> memref<40xi32, #tpu.memory_space<vmem>>
    %dma_start3A_153 = arith.constant 0 : i32
    %dma_start3A_154 = arith.constant 0 : i32
    %dma_start3A_155 = tpu.memref_slice %arg5[%dma_start3A_153, %dma_start3A_154] : memref<10000x128xf32, #tpu.memory_space<hbm>> -> memref<10000x128xf32, #tpu.memory_space<hbm>>
    %dma_start3A_156 = tpu.memref_slice %arg14[%rem3A_133] : memref<2x!tpu.dma_semaphore, #tpu.memory_space<semaphore_mem>> -> memref<1x!tpu.dma_semaphore, #tpu.memory_space<semaphore_mem>>
    %dma_start3A_157 = tpu.memref_squeeze %dma_start3A_156 : memref<1x!tpu.dma_semaphore, #tpu.memory_space<semaphore_mem>> -> memref<!tpu.dma_semaphore, #tpu.memory_space<semaphore_mem>>
    tpu.enqueue_indirect_dma source(%dma_start3A_155 : memref<10000x128xf32, #tpu.memory_space<hbm>>) target(%dma_start3A_149 : memref<40x128xf32, #tpu.memory_space<vmem>>) offsets(%dma_start3A_152 : memref<40xi32, #tpu.memory_space<vmem>>) semaphore(%dma_start3A_157 : memref<!tpu.dma_semaphore, #tpu.memory_space<semaphore_mem>>)
    %scan3A_158 = arith.constant 0 : i32
    %scan3A_159 = arith.constant 0 : i32
    %scan3A_160 = arith.constant 125 : i32
    %scan3A_161 = arith.addi %scan3A_159, %scan3A_160 : i32
    %scan3A_162 = arith.constant 1 : i32
    scf.for %scan3A_195 = %scan3A_159 to %scan3A_161 step %scan3A_162  : i32 {
      %rem3A_196 = arith.constant 4 : i32
      %rem3A_197 = arith.remsi %scan3A_195, %rem3A_196 : i32
      %rem3A_198 = arith.constant 2 : i32
      %rem3A_199 = arith.remsi %scan3A_195, %rem3A_198 : i32
      %add3A_200 = arith.constant 1 : i32
      %add3A_201 = arith.addi %scan3A_195, %add3A_200 : i32
      %lt3A = arith.constant 125 : i32
      %lt3A_202 = arith.cmpi slt, %add3A_201, %lt3A : i32
      %convert_element_type3A = arith.extui %lt3A_202 : i1 to i32
      %cond3A = arith.constant 0 : i32
      %cond3A_203 = arith.cmpi ne, %convert_element_type3A, %cond3A : i32
      scf.if %cond3A_203 {
        %add3A_251 = arith.constant 1 : i32
        %add3A_252 = arith.addi %scan3A_195, %add3A_251 : i32
        %rem3A_253 = arith.constant 4 : i32
        %rem3A_254 = arith.remsi %add3A_252, %rem3A_253 : i32
        %dma_wait3A_255 = arith.constant 0 : i32
        %dma_wait3A_256 = tpu.memref_slice %arg7[%rem3A_254, %dma_wait3A_255] : memref<4x80xi32, #tpu.memory_space<vmem>> -> memref<1x80xi32, #tpu.memory_space<vmem>>
        %dma_wait3A_257 = tpu.memref_squeeze %dma_wait3A_256 : memref<1x80xi32, #tpu.memory_space<vmem>> -> memref<80xi32, #tpu.memory_space<vmem>>
        %dma_wait3A_258 = arith.constant 0 : i32
        %dma_wait3A_259 = tpu.memref_slice %arg3[%dma_wait3A_258] : memref<320000xi32, #tpu.memory_space<hbm>> -> memref<80xi32, #tpu.memory_space<hbm>>
        %dma_wait3A_260 = tpu.memref_slice %arg13[%rem3A_254] : memref<4x!tpu.dma_semaphore, #tpu.memory_space<semaphore_mem>> -> memref<1x!tpu.dma_semaphore, #tpu.memory_space<semaphore_mem>>
        %dma_wait3A_261 = tpu.memref_squeeze %dma_wait3A_260 : memref<1x!tpu.dma_semaphore, #tpu.memory_space<semaphore_mem>> -> memref<!tpu.dma_semaphore, #tpu.memory_space<semaphore_mem>>
        %dma_wait3A_262 = arith.constant 0 : i32
        %dma_wait3A_263 = tpu.memref_slice %arg7[%rem3A_254, %dma_wait3A_262] : memref<4x80xi32, #tpu.memory_space<vmem>> -> memref<1x80xi32, #tpu.memory_space<vmem>>
        %dma_wait3A_264 = tpu.memref_squeeze %dma_wait3A_263 : memref<1x80xi32, #tpu.memory_space<vmem>> -> memref<80xi32, #tpu.memory_space<vmem>>
        %dma_wait3A_265 = arith.constant 0 : i32
        %dma_wait3A_266 = tpu.memref_slice %arg3[%dma_wait3A_265] : memref<320000xi32, #tpu.memory_space<hbm>> -> memref<80xi32, #tpu.memory_space<hbm>>
        tpu.wait_dma2 semaphore(%dma_wait3A_261 : memref<!tpu.dma_semaphore, #tpu.memory_space<semaphore_mem>>) src(%dma_wait3A_266 : memref<80xi32, #tpu.memory_space<hbm>>) dst(%dma_wait3A_264 : memref<80xi32, #tpu.memory_space<vmem>>)
        %dma_wait3A_267 = arith.constant 0 : i32
        %dma_wait3A_268 = tpu.memref_slice %arg8[%rem3A_254, %dma_wait3A_267] : memref<4x80xi32, #tpu.memory_space<vmem>> -> memref<1x80xi32, #tpu.memory_space<vmem>>
        %dma_wait3A_269 = tpu.memref_squeeze %dma_wait3A_268 : memref<1x80xi32, #tpu.memory_space<vmem>> -> memref<80xi32, #tpu.memory_space<vmem>>
        %dma_wait3A_270 = arith.constant 0 : i32
        %dma_wait3A_271 = tpu.memref_slice %arg4[%dma_wait3A_270] : memref<320000xi32, #tpu.memory_space<hbm>> -> memref<80xi32, #tpu.memory_space<hbm>>
        %dma_wait3A_272 = tpu.memref_slice %arg13[%rem3A_254] : memref<4x!tpu.dma_semaphore, #tpu.memory_space<semaphore_mem>> -> memref<1x!tpu.dma_semaphore, #tpu.memory_space<semaphore_mem>>
        %dma_wait3A_273 = tpu.memref_squeeze %dma_wait3A_272 : memref<1x!tpu.dma_semaphore, #tpu.memory_space<semaphore_mem>> -> memref<!tpu.dma_semaphore, #tpu.memory_space<semaphore_mem>>
        %dma_wait3A_274 = arith.constant 0 : i32
        %dma_wait3A_275 = tpu.memref_slice %arg8[%rem3A_254, %dma_wait3A_274] : memref<4x80xi32, #tpu.memory_space<vmem>> -> memref<1x80xi32, #tpu.memory_space<vmem>>
        %dma_wait3A_276 = tpu.memref_squeeze %dma_wait3A_275 : memref<1x80xi32, #tpu.memory_space<vmem>> -> memref<80xi32, #tpu.memory_space<vmem>>
        %dma_wait3A_277 = arith.constant 0 : i32
        %dma_wait3A_278 = tpu.memref_slice %arg4[%dma_wait3A_277] : memref<320000xi32, #tpu.memory_space<hbm>> -> memref<80xi32, #tpu.memory_space<hbm>>
        tpu.wait_dma2 semaphore(%dma_wait3A_273 : memref<!tpu.dma_semaphore, #tpu.memory_space<semaphore_mem>>) src(%dma_wait3A_278 : memref<80xi32, #tpu.memory_space<hbm>>) dst(%dma_wait3A_276 : memref<80xi32, #tpu.memory_space<vmem>>)
        %dma_wait3A_279 = arith.constant 0 : i32
        %dma_wait3A_280 = tpu.memref_slice %arg9[%rem3A_254, %dma_wait3A_279] : memref<4x80xf32, #tpu.memory_space<vmem>> -> memref<1x80xf32, #tpu.memory_space<vmem>>
        %dma_wait3A_281 = tpu.memref_squeeze %dma_wait3A_280 : memref<1x80xf32, #tpu.memory_space<vmem>> -> memref<80xf32, #tpu.memory_space<vmem>>
        %dma_wait3A_282 = arith.constant 0 : i32
        %dma_wait3A_283 = tpu.memref_slice %arg2[%dma_wait3A_282] : memref<320000xf32, #tpu.memory_space<hbm>> -> memref<80xf32, #tpu.memory_space<hbm>>
        %dma_wait3A_284 = tpu.memref_slice %arg13[%rem3A_254] : memref<4x!tpu.dma_semaphore, #tpu.memory_space<semaphore_mem>> -> memref<1x!tpu.dma_semaphore, #tpu.memory_space<semaphore_mem>>
        %dma_wait3A_285 = tpu.memref_squeeze %dma_wait3A_284 : memref<1x!tpu.dma_semaphore, #tpu.memory_space<semaphore_mem>> -> memref<!tpu.dma_semaphore, #tpu.memory_space<semaphore_mem>>
        %dma_wait3A_286 = arith.constant 0 : i32
        %dma_wait3A_287 = tpu.memref_slice %arg9[%rem3A_254, %dma_wait3A_286] : memref<4x80xf32, #tpu.memory_space<vmem>> -> memref<1x80xf32, #tpu.memory_space<vmem>>
        %dma_wait3A_288 = tpu.memref_squeeze %dma_wait3A_287 : memref<1x80xf32, #tpu.memory_space<vmem>> -> memref<80xf32, #tpu.memory_space<vmem>>
        %dma_wait3A_289 = arith.constant 0 : i32
        %dma_wait3A_290 = tpu.memref_slice %arg2[%dma_wait3A_289] : memref<320000xf32, #tpu.memory_space<hbm>> -> memref<80xf32, #tpu.memory_space<hbm>>
        tpu.wait_dma2 semaphore(%dma_wait3A_285 : memref<!tpu.dma_semaphore, #tpu.memory_space<semaphore_mem>>) src(%dma_wait3A_290 : memref<80xf32, #tpu.memory_space<hbm>>) dst(%dma_wait3A_288 : memref<80xf32, #tpu.memory_space<vmem>>)
        %add3A_291 = arith.constant 1 : i32
        %add3A_292 = arith.addi %scan3A_195, %add3A_291 : i32
        %rem3A_293 = arith.constant 4 : i32
        %rem3A_294 = arith.remsi %add3A_292, %rem3A_293 : i32
        %rem3A_295 = arith.constant 2 : i32
        %rem3A_296 = arith.remsi %add3A_292, %rem3A_295 : i32
        %dma_start3A_297 = arith.constant 0 : i32
        %dma_start3A_298 = arith.constant 0 : i32
        %dma_start3A_299 = tpu.memref_slice %arg10[%rem3A_296, %dma_start3A_297, %dma_start3A_298] : memref<2x80x128xf32, #tpu.memory_space<vmem>> -> memref<1x40x128xf32, #tpu.memory_space<vmem>>
        %dma_start3A_300 = tpu.memref_squeeze %dma_start3A_299 : memref<1x40x128xf32, #tpu.memory_space<vmem>> -> memref<40x128xf32, #tpu.memory_space<vmem>>
        %dma_start3A_301 = arith.constant 0 : i32
        %dma_start3A_302 = tpu.memref_slice %arg7[%rem3A_294, %dma_start3A_301] : memref<4x80xi32, #tpu.memory_space<vmem>> -> memref<1x40xi32, #tpu.memory_space<vmem>>
        %dma_start3A_303 = tpu.memref_squeeze %dma_start3A_302 : memref<1x40xi32, #tpu.memory_space<vmem>> -> memref<40xi32, #tpu.memory_space<vmem>>
        %dma_start3A_304 = arith.constant 0 : i32
        %dma_start3A_305 = arith.constant 0 : i32
        %dma_start3A_306 = tpu.memref_slice %arg5[%dma_start3A_304, %dma_start3A_305] : memref<10000x128xf32, #tpu.memory_space<hbm>> -> memref<10000x128xf32, #tpu.memory_space<hbm>>
        %dma_start3A_307 = tpu.memref_slice %arg14[%rem3A_296] : memref<2x!tpu.dma_semaphore, #tpu.memory_space<semaphore_mem>> -> memref<1x!tpu.dma_semaphore, #tpu.memory_space<semaphore_mem>>
        %dma_start3A_308 = tpu.memref_squeeze %dma_start3A_307 : memref<1x!tpu.dma_semaphore, #tpu.memory_space<semaphore_mem>> -> memref<!tpu.dma_semaphore, #tpu.memory_space<semaphore_mem>>
        tpu.enqueue_indirect_dma source(%dma_start3A_306 : memref<10000x128xf32, #tpu.memory_space<hbm>>) target(%dma_start3A_300 : memref<40x128xf32, #tpu.memory_space<vmem>>) offsets(%dma_start3A_303 : memref<40xi32, #tpu.memory_space<vmem>>) semaphore(%dma_start3A_308 : memref<!tpu.dma_semaphore, #tpu.memory_space<semaphore_mem>>)
        %dma_start3A_309 = arith.constant 40 : i32
        %dma_start3A_310 = arith.constant 0 : i32
        %dma_start3A_311 = tpu.memref_slice %arg10[%rem3A_296, %dma_start3A_309, %dma_start3A_310] : memref<2x80x128xf32, #tpu.memory_space<vmem>> -> memref<1x40x128xf32, #tpu.memory_space<vmem>>
        %dma_start3A_312 = tpu.memref_squeeze %dma_start3A_311 : memref<1x40x128xf32, #tpu.memory_space<vmem>> -> memref<40x128xf32, #tpu.memory_space<vmem>>
        %dma_start3A_313 = arith.constant 40 : i32
        %dma_start3A_314 = tpu.memref_slice %arg7[%rem3A_294, %dma_start3A_313] : memref<4x80xi32, #tpu.memory_space<vmem>> -> memref<1x40xi32, #tpu.memory_space<vmem>>
        %dma_start3A_315 = tpu.memref_squeeze %dma_start3A_314 : memref<1x40xi32, #tpu.memory_space<vmem>> -> memref<40xi32, #tpu.memory_space<vmem>>
        %dma_start3A_316 = arith.constant 0 : i32
        %dma_start3A_317 = arith.constant 0 : i32
        %dma_start3A_318 = tpu.memref_slice %arg5[%dma_start3A_316, %dma_start3A_317] : memref<10000x128xf32, #tpu.memory_space<hbm>> -> memref<10000x128xf32, #tpu.memory_space<hbm>>
        %dma_start3A_319 = tpu.memref_slice %arg14[%rem3A_296] : memref<2x!tpu.dma_semaphore, #tpu.memory_space<semaphore_mem>> -> memref<1x!tpu.dma_semaphore, #tpu.memory_space<semaphore_mem>>
        %dma_start3A_320 = tpu.memref_squeeze %dma_start3A_319 : memref<1x!tpu.dma_semaphore, #tpu.memory_space<semaphore_mem>> -> memref<!tpu.dma_semaphore, #tpu.memory_space<semaphore_mem>>
        tpu.enqueue_indirect_dma source(%dma_start3A_318 : memref<10000x128xf32, #tpu.memory_space<hbm>>) target(%dma_start3A_312 : memref<40x128xf32, #tpu.memory_space<vmem>>) offsets(%dma_start3A_315 : memref<40xi32, #tpu.memory_space<vmem>>) semaphore(%dma_start3A_320 : memref<!tpu.dma_semaphore, #tpu.memory_space<semaphore_mem>>)
      } else {
      }
      %dma_wait3A_204 = arith.constant 0 : i32
      %dma_wait3A_205 = arith.constant 0 : i32
      %dma_wait3A_206 = arith.constant 0 : i32
      %dma_wait3A_207 = tpu.memref_slice %arg10[%rem3A_199, %dma_wait3A_205, %dma_wait3A_206] : memref<2x80x128xf32, #tpu.memory_space<vmem>> -> memref<1x80x128xf32, #tpu.memory_space<vmem>>
      %dma_wait3A_208 = tpu.memref_squeeze %dma_wait3A_207 : memref<1x80x128xf32, #tpu.memory_space<vmem>> -> memref<80x128xf32, #tpu.memory_space<vmem>>
      %dma_wait3A_209 = arith.constant 0 : i32
      %dma_wait3A_210 = tpu.memref_slice %arg7[%dma_wait3A_204, %dma_wait3A_209] : memref<4x80xi32, #tpu.memory_space<vmem>> -> memref<1x80xi32, #tpu.memory_space<vmem>>
      %dma_wait3A_211 = tpu.memref_squeeze %dma_wait3A_210 : memref<1x80xi32, #tpu.memory_space<vmem>> -> memref<80xi32, #tpu.memory_space<vmem>>
      %dma_wait3A_212 = arith.constant 0 : i32
      %dma_wait3A_213 = arith.constant 0 : i32
      %dma_wait3A_214 = tpu.memref_slice %arg5[%dma_wait3A_212, %dma_wait3A_213] : memref<10000x128xf32, #tpu.memory_space<hbm>> -> memref<10000x128xf32, #tpu.memory_space<hbm>>
      %dma_wait3A_215 = tpu.memref_slice %arg14[%rem3A_199] : memref<2x!tpu.dma_semaphore, #tpu.memory_space<semaphore_mem>> -> memref<1x!tpu.dma_semaphore, #tpu.memory_space<semaphore_mem>>
      %dma_wait3A_216 = tpu.memref_squeeze %dma_wait3A_215 : memref<1x!tpu.dma_semaphore, #tpu.memory_space<semaphore_mem>> -> memref<!tpu.dma_semaphore, #tpu.memory_space<semaphore_mem>>
      tpu.wait_indirect_dma semaphore(%dma_wait3A_216 : memref<!tpu.dma_semaphore, #tpu.memory_space<semaphore_mem>>) src(%dma_wait3A_214 : memref<10000x128xf32, #tpu.memory_space<hbm>>) dst(%dma_wait3A_208 : memref<80x128xf32, #tpu.memory_space<vmem>>)
      %ge3A = arith.constant 2 : i32
      %ge3A_217 = arith.cmpi sge, %scan3A_195, %ge3A : i32
      %convert_element_type3A_218 = arith.extui %ge3A_217 : i1 to i32
      %cond3A_219 = arith.constant 0 : i32
      %cond3A_220 = arith.cmpi ne, %convert_element_type3A_218, %cond3A_219 : i32
      scf.if %cond3A_220 {
        %dma_wait3A_251 = arith.constant 0 : i32
        %dma_wait3A_252 = arith.constant 0 : i32
        %dma_wait3A_253 = arith.constant 0 : i32
        %dma_wait3A_254 = tpu.memref_slice %arg11[%rem3A_199, %dma_wait3A_252, %dma_wait3A_253] : memref<2x80x136xf32, #tpu.memory_space<vmem>> -> memref<1x80x136xf32, #tpu.memory_space<vmem>>
        %dma_wait3A_255 = tpu.memref_squeeze %dma_wait3A_254 : memref<1x80x136xf32, #tpu.memory_space<vmem>> -> memref<80x136xf32, #tpu.memory_space<vmem>>
        %dma_wait3A_256 = arith.constant 0 : i32
        %dma_wait3A_257 = tpu.memref_slice %arg8[%dma_wait3A_251, %dma_wait3A_256] : memref<4x80xi32, #tpu.memory_space<vmem>> -> memref<1x80xi32, #tpu.memory_space<vmem>>
        %dma_wait3A_258 = tpu.memref_squeeze %dma_wait3A_257 : memref<1x80xi32, #tpu.memory_space<vmem>> -> memref<80xi32, #tpu.memory_space<vmem>>
        %dma_wait3A_259 = arith.constant 0 : i32
        %dma_wait3A_260 = arith.constant 0 : i32
        %dma_wait3A_261 = tpu.memref_slice %arg12[%dma_wait3A_259, %dma_wait3A_260] : memref<10000x136xf32, #tpu.memory_space<vmem_shared>> -> memref<10000x136xf32, #tpu.memory_space<vmem_shared>>
        %dma_wait3A_262 = tpu.memref_slice %arg15[%rem3A_199] : memref<2x!tpu.dma_semaphore, #tpu.memory_space<semaphore_mem>> -> memref<1x!tpu.dma_semaphore, #tpu.memory_space<semaphore_mem>>
        %dma_wait3A_263 = tpu.memref_squeeze %dma_wait3A_262 : memref<1x!tpu.dma_semaphore, #tpu.memory_space<semaphore_mem>> -> memref<!tpu.dma_semaphore, #tpu.memory_space<semaphore_mem>>
        tpu.wait_indirect_dma semaphore(%dma_wait3A_263 : memref<!tpu.dma_semaphore, #tpu.memory_space<semaphore_mem>>) src(%dma_wait3A_255 : memref<80x136xf32, #tpu.memory_space<vmem>>) dst(%dma_wait3A_261 : memref<10000x136xf32, #tpu.memory_space<vmem_shared>>)
      } else {
      }
      %mul3A_221 = arith.constant 0 : i32
      %mul3A_222 = vector.broadcast %mul3A_221 : i32 to vector<16xi32>
      %mul3A_223 = arith.muli %iota3A, %mul3A_222 : vector<16xi32>
      %add3A_224 = vector.broadcast %rem3A_199 : i32 to vector<16xi32>
      %add3A_225 = arith.addi %mul3A_223, %add3A_224 : vector<16xi32>
      %scan3A_226 = arith.constant 0 : i32
      %scan3A_227 = arith.constant 0 : i32
      %scan3A_228 = arith.constant 5 : i32
      %scan3A_229 = arith.addi %scan3A_227, %scan3A_228 : i32
      %scan3A_230 = arith.constant 1 : i32
      scf.for %scan3A_251 = %scan3A_227 to %scan3A_229 step %scan3A_230  : i32 {
        %mul3A_252 = arith.constant 16 : i32
        %mul3A_253 = arith.muli %scan3A_251, %mul3A_252 : i32
        %get3A = arith.index_cast %rem3A_197 : i32 to index
        %get3A_254 = arith.index_cast %mul3A_253 : i32 to index
        %get3A_255 = tpu.vector_load %arg9[%get3A, %get3A_254] {strides = array<i32>} : memref<4x80xf32, #tpu.memory_space<vmem>>, vector<16xf32>,
        %mul3A_256 = arith.constant 16 : i32
        %mul3A_257 = arith.muli %scan3A_251, %mul3A_256 : i32
        %add3A_258 = arith.constant 0 : i32
        %add3A_259 = arith.addi %mul3A_257, %add3A_258 : i32
        %mul3A_260 = arith.constant 0 : i32
        %mul3A_261 = vector.broadcast %mul3A_260 : i32 to vector<16xi32>
        %mul3A_262 = arith.muli %iota3A, %mul3A_261 : vector<16xi32>
        %add3A_263 = arith.constant 0 : i32
        %add3A_264 = vector.broadcast %add3A_263 : i32 to vector<16xi32>
        %add3A_265 = arith.addi %mul3A_262, %add3A_264 : vector<16xi32>
        %broadcast_in_dim3A_266 = vector.shape_cast %add3A_265 : vector<16xi32> to vector<16x1xi32>
        %gather3A = vector.shape_cast %broadcast_in_dim3A_266 : vector<16x1xi32> to vector<16xi32>
        %gather3A_267 = tpu.dynamic_gather %get3A_255[%gather3A] in [0] : vector<16xf32>, vector<16xi32> -> vector<16xf32>
        %get3A_268 = arith.index_cast %rem3A_199 : i32 to index
        %get3A_269 = arith.index_cast %add3A_259 : i32 to index
        %get3A_270 = arith.constant 0 : index
        %get3A_271 = tpu.vector_load %arg10[%get3A_268, %get3A_269, %get3A_270] {strides = array<i32>} : memref<2x80x128xf32, #tpu.memory_space<vmem>>, vector<16xf32>,
        %mul3A_272 = arith.mulf %get3A_271, %gather3A_267 : vector<16xf32>
        %swap3A = arith.index_cast %rem3A_199 : i32 to index
        %swap3A_273 = arith.index_cast %add3A_259 : i32 to index
        %swap3A_274 = arith.constant 0 : index
        %swap3A_275 = tpu.vector_load %arg11[%swap3A, %swap3A_273, %swap3A_274] {strides = array<i32>} : memref<2x80x136xf32, #tpu.memory_space<vmem>>, vector<16xf32>,
        tpu.vector_store %arg11[%swap3A, %swap3A_273, %swap3A_274], %mul3A_272 {strides = array<i32>} : memref<2x80x136xf32, #tpu.memory_space<vmem>>, vector<16xf32>,
        %get3A_276 = arith.index_cast %rem3A_199 : i32 to index
        %get3A_277 = arith.index_cast %add3A_259 : i32 to index
        %get3A_278 = arith.constant 16 : index
        %get3A_279 = tpu.vector_load %arg10[%get3A_276, %get3A_277, %get3A_278] {strides = array<i32>} : memref<2x80x128xf32, #tpu.memory_space<vmem>>, vector<16xf32>,
        %mul3A_280 = arith.mulf %get3A_279, %gather3A_267 : vector<16xf32>
        %swap3A_281 = arith.index_cast %rem3A_199 : i32 to index
        %swap3A_282 = arith.index_cast %add3A_259 : i32 to index
        %swap3A_283 = arith.constant 16 : index
        %swap3A_284 = tpu.vector_load %arg11[%swap3A_281, %swap3A_282, %swap3A_283] {strides = array<i32>} : memref<2x80x136xf32, #tpu.memory_space<vmem>>, vector<16xf32>,
        tpu.vector_store %arg11[%swap3A_281, %swap3A_282, %swap3A_283], %mul3A_280 {strides = array<i32>} : memref<2x80x136xf32, #tpu.memory_space<vmem>>, vector<16xf32>,
        %get3A_285 = arith.index_cast %rem3A_199 : i32 to index
        %get3A_286 = arith.index_cast %add3A_259 : i32 to index
        %get3A_287 = arith.constant 32 : index
        %get3A_288 = tpu.vector_load %arg10[%get3A_285, %get3A_286, %get3A_287] {strides = array<i32>} : memref<2x80x128xf32, #tpu.memory_space<vmem>>, vector<16xf32>,
        %mul3A_289 = arith.mulf %get3A_288, %gather3A_267 : vector<16xf32>
        %swap3A_290 = arith.index_cast %rem3A_199 : i32 to index
        %swap3A_291 = arith.index_cast %add3A_259 : i32 to index
        %swap3A_292 = arith.constant 32 : index
        %swap3A_293 = tpu.vector_load %arg11[%swap3A_290, %swap3A_291, %swap3A_292] {strides = array<i32>} : memref<2x80x136xf32, #tpu.memory_space<vmem>>, vector<16xf32>,
        tpu.vector_store %arg11[%swap3A_290, %swap3A_291, %swap3A_292], %mul3A_289 {strides = array<i32>} : memref<2x80x136xf32, #tpu.memory_space<vmem>>, vector<16xf32>,
        %get3A_294 = arith.index_cast %rem3A_199 : i32 to index
        %get3A_295 = arith.index_cast %add3A_259 : i32 to index
        %get3A_296 = arith.constant 48 : index
        %get3A_297 = tpu.vector_load %arg10[%get3A_294, %get3A_295, %get3A_296] {strides = array<i32>} : memref<2x80x128xf32, #tpu.memory_space<vmem>>, vector<16xf32>,
        %mul3A_298 = arith.mulf %get3A_297, %gather3A_267 : vector<16xf32>
        %swap3A_299 = arith.index_cast %rem3A_199 : i32 to index
        %swap3A_300 = arith.index_cast %add3A_259 : i32 to index
        %swap3A_301 = arith.constant 48 : index
        %swap3A_302 = tpu.vector_load %arg11[%swap3A_299, %swap3A_300, %swap3A_301] {strides = array<i32>} : memref<2x80x136xf32, #tpu.memory_space<vmem>>, vector<16xf32>,
        tpu.vector_store %arg11[%swap3A_299, %swap3A_300, %swap3A_301], %mul3A_298 {strides = array<i32>} : memref<2x80x136xf32, #tpu.memory_space<vmem>>, vector<16xf32>,
        %get3A_303 = arith.index_cast %rem3A_199 : i32 to index
        %get3A_304 = arith.index_cast %add3A_259 : i32 to index
        %get3A_305 = arith.constant 64 : index
        %get3A_306 = tpu.vector_load %arg10[%get3A_303, %get3A_304, %get3A_305] {strides = array<i32>} : memref<2x80x128xf32, #tpu.memory_space<vmem>>, vector<16xf32>,
        %mul3A_307 = arith.mulf %get3A_306, %gather3A_267 : vector<16xf32>
        %swap3A_308 = arith.index_cast %rem3A_199 : i32 to index
        %swap3A_309 = arith.index_cast %add3A_259 : i32 to index
        %swap3A_310 = arith.constant 64 : index
        %swap3A_311 = tpu.vector_load %arg11[%swap3A_308, %swap3A_309, %swap3A_310] {strides = array<i32>} : memref<2x80x136xf32, #tpu.memory_space<vmem>>, vector<16xf32>,
        tpu.vector_store %arg11[%swap3A_308, %swap3A_309, %swap3A_310], %mul3A_307 {strides = array<i32>} : memref<2x80x136xf32, #tpu.memory_space<vmem>>, vector<16xf32>,
        %get3A_312 = arith.index_cast %rem3A_199 : i32 to index
        %get3A_313 = arith.index_cast %add3A_259 : i32 to index
        %get3A_314 = arith.constant 80 : index
        %get3A_315 = tpu.vector_load %arg10[%get3A_312, %get3A_313, %get3A_314] {strides = array<i32>} : memref<2x80x128xf32, #tpu.memory_space<vmem>>, vector<16xf32>,
        %mul3A_316 = arith.mulf %get3A_315, %gather3A_267 : vector<16xf32>
        %swap3A_317 = arith.index_cast %rem3A_199 : i32 to index
        %swap3A_318 = arith.index_cast %add3A_259 : i32 to index
        %swap3A_319 = arith.constant 80 : index
        %swap3A_320 = tpu.vector_load %arg11[%swap3A_317, %swap3A_318, %swap3A_319] {strides = array<i32>} : memref<2x80x136xf32, #tpu.memory_space<vmem>>, vector<16xf32>,
        tpu.vector_store %arg11[%swap3A_317, %swap3A_318, %swap3A_319], %mul3A_316 {strides = array<i32>} : memref<2x80x136xf32, #tpu.memory_space<vmem>>, vector<16xf32>,
        %get3A_321 = arith.index_cast %rem3A_199 : i32 to index
        %get3A_322 = arith.index_cast %add3A_259 : i32 to index
        %get3A_323 = arith.constant 96 : index
        %get3A_324 = tpu.vector_load %arg10[%get3A_321, %get3A_322, %get3A_323] {strides = array<i32>} : memref<2x80x128xf32, #tpu.memory_space<vmem>>, vector<16xf32>,
        %mul3A_325 = arith.mulf %get3A_324, %gather3A_267 : vector<16xf32>
        %swap3A_326 = arith.index_cast %rem3A_199 : i32 to index
        %swap3A_327 = arith.index_cast %add3A_259 : i32 to index
        %swap3A_328 = arith.constant 96 : index
        %swap3A_329 = tpu.vector_load %arg11[%swap3A_326, %swap3A_327, %swap3A_328] {strides = array<i32>} : memref<2x80x136xf32, #tpu.memory_space<vmem>>, vector<16xf32>,
        tpu.vector_store %arg11[%swap3A_326, %swap3A_327, %swap3A_328], %mul3A_325 {strides = array<i32>} : memref<2x80x136xf32, #tpu.memory_space<vmem>>, vector<16xf32>,
        %get3A_330 = arith.index_cast %rem3A_199 : i32 to index
        %get3A_331 = arith.index_cast %add3A_259 : i32 to index
        %get3A_332 = arith.constant 112 : index
        %get3A_333 = tpu.vector_load %arg10[%get3A_330, %get3A_331, %get3A_332] {strides = array<i32>} : memref<2x80x128xf32, #tpu.memory_space<vmem>>, vector<16xf32>,
        %mul3A_334 = arith.mulf %get3A_333, %gather3A_267 : vector<16xf32>
        %swap3A_335 = arith.index_cast %rem3A_199 : i32 to index
        %swap3A_336 = arith.index_cast %add3A_259 : i32 to index
        %swap3A_337 = arith.constant 112 : index
        %swap3A_338 = tpu.vector_load %arg11[%swap3A_335, %swap3A_336, %swap3A_337] {strides = array<i32>} : memref<2x80x136xf32, #tpu.memory_space<vmem>>, vector<16xf32>,
        tpu.vector_store %arg11[%swap3A_335, %swap3A_336, %swap3A_337], %mul3A_334 {strides = array<i32>} : memref<2x80x136xf32, #tpu.memory_space<vmem>>, vector<16xf32>,
        %mul3A_339 = arith.constant 16 : i32
        %mul3A_340 = arith.muli %scan3A_251, %mul3A_339 : i32
        %add3A_341 = arith.constant 1 : i32
        %add3A_342 = arith.addi %mul3A_340, %add3A_341 : i32
        %mul3A_343 = arith.constant 0 : i32
        %mul3A_344 = vector.broadcast %mul3A_343 : i32 to vector<16xi32>
        %mul3A_345 = arith.muli %iota3A, %mul3A_344 : vector<16xi32>
        %add3A_346 = arith.constant 1 : i32
        %add3A_347 = vector.broadcast %add3A_346 : i32 to vector<16xi32>
        %add3A_348 = arith.addi %mul3A_345, %add3A_347 : vector<16xi32>
        %broadcast_in_dim3A_349 = vector.shape_cast %add3A_348 : vector<16xi32> to vector<16x1xi32>
        %gather3A_350 = vector.shape_cast %broadcast_in_dim3A_349 : vector<16x1xi32> to vector<16xi32>
        %gather3A_351 = tpu.dynamic_gather %get3A_255[%gather3A_350] in [0] : vector<16xf32>, vector<16xi32> -> vector<16xf32>
        %get3A_352 = arith.index_cast %rem3A_199 : i32 to index
        %get3A_353 = arith.index_cast %add3A_342 : i32 to index
        %get3A_354 = arith.constant 0 : index
        %get3A_355 = tpu.vector_load %arg10[%get3A_352, %get3A_353, %get3A_354] {strides = array<i32>} : memref<2x80x128xf32, #tpu.memory_space<vmem>>, vector<16xf32>,
        %mul3A_356 = arith.mulf %get3A_355, %gather3A_351 : vector<16xf32>
        %swap3A_357 = arith.index_cast %rem3A_199 : i32 to index
        %swap3A_358 = arith.index_cast %add3A_342 : i32 to index
        %swap3A_359 = arith.constant 0 : index
        %swap3A_360 = tpu.vector_load %arg11[%swap3A_357, %swap3A_358, %swap3A_359] {strides = array<i32>} : memref<2x80x136xf32, #tpu.memory_space<vmem>>, vector<16xf32>,
        tpu.vector_store %arg11[%swap3A_357, %swap3A_358, %swap3A_359], %mul3A_356 {strides = array<i32>} : memref<2x80x136xf32, #tpu.memory_space<vmem>>, vector<16xf32>,
        %get3A_361 = arith.index_cast %rem3A_199 : i32 to index
        %get3A_362 = arith.index_cast %add3A_342 : i32 to index
        %get3A_363 = arith.constant 16 : index
        %get3A_364 = tpu.vector_load %arg10[%get3A_361, %get3A_362, %get3A_363] {strides = array<i32>} : memref<2x80x128xf32, #tpu.memory_space<vmem>>, vector<16xf32>,
        %mul3A_365 = arith.mulf %get3A_364, %gather3A_351 : vector<16xf32>
        %swap3A_366 = arith.index_cast %rem3A_199 : i32 to index
        %swap3A_367 = arith.index_cast %add3A_342 : i32 to index
        %swap3A_368 = arith.constant 16 : index
        %swap3A_369 = tpu.vector_load %arg11[%swap3A_366, %swap3A_367, %swap3A_368] {strides = array<i32>} : memref<2x80x136xf32, #tpu.memory_space<vmem>>, vector<16xf32>,
        tpu.vector_store %arg11[%swap3A_366, %swap3A_367, %swap3A_368], %mul3A_365 {strides = array<i32>} : memref<2x80x136xf32, #tpu.memory_space<vmem>>, vector<16xf32>,
        %get3A_370 = arith.index_cast %rem3A_199 : i32 to index
        %get3A_371 = arith.index_cast %add3A_342 : i32 to index
        %get3A_372 = arith.constant 32 : index
        %get3A_373 = tpu.vector_load %arg10[%get3A_370, %get3A_371, %get3A_372] {strides = array<i32>} : memref<2x80x128xf32, #tpu.memory_space<vmem>>, vector<16xf32>,
        %mul3A_374 = arith.mulf %get3A_373, %gather3A_351 : vector<16xf32>
        %swap3A_375 = arith.index_cast %rem3A_199 : i32 to index
        %swap3A_376 = arith.index_cast %add3A_342 : i32 to index
        %swap3A_377 = arith.constant 32 : index
        %swap3A_378 = tpu.vector_load %arg11[%swap3A_375, %swap3A_376, %swap3A_377] {strides = array<i32>} : memref<2x80x136xf32, #tpu.memory_space<vmem>>, vector<16xf32>,
        tpu.vector_store %arg11[%swap3A_375, %swap3A_376, %swap3A_377], %mul3A_374 {strides = array<i32>} : memref<2x80x136xf32, #tpu.memory_space<vmem>>, vector<16xf32>,
        %get3A_379 = arith.index_cast %rem3A_199 : i32 to index
        %get3A_380 = arith.index_cast %add3A_342 : i32 to index
        %get3A_381 = arith.constant 48 : index
        %get3A_382 = tpu.vector_load %arg10[%get3A_379, %get3A_380, %get3A_381] {strides = array<i32>} : memref<2x80x128xf32, #tpu.memory_space<vmem>>, vector<16xf32>,
        %mul3A_383 = arith.mulf %get3A_382, %gather3A_351 : vector<16xf32>
        %swap3A_384 = arith.index_cast %rem3A_199 : i32 to index
        %swap3A_385 = arith.index_cast %add3A_342 : i32 to index
        %swap3A_386 = arith.constant 48 : index
        %swap3A_387 = tpu.vector_load %arg11[%swap3A_384, %swap3A_385, %swap3A_386] {strides = array<i32>} : memref<2x80x136xf32, #tpu.memory_space<vmem>>, vector<16xf32>,
        tpu.vector_store %arg11[%swap3A_384, %swap3A_385, %swap3A_386], %mul3A_383 {strides = array<i32>} : memref<2x80x136xf32, #tpu.memory_space<vmem>>, vector<16xf32>,
        %get3A_388 = arith.index_cast %rem3A_199 : i32 to index
        %get3A_389 = arith.index_cast %add3A_342 : i32 to index
        %get3A_390 = arith.constant 64 : index
        %get3A_391 = tpu.vector_load %arg10[%get3A_388, %get3A_389, %get3A_390] {strides = array<i32>} : memref<2x80x128xf32, #tpu.memory_space<vmem>>, vector<16xf32>,
        %mul3A_392 = arith.mulf %get3A_391, %gather3A_351 : vector<16xf32>
        %swap3A_393 = arith.index_cast %rem3A_199 : i32 to index
        %swap3A_394 = arith.index_cast %add3A_342 : i32 to index
        %swap3A_395 = arith.constant 64 : index
        %swap3A_396 = tpu.vector_load %arg11[%swap3A_393, %swap3A_394, %swap3A_395] {strides = array<i32>} : memref<2x80x136xf32, #tpu.memory_space<vmem>>, vector<16xf32>,
        tpu.vector_store %arg11[%swap3A_393, %swap3A_394, %swap3A_395], %mul3A_392 {strides = array<i32>} : memref<2x80x136xf32, #tpu.memory_space<vmem>>, vector<16xf32>,
        %get3A_397 = arith.index_cast %rem3A_199 : i32 to index
        %get3A_398 = arith.index_cast %add3A_342 : i32 to index
        %get3A_399 = arith.constant 80 : index
        %get3A_400 = tpu.vector_load %arg10[%get3A_397, %get3A_398, %get3A_399] {strides = array<i32>} : memref<2x80x128xf32, #tpu.memory_space<vmem>>, vector<16xf32>,
        %mul3A_401 = arith.mulf %get3A_400, %gather3A_351 : vector<16xf32>
        %swap3A_402 = arith.index_cast %rem3A_199 : i32 to index
        %swap3A_403 = arith.index_cast %add3A_342 : i32 to index
        %swap3A_404 = arith.constant 80 : index
        %swap3A_405 = tpu.vector_load %arg11[%swap3A_402, %swap3A_403, %swap3A_404] {strides = array<i32>} : memref<2x80x136xf32, #tpu.memory_space<vmem>>, vector<16xf32>,
        tpu.vector_store %arg11[%swap3A_402, %swap3A_403, %swap3A_404], %mul3A_401 {strides = array<i32>} : memref<2x80x136xf32, #tpu.memory_space<vmem>>, vector<16xf32>,
        %get3A_406 = arith.index_cast %rem3A_199 : i32 to index
        %get3A_407 = arith.index_cast %add3A_342 : i32 to index
        %get3A_408 = arith.constant 96 : index
        %get3A_409 = tpu.vector_load %arg10[%get3A_406, %get3A_407, %get3A_408] {strides = array<i32>} : memref<2x80x128xf32, #tpu.memory_space<vmem>>, vector<16xf32>,
        %mul3A_410 = arith.mulf %get3A_409, %gather3A_351 : vector<16xf32>
        %swap3A_411 = arith.index_cast %rem3A_199 : i32 to index
        %swap3A_412 = arith.index_cast %add3A_342 : i32 to index
        %swap3A_413 = arith.constant 96 : index
        %swap3A_414 = tpu.vector_load %arg11[%swap3A_411, %swap3A_412, %swap3A_413] {strides = array<i32>} : memref<2x80x136xf32, #tpu.memory_space<vmem>>, vector<16xf32>,
        tpu.vector_store %arg11[%swap3A_411, %swap3A_412, %swap3A_413], %mul3A_410 {strides = array<i32>} : memref<2x80x136xf32, #tpu.memory_space<vmem>>, vector<16xf32>,
        %get3A_415 = arith.index_cast %rem3A_199 : i32 to index
        %get3A_416 = arith.index_cast %add3A_342 : i32 to index
        %get3A_417 = arith.constant 112 : index
        %get3A_418 = tpu.vector_load %arg10[%get3A_415, %get3A_416, %get3A_417] {strides = array<i32>} : memref<2x80x128xf32, #tpu.memory_space<vmem>>, vector<16xf32>,
        %mul3A_419 = arith.mulf %get3A_418, %gather3A_351 : vector<16xf32>
        %swap3A_420 = arith.index_cast %rem3A_199 : i32 to index
        %swap3A_421 = arith.index_cast %add3A_342 : i32 to index
        %swap3A_422 = arith.constant 112 : index
        %swap3A_423 = tpu.vector_load %arg11[%swap3A_420, %swap3A_421, %swap3A_422] {strides = array<i32>} : memref<2x80x136xf32, #tpu.memory_space<vmem>>, vector<16xf32>,
        tpu.vector_store %arg11[%swap3A_420, %swap3A_421, %swap3A_422], %mul3A_419 {strides = array<i32>} : memref<2x80x136xf32, #tpu.memory_space<vmem>>, vector<16xf32>,
        %mul3A_424 = arith.constant 16 : i32
        %mul3A_425 = arith.muli %scan3A_251, %mul3A_424 : i32
        %add3A_426 = arith.constant 2 : i32
        %add3A_427 = arith.addi %mul3A_425, %add3A_426 : i32
        %mul3A_428 = arith.constant 0 : i32
        %mul3A_429 = vector.broadcast %mul3A_428 : i32 to vector<16xi32>
        %mul3A_430 = arith.muli %iota3A, %mul3A_429 : vector<16xi32>
        %add3A_431 = arith.constant 2 : i32
        %add3A_432 = vector.broadcast %add3A_431 : i32 to vector<16xi32>
        %add3A_433 = arith.addi %mul3A_430, %add3A_432 : vector<16xi32>
        %broadcast_in_dim3A_434 = vector.shape_cast %add3A_433 : vector<16xi32> to vector<16x1xi32>
        %gather3A_435 = vector.shape_cast %broadcast_in_dim3A_434 : vector<16x1xi32> to vector<16xi32>
        %gather3A_436 = tpu.dynamic_gather %get3A_255[%gather3A_435] in [0] : vector<16xf32>, vector<16xi32> -> vector<16xf32>
        %get3A_437 = arith.index_cast %rem3A_199 : i32 to index
        %get3A_438 = arith.index_cast %add3A_427 : i32 to index
        %get3A_439 = arith.constant 0 : index
        %get3A_440 = tpu.vector_load %arg10[%get3A_437, %get3A_438, %get3A_439] {strides = array<i32>} : memref<2x80x128xf32, #tpu.memory_space<vmem>>, vector<16xf32>,
        %mul3A_441 = arith.mulf %get3A_440, %gather3A_436 : vector<16xf32>
        %swap3A_442 = arith.index_cast %rem3A_199 : i32 to index
        %swap3A_443 = arith.index_cast %add3A_427 : i32 to index
        %swap3A_444 = arith.constant 0 : index
        %swap3A_445 = tpu.vector_load %arg11[%swap3A_442, %swap3A_443, %swap3A_444] {strides = array<i32>} : memref<2x80x136xf32, #tpu.memory_space<vmem>>, vector<16xf32>,
        tpu.vector_store %arg11[%swap3A_442, %swap3A_443, %swap3A_444], %mul3A_441 {strides = array<i32>} : memref<2x80x136xf32, #tpu.memory_space<vmem>>, vector<16xf32>,
        %get3A_446 = arith.index_cast %rem3A_199 : i32 to index
        %get3A_447 = arith.index_cast %add3A_427 : i32 to index
        %get3A_448 = arith.constant 16 : index
        %get3A_449 = tpu.vector_load %arg10[%get3A_446, %get3A_447, %get3A_448] {strides = array<i32>} : memref<2x80x128xf32, #tpu.memory_space<vmem>>, vector<16xf32>,
        %mul3A_450 = arith.mulf %get3A_449, %gather3A_436 : vector<16xf32>
        %swap3A_451 = arith.index_cast %rem3A_199 : i32 to index
        %swap3A_452 = arith.index_cast %add3A_427 : i32 to index
        %swap3A_453 = arith.constant 16 : index
        %swap3A_454 = tpu.vector_load %arg11[%swap3A_451, %swap3A_452, %swap3A_453] {strides = array<i32>} : memref<2x80x136xf32, #tpu.memory_space<vmem>>, vector<16xf32>,
        tpu.vector_store %arg11[%swap3A_451, %swap3A_452, %swap3A_453], %mul3A_450 {strides = array<i32>} : memref<2x80x136xf32, #tpu.memory_space<vmem>>, vector<16xf32>,
        %get3A_455 = arith.index_cast %rem3A_199 : i32 to index
        %get3A_456 = arith.index_cast %add3A_427 : i32 to index
        %get3A_457 = arith.constant 32 : index
        %get3A_458 = tpu.vector_load %arg10[%get3A_455, %get3A_456, %get3A_457] {strides = array<i32>} : memref<2x80x128xf32, #tpu.memory_space<vmem>>, vector<16xf32>,
        %mul3A_459 = arith.mulf %get3A_458, %gather3A_436 : vector<16xf32>
        %swap3A_460 = arith.index_cast %rem3A_199 : i32 to index
        %swap3A_461 = arith.index_cast %add3A_427 : i32 to index
        %swap3A_462 = arith.constant 32 : index
        %swap3A_463 = tpu.vector_load %arg11[%swap3A_460, %swap3A_461, %swap3A_462] {strides = array<i32>} : memref<2x80x136xf32, #tpu.memory_space<vmem>>, vector<16xf32>,
        tpu.vector_store %arg11[%swap3A_460, %swap3A_461, %swap3A_462], %mul3A_459 {strides = array<i32>} : memref<2x80x136xf32, #tpu.memory_space<vmem>>, vector<16xf32>,
        %get3A_464 = arith.index_cast %rem3A_199 : i32 to index
        %get3A_465 = arith.index_cast %add3A_427 : i32 to index
        %get3A_466 = arith.constant 48 : index
        %get3A_467 = tpu.vector_load %arg10[%get3A_464, %get3A_465, %get3A_466] {strides = array<i32>} : memref<2x80x128xf32, #tpu.memory_space<vmem>>, vector<16xf32>,
        %mul3A_468 = arith.mulf %get3A_467, %gather3A_436 : vector<16xf32>
        %swap3A_469 = arith.index_cast %rem3A_199 : i32 to index
        %swap3A_470 = arith.index_cast %add3A_427 : i32 to index
        %swap3A_471 = arith.constant 48 : index
        %swap3A_472 = tpu.vector_load %arg11[%swap3A_469, %swap3A_470, %swap3A_471] {strides = array<i32>} : memref<2x80x136xf32, #tpu.memory_space<vmem>>, vector<16xf32>,
        tpu.vector_store %arg11[%swap3A_469, %swap3A_470, %swap3A_471], %mul3A_468 {strides = array<i32>} : memref<2x80x136xf32, #tpu.memory_space<vmem>>, vector<16xf32>,
        %get3A_473 = arith.index_cast %rem3A_199 : i32 to index
        %get3A_474 = arith.index_cast %add3A_427 : i32 to index
        %get3A_475 = arith.constant 64 : index
        %get3A_476 = tpu.vector_load %arg10[%get3A_473, %get3A_474, %get3A_475] {strides = array<i32>} : memref<2x80x128xf32, #tpu.memory_space<vmem>>, vector<16xf32>,
        %mul3A_477 = arith.mulf %get3A_476, %gather3A_436 : vector<16xf32>
        %swap3A_478 = arith.index_cast %rem3A_199 : i32 to index
        %swap3A_479 = arith.index_cast %add3A_427 : i32 to index
        %swap3A_480 = arith.constant 64 : index
        %swap3A_481 = tpu.vector_load %arg11[%swap3A_478, %swap3A_479, %swap3A_480] {strides = array<i32>} : memref<2x80x136xf32, #tpu.memory_space<vmem>>, vector<16xf32>,
        tpu.vector_store %arg11[%swap3A_478, %swap3A_479, %swap3A_480], %mul3A_477 {strides = array<i32>} : memref<2x80x136xf32, #tpu.memory_space<vmem>>, vector<16xf32>,
        %get3A_482 = arith.index_cast %rem3A_199 : i32 to index
        %get3A_483 = arith.index_cast %add3A_427 : i32 to index
        %get3A_484 = arith.constant 80 : index
        %get3A_485 = tpu.vector_load %arg10[%get3A_482, %get3A_483, %get3A_484] {strides = array<i32>} : memref<2x80x128xf32, #tpu.memory_space<vmem>>, vector<16xf32>,
        %mul3A_486 = arith.mulf %get3A_485, %gather3A_436 : vector<16xf32>
        %swap3A_487 = arith.index_cast %rem3A_199 : i32 to index
        %swap3A_488 = arith.index_cast %add3A_427 : i32 to index
        %swap3A_489 = arith.constant 80 : index
        %swap3A_490 = tpu.vector_load %arg11[%swap3A_487, %swap3A_488, %swap3A_489] {strides = array<i32>} : memref<2x80x136xf32, #tpu.memory_space<vmem>>, vector<16xf32>,
        tpu.vector_store %arg11[%swap3A_487, %swap3A_488, %swap3A_489], %mul3A_486 {strides = array<i32>} : memref<2x80x136xf32, #tpu.memory_space<vmem>>, vector<16xf32>,
        %get3A_491 = arith.index_cast %rem3A_199 : i32 to index
        %get3A_492 = arith.index_cast %add3A_427 : i32 to index
        %get3A_493 = arith.constant 96 : index
        %get3A_494 = tpu.vector_load %arg10[%get3A_491, %get3A_492, %get3A_493] {strides = array<i32>} : memref<2x80x128xf32, #tpu.memory_space<vmem>>, vector<16xf32>,
        %mul3A_495 = arith.mulf %get3A_494, %gather3A_436 : vector<16xf32>
        %swap3A_496 = arith.index_cast %rem3A_199 : i32 to index
        %swap3A_497 = arith.index_cast %add3A_427 : i32 to index
        %swap3A_498 = arith.constant 96 : index
        %swap3A_499 = tpu.vector_load %arg11[%swap3A_496, %swap3A_497, %swap3A_498] {strides = array<i32>} : memref<2x80x136xf32, #tpu.memory_space<vmem>>, vector<16xf32>,
        tpu.vector_store %arg11[%swap3A_496, %swap3A_497, %swap3A_498], %mul3A_495 {strides = array<i32>} : memref<2x80x136xf32, #tpu.memory_space<vmem>>, vector<16xf32>,
        %get3A_500 = arith.index_cast %rem3A_199 : i32 to index
        %get3A_501 = arith.index_cast %add3A_427 : i32 to index
        %get3A_502 = arith.constant 112 : index
        %get3A_503 = tpu.vector_load %arg10[%get3A_500, %get3A_501, %get3A_502] {strides = array<i32>} : memref<2x80x128xf32, #tpu.memory_space<vmem>>, vector<16xf32>,
        %mul3A_504 = arith.mulf %get3A_503, %gather3A_436 : vector<16xf32>
        %swap3A_505 = arith.index_cast %rem3A_199 : i32 to index
        %swap3A_506 = arith.index_cast %add3A_427 : i32 to index
        %swap3A_507 = arith.constant 112 : index
        %swap3A_508 = tpu.vector_load %arg11[%swap3A_505, %swap3A_506, %swap3A_507] {strides = array<i32>} : memref<2x80x136xf32, #tpu.memory_space<vmem>>, vector<16xf32>,
        tpu.vector_store %arg11[%swap3A_505, %swap3A_506, %swap3A_507], %mul3A_504 {strides = array<i32>} : memref<2x80x136xf32, #tpu.memory_space<vmem>>, vector<16xf32>,
        %mul3A_509 = arith.constant 16 : i32
        %mul3A_510 = arith.muli %scan3A_251, %mul3A_509 : i32
        %add3A_511 = arith.constant 3 : i32
        %add3A_512 = arith.addi %mul3A_510, %add3A_511 : i32
        %mul3A_513 = arith.constant 0 : i32
        %mul3A_514 = vector.broadcast %mul3A_513 : i32 to vector<16xi32>
        %mul3A_515 = arith.muli %iota3A, %mul3A_514 : vector<16xi32>
        %add3A_516 = arith.constant 3 : i32
        %add3A_517 = vector.broadcast %add3A_516 : i32 to vector<16xi32>
        %add3A_518 = arith.addi %mul3A_515, %add3A_517 : vector<16xi32>
        %broadcast_in_dim3A_519 = vector.shape_cast %add3A_518 : vector<16xi32> to vector<16x1xi32>
        %gather3A_520 = vector.shape_cast %broadcast_in_dim3A_519 : vector<16x1xi32> to vector<16xi32>
        %gather3A_521 = tpu.dynamic_gather %get3A_255[%gather3A_520] in [0] : vector<16xf32>, vector<16xi32> -> vector<16xf32>
        %get3A_522 = arith.index_cast %rem3A_199 : i32 to index
        %get3A_523 = arith.index_cast %add3A_512 : i32 to index
        %get3A_524 = arith.constant 0 : index
        %get3A_525 = tpu.vector_load %arg10[%get3A_522, %get3A_523, %get3A_524] {strides = array<i32>} : memref<2x80x128xf32, #tpu.memory_space<vmem>>, vector<16xf32>,
        %mul3A_526 = arith.mulf %get3A_525, %gather3A_521 : vector<16xf32>
        %swap3A_527 = arith.index_cast %rem3A_199 : i32 to index
        %swap3A_528 = arith.index_cast %add3A_512 : i32 to index
        %swap3A_529 = arith.constant 0 : index
        %swap3A_530 = tpu.vector_load %arg11[%swap3A_527, %swap3A_528, %swap3A_529] {strides = array<i32>} : memref<2x80x136xf32, #tpu.memory_space<vmem>>, vector<16xf32>,
        tpu.vector_store %arg11[%swap3A_527, %swap3A_528, %swap3A_529], %mul3A_526 {strides = array<i32>} : memref<2x80x136xf32, #tpu.memory_space<vmem>>, vector<16xf32>,
        %get3A_531 = arith.index_cast %rem3A_199 : i32 to index
        %get3A_532 = arith.index_cast %add3A_512 : i32 to index
        %get3A_533 = arith.constant 16 : index
        %get3A_534 = tpu.vector_load %arg10[%get3A_531, %get3A_532, %get3A_533] {strides = array<i32>} : memref<2x80x128xf32, #tpu.memory_space<vmem>>, vector<16xf32>,
        %mul3A_535 = arith.mulf %get3A_534, %gather3A_521 : vector<16xf32>
        %swap3A_536 = arith.index_cast %rem3A_199 : i32 to index
        %swap3A_537 = arith.index_cast %add3A_512 : i32 to index
        %swap3A_538 = arith.constant 16 : index
        %swap3A_539 = tpu.vector_load %arg11[%swap3A_536, %swap3A_537, %swap3A_538] {strides = array<i32>} : memref<2x80x136xf32, #tpu.memory_space<vmem>>, vector<16xf32>,
        tpu.vector_store %arg11[%swap3A_536, %swap3A_537, %swap3A_538], %mul3A_535 {strides = array<i32>} : memref<2x80x136xf32, #tpu.memory_space<vmem>>, vector<16xf32>,
        %get3A_540 = arith.index_cast %rem3A_199 : i32 to index
        %get3A_541 = arith.index_cast %add3A_512 : i32 to index
        %get3A_542 = arith.constant 32 : index
        %get3A_543 = tpu.vector_load %arg10[%get3A_540, %get3A_541, %get3A_542] {strides = array<i32>} : memref<2x80x128xf32, #tpu.memory_space<vmem>>, vector<16xf32>,
        %mul3A_544 = arith.mulf %get3A_543, %gather3A_521 : vector<16xf32>
        %swap3A_545 = arith.index_cast %rem3A_199 : i32 to index
        %swap3A_546 = arith.index_cast %add3A_512 : i32 to index
        %swap3A_547 = arith.constant 32 : index
        %swap3A_548 = tpu.vector_load %arg11[%swap3A_545, %swap3A_546, %swap3A_547] {strides = array<i32>} : memref<2x80x136xf32, #tpu.memory_space<vmem>>, vector<16xf32>,
        tpu.vector_store %arg11[%swap3A_545, %swap3A_546, %swap3A_547], %mul3A_544 {strides = array<i32>} : memref<2x80x136xf32, #tpu.memory_space<vmem>>, vector<16xf32>,
        %get3A_549 = arith.index_cast %rem3A_199 : i32 to index
        %get3A_550 = arith.index_cast %add3A_512 : i32 to index
        %get3A_551 = arith.constant 48 : index
        %get3A_552 = tpu.vector_load %arg10[%get3A_549, %get3A_550, %get3A_551] {strides = array<i32>} : memref<2x80x128xf32, #tpu.memory_space<vmem>>, vector<16xf32>,
        %mul3A_553 = arith.mulf %get3A_552, %gather3A_521 : vector<16xf32>
        %swap3A_554 = arith.index_cast %rem3A_199 : i32 to index
        %swap3A_555 = arith.index_cast %add3A_512 : i32 to index
        %swap3A_556 = arith.constant 48 : index
        %swap3A_557 = tpu.vector_load %arg11[%swap3A_554, %swap3A_555, %swap3A_556] {strides = array<i32>} : memref<2x80x136xf32, #tpu.memory_space<vmem>>, vector<16xf32>,
        tpu.vector_store %arg11[%swap3A_554, %swap3A_555, %swap3A_556], %mul3A_553 {strides = array<i32>} : memref<2x80x136xf32, #tpu.memory_space<vmem>>, vector<16xf32>,
        %get3A_558 = arith.index_cast %rem3A_199 : i32 to index
        %get3A_559 = arith.index_cast %add3A_512 : i32 to index
        %get3A_560 = arith.constant 64 : index
        %get3A_561 = tpu.vector_load %arg10[%get3A_558, %get3A_559, %get3A_560] {strides = array<i32>} : memref<2x80x128xf32, #tpu.memory_space<vmem>>, vector<16xf32>,
        %mul3A_562 = arith.mulf %get3A_561, %gather3A_521 : vector<16xf32>
        %swap3A_563 = arith.index_cast %rem3A_199 : i32 to index
        %swap3A_564 = arith.index_cast %add3A_512 : i32 to index
        %swap3A_565 = arith.constant 64 : index
        %swap3A_566 = tpu.vector_load %arg11[%swap3A_563, %swap3A_564, %swap3A_565] {strides = array<i32>} : memref<2x80x136xf32, #tpu.memory_space<vmem>>, vector<16xf32>,
        tpu.vector_store %arg11[%swap3A_563, %swap3A_564, %swap3A_565], %mul3A_562 {strides = array<i32>} : memref<2x80x136xf32, #tpu.memory_space<vmem>>, vector<16xf32>,
        %get3A_567 = arith.index_cast %rem3A_199 : i32 to index
        %get3A_568 = arith.index_cast %add3A_512 : i32 to index
        %get3A_569 = arith.constant 80 : index
        %get3A_570 = tpu.vector_load %arg10[%get3A_567, %get3A_568, %get3A_569] {strides = array<i32>} : memref<2x80x128xf32, #tpu.memory_space<vmem>>, vector<16xf32>,
        %mul3A_571 = arith.mulf %get3A_570, %gather3A_521 : vector<16xf32>
        %swap3A_572 = arith.index_cast %rem3A_199 : i32 to index
        %swap3A_573 = arith.index_cast %add3A_512 : i32 to index
        %swap3A_574 = arith.constant 80 : index
        %swap3A_575 = tpu.vector_load %arg11[%swap3A_572, %swap3A_573, %swap3A_574] {strides = array<i32>} : memref<2x80x136xf32, #tpu.memory_space<vmem>>, vector<16xf32>,
        tpu.vector_store %arg11[%swap3A_572, %swap3A_573, %swap3A_574], %mul3A_571 {strides = array<i32>} : memref<2x80x136xf32, #tpu.memory_space<vmem>>, vector<16xf32>,
        %get3A_576 = arith.index_cast %rem3A_199 : i32 to index
        %get3A_577 = arith.index_cast %add3A_512 : i32 to index
        %get3A_578 = arith.constant 96 : index
        %get3A_579 = tpu.vector_load %arg10[%get3A_576, %get3A_577, %get3A_578] {strides = array<i32>} : memref<2x80x128xf32, #tpu.memory_space<vmem>>, vector<16xf32>,
        %mul3A_580 = arith.mulf %get3A_579, %gather3A_521 : vector<16xf32>
        %swap3A_581 = arith.index_cast %rem3A_199 : i32 to index
        %swap3A_582 = arith.index_cast %add3A_512 : i32 to index
        %swap3A_583 = arith.constant 96 : index
        %swap3A_584 = tpu.vector_load %arg11[%swap3A_581, %swap3A_582, %swap3A_583] {strides = array<i32>} : memref<2x80x136xf32, #tpu.memory_space<vmem>>, vector<16xf32>,
        tpu.vector_store %arg11[%swap3A_581, %swap3A_582, %swap3A_583], %mul3A_580 {strides = array<i32>} : memref<2x80x136xf32, #tpu.memory_space<vmem>>, vector<16xf32>,
        %get3A_585 = arith.index_cast %rem3A_199 : i32 to index
        %get3A_586 = arith.index_cast %add3A_512 : i32 to index
        %get3A_587 = arith.constant 112 : index
        %get3A_588 = tpu.vector_load %arg10[%get3A_585, %get3A_586, %get3A_587] {strides = array<i32>} : memref<2x80x128xf32, #tpu.memory_space<vmem>>, vector<16xf32>,
        %mul3A_589 = arith.mulf %get3A_588, %gather3A_521 : vector<16xf32>
        %swap3A_590 = arith.index_cast %rem3A_199 : i32 to index
        %swap3A_591 = arith.index_cast %add3A_512 : i32 to index
        %swap3A_592 = arith.constant 112 : index
        %swap3A_593 = tpu.vector_load %arg11[%swap3A_590, %swap3A_591, %swap3A_592] {strides = array<i32>} : memref<2x80x136xf32, #tpu.memory_space<vmem>>, vector<16xf32>,
        tpu.vector_store %arg11[%swap3A_590, %swap3A_591, %swap3A_592], %mul3A_589 {strides = array<i32>} : memref<2x80x136xf32, #tpu.memory_space<vmem>>, vector<16xf32>,
        %mul3A_594 = arith.constant 16 : i32
        %mul3A_595 = arith.muli %scan3A_251, %mul3A_594 : i32
        %add3A_596 = arith.constant 4 : i32
        %add3A_597 = arith.addi %mul3A_595, %add3A_596 : i32
        %mul3A_598 = arith.constant 0 : i32
        %mul3A_599 = vector.broadcast %mul3A_598 : i32 to vector<16xi32>
        %mul3A_600 = arith.muli %iota3A, %mul3A_599 : vector<16xi32>
        %add3A_601 = arith.constant 4 : i32
        %add3A_602 = vector.broadcast %add3A_601 : i32 to vector<16xi32>
        %add3A_603 = arith.addi %mul3A_600, %add3A_602 : vector<16xi32>
        %broadcast_in_dim3A_604 = vector.shape_cast %add3A_603 : vector<16xi32> to vector<16x1xi32>
        %gather3A_605 = vector.shape_cast %broadcast_in_dim3A_604 : vector<16x1xi32> to vector<16xi32>
        %gather3A_606 = tpu.dynamic_gather %get3A_255[%gather3A_605] in [0] : vector<16xf32>, vector<16xi32> -> vector<16xf32>
        %get3A_607 = arith.index_cast %rem3A_199 : i32 to index
        %get3A_608 = arith.index_cast %add3A_597 : i32 to index
        %get3A_609 = arith.constant 0 : index
        %get3A_610 = tpu.vector_load %arg10[%get3A_607, %get3A_608, %get3A_609] {strides = array<i32>} : memref<2x80x128xf32, #tpu.memory_space<vmem>>, vector<16xf32>,
        %mul3A_611 = arith.mulf %get3A_610, %gather3A_606 : vector<16xf32>
        %swap3A_612 = arith.index_cast %rem3A_199 : i32 to index
        %swap3A_613 = arith.index_cast %add3A_597 : i32 to index
        %swap3A_614 = arith.constant 0 : index
        %swap3A_615 = tpu.vector_load %arg11[%swap3A_612, %swap3A_613, %swap3A_614] {strides = array<i32>} : memref<2x80x136xf32, #tpu.memory_space<vmem>>, vector<16xf32>,
        tpu.vector_store %arg11[%swap3A_612, %swap3A_613, %swap3A_614], %mul3A_611 {strides = array<i32>} : memref<2x80x136xf32, #tpu.memory_space<vmem>>, vector<16xf32>,
        %get3A_616 = arith.index_cast %rem3A_199 : i32 to index
        %get3A_617 = arith.index_cast %add3A_597 : i32 to index
        %get3A_618 = arith.constant 16 : index
        %get3A_619 = tpu.vector_load %arg10[%get3A_616, %get3A_617, %get3A_618] {strides = array<i32>} : memref<2x80x128xf32, #tpu.memory_space<vmem>>, vector<16xf32>,
        %mul3A_620 = arith.mulf %get3A_619, %gather3A_606 : vector<16xf32>
        %swap3A_621 = arith.index_cast %rem3A_199 : i32 to index
        %swap3A_622 = arith.index_cast %add3A_597 : i32 to index
        %swap3A_623 = arith.constant 16 : index
        %swap3A_624 = tpu.vector_load %arg11[%swap3A_621, %swap3A_622, %swap3A_623] {strides = array<i32>} : memref<2x80x136xf32, #tpu.memory_space<vmem>>, vector<16xf32>,
        tpu.vector_store %arg11[%swap3A_621, %swap3A_622, %swap3A_623], %mul3A_620 {strides = array<i32>} : memref<2x80x136xf32, #tpu.memory_space<vmem>>, vector<16xf32>,
        %get3A_625 = arith.index_cast %rem3A_199 : i32 to index
        %get3A_626 = arith.index_cast %add3A_597 : i32 to index
        %get3A_627 = arith.constant 32 : index
        %get3A_628 = tpu.vector_load %arg10[%get3A_625, %get3A_626, %get3A_627] {strides = array<i32>} : memref<2x80x128xf32, #tpu.memory_space<vmem>>, vector<16xf32>,
        %mul3A_629 = arith.mulf %get3A_628, %gather3A_606 : vector<16xf32>
        %swap3A_630 = arith.index_cast %rem3A_199 : i32 to index
        %swap3A_631 = arith.index_cast %add3A_597 : i32 to index
        %swap3A_632 = arith.constant 32 : index
        %swap3A_633 = tpu.vector_load %arg11[%swap3A_630, %swap3A_631, %swap3A_632] {strides = array<i32>} : memref<2x80x136xf32, #tpu.memory_space<vmem>>, vector<16xf32>,
        tpu.vector_store %arg11[%swap3A_630, %swap3A_631, %swap3A_632], %mul3A_629 {strides = array<i32>} : memref<2x80x136xf32, #tpu.memory_space<vmem>>, vector<16xf32>,
        %get3A_634 = arith.index_cast %rem3A_199 : i32 to index
        %get3A_635 = arith.index_cast %add3A_597 : i32 to index
        %get3A_636 = arith.constant 48 : index
        %get3A_637 = tpu.vector_load %arg10[%get3A_634, %get3A_635, %get3A_636] {strides = array<i32>} : memref<2x80x128xf32, #tpu.memory_space<vmem>>, vector<16xf32>,
        %mul3A_638 = arith.mulf %get3A_637, %gather3A_606 : vector<16xf32>
        %swap3A_639 = arith.index_cast %rem3A_199 : i32 to index
        %swap3A_640 = arith.index_cast %add3A_597 : i32 to index
        %swap3A_641 = arith.constant 48 : index
        %swap3A_642 = tpu.vector_load %arg11[%swap3A_639, %swap3A_640, %swap3A_641] {strides = array<i32>} : memref<2x80x136xf32, #tpu.memory_space<vmem>>, vector<16xf32>,
        tpu.vector_store %arg11[%swap3A_639, %swap3A_640, %swap3A_641], %mul3A_638 {strides = array<i32>} : memref<2x80x136xf32, #tpu.memory_space<vmem>>, vector<16xf32>,
        %get3A_643 = arith.index_cast %rem3A_199 : i32 to index
        %get3A_644 = arith.index_cast %add3A_597 : i32 to index
        %get3A_645 = arith.constant 64 : index
        %get3A_646 = tpu.vector_load %arg10[%get3A_643, %get3A_644, %get3A_645] {strides = array<i32>} : memref<2x80x128xf32, #tpu.memory_space<vmem>>, vector<16xf32>,
        %mul3A_647 = arith.mulf %get3A_646, %gather3A_606 : vector<16xf32>
        %swap3A_648 = arith.index_cast %rem3A_199 : i32 to index
        %swap3A_649 = arith.index_cast %add3A_597 : i32 to index
        %swap3A_650 = arith.constant 64 : index
        %swap3A_651 = tpu.vector_load %arg11[%swap3A_648, %swap3A_649, %swap3A_650] {strides = array<i32>} : memref<2x80x136xf32, #tpu.memory_space<vmem>>, vector<16xf32>,
        tpu.vector_store %arg11[%swap3A_648, %swap3A_649, %swap3A_650], %mul3A_647 {strides = array<i32>} : memref<2x80x136xf32, #tpu.memory_space<vmem>>, vector<16xf32>,
        %get3A_652 = arith.index_cast %rem3A_199 : i32 to index
        %get3A_653 = arith.index_cast %add3A_597 : i32 to index
        %get3A_654 = arith.constant 80 : index
        %get3A_655 = tpu.vector_load %arg10[%get3A_652, %get3A_653, %get3A_654] {strides = array<i32>} : memref<2x80x128xf32, #tpu.memory_space<vmem>>, vector<16xf32>,
        %mul3A_656 = arith.mulf %get3A_655, %gather3A_606 : vector<16xf32>
        %swap3A_657 = arith.index_cast %rem3A_199 : i32 to index
        %swap3A_658 = arith.index_cast %add3A_597 : i32 to index
        %swap3A_659 = arith.constant 80 : index
        %swap3A_660 = tpu.vector_load %arg11[%swap3A_657, %swap3A_658, %swap3A_659] {strides = array<i32>} : memref<2x80x136xf32, #tpu.memory_space<vmem>>, vector<16xf32>,
        tpu.vector_store %arg11[%swap3A_657, %swap3A_658, %swap3A_659], %mul3A_656 {strides = array<i32>} : memref<2x80x136xf32, #tpu.memory_space<vmem>>, vector<16xf32>,
        %get3A_661 = arith.index_cast %rem3A_199 : i32 to index
        %get3A_662 = arith.index_cast %add3A_597 : i32 to index
        %get3A_663 = arith.constant 96 : index
        %get3A_664 = tpu.vector_load %arg10[%get3A_661, %get3A_662, %get3A_663] {strides = array<i32>} : memref<2x80x128xf32, #tpu.memory_space<vmem>>, vector<16xf32>,
        %mul3A_665 = arith.mulf %get3A_664, %gather3A_606 : vector<16xf32>
        %swap3A_666 = arith.index_cast %rem3A_199 : i32 to index
        %swap3A_667 = arith.index_cast %add3A_597 : i32 to index
        %swap3A_668 = arith.constant 96 : index
        %swap3A_669 = tpu.vector_load %arg11[%swap3A_666, %swap3A_667, %swap3A_668] {strides = array<i32>} : memref<2x80x136xf32, #tpu.memory_space<vmem>>, vector<16xf32>,
        tpu.vector_store %arg11[%swap3A_666, %swap3A_667, %swap3A_668], %mul3A_665 {strides = array<i32>} : memref<2x80x136xf32, #tpu.memory_space<vmem>>, vector<16xf32>,
        %get3A_670 = arith.index_cast %rem3A_199 : i32 to index
        %get3A_671 = arith.index_cast %add3A_597 : i32 to index
        %get3A_672 = arith.constant 112 : index
        %get3A_673 = tpu.vector_load %arg10[%get3A_670, %get3A_671, %get3A_672] {strides = array<i32>} : memref<2x80x128xf32, #tpu.memory_space<vmem>>, vector<16xf32>,
        %mul3A_674 = arith.mulf %get3A_673, %gather3A_606 : vector<16xf32>
        %swap3A_675 = arith.index_cast %rem3A_199 : i32 to index
        %swap3A_676 = arith.index_cast %add3A_597 : i32 to index
        %swap3A_677 = arith.constant 112 : index
        %swap3A_678 = tpu.vector_load %arg11[%swap3A_675, %swap3A_676, %swap3A_677] {strides = array<i32>} : memref<2x80x136xf32, #tpu.memory_space<vmem>>, vector<16xf32>,
        tpu.vector_store %arg11[%swap3A_675, %swap3A_676, %swap3A_677], %mul3A_674 {strides = array<i32>} : memref<2x80x136xf32, #tpu.memory_space<vmem>>, vector<16xf32>,
        %mul3A_679 = arith.constant 16 : i32
        %mul3A_680 = arith.muli %scan3A_251, %mul3A_679 : i32
        %add3A_681 = arith.constant 5 : i32
        %add3A_682 = arith.addi %mul3A_680, %add3A_681 : i32
        %mul3A_683 = arith.constant 0 : i32
        %mul3A_684 = vector.broadcast %mul3A_683 : i32 to vector<16xi32>
        %mul3A_685 = arith.muli %iota3A, %mul3A_684 : vector<16xi32>
        %add3A_686 = arith.constant 5 : i32
        %add3A_687 = vector.broadcast %add3A_686 : i32 to vector<16xi32>
        %add3A_688 = arith.addi %mul3A_685, %add3A_687 : vector<16xi32>
        %broadcast_in_dim3A_689 = vector.shape_cast %add3A_688 : vector<16xi32> to vector<16x1xi32>
        %gather3A_690 = vector.shape_cast %broadcast_in_dim3A_689 : vector<16x1xi32> to vector<16xi32>
        %gather3A_691 = tpu.dynamic_gather %get3A_255[%gather3A_690] in [0] : vector<16xf32>, vector<16xi32> -> vector<16xf32>
        %get3A_692 = arith.index_cast %rem3A_199 : i32 to index
        %get3A_693 = arith.index_cast %add3A_682 : i32 to index
        %get3A_694 = arith.constant 0 : index
        %get3A_695 = tpu.vector_load %arg10[%get3A_692, %get3A_693, %get3A_694] {strides = array<i32>} : memref<2x80x128xf32, #tpu.memory_space<vmem>>, vector<16xf32>,
        %mul3A_696 = arith.mulf %get3A_695, %gather3A_691 : vector<16xf32>
        %swap3A_697 = arith.index_cast %rem3A_199 : i32 to index
        %swap3A_698 = arith.index_cast %add3A_682 : i32 to index
        %swap3A_699 = arith.constant 0 : index
        %swap3A_700 = tpu.vector_load %arg11[%swap3A_697, %swap3A_698, %swap3A_699] {strides = array<i32>} : memref<2x80x136xf32, #tpu.memory_space<vmem>>, vector<16xf32>,
        tpu.vector_store %arg11[%swap3A_697, %swap3A_698, %swap3A_699], %mul3A_696 {strides = array<i32>} : memref<2x80x136xf32, #tpu.memory_space<vmem>>, vector<16xf32>,
        %get3A_701 = arith.index_cast %rem3A_199 : i32 to index
        %get3A_702 = arith.index_cast %add3A_682 : i32 to index
        %get3A_703 = arith.constant 16 : index
        %get3A_704 = tpu.vector_load %arg10[%get3A_701, %get3A_702, %get3A_703] {strides = array<i32>} : memref<2x80x128xf32, #tpu.memory_space<vmem>>, vector<16xf32>,
        %mul3A_705 = arith.mulf %get3A_704, %gather3A_691 : vector<16xf32>
        %swap3A_706 = arith.index_cast %rem3A_199 : i32 to index
        %swap3A_707 = arith.index_cast %add3A_682 : i32 to index
        %swap3A_708 = arith.constant 16 : index
        %swap3A_709 = tpu.vector_load %arg11[%swap3A_706, %swap3A_707, %swap3A_708] {strides = array<i32>} : memref<2x80x136xf32, #tpu.memory_space<vmem>>, vector<16xf32>,
        tpu.vector_store %arg11[%swap3A_706, %swap3A_707, %swap3A_708], %mul3A_705 {strides = array<i32>} : memref<2x80x136xf32, #tpu.memory_space<vmem>>, vector<16xf32>,
        %get3A_710 = arith.index_cast %rem3A_199 : i32 to index
        %get3A_711 = arith.index_cast %add3A_682 : i32 to index
        %get3A_712 = arith.constant 32 : index
        %get3A_713 = tpu.vector_load %arg10[%get3A_710, %get3A_711, %get3A_712] {strides = array<i32>} : memref<2x80x128xf32, #tpu.memory_space<vmem>>, vector<16xf32>,
        %mul3A_714 = arith.mulf %get3A_713, %gather3A_691 : vector<16xf32>
        %swap3A_715 = arith.index_cast %rem3A_199 : i32 to index
        %swap3A_716 = arith.index_cast %add3A_682 : i32 to index
        %swap3A_717 = arith.constant 32 : index
        %swap3A_718 = tpu.vector_load %arg11[%swap3A_715, %swap3A_716, %swap3A_717] {strides = array<i32>} : memref<2x80x136xf32, #tpu.memory_space<vmem>>, vector<16xf32>,
        tpu.vector_store %arg11[%swap3A_715, %swap3A_716, %swap3A_717], %mul3A_714 {strides = array<i32>} : memref<2x80x136xf32, #tpu.memory_space<vmem>>, vector<16xf32>,
        %get3A_719 = arith.index_cast %rem3A_199 : i32 to index
        %get3A_720 = arith.index_cast %add3A_682 : i32 to index
        %get3A_721 = arith.constant 48 : index
        %get3A_722 = tpu.vector_load %arg10[%get3A_719, %get3A_720, %get3A_721] {strides = array<i32>} : memref<2x80x128xf32, #tpu.memory_space<vmem>>, vector<16xf32>,
        %mul3A_723 = arith.mulf %get3A_722, %gather3A_691 : vector<16xf32>
        %swap3A_724 = arith.index_cast %rem3A_199 : i32 to index
        %swap3A_725 = arith.index_cast %add3A_682 : i32 to index
        %swap3A_726 = arith.constant 48 : index
        %swap3A_727 = tpu.vector_load %arg11[%swap3A_724, %swap3A_725, %swap3A_726] {strides = array<i32>} : memref<2x80x136xf32, #tpu.memory_space<vmem>>, vector<16xf32>,
        tpu.vector_store %arg11[%swap3A_724, %swap3A_725, %swap3A_726], %mul3A_723 {strides = array<i32>} : memref<2x80x136xf32, #tpu.memory_space<vmem>>, vector<16xf32>,
        %get3A_728 = arith.index_cast %rem3A_199 : i32 to index
        %get3A_729 = arith.index_cast %add3A_682 : i32 to index
        %get3A_730 = arith.constant 64 : index
        %get3A_731 = tpu.vector_load %arg10[%get3A_728, %get3A_729, %get3A_730] {strides = array<i32>} : memref<2x80x128xf32, #tpu.memory_space<vmem>>, vector<16xf32>,
        %mul3A_732 = arith.mulf %get3A_731, %gather3A_691 : vector<16xf32>
        %swap3A_733 = arith.index_cast %rem3A_199 : i32 to index
        %swap3A_734 = arith.index_cast %add3A_682 : i32 to index
        %swap3A_735 = arith.constant 64 : index
        %swap3A_736 = tpu.vector_load %arg11[%swap3A_733, %swap3A_734, %swap3A_735] {strides = array<i32>} : memref<2x80x136xf32, #tpu.memory_space<vmem>>, vector<16xf32>,
        tpu.vector_store %arg11[%swap3A_733, %swap3A_734, %swap3A_735], %mul3A_732 {strides = array<i32>} : memref<2x80x136xf32, #tpu.memory_space<vmem>>, vector<16xf32>,
        %get3A_737 = arith.index_cast %rem3A_199 : i32 to index
        %get3A_738 = arith.index_cast %add3A_682 : i32 to index
        %get3A_739 = arith.constant 80 : index
        %get3A_740 = tpu.vector_load %arg10[%get3A_737, %get3A_738, %get3A_739] {strides = array<i32>} : memref<2x80x128xf32, #tpu.memory_space<vmem>>, vector<16xf32>,
        %mul3A_741 = arith.mulf %get3A_740, %gather3A_691 : vector<16xf32>
        %swap3A_742 = arith.index_cast %rem3A_199 : i32 to index
        %swap3A_743 = arith.index_cast %add3A_682 : i32 to index
        %swap3A_744 = arith.constant 80 : index
        %swap3A_745 = tpu.vector_load %arg11[%swap3A_742, %swap3A_743, %swap3A_744] {strides = array<i32>} : memref<2x80x136xf32, #tpu.memory_space<vmem>>, vector<16xf32>,
        tpu.vector_store %arg11[%swap3A_742, %swap3A_743, %swap3A_744], %mul3A_741 {strides = array<i32>} : memref<2x80x136xf32, #tpu.memory_space<vmem>>, vector<16xf32>,
        %get3A_746 = arith.index_cast %rem3A_199 : i32 to index
        %get3A_747 = arith.index_cast %add3A_682 : i32 to index
        %get3A_748 = arith.constant 96 : index
        %get3A_749 = tpu.vector_load %arg10[%get3A_746, %get3A_747, %get3A_748] {strides = array<i32>} : memref<2x80x128xf32, #tpu.memory_space<vmem>>, vector<16xf32>,
        %mul3A_750 = arith.mulf %get3A_749, %gather3A_691 : vector<16xf32>
        %swap3A_751 = arith.index_cast %rem3A_199 : i32 to index
        %swap3A_752 = arith.index_cast %add3A_682 : i32 to index
        %swap3A_753 = arith.constant 96 : index
        %swap3A_754 = tpu.vector_load %arg11[%swap3A_751, %swap3A_752, %swap3A_753] {strides = array<i32>} : memref<2x80x136xf32, #tpu.memory_space<vmem>>, vector<16xf32>,
        tpu.vector_store %arg11[%swap3A_751, %swap3A_752, %swap3A_753], %mul3A_750 {strides = array<i32>} : memref<2x80x136xf32, #tpu.memory_space<vmem>>, vector<16xf32>,
        %get3A_755 = arith.index_cast %rem3A_199 : i32 to index
        %get3A_756 = arith.index_cast %add3A_682 : i32 to index
        %get3A_757 = arith.constant 112 : index
        %get3A_758 = tpu.vector_load %arg10[%get3A_755, %get3A_756, %get3A_757] {strides = array<i32>} : memref<2x80x128xf32, #tpu.memory_space<vmem>>, vector<16xf32>,
        %mul3A_759 = arith.mulf %get3A_758, %gather3A_691 : vector<16xf32>
        %swap3A_760 = arith.index_cast %rem3A_199 : i32 to index
        %swap3A_761 = arith.index_cast %add3A_682 : i32 to index
        %swap3A_762 = arith.constant 112 : index
        %swap3A_763 = tpu.vector_load %arg11[%swap3A_760, %swap3A_761, %swap3A_762] {strides = array<i32>} : memref<2x80x136xf32, #tpu.memory_space<vmem>>, vector<16xf32>,
        tpu.vector_store %arg11[%swap3A_760, %swap3A_761, %swap3A_762], %mul3A_759 {strides = array<i32>} : memref<2x80x136xf32, #tpu.memory_space<vmem>>, vector<16xf32>,
        %mul3A_764 = arith.constant 16 : i32
        %mul3A_765 = arith.muli %scan3A_251, %mul3A_764 : i32
        %add3A_766 = arith.constant 6 : i32
        %add3A_767 = arith.addi %mul3A_765, %add3A_766 : i32
        %mul3A_768 = arith.constant 0 : i32
        %mul3A_769 = vector.broadcast %mul3A_768 : i32 to vector<16xi32>
        %mul3A_770 = arith.muli %iota3A, %mul3A_769 : vector<16xi32>
        %add3A_771 = arith.constant 6 : i32
        %add3A_772 = vector.broadcast %add3A_771 : i32 to vector<16xi32>
        %add3A_773 = arith.addi %mul3A_770, %add3A_772 : vector<16xi32>
        %broadcast_in_dim3A_774 = vector.shape_cast %add3A_773 : vector<16xi32> to vector<16x1xi32>
        %gather3A_775 = vector.shape_cast %broadcast_in_dim3A_774 : vector<16x1xi32> to vector<16xi32>
        %gather3A_776 = tpu.dynamic_gather %get3A_255[%gather3A_775] in [0] : vector<16xf32>, vector<16xi32> -> vector<16xf32>
        %get3A_777 = arith.index_cast %rem3A_199 : i32 to index
        %get3A_778 = arith.index_cast %add3A_767 : i32 to index
        %get3A_779 = arith.constant 0 : index
        %get3A_780 = tpu.vector_load %arg10[%get3A_777, %get3A_778, %get3A_779] {strides = array<i32>} : memref<2x80x128xf32, #tpu.memory_space<vmem>>, vector<16xf32>,
        %mul3A_781 = arith.mulf %get3A_780, %gather3A_776 : vector<16xf32>
        %swap3A_782 = arith.index_cast %rem3A_199 : i32 to index
        %swap3A_783 = arith.index_cast %add3A_767 : i32 to index
        %swap3A_784 = arith.constant 0 : index
        %swap3A_785 = tpu.vector_load %arg11[%swap3A_782, %swap3A_783, %swap3A_784] {strides = array<i32>} : memref<2x80x136xf32, #tpu.memory_space<vmem>>, vector<16xf32>,
        tpu.vector_store %arg11[%swap3A_782, %swap3A_783, %swap3A_784], %mul3A_781 {strides = array<i32>} : memref<2x80x136xf32, #tpu.memory_space<vmem>>, vector<16xf32>,
        %get3A_786 = arith.index_cast %rem3A_199 : i32 to index
        %get3A_787 = arith.index_cast %add3A_767 : i32 to index
        %get3A_788 = arith.constant 16 : index
        %get3A_789 = tpu.vector_load %arg10[%get3A_786, %get3A_787, %get3A_788] {strides = array<i32>} : memref<2x80x128xf32, #tpu.memory_space<vmem>>, vector<16xf32>,
        %mul3A_790 = arith.mulf %get3A_789, %gather3A_776 : vector<16xf32>
        %swap3A_791 = arith.index_cast %rem3A_199 : i32 to index
        %swap3A_792 = arith.index_cast %add3A_767 : i32 to index
        %swap3A_793 = arith.constant 16 : index
        %swap3A_794 = tpu.vector_load %arg11[%swap3A_791, %swap3A_792, %swap3A_793] {strides = array<i32>} : memref<2x80x136xf32, #tpu.memory_space<vmem>>, vector<16xf32>,
        tpu.vector_store %arg11[%swap3A_791, %swap3A_792, %swap3A_793], %mul3A_790 {strides = array<i32>} : memref<2x80x136xf32, #tpu.memory_space<vmem>>, vector<16xf32>,
        %get3A_795 = arith.index_cast %rem3A_199 : i32 to index
        %get3A_796 = arith.index_cast %add3A_767 : i32 to index
        %get3A_797 = arith.constant 32 : index
        %get3A_798 = tpu.vector_load %arg10[%get3A_795, %get3A_796, %get3A_797] {strides = array<i32>} : memref<2x80x128xf32, #tpu.memory_space<vmem>>, vector<16xf32>,
        %mul3A_799 = arith.mulf %get3A_798, %gather3A_776 : vector<16xf32>
        %swap3A_800 = arith.index_cast %rem3A_199 : i32 to index
        %swap3A_801 = arith.index_cast %add3A_767 : i32 to index
        %swap3A_802 = arith.constant 32 : index
        %swap3A_803 = tpu.vector_load %arg11[%swap3A_800, %swap3A_801, %swap3A_802] {strides = array<i32>} : memref<2x80x136xf32, #tpu.memory_space<vmem>>, vector<16xf32>,
        tpu.vector_store %arg11[%swap3A_800, %swap3A_801, %swap3A_802], %mul3A_799 {strides = array<i32>} : memref<2x80x136xf32, #tpu.memory_space<vmem>>, vector<16xf32>,
        %get3A_804 = arith.index_cast %rem3A_199 : i32 to index
        %get3A_805 = arith.index_cast %add3A_767 : i32 to index
        %get3A_806 = arith.constant 48 : index
        %get3A_807 = tpu.vector_load %arg10[%get3A_804, %get3A_805, %get3A_806] {strides = array<i32>} : memref<2x80x128xf32, #tpu.memory_space<vmem>>, vector<16xf32>,
        %mul3A_808 = arith.mulf %get3A_807, %gather3A_776 : vector<16xf32>
        %swap3A_809 = arith.index_cast %rem3A_199 : i32 to index
        %swap3A_810 = arith.index_cast %add3A_767 : i32 to index
        %swap3A_811 = arith.constant 48 : index
        %swap3A_812 = tpu.vector_load %arg11[%swap3A_809, %swap3A_810, %swap3A_811] {strides = array<i32>} : memref<2x80x136xf32, #tpu.memory_space<vmem>>, vector<16xf32>,
        tpu.vector_store %arg11[%swap3A_809, %swap3A_810, %swap3A_811], %mul3A_808 {strides = array<i32>} : memref<2x80x136xf32, #tpu.memory_space<vmem>>, vector<16xf32>,
        %get3A_813 = arith.index_cast %rem3A_199 : i32 to index
        %get3A_814 = arith.index_cast %add3A_767 : i32 to index
        %get3A_815 = arith.constant 64 : index
        %get3A_816 = tpu.vector_load %arg10[%get3A_813, %get3A_814, %get3A_815] {strides = array<i32>} : memref<2x80x128xf32, #tpu.memory_space<vmem>>, vector<16xf32>,
        %mul3A_817 = arith.mulf %get3A_816, %gather3A_776 : vector<16xf32>
        %swap3A_818 = arith.index_cast %rem3A_199 : i32 to index
        %swap3A_819 = arith.index_cast %add3A_767 : i32 to index
        %swap3A_820 = arith.constant 64 : index
        %swap3A_821 = tpu.vector_load %arg11[%swap3A_818, %swap3A_819, %swap3A_820] {strides = array<i32>} : memref<2x80x136xf32, #tpu.memory_space<vmem>>, vector<16xf32>,
        tpu.vector_store %arg11[%swap3A_818, %swap3A_819, %swap3A_820], %mul3A_817 {strides = array<i32>} : memref<2x80x136xf32, #tpu.memory_space<vmem>>, vector<16xf32>,
        %get3A_822 = arith.index_cast %rem3A_199 : i32 to index
        %get3A_823 = arith.index_cast %add3A_767 : i32 to index
        %get3A_824 = arith.constant 80 : index
        %get3A_825 = tpu.vector_load %arg10[%get3A_822, %get3A_823, %get3A_824] {strides = array<i32>} : memref<2x80x128xf32, #tpu.memory_space<vmem>>, vector<16xf32>,
        %mul3A_826 = arith.mulf %get3A_825, %gather3A_776 : vector<16xf32>
        %swap3A_827 = arith.index_cast %rem3A_199 : i32 to index
        %swap3A_828 = arith.index_cast %add3A_767 : i32 to index
        %swap3A_829 = arith.constant 80 : index
        %swap3A_830 = tpu.vector_load %arg11[%swap3A_827, %swap3A_828, %swap3A_829] {strides = array<i32>} : memref<2x80x136xf32, #tpu.memory_space<vmem>>, vector<16xf32>,
        tpu.vector_store %arg11[%swap3A_827, %swap3A_828, %swap3A_829], %mul3A_826 {strides = array<i32>} : memref<2x80x136xf32, #tpu.memory_space<vmem>>, vector<16xf32>,
        %get3A_831 = arith.index_cast %rem3A_199 : i32 to index
        %get3A_832 = arith.index_cast %add3A_767 : i32 to index
        %get3A_833 = arith.constant 96 : index
        %get3A_834 = tpu.vector_load %arg10[%get3A_831, %get3A_832, %get3A_833] {strides = array<i32>} : memref<2x80x128xf32, #tpu.memory_space<vmem>>, vector<16xf32>,
        %mul3A_835 = arith.mulf %get3A_834, %gather3A_776 : vector<16xf32>
        %swap3A_836 = arith.index_cast %rem3A_199 : i32 to index
        %swap3A_837 = arith.index_cast %add3A_767 : i32 to index
        %swap3A_838 = arith.constant 96 : index
        %swap3A_839 = tpu.vector_load %arg11[%swap3A_836, %swap3A_837, %swap3A_838] {strides = array<i32>} : memref<2x80x136xf32, #tpu.memory_space<vmem>>, vector<16xf32>,
        tpu.vector_store %arg11[%swap3A_836, %swap3A_837, %swap3A_838], %mul3A_835 {strides = array<i32>} : memref<2x80x136xf32, #tpu.memory_space<vmem>>, vector<16xf32>,
        %get3A_840 = arith.index_cast %rem3A_199 : i32 to index
        %get3A_841 = arith.index_cast %add3A_767 : i32 to index
        %get3A_842 = arith.constant 112 : index
        %get3A_843 = tpu.vector_load %arg10[%get3A_840, %get3A_841, %get3A_842] {strides = array<i32>} : memref<2x80x128xf32, #tpu.memory_space<vmem>>, vector<16xf32>,
        %mul3A_844 = arith.mulf %get3A_843, %gather3A_776 : vector<16xf32>
        %swap3A_845 = arith.index_cast %rem3A_199 : i32 to index
        %swap3A_846 = arith.index_cast %add3A_767 : i32 to index
        %swap3A_847 = arith.constant 112 : index
        %swap3A_848 = tpu.vector_load %arg11[%swap3A_845, %swap3A_846, %swap3A_847] {strides = array<i32>} : memref<2x80x136xf32, #tpu.memory_space<vmem>>, vector<16xf32>,
        tpu.vector_store %arg11[%swap3A_845, %swap3A_846, %swap3A_847], %mul3A_844 {strides = array<i32>} : memref<2x80x136xf32, #tpu.memory_space<vmem>>, vector<16xf32>,
        %mul3A_849 = arith.constant 16 : i32
        %mul3A_850 = arith.muli %scan3A_251, %mul3A_849 : i32
        %add3A_851 = arith.constant 7 : i32
        %add3A_852 = arith.addi %mul3A_850, %add3A_851 : i32
        %mul3A_853 = arith.constant 0 : i32
        %mul3A_854 = vector.broadcast %mul3A_853 : i32 to vector<16xi32>
        %mul3A_855 = arith.muli %iota3A, %mul3A_854 : vector<16xi32>
        %add3A_856 = arith.constant 7 : i32
        %add3A_857 = vector.broadcast %add3A_856 : i32 to vector<16xi32>
        %add3A_858 = arith.addi %mul3A_855, %add3A_857 : vector<16xi32>
        %broadcast_in_dim3A_859 = vector.shape_cast %add3A_858 : vector<16xi32> to vector<16x1xi32>
        %gather3A_860 = vector.shape_cast %broadcast_in_dim3A_859 : vector<16x1xi32> to vector<16xi32>
        %gather3A_861 = tpu.dynamic_gather %get3A_255[%gather3A_860] in [0] : vector<16xf32>, vector<16xi32> -> vector<16xf32>
        %get3A_862 = arith.index_cast %rem3A_199 : i32 to index
        %get3A_863 = arith.index_cast %add3A_852 : i32 to index
        %get3A_864 = arith.constant 0 : index
        %get3A_865 = tpu.vector_load %arg10[%get3A_862, %get3A_863, %get3A_864] {strides = array<i32>} : memref<2x80x128xf32, #tpu.memory_space<vmem>>, vector<16xf32>,
        %mul3A_866 = arith.mulf %get3A_865, %gather3A_861 : vector<16xf32>
        %swap3A_867 = arith.index_cast %rem3A_199 : i32 to index
        %swap3A_868 = arith.index_cast %add3A_852 : i32 to index
        %swap3A_869 = arith.constant 0 : index
        %swap3A_870 = tpu.vector_load %arg11[%swap3A_867, %swap3A_868, %swap3A_869] {strides = array<i32>} : memref<2x80x136xf32, #tpu.memory_space<vmem>>, vector<16xf32>,
        tpu.vector_store %arg11[%swap3A_867, %swap3A_868, %swap3A_869], %mul3A_866 {strides = array<i32>} : memref<2x80x136xf32, #tpu.memory_space<vmem>>, vector<16xf32>,
        %get3A_871 = arith.index_cast %rem3A_199 : i32 to index
        %get3A_872 = arith.index_cast %add3A_852 : i32 to index
        %get3A_873 = arith.constant 16 : index
        %get3A_874 = tpu.vector_load %arg10[%get3A_871, %get3A_872, %get3A_873] {strides = array<i32>} : memref<2x80x128xf32, #tpu.memory_space<vmem>>, vector<16xf32>,
        %mul3A_875 = arith.mulf %get3A_874, %gather3A_861 : vector<16xf32>
        %swap3A_876 = arith.index_cast %rem3A_199 : i32 to index
        %swap3A_877 = arith.index_cast %add3A_852 : i32 to index
        %swap3A_878 = arith.constant 16 : index
        %swap3A_879 = tpu.vector_load %arg11[%swap3A_876, %swap3A_877, %swap3A_878] {strides = array<i32>} : memref<2x80x136xf32, #tpu.memory_space<vmem>>, vector<16xf32>,
        tpu.vector_store %arg11[%swap3A_876, %swap3A_877, %swap3A_878], %mul3A_875 {strides = array<i32>} : memref<2x80x136xf32, #tpu.memory_space<vmem>>, vector<16xf32>,
        %get3A_880 = arith.index_cast %rem3A_199 : i32 to index
        %get3A_881 = arith.index_cast %add3A_852 : i32 to index
        %get3A_882 = arith.constant 32 : index
        %get3A_883 = tpu.vector_load %arg10[%get3A_880, %get3A_881, %get3A_882] {strides = array<i32>} : memref<2x80x128xf32, #tpu.memory_space<vmem>>, vector<16xf32>,
        %mul3A_884 = arith.mulf %get3A_883, %gather3A_861 : vector<16xf32>
        %swap3A_885 = arith.index_cast %rem3A_199 : i32 to index
        %swap3A_886 = arith.index_cast %add3A_852 : i32 to index
        %swap3A_887 = arith.constant 32 : index
        %swap3A_888 = tpu.vector_load %arg11[%swap3A_885, %swap3A_886, %swap3A_887] {strides = array<i32>} : memref<2x80x136xf32, #tpu.memory_space<vmem>>, vector<16xf32>,
        tpu.vector_store %arg11[%swap3A_885, %swap3A_886, %swap3A_887], %mul3A_884 {strides = array<i32>} : memref<2x80x136xf32, #tpu.memory_space<vmem>>, vector<16xf32>,
        %get3A_889 = arith.index_cast %rem3A_199 : i32 to index
        %get3A_890 = arith.index_cast %add3A_852 : i32 to index
        %get3A_891 = arith.constant 48 : index
        %get3A_892 = tpu.vector_load %arg10[%get3A_889, %get3A_890, %get3A_891] {strides = array<i32>} : memref<2x80x128xf32, #tpu.memory_space<vmem>>, vector<16xf32>,
        %mul3A_893 = arith.mulf %get3A_892, %gather3A_861 : vector<16xf32>
        %swap3A_894 = arith.index_cast %rem3A_199 : i32 to index
        %swap3A_895 = arith.index_cast %add3A_852 : i32 to index
        %swap3A_896 = arith.constant 48 : index
        %swap3A_897 = tpu.vector_load %arg11[%swap3A_894, %swap3A_895, %swap3A_896] {strides = array<i32>} : memref<2x80x136xf32, #tpu.memory_space<vmem>>, vector<16xf32>,
        tpu.vector_store %arg11[%swap3A_894, %swap3A_895, %swap3A_896], %mul3A_893 {strides = array<i32>} : memref<2x80x136xf32, #tpu.memory_space<vmem>>, vector<16xf32>,
        %get3A_898 = arith.index_cast %rem3A_199 : i32 to index
        %get3A_899 = arith.index_cast %add3A_852 : i32 to index
        %get3A_900 = arith.constant 64 : index
        %get3A_901 = tpu.vector_load %arg10[%get3A_898, %get3A_899, %get3A_900] {strides = array<i32>} : memref<2x80x128xf32, #tpu.memory_space<vmem>>, vector<16xf32>,
        %mul3A_902 = arith.mulf %get3A_901, %gather3A_861 : vector<16xf32>
        %swap3A_903 = arith.index_cast %rem3A_199 : i32 to index
        %swap3A_904 = arith.index_cast %add3A_852 : i32 to index
        %swap3A_905 = arith.constant 64 : index
        %swap3A_906 = tpu.vector_load %arg11[%swap3A_903, %swap3A_904, %swap3A_905] {strides = array<i32>} : memref<2x80x136xf32, #tpu.memory_space<vmem>>, vector<16xf32>,
        tpu.vector_store %arg11[%swap3A_903, %swap3A_904, %swap3A_905], %mul3A_902 {strides = array<i32>} : memref<2x80x136xf32, #tpu.memory_space<vmem>>, vector<16xf32>,
        %get3A_907 = arith.index_cast %rem3A_199 : i32 to index
        %get3A_908 = arith.index_cast %add3A_852 : i32 to index
        %get3A_909 = arith.constant 80 : index
        %get3A_910 = tpu.vector_load %arg10[%get3A_907, %get3A_908, %get3A_909] {strides = array<i32>} : memref<2x80x128xf32, #tpu.memory_space<vmem>>, vector<16xf32>,
        %mul3A_911 = arith.mulf %get3A_910, %gather3A_861 : vector<16xf32>
        %swap3A_912 = arith.index_cast %rem3A_199 : i32 to index
        %swap3A_913 = arith.index_cast %add3A_852 : i32 to index
        %swap3A_914 = arith.constant 80 : index
        %swap3A_915 = tpu.vector_load %arg11[%swap3A_912, %swap3A_913, %swap3A_914] {strides = array<i32>} : memref<2x80x136xf32, #tpu.memory_space<vmem>>, vector<16xf32>,
        tpu.vector_store %arg11[%swap3A_912, %swap3A_913, %swap3A_914], %mul3A_911 {strides = array<i32>} : memref<2x80x136xf32, #tpu.memory_space<vmem>>, vector<16xf32>,
        %get3A_916 = arith.index_cast %rem3A_199 : i32 to index
        %get3A_917 = arith.index_cast %add3A_852 : i32 to index
        %get3A_918 = arith.constant 96 : index
        %get3A_919 = tpu.vector_load %arg10[%get3A_916, %get3A_917, %get3A_918] {strides = array<i32>} : memref<2x80x128xf32, #tpu.memory_space<vmem>>, vector<16xf32>,
        %mul3A_920 = arith.mulf %get3A_919, %gather3A_861 : vector<16xf32>
        %swap3A_921 = arith.index_cast %rem3A_199 : i32 to index
        %swap3A_922 = arith.index_cast %add3A_852 : i32 to index
        %swap3A_923 = arith.constant 96 : index
        %swap3A_924 = tpu.vector_load %arg11[%swap3A_921, %swap3A_922, %swap3A_923] {strides = array<i32>} : memref<2x80x136xf32, #tpu.memory_space<vmem>>, vector<16xf32>,
        tpu.vector_store %arg11[%swap3A_921, %swap3A_922, %swap3A_923], %mul3A_920 {strides = array<i32>} : memref<2x80x136xf32, #tpu.memory_space<vmem>>, vector<16xf32>,
        %get3A_925 = arith.index_cast %rem3A_199 : i32 to index
        %get3A_926 = arith.index_cast %add3A_852 : i32 to index
        %get3A_927 = arith.constant 112 : index
        %get3A_928 = tpu.vector_load %arg10[%get3A_925, %get3A_926, %get3A_927] {strides = array<i32>} : memref<2x80x128xf32, #tpu.memory_space<vmem>>, vector<16xf32>,
        %mul3A_929 = arith.mulf %get3A_928, %gather3A_861 : vector<16xf32>
        %swap3A_930 = arith.index_cast %rem3A_199 : i32 to index
        %swap3A_931 = arith.index_cast %add3A_852 : i32 to index
        %swap3A_932 = arith.constant 112 : index
        %swap3A_933 = tpu.vector_load %arg11[%swap3A_930, %swap3A_931, %swap3A_932] {strides = array<i32>} : memref<2x80x136xf32, #tpu.memory_space<vmem>>, vector<16xf32>,
        tpu.vector_store %arg11[%swap3A_930, %swap3A_931, %swap3A_932], %mul3A_929 {strides = array<i32>} : memref<2x80x136xf32, #tpu.memory_space<vmem>>, vector<16xf32>,
        %mul3A_934 = arith.constant 16 : i32
        %mul3A_935 = arith.muli %scan3A_251, %mul3A_934 : i32
        %add3A_936 = arith.constant 8 : i32
        %add3A_937 = arith.addi %mul3A_935, %add3A_936 : i32
        %mul3A_938 = arith.constant 0 : i32
        %mul3A_939 = vector.broadcast %mul3A_938 : i32 to vector<16xi32>
        %mul3A_940 = arith.muli %iota3A, %mul3A_939 : vector<16xi32>
        %add3A_941 = arith.constant 8 : i32
        %add3A_942 = vector.broadcast %add3A_941 : i32 to vector<16xi32>
        %add3A_943 = arith.addi %mul3A_940, %add3A_942 : vector<16xi32>
        %broadcast_in_dim3A_944 = vector.shape_cast %add3A_943 : vector<16xi32> to vector<16x1xi32>
        %gather3A_945 = vector.shape_cast %broadcast_in_dim3A_944 : vector<16x1xi32> to vector<16xi32>
        %gather3A_946 = tpu.dynamic_gather %get3A_255[%gather3A_945] in [0] : vector<16xf32>, vector<16xi32> -> vector<16xf32>
        %get3A_947 = arith.index_cast %rem3A_199 : i32 to index
        %get3A_948 = arith.index_cast %add3A_937 : i32 to index
        %get3A_949 = arith.constant 0 : index
        %get3A_950 = tpu.vector_load %arg10[%get3A_947, %get3A_948, %get3A_949] {strides = array<i32>} : memref<2x80x128xf32, #tpu.memory_space<vmem>>, vector<16xf32>,
        %mul3A_951 = arith.mulf %get3A_950, %gather3A_946 : vector<16xf32>
        %swap3A_952 = arith.index_cast %rem3A_199 : i32 to index
        %swap3A_953 = arith.index_cast %add3A_937 : i32 to index
        %swap3A_954 = arith.constant 0 : index
        %swap3A_955 = tpu.vector_load %arg11[%swap3A_952, %swap3A_953, %swap3A_954] {strides = array<i32>} : memref<2x80x136xf32, #tpu.memory_space<vmem>>, vector<16xf32>,
        tpu.vector_store %arg11[%swap3A_952, %swap3A_953, %swap3A_954], %mul3A_951 {strides = array<i32>} : memref<2x80x136xf32, #tpu.memory_space<vmem>>, vector<16xf32>,
        %get3A_956 = arith.index_cast %rem3A_199 : i32 to index
        %get3A_957 = arith.index_cast %add3A_937 : i32 to index
        %get3A_958 = arith.constant 16 : index
        %get3A_959 = tpu.vector_load %arg10[%get3A_956, %get3A_957, %get3A_958] {strides = array<i32>} : memref<2x80x128xf32, #tpu.memory_space<vmem>>, vector<16xf32>,
        %mul3A_960 = arith.mulf %get3A_959, %gather3A_946 : vector<16xf32>
        %swap3A_961 = arith.index_cast %rem3A_199 : i32 to index
        %swap3A_962 = arith.index_cast %add3A_937 : i32 to index
        %swap3A_963 = arith.constant 16 : index
        %swap3A_964 = tpu.vector_load %arg11[%swap3A_961, %swap3A_962, %swap3A_963] {strides = array<i32>} : memref<2x80x136xf32, #tpu.memory_space<vmem>>, vector<16xf32>,
        tpu.vector_store %arg11[%swap3A_961, %swap3A_962, %swap3A_963], %mul3A_960 {strides = array<i32>} : memref<2x80x136xf32, #tpu.memory_space<vmem>>, vector<16xf32>,
        %get3A_965 = arith.index_cast %rem3A_199 : i32 to index
        %get3A_966 = arith.index_cast %add3A_937 : i32 to index
        %get3A_967 = arith.constant 32 : index
        %get3A_968 = tpu.vector_load %arg10[%get3A_965, %get3A_966, %get3A_967] {strides = array<i32>} : memref<2x80x128xf32, #tpu.memory_space<vmem>>, vector<16xf32>,
        %mul3A_969 = arith.mulf %get3A_968, %gather3A_946 : vector<16xf32>
        %swap3A_970 = arith.index_cast %rem3A_199 : i32 to index
        %swap3A_971 = arith.index_cast %add3A_937 : i32 to index
        %swap3A_972 = arith.constant 32 : index
        %swap3A_973 = tpu.vector_load %arg11[%swap3A_970, %swap3A_971, %swap3A_972] {strides = array<i32>} : memref<2x80x136xf32, #tpu.memory_space<vmem>>, vector<16xf32>,
        tpu.vector_store %arg11[%swap3A_970, %swap3A_971, %swap3A_972], %mul3A_969 {strides = array<i32>} : memref<2x80x136xf32, #tpu.memory_space<vmem>>, vector<16xf32>,
        %get3A_974 = arith.index_cast %rem3A_199 : i32 to index
        %get3A_975 = arith.index_cast %add3A_937 : i32 to index
        %get3A_976 = arith.constant 48 : index
        %get3A_977 = tpu.vector_load %arg10[%get3A_974, %get3A_975, %get3A_976] {strides = array<i32>} : memref<2x80x128xf32, #tpu.memory_space<vmem>>, vector<16xf32>,
        %mul3A_978 = arith.mulf %get3A_977, %gather3A_946 : vector<16xf32>
        %swap3A_979 = arith.index_cast %rem3A_199 : i32 to index
        %swap3A_980 = arith.index_cast %add3A_937 : i32 to index
        %swap3A_981 = arith.constant 48 : index
        %swap3A_982 = tpu.vector_load %arg11[%swap3A_979, %swap3A_980, %swap3A_981] {strides = array<i32>} : memref<2x80x136xf32, #tpu.memory_space<vmem>>, vector<16xf32>,
        tpu.vector_store %arg11[%swap3A_979, %swap3A_980, %swap3A_981], %mul3A_978 {strides = array<i32>} : memref<2x80x136xf32, #tpu.memory_space<vmem>>, vector<16xf32>,
        %get3A_983 = arith.index_cast %rem3A_199 : i32 to index
        %get3A_984 = arith.index_cast %add3A_937 : i32 to index
        %get3A_985 = arith.constant 64 : index
        %get3A_986 = tpu.vector_load %arg10[%get3A_983, %get3A_984, %get3A_985] {strides = array<i32>} : memref<2x80x128xf32, #tpu.memory_space<vmem>>, vector<16xf32>,
        %mul3A_987 = arith.mulf %get3A_986, %gather3A_946 : vector<16xf32>
        %swap3A_988 = arith.index_cast %rem3A_199 : i32 to index
        %swap3A_989 = arith.index_cast %add3A_937 : i32 to index
        %swap3A_990 = arith.constant 64 : index
        %swap3A_991 = tpu.vector_load %arg11[%swap3A_988, %swap3A_989, %swap3A_990] {strides = array<i32>} : memref<2x80x136xf32, #tpu.memory_space<vmem>>, vector<16xf32>,
        tpu.vector_store %arg11[%swap3A_988, %swap3A_989, %swap3A_990], %mul3A_987 {strides = array<i32>} : memref<2x80x136xf32, #tpu.memory_space<vmem>>, vector<16xf32>,
        %get3A_992 = arith.index_cast %rem3A_199 : i32 to index
        %get3A_993 = arith.index_cast %add3A_937 : i32 to index
        %get3A_994 = arith.constant 80 : index
        %get3A_995 = tpu.vector_load %arg10[%get3A_992, %get3A_993, %get3A_994] {strides = array<i32>} : memref<2x80x128xf32, #tpu.memory_space<vmem>>, vector<16xf32>,
        %mul3A_996 = arith.mulf %get3A_995, %gather3A_946 : vector<16xf32>
        %swap3A_997 = arith.index_cast %rem3A_199 : i32 to index
        %swap3A_998 = arith.index_cast %add3A_937 : i32 to index
        %swap3A_999 = arith.constant 80 : index
        %swap3A_1000 = tpu.vector_load %arg11[%swap3A_997, %swap3A_998, %swap3A_999] {strides = array<i32>} : memref<2x80x136xf32, #tpu.memory_space<vmem>>, vector<16xf32>,
        tpu.vector_store %arg11[%swap3A_997, %swap3A_998, %swap3A_999], %mul3A_996 {strides = array<i32>} : memref<2x80x136xf32, #tpu.memory_space<vmem>>, vector<16xf32>,
        %get3A_1001 = arith.index_cast %rem3A_199 : i32 to index
        %get3A_1002 = arith.index_cast %add3A_937 : i32 to index
        %get3A_1003 = arith.constant 96 : index
        %get3A_1004 = tpu.vector_load %arg10[%get3A_1001, %get3A_1002, %get3A_1003] {strides = array<i32>} : memref<2x80x128xf32, #tpu.memory_space<vmem>>, vector<16xf32>,
        %mul3A_1005 = arith.mulf %get3A_1004, %gather3A_946 : vector<16xf32>
        %swap3A_1006 = arith.index_cast %rem3A_199 : i32 to index
        %swap3A_1007 = arith.index_cast %add3A_937 : i32 to index
        %swap3A_1008 = arith.constant 96 : index
        %swap3A_1009 = tpu.vector_load %arg11[%swap3A_1006, %swap3A_1007, %swap3A_1008] {strides = array<i32>} : memref<2x80x136xf32, #tpu.memory_space<vmem>>, vector<16xf32>,
        tpu.vector_store %arg11[%swap3A_1006, %swap3A_1007, %swap3A_1008], %mul3A_1005 {strides = array<i32>} : memref<2x80x136xf32, #tpu.memory_space<vmem>>, vector<16xf32>,
        %get3A_1010 = arith.index_cast %rem3A_199 : i32 to index
        %get3A_1011 = arith.index_cast %add3A_937 : i32 to index
        %get3A_1012 = arith.constant 112 : index
        %get3A_1013 = tpu.vector_load %arg10[%get3A_1010, %get3A_1011, %get3A_1012] {strides = array<i32>} : memref<2x80x128xf32, #tpu.memory_space<vmem>>, vector<16xf32>,
        %mul3A_1014 = arith.mulf %get3A_1013, %gather3A_946 : vector<16xf32>
        %swap3A_1015 = arith.index_cast %rem3A_199 : i32 to index
        %swap3A_1016 = arith.index_cast %add3A_937 : i32 to index
        %swap3A_1017 = arith.constant 112 : index
        %swap3A_1018 = tpu.vector_load %arg11[%swap3A_1015, %swap3A_1016, %swap3A_1017] {strides = array<i32>} : memref<2x80x136xf32, #tpu.memory_space<vmem>>, vector<16xf32>,
        tpu.vector_store %arg11[%swap3A_1015, %swap3A_1016, %swap3A_1017], %mul3A_1014 {strides = array<i32>} : memref<2x80x136xf32, #tpu.memory_space<vmem>>, vector<16xf32>,
        %mul3A_1019 = arith.constant 16 : i32
        %mul3A_1020 = arith.muli %scan3A_251, %mul3A_1019 : i32
        %add3A_1021 = arith.constant 9 : i32
        %add3A_1022 = arith.addi %mul3A_1020, %add3A_1021 : i32
        %mul3A_1023 = arith.constant 0 : i32
        %mul3A_1024 = vector.broadcast %mul3A_1023 : i32 to vector<16xi32>
        %mul3A_1025 = arith.muli %iota3A, %mul3A_1024 : vector<16xi32>
        %add3A_1026 = arith.constant 9 : i32
        %add3A_1027 = vector.broadcast %add3A_1026 : i32 to vector<16xi32>
        %add3A_1028 = arith.addi %mul3A_1025, %add3A_1027 : vector<16xi32>
        %broadcast_in_dim3A_1029 = vector.shape_cast %add3A_1028 : vector<16xi32> to vector<16x1xi32>
        %gather3A_1030 = vector.shape_cast %broadcast_in_dim3A_1029 : vector<16x1xi32> to vector<16xi32>
        %gather3A_1031 = tpu.dynamic_gather %get3A_255[%gather3A_1030] in [0] : vector<16xf32>, vector<16xi32> -> vector<16xf32>
        %get3A_1032 = arith.index_cast %rem3A_199 : i32 to index
        %get3A_1033 = arith.index_cast %add3A_1022 : i32 to index
        %get3A_1034 = arith.constant 0 : index
        %get3A_1035 = tpu.vector_load %arg10[%get3A_1032, %get3A_1033, %get3A_1034] {strides = array<i32>} : memref<2x80x128xf32, #tpu.memory_space<vmem>>, vector<16xf32>,
        %mul3A_1036 = arith.mulf %get3A_1035, %gather3A_1031 : vector<16xf32>
        %swap3A_1037 = arith.index_cast %rem3A_199 : i32 to index
        %swap3A_1038 = arith.index_cast %add3A_1022 : i32 to index
        %swap3A_1039 = arith.constant 0 : index
        %swap3A_1040 = tpu.vector_load %arg11[%swap3A_1037, %swap3A_1038, %swap3A_1039] {strides = array<i32>} : memref<2x80x136xf32, #tpu.memory_space<vmem>>, vector<16xf32>,
        tpu.vector_store %arg11[%swap3A_1037, %swap3A_1038, %swap3A_1039], %mul3A_1036 {strides = array<i32>} : memref<2x80x136xf32, #tpu.memory_space<vmem>>, vector<16xf32>,
        %get3A_1041 = arith.index_cast %rem3A_199 : i32 to index
        %get3A_1042 = arith.index_cast %add3A_1022 : i32 to index
        %get3A_1043 = arith.constant 16 : index
        %get3A_1044 = tpu.vector_load %arg10[%get3A_1041, %get3A_1042, %get3A_1043] {strides = array<i32>} : memref<2x80x128xf32, #tpu.memory_space<vmem>>, vector<16xf32>,
        %mul3A_1045 = arith.mulf %get3A_1044, %gather3A_1031 : vector<16xf32>
        %swap3A_1046 = arith.index_cast %rem3A_199 : i32 to index
        %swap3A_1047 = arith.index_cast %add3A_1022 : i32 to index
        %swap3A_1048 = arith.constant 16 : index
        %swap3A_1049 = tpu.vector_load %arg11[%swap3A_1046, %swap3A_1047, %swap3A_1048] {strides = array<i32>} : memref<2x80x136xf32, #tpu.memory_space<vmem>>, vector<16xf32>,
        tpu.vector_store %arg11[%swap3A_1046, %swap3A_1047, %swap3A_1048], %mul3A_1045 {strides = array<i32>} : memref<2x80x136xf32, #tpu.memory_space<vmem>>, vector<16xf32>,
        %get3A_1050 = arith.index_cast %rem3A_199 : i32 to index
        %get3A_1051 = arith.index_cast %add3A_1022 : i32 to index
        %get3A_1052 = arith.constant 32 : index
        %get3A_1053 = tpu.vector_load %arg10[%get3A_1050, %get3A_1051, %get3A_1052] {strides = array<i32>} : memref<2x80x128xf32, #tpu.memory_space<vmem>>, vector<16xf32>,
        %mul3A_1054 = arith.mulf %get3A_1053, %gather3A_1031 : vector<16xf32>
        %swap3A_1055 = arith.index_cast %rem3A_199 : i32 to index
        %swap3A_1056 = arith.index_cast %add3A_1022 : i32 to index
        %swap3A_1057 = arith.constant 32 : index
        %swap3A_1058 = tpu.vector_load %arg11[%swap3A_1055, %swap3A_1056, %swap3A_1057] {strides = array<i32>} : memref<2x80x136xf32, #tpu.memory_space<vmem>>, vector<16xf32>,
        tpu.vector_store %arg11[%swap3A_1055, %swap3A_1056, %swap3A_1057], %mul3A_1054 {strides = array<i32>} : memref<2x80x136xf32, #tpu.memory_space<vmem>>, vector<16xf32>,
        %get3A_1059 = arith.index_cast %rem3A_199 : i32 to index
        %get3A_1060 = arith.index_cast %add3A_1022 : i32 to index
        %get3A_1061 = arith.constant 48 : index
        %get3A_1062 = tpu.vector_load %arg10[%get3A_1059, %get3A_1060, %get3A_1061] {strides = array<i32>} : memref<2x80x128xf32, #tpu.memory_space<vmem>>, vector<16xf32>,
        %mul3A_1063 = arith.mulf %get3A_1062, %gather3A_1031 : vector<16xf32>
        %swap3A_1064 = arith.index_cast %rem3A_199 : i32 to index
        %swap3A_1065 = arith.index_cast %add3A_1022 : i32 to index
        %swap3A_1066 = arith.constant 48 : index
        %swap3A_1067 = tpu.vector_load %arg11[%swap3A_1064, %swap3A_1065, %swap3A_1066] {strides = array<i32>} : memref<2x80x136xf32, #tpu.memory_space<vmem>>, vector<16xf32>,
        tpu.vector_store %arg11[%swap3A_1064, %swap3A_1065, %swap3A_1066], %mul3A_1063 {strides = array<i32>} : memref<2x80x136xf32, #tpu.memory_space<vmem>>, vector<16xf32>,
        %get3A_1068 = arith.index_cast %rem3A_199 : i32 to index
        %get3A_1069 = arith.index_cast %add3A_1022 : i32 to index
        %get3A_1070 = arith.constant 64 : index
        %get3A_1071 = tpu.vector_load %arg10[%get3A_1068, %get3A_1069, %get3A_1070] {strides = array<i32>} : memref<2x80x128xf32, #tpu.memory_space<vmem>>, vector<16xf32>,
        %mul3A_1072 = arith.mulf %get3A_1071, %gather3A_1031 : vector<16xf32>
        %swap3A_1073 = arith.index_cast %rem3A_199 : i32 to index
        %swap3A_1074 = arith.index_cast %add3A_1022 : i32 to index
        %swap3A_1075 = arith.constant 64 : index
        %swap3A_1076 = tpu.vector_load %arg11[%swap3A_1073, %swap3A_1074, %swap3A_1075] {strides = array<i32>} : memref<2x80x136xf32, #tpu.memory_space<vmem>>, vector<16xf32>,
        tpu.vector_store %arg11[%swap3A_1073, %swap3A_1074, %swap3A_1075], %mul3A_1072 {strides = array<i32>} : memref<2x80x136xf32, #tpu.memory_space<vmem>>, vector<16xf32>,
        %get3A_1077 = arith.index_cast %rem3A_199 : i32 to index
        %get3A_1078 = arith.index_cast %add3A_1022 : i32 to index
        %get3A_1079 = arith.constant 80 : index
        %get3A_1080 = tpu.vector_load %arg10[%get3A_1077, %get3A_1078, %get3A_1079] {strides = array<i32>} : memref<2x80x128xf32, #tpu.memory_space<vmem>>, vector<16xf32>,
        %mul3A_1081 = arith.mulf %get3A_1080, %gather3A_1031 : vector<16xf32>
        %swap3A_1082 = arith.index_cast %rem3A_199 : i32 to index
        %swap3A_1083 = arith.index_cast %add3A_1022 : i32 to index
        %swap3A_1084 = arith.constant 80 : index
        %swap3A_1085 = tpu.vector_load %arg11[%swap3A_1082, %swap3A_1083, %swap3A_1084] {strides = array<i32>} : memref<2x80x136xf32, #tpu.memory_space<vmem>>, vector<16xf32>,
        tpu.vector_store %arg11[%swap3A_1082, %swap3A_1083, %swap3A_1084], %mul3A_1081 {strides = array<i32>} : memref<2x80x136xf32, #tpu.memory_space<vmem>>, vector<16xf32>,
        %get3A_1086 = arith.index_cast %rem3A_199 : i32 to index
        %get3A_1087 = arith.index_cast %add3A_1022 : i32 to index
        %get3A_1088 = arith.constant 96 : index
        %get3A_1089 = tpu.vector_load %arg10[%get3A_1086, %get3A_1087, %get3A_1088] {strides = array<i32>} : memref<2x80x128xf32, #tpu.memory_space<vmem>>, vector<16xf32>,
        %mul3A_1090 = arith.mulf %get3A_1089, %gather3A_1031 : vector<16xf32>
        %swap3A_1091 = arith.index_cast %rem3A_199 : i32 to index
        %swap3A_1092 = arith.index_cast %add3A_1022 : i32 to index
        %swap3A_1093 = arith.constant 96 : index
        %swap3A_1094 = tpu.vector_load %arg11[%swap3A_1091, %swap3A_1092, %swap3A_1093] {strides = array<i32>} : memref<2x80x136xf32, #tpu.memory_space<vmem>>, vector<16xf32>,
        tpu.vector_store %arg11[%swap3A_1091, %swap3A_1092, %swap3A_1093], %mul3A_1090 {strides = array<i32>} : memref<2x80x136xf32, #tpu.memory_space<vmem>>, vector<16xf32>,
        %get3A_1095 = arith.index_cast %rem3A_199 : i32 to index
        %get3A_1096 = arith.index_cast %add3A_1022 : i32 to index
        %get3A_1097 = arith.constant 112 : index
        %get3A_1098 = tpu.vector_load %arg10[%get3A_1095, %get3A_1096, %get3A_1097] {strides = array<i32>} : memref<2x80x128xf32, #tpu.memory_space<vmem>>, vector<16xf32>,
        %mul3A_1099 = arith.mulf %get3A_1098, %gather3A_1031 : vector<16xf32>
        %swap3A_1100 = arith.index_cast %rem3A_199 : i32 to index
        %swap3A_1101 = arith.index_cast %add3A_1022 : i32 to index
        %swap3A_1102 = arith.constant 112 : index
        %swap3A_1103 = tpu.vector_load %arg11[%swap3A_1100, %swap3A_1101, %swap3A_1102] {strides = array<i32>} : memref<2x80x136xf32, #tpu.memory_space<vmem>>, vector<16xf32>,
        tpu.vector_store %arg11[%swap3A_1100, %swap3A_1101, %swap3A_1102], %mul3A_1099 {strides = array<i32>} : memref<2x80x136xf32, #tpu.memory_space<vmem>>, vector<16xf32>,
        %mul3A_1104 = arith.constant 16 : i32
        %mul3A_1105 = arith.muli %scan3A_251, %mul3A_1104 : i32
        %add3A_1106 = arith.constant 10 : i32
        %add3A_1107 = arith.addi %mul3A_1105, %add3A_1106 : i32
        %mul3A_1108 = arith.constant 0 : i32
        %mul3A_1109 = vector.broadcast %mul3A_1108 : i32 to vector<16xi32>
        %mul3A_1110 = arith.muli %iota3A, %mul3A_1109 : vector<16xi32>
        %add3A_1111 = arith.constant 10 : i32
        %add3A_1112 = vector.broadcast %add3A_1111 : i32 to vector<16xi32>
        %add3A_1113 = arith.addi %mul3A_1110, %add3A_1112 : vector<16xi32>
        %broadcast_in_dim3A_1114 = vector.shape_cast %add3A_1113 : vector<16xi32> to vector<16x1xi32>
        %gather3A_1115 = vector.shape_cast %broadcast_in_dim3A_1114 : vector<16x1xi32> to vector<16xi32>
        %gather3A_1116 = tpu.dynamic_gather %get3A_255[%gather3A_1115] in [0] : vector<16xf32>, vector<16xi32> -> vector<16xf32>
        %get3A_1117 = arith.index_cast %rem3A_199 : i32 to index
        %get3A_1118 = arith.index_cast %add3A_1107 : i32 to index
        %get3A_1119 = arith.constant 0 : index
        %get3A_1120 = tpu.vector_load %arg10[%get3A_1117, %get3A_1118, %get3A_1119] {strides = array<i32>} : memref<2x80x128xf32, #tpu.memory_space<vmem>>, vector<16xf32>,
        %mul3A_1121 = arith.mulf %get3A_1120, %gather3A_1116 : vector<16xf32>
        %swap3A_1122 = arith.index_cast %rem3A_199 : i32 to index
        %swap3A_1123 = arith.index_cast %add3A_1107 : i32 to index
        %swap3A_1124 = arith.constant 0 : index
        %swap3A_1125 = tpu.vector_load %arg11[%swap3A_1122, %swap3A_1123, %swap3A_1124] {strides = array<i32>} : memref<2x80x136xf32, #tpu.memory_space<vmem>>, vector<16xf32>,
        tpu.vector_store %arg11[%swap3A_1122, %swap3A_1123, %swap3A_1124], %mul3A_1121 {strides = array<i32>} : memref<2x80x136xf32, #tpu.memory_space<vmem>>, vector<16xf32>,
        %get3A_1126 = arith.index_cast %rem3A_199 : i32 to index
        %get3A_1127 = arith.index_cast %add3A_1107 : i32 to index
        %get3A_1128 = arith.constant 16 : index
        %get3A_1129 = tpu.vector_load %arg10[%get3A_1126, %get3A_1127, %get3A_1128] {strides = array<i32>} : memref<2x80x128xf32, #tpu.memory_space<vmem>>, vector<16xf32>,
        %mul3A_1130 = arith.mulf %get3A_1129, %gather3A_1116 : vector<16xf32>
        %swap3A_1131 = arith.index_cast %rem3A_199 : i32 to index
        %swap3A_1132 = arith.index_cast %add3A_1107 : i32 to index
        %swap3A_1133 = arith.constant 16 : index
        %swap3A_1134 = tpu.vector_load %arg11[%swap3A_1131, %swap3A_1132, %swap3A_1133] {strides = array<i32>} : memref<2x80x136xf32, #tpu.memory_space<vmem>>, vector<16xf32>,
        tpu.vector_store %arg11[%swap3A_1131, %swap3A_1132, %swap3A_1133], %mul3A_1130 {strides = array<i32>} : memref<2x80x136xf32, #tpu.memory_space<vmem>>, vector<16xf32>,
        %get3A_1135 = arith.index_cast %rem3A_199 : i32 to index
        %get3A_1136 = arith.index_cast %add3A_1107 : i32 to index
        %get3A_1137 = arith.constant 32 : index
        %get3A_1138 = tpu.vector_load %arg10[%get3A_1135, %get3A_1136, %get3A_1137] {strides = array<i32>} : memref<2x80x128xf32, #tpu.memory_space<vmem>>, vector<16xf32>,
        %mul3A_1139 = arith.mulf %get3A_1138, %gather3A_1116 : vector<16xf32>
        %swap3A_1140 = arith.index_cast %rem3A_199 : i32 to index
        %swap3A_1141 = arith.index_cast %add3A_1107 : i32 to index
        %swap3A_1142 = arith.constant 32 : index
        %swap3A_1143 = tpu.vector_load %arg11[%swap3A_1140, %swap3A_1141, %swap3A_1142] {strides = array<i32>} : memref<2x80x136xf32, #tpu.memory_space<vmem>>, vector<16xf32>,
        tpu.vector_store %arg11[%swap3A_1140, %swap3A_1141, %swap3A_1142], %mul3A_1139 {strides = array<i32>} : memref<2x80x136xf32, #tpu.memory_space<vmem>>, vector<16xf32>,
        %get3A_1144 = arith.index_cast %rem3A_199 : i32 to index
        %get3A_1145 = arith.index_cast %add3A_1107 : i32 to index
        %get3A_1146 = arith.constant 48 : index
        %get3A_1147 = tpu.vector_load %arg10[%get3A_1144, %get3A_1145, %get3A_1146] {strides = array<i32>} : memref<2x80x128xf32, #tpu.memory_space<vmem>>, vector<16xf32>,
        %mul3A_1148 = arith.mulf %get3A_1147, %gather3A_1116 : vector<16xf32>
        %swap3A_1149 = arith.index_cast %rem3A_199 : i32 to index
        %swap3A_1150 = arith.index_cast %add3A_1107 : i32 to index
        %swap3A_1151 = arith.constant 48 : index
        %swap3A_1152 = tpu.vector_load %arg11[%swap3A_1149, %swap3A_1150, %swap3A_1151] {strides = array<i32>} : memref<2x80x136xf32, #tpu.memory_space<vmem>>, vector<16xf32>,
        tpu.vector_store %arg11[%swap3A_1149, %swap3A_1150, %swap3A_1151], %mul3A_1148 {strides = array<i32>} : memref<2x80x136xf32, #tpu.memory_space<vmem>>, vector<16xf32>,
        %get3A_1153 = arith.index_cast %rem3A_199 : i32 to index
        %get3A_1154 = arith.index_cast %add3A_1107 : i32 to index
        %get3A_1155 = arith.constant 64 : index
        %get3A_1156 = tpu.vector_load %arg10[%get3A_1153, %get3A_1154, %get3A_1155] {strides = array<i32>} : memref<2x80x128xf32, #tpu.memory_space<vmem>>, vector<16xf32>,
        %mul3A_1157 = arith.mulf %get3A_1156, %gather3A_1116 : vector<16xf32>
        %swap3A_1158 = arith.index_cast %rem3A_199 : i32 to index
        %swap3A_1159 = arith.index_cast %add3A_1107 : i32 to index
        %swap3A_1160 = arith.constant 64 : index
        %swap3A_1161 = tpu.vector_load %arg11[%swap3A_1158, %swap3A_1159, %swap3A_1160] {strides = array<i32>} : memref<2x80x136xf32, #tpu.memory_space<vmem>>, vector<16xf32>,
        tpu.vector_store %arg11[%swap3A_1158, %swap3A_1159, %swap3A_1160], %mul3A_1157 {strides = array<i32>} : memref<2x80x136xf32, #tpu.memory_space<vmem>>, vector<16xf32>,
        %get3A_1162 = arith.index_cast %rem3A_199 : i32 to index
        %get3A_1163 = arith.index_cast %add3A_1107 : i32 to index
        %get3A_1164 = arith.constant 80 : index
        %get3A_1165 = tpu.vector_load %arg10[%get3A_1162, %get3A_1163, %get3A_1164] {strides = array<i32>} : memref<2x80x128xf32, #tpu.memory_space<vmem>>, vector<16xf32>,
        %mul3A_1166 = arith.mulf %get3A_1165, %gather3A_1116 : vector<16xf32>
        %swap3A_1167 = arith.index_cast %rem3A_199 : i32 to index
        %swap3A_1168 = arith.index_cast %add3A_1107 : i32 to index
        %swap3A_1169 = arith.constant 80 : index
        %swap3A_1170 = tpu.vector_load %arg11[%swap3A_1167, %swap3A_1168, %swap3A_1169] {strides = array<i32>} : memref<2x80x136xf32, #tpu.memory_space<vmem>>, vector<16xf32>,
        tpu.vector_store %arg11[%swap3A_1167, %swap3A_1168, %swap3A_1169], %mul3A_1166 {strides = array<i32>} : memref<2x80x136xf32, #tpu.memory_space<vmem>>, vector<16xf32>,
        %get3A_1171 = arith.index_cast %rem3A_199 : i32 to index
        %get3A_1172 = arith.index_cast %add3A_1107 : i32 to index
        %get3A_1173 = arith.constant 96 : index
        %get3A_1174 = tpu.vector_load %arg10[%get3A_1171, %get3A_1172, %get3A_1173] {strides = array<i32>} : memref<2x80x128xf32, #tpu.memory_space<vmem>>, vector<16xf32>,
        %mul3A_1175 = arith.mulf %get3A_1174, %gather3A_1116 : vector<16xf32>
        %swap3A_1176 = arith.index_cast %rem3A_199 : i32 to index
        %swap3A_1177 = arith.index_cast %add3A_1107 : i32 to index
        %swap3A_1178 = arith.constant 96 : index
        %swap3A_1179 = tpu.vector_load %arg11[%swap3A_1176, %swap3A_1177, %swap3A_1178] {strides = array<i32>} : memref<2x80x136xf32, #tpu.memory_space<vmem>>, vector<16xf32>,
        tpu.vector_store %arg11[%swap3A_1176, %swap3A_1177, %swap3A_1178], %mul3A_1175 {strides = array<i32>} : memref<2x80x136xf32, #tpu.memory_space<vmem>>, vector<16xf32>,
        %get3A_1180 = arith.index_cast %rem3A_199 : i32 to index
        %get3A_1181 = arith.index_cast %add3A_1107 : i32 to index
        %get3A_1182 = arith.constant 112 : index
        %get3A_1183 = tpu.vector_load %arg10[%get3A_1180, %get3A_1181, %get3A_1182] {strides = array<i32>} : memref<2x80x128xf32, #tpu.memory_space<vmem>>, vector<16xf32>,
        %mul3A_1184 = arith.mulf %get3A_1183, %gather3A_1116 : vector<16xf32>
        %swap3A_1185 = arith.index_cast %rem3A_199 : i32 to index
        %swap3A_1186 = arith.index_cast %add3A_1107 : i32 to index
        %swap3A_1187 = arith.constant 112 : index
        %swap3A_1188 = tpu.vector_load %arg11[%swap3A_1185, %swap3A_1186, %swap3A_1187] {strides = array<i32>} : memref<2x80x136xf32, #tpu.memory_space<vmem>>, vector<16xf32>,
        tpu.vector_store %arg11[%swap3A_1185, %swap3A_1186, %swap3A_1187], %mul3A_1184 {strides = array<i32>} : memref<2x80x136xf32, #tpu.memory_space<vmem>>, vector<16xf32>,
        %mul3A_1189 = arith.constant 16 : i32
        %mul3A_1190 = arith.muli %scan3A_251, %mul3A_1189 : i32
        %add3A_1191 = arith.constant 11 : i32
        %add3A_1192 = arith.addi %mul3A_1190, %add3A_1191 : i32
        %mul3A_1193 = arith.constant 0 : i32
        %mul3A_1194 = vector.broadcast %mul3A_1193 : i32 to vector<16xi32>
        %mul3A_1195 = arith.muli %iota3A, %mul3A_1194 : vector<16xi32>
        %add3A_1196 = arith.constant 11 : i32
        %add3A_1197 = vector.broadcast %add3A_1196 : i32 to vector<16xi32>
        %add3A_1198 = arith.addi %mul3A_1195, %add3A_1197 : vector<16xi32>
        %broadcast_in_dim3A_1199 = vector.shape_cast %add3A_1198 : vector<16xi32> to vector<16x1xi32>
        %gather3A_1200 = vector.shape_cast %broadcast_in_dim3A_1199 : vector<16x1xi32> to vector<16xi32>
        %gather3A_1201 = tpu.dynamic_gather %get3A_255[%gather3A_1200] in [0] : vector<16xf32>, vector<16xi32> -> vector<16xf32>
        %get3A_1202 = arith.index_cast %rem3A_199 : i32 to index
        %get3A_1203 = arith.index_cast %add3A_1192 : i32 to index
        %get3A_1204 = arith.constant 0 : index
        %get3A_1205 = tpu.vector_load %arg10[%get3A_1202, %get3A_1203, %get3A_1204] {strides = array<i32>} : memref<2x80x128xf32, #tpu.memory_space<vmem>>, vector<16xf32>,
        %mul3A_1206 = arith.mulf %get3A_1205, %gather3A_1201 : vector<16xf32>
        %swap3A_1207 = arith.index_cast %rem3A_199 : i32 to index
        %swap3A_1208 = arith.index_cast %add3A_1192 : i32 to index
        %swap3A_1209 = arith.constant 0 : index
        %swap3A_1210 = tpu.vector_load %arg11[%swap3A_1207, %swap3A_1208, %swap3A_1209] {strides = array<i32>} : memref<2x80x136xf32, #tpu.memory_space<vmem>>, vector<16xf32>,
        tpu.vector_store %arg11[%swap3A_1207, %swap3A_1208, %swap3A_1209], %mul3A_1206 {strides = array<i32>} : memref<2x80x136xf32, #tpu.memory_space<vmem>>, vector<16xf32>,
        %get3A_1211 = arith.index_cast %rem3A_199 : i32 to index
        %get3A_1212 = arith.index_cast %add3A_1192 : i32 to index
        %get3A_1213 = arith.constant 16 : index
        %get3A_1214 = tpu.vector_load %arg10[%get3A_1211, %get3A_1212, %get3A_1213] {strides = array<i32>} : memref<2x80x128xf32, #tpu.memory_space<vmem>>, vector<16xf32>,
        %mul3A_1215 = arith.mulf %get3A_1214, %gather3A_1201 : vector<16xf32>
        %swap3A_1216 = arith.index_cast %rem3A_199 : i32 to index
        %swap3A_1217 = arith.index_cast %add3A_1192 : i32 to index
        %swap3A_1218 = arith.constant 16 : index
        %swap3A_1219 = tpu.vector_load %arg11[%swap3A_1216, %swap3A_1217, %swap3A_1218] {strides = array<i32>} : memref<2x80x136xf32, #tpu.memory_space<vmem>>, vector<16xf32>,
        tpu.vector_store %arg11[%swap3A_1216, %swap3A_1217, %swap3A_1218], %mul3A_1215 {strides = array<i32>} : memref<2x80x136xf32, #tpu.memory_space<vmem>>, vector<16xf32>,
        %get3A_1220 = arith.index_cast %rem3A_199 : i32 to index
        %get3A_1221 = arith.index_cast %add3A_1192 : i32 to index
        %get3A_1222 = arith.constant 32 : index
        %get3A_1223 = tpu.vector_load %arg10[%get3A_1220, %get3A_1221, %get3A_1222] {strides = array<i32>} : memref<2x80x128xf32, #tpu.memory_space<vmem>>, vector<16xf32>,
        %mul3A_1224 = arith.mulf %get3A_1223, %gather3A_1201 : vector<16xf32>
        %swap3A_1225 = arith.index_cast %rem3A_199 : i32 to index
        %swap3A_1226 = arith.index_cast %add3A_1192 : i32 to index
        %swap3A_1227 = arith.constant 32 : index
        %swap3A_1228 = tpu.vector_load %arg11[%swap3A_1225, %swap3A_1226, %swap3A_1227] {strides = array<i32>} : memref<2x80x136xf32, #tpu.memory_space<vmem>>, vector<16xf32>,
        tpu.vector_store %arg11[%swap3A_1225, %swap3A_1226, %swap3A_1227], %mul3A_1224 {strides = array<i32>} : memref<2x80x136xf32, #tpu.memory_space<vmem>>, vector<16xf32>,
        %get3A_1229 = arith.index_cast %rem3A_199 : i32 to index
        %get3A_1230 = arith.index_cast %add3A_1192 : i32 to index
        %get3A_1231 = arith.constant 48 : index
        %get3A_1232 = tpu.vector_load %arg10[%get3A_1229, %get3A_1230, %get3A_1231] {strides = array<i32>} : memref<2x80x128xf32, #tpu.memory_space<vmem>>, vector<16xf32>,
        %mul3A_1233 = arith.mulf %get3A_1232, %gather3A_1201 : vector<16xf32>
        %swap3A_1234 = arith.index_cast %rem3A_199 : i32 to index
        %swap3A_1235 = arith.index_cast %add3A_1192 : i32 to index
        %swap3A_1236 = arith.constant 48 : index
        %swap3A_1237 = tpu.vector_load %arg11[%swap3A_1234, %swap3A_1235, %swap3A_1236] {strides = array<i32>} : memref<2x80x136xf32, #tpu.memory_space<vmem>>, vector<16xf32>,
        tpu.vector_store %arg11[%swap3A_1234, %swap3A_1235, %swap3A_1236], %mul3A_1233 {strides = array<i32>} : memref<2x80x136xf32, #tpu.memory_space<vmem>>, vector<16xf32>,
        %get3A_1238 = arith.index_cast %rem3A_199 : i32 to index
        %get3A_1239 = arith.index_cast %add3A_1192 : i32 to index
        %get3A_1240 = arith.constant 64 : index
        %get3A_1241 = tpu.vector_load %arg10[%get3A_1238, %get3A_1239, %get3A_1240] {strides = array<i32>} : memref<2x80x128xf32, #tpu.memory_space<vmem>>, vector<16xf32>,
        %mul3A_1242 = arith.mulf %get3A_1241, %gather3A_1201 : vector<16xf32>
        %swap3A_1243 = arith.index_cast %rem3A_199 : i32 to index
        %swap3A_1244 = arith.index_cast %add3A_1192 : i32 to index
        %swap3A_1245 = arith.constant 64 : index
        %swap3A_1246 = tpu.vector_load %arg11[%swap3A_1243, %swap3A_1244, %swap3A_1245] {strides = array<i32>} : memref<2x80x136xf32, #tpu.memory_space<vmem>>, vector<16xf32>,
        tpu.vector_store %arg11[%swap3A_1243, %swap3A_1244, %swap3A_1245], %mul3A_1242 {strides = array<i32>} : memref<2x80x136xf32, #tpu.memory_space<vmem>>, vector<16xf32>,
        %get3A_1247 = arith.index_cast %rem3A_199 : i32 to index
        %get3A_1248 = arith.index_cast %add3A_1192 : i32 to index
        %get3A_1249 = arith.constant 80 : index
        %get3A_1250 = tpu.vector_load %arg10[%get3A_1247, %get3A_1248, %get3A_1249] {strides = array<i32>} : memref<2x80x128xf32, #tpu.memory_space<vmem>>, vector<16xf32>,
        %mul3A_1251 = arith.mulf %get3A_1250, %gather3A_1201 : vector<16xf32>
        %swap3A_1252 = arith.index_cast %rem3A_199 : i32 to index
        %swap3A_1253 = arith.index_cast %add3A_1192 : i32 to index
        %swap3A_1254 = arith.constant 80 : index
        %swap3A_1255 = tpu.vector_load %arg11[%swap3A_1252, %swap3A_1253, %swap3A_1254] {strides = array<i32>} : memref<2x80x136xf32, #tpu.memory_space<vmem>>, vector<16xf32>,
        tpu.vector_store %arg11[%swap3A_1252, %swap3A_1253, %swap3A_1254], %mul3A_1251 {strides = array<i32>} : memref<2x80x136xf32, #tpu.memory_space<vmem>>, vector<16xf32>,
        %get3A_1256 = arith.index_cast %rem3A_199 : i32 to index
        %get3A_1257 = arith.index_cast %add3A_1192 : i32 to index
        %get3A_1258 = arith.constant 96 : index
        %get3A_1259 = tpu.vector_load %arg10[%get3A_1256, %get3A_1257, %get3A_1258] {strides = array<i32>} : memref<2x80x128xf32, #tpu.memory_space<vmem>>, vector<16xf32>,
        %mul3A_1260 = arith.mulf %get3A_1259, %gather3A_1201 : vector<16xf32>
        %swap3A_1261 = arith.index_cast %rem3A_199 : i32 to index
        %swap3A_1262 = arith.index_cast %add3A_1192 : i32 to index
        %swap3A_1263 = arith.constant 96 : index
        %swap3A_1264 = tpu.vector_load %arg11[%swap3A_1261, %swap3A_1262, %swap3A_1263] {strides = array<i32>} : memref<2x80x136xf32, #tpu.memory_space<vmem>>, vector<16xf32>,
        tpu.vector_store %arg11[%swap3A_1261, %swap3A_1262, %swap3A_1263], %mul3A_1260 {strides = array<i32>} : memref<2x80x136xf32, #tpu.memory_space<vmem>>, vector<16xf32>,
        %get3A_1265 = arith.index_cast %rem3A_199 : i32 to index
        %get3A_1266 = arith.index_cast %add3A_1192 : i32 to index
        %get3A_1267 = arith.constant 112 : index
        %get3A_1268 = tpu.vector_load %arg10[%get3A_1265, %get3A_1266, %get3A_1267] {strides = array<i32>} : memref<2x80x128xf32, #tpu.memory_space<vmem>>, vector<16xf32>,
        %mul3A_1269 = arith.mulf %get3A_1268, %gather3A_1201 : vector<16xf32>
        %swap3A_1270 = arith.index_cast %rem3A_199 : i32 to index
        %swap3A_1271 = arith.index_cast %add3A_1192 : i32 to index
        %swap3A_1272 = arith.constant 112 : index
        %swap3A_1273 = tpu.vector_load %arg11[%swap3A_1270, %swap3A_1271, %swap3A_1272] {strides = array<i32>} : memref<2x80x136xf32, #tpu.memory_space<vmem>>, vector<16xf32>,
        tpu.vector_store %arg11[%swap3A_1270, %swap3A_1271, %swap3A_1272], %mul3A_1269 {strides = array<i32>} : memref<2x80x136xf32, #tpu.memory_space<vmem>>, vector<16xf32>,
        %mul3A_1274 = arith.constant 16 : i32
        %mul3A_1275 = arith.muli %scan3A_251, %mul3A_1274 : i32
        %add3A_1276 = arith.constant 12 : i32
        %add3A_1277 = arith.addi %mul3A_1275, %add3A_1276 : i32
        %mul3A_1278 = arith.constant 0 : i32
        %mul3A_1279 = vector.broadcast %mul3A_1278 : i32 to vector<16xi32>
        %mul3A_1280 = arith.muli %iota3A, %mul3A_1279 : vector<16xi32>
        %add3A_1281 = arith.constant 12 : i32
        %add3A_1282 = vector.broadcast %add3A_1281 : i32 to vector<16xi32>
        %add3A_1283 = arith.addi %mul3A_1280, %add3A_1282 : vector<16xi32>
        %broadcast_in_dim3A_1284 = vector.shape_cast %add3A_1283 : vector<16xi32> to vector<16x1xi32>
        %gather3A_1285 = vector.shape_cast %broadcast_in_dim3A_1284 : vector<16x1xi32> to vector<16xi32>
        %gather3A_1286 = tpu.dynamic_gather %get3A_255[%gather3A_1285] in [0] : vector<16xf32>, vector<16xi32> -> vector<16xf32>
        %get3A_1287 = arith.index_cast %rem3A_199 : i32 to index
        %get3A_1288 = arith.index_cast %add3A_1277 : i32 to index
        %get3A_1289 = arith.constant 0 : index
        %get3A_1290 = tpu.vector_load %arg10[%get3A_1287, %get3A_1288, %get3A_1289] {strides = array<i32>} : memref<2x80x128xf32, #tpu.memory_space<vmem>>, vector<16xf32>,
        %mul3A_1291 = arith.mulf %get3A_1290, %gather3A_1286 : vector<16xf32>
        %swap3A_1292 = arith.index_cast %rem3A_199 : i32 to index
        %swap3A_1293 = arith.index_cast %add3A_1277 : i32 to index
        %swap3A_1294 = arith.constant 0 : index
        %swap3A_1295 = tpu.vector_load %arg11[%swap3A_1292, %swap3A_1293, %swap3A_1294] {strides = array<i32>} : memref<2x80x136xf32, #tpu.memory_space<vmem>>, vector<16xf32>,
        tpu.vector_store %arg11[%swap3A_1292, %swap3A_1293, %swap3A_1294], %mul3A_1291 {strides = array<i32>} : memref<2x80x136xf32, #tpu.memory_space<vmem>>, vector<16xf32>,
        %get3A_1296 = arith.index_cast %rem3A_199 : i32 to index
        %get3A_1297 = arith.index_cast %add3A_1277 : i32 to index
        %get3A_1298 = arith.constant 16 : index
        %get3A_1299 = tpu.vector_load %arg10[%get3A_1296, %get3A_1297, %get3A_1298] {strides = array<i32>} : memref<2x80x128xf32, #tpu.memory_space<vmem>>, vector<16xf32>,
        %mul3A_1300 = arith.mulf %get3A_1299, %gather3A_1286 : vector<16xf32>
        %swap3A_1301 = arith.index_cast %rem3A_199 : i32 to index
        %swap3A_1302 = arith.index_cast %add3A_1277 : i32 to index
        %swap3A_1303 = arith.constant 16 : index
        %swap3A_1304 = tpu.vector_load %arg11[%swap3A_1301, %swap3A_1302, %swap3A_1303] {strides = array<i32>} : memref<2x80x136xf32, #tpu.memory_space<vmem>>, vector<16xf32>,
        tpu.vector_store %arg11[%swap3A_1301, %swap3A_1302, %swap3A_1303], %mul3A_1300 {strides = array<i32>} : memref<2x80x136xf32, #tpu.memory_space<vmem>>, vector<16xf32>,
        %get3A_1305 = arith.index_cast %rem3A_199 : i32 to index
        %get3A_1306 = arith.index_cast %add3A_1277 : i32 to index
        %get3A_1307 = arith.constant 32 : index
        %get3A_1308 = tpu.vector_load %arg10[%get3A_1305, %get3A_1306, %get3A_1307] {strides = array<i32>} : memref<2x80x128xf32, #tpu.memory_space<vmem>>, vector<16xf32>,
        %mul3A_1309 = arith.mulf %get3A_1308, %gather3A_1286 : vector<16xf32>
        %swap3A_1310 = arith.index_cast %rem3A_199 : i32 to index
        %swap3A_1311 = arith.index_cast %add3A_1277 : i32 to index
        %swap3A_1312 = arith.constant 32 : index
        %swap3A_1313 = tpu.vector_load %arg11[%swap3A_1310, %swap3A_1311, %swap3A_1312] {strides = array<i32>} : memref<2x80x136xf32, #tpu.memory_space<vmem>>, vector<16xf32>,
        tpu.vector_store %arg11[%swap3A_1310, %swap3A_1311, %swap3A_1312], %mul3A_1309 {strides = array<i32>} : memref<2x80x136xf32, #tpu.memory_space<vmem>>, vector<16xf32>,
        %get3A_1314 = arith.index_cast %rem3A_199 : i32 to index
        %get3A_1315 = arith.index_cast %add3A_1277 : i32 to index
        %get3A_1316 = arith.constant 48 : index
        %get3A_1317 = tpu.vector_load %arg10[%get3A_1314, %get3A_1315, %get3A_1316] {strides = array<i32>} : memref<2x80x128xf32, #tpu.memory_space<vmem>>, vector<16xf32>,
        %mul3A_1318 = arith.mulf %get3A_1317, %gather3A_1286 : vector<16xf32>
        %swap3A_1319 = arith.index_cast %rem3A_199 : i32 to index
        %swap3A_1320 = arith.index_cast %add3A_1277 : i32 to index
        %swap3A_1321 = arith.constant 48 : index
        %swap3A_1322 = tpu.vector_load %arg11[%swap3A_1319, %swap3A_1320, %swap3A_1321] {strides = array<i32>} : memref<2x80x136xf32, #tpu.memory_space<vmem>>, vector<16xf32>,
        tpu.vector_store %arg11[%swap3A_1319, %swap3A_1320, %swap3A_1321], %mul3A_1318 {strides = array<i32>} : memref<2x80x136xf32, #tpu.memory_space<vmem>>, vector<16xf32>,
        %get3A_1323 = arith.index_cast %rem3A_199 : i32 to index
        %get3A_1324 = arith.index_cast %add3A_1277 : i32 to index
        %get3A_1325 = arith.constant 64 : index
        %get3A_1326 = tpu.vector_load %arg10[%get3A_1323, %get3A_1324, %get3A_1325] {strides = array<i32>} : memref<2x80x128xf32, #tpu.memory_space<vmem>>, vector<16xf32>,
        %mul3A_1327 = arith.mulf %get3A_1326, %gather3A_1286 : vector<16xf32>
        %swap3A_1328 = arith.index_cast %rem3A_199 : i32 to index
        %swap3A_1329 = arith.index_cast %add3A_1277 : i32 to index
        %swap3A_1330 = arith.constant 64 : index
        %swap3A_1331 = tpu.vector_load %arg11[%swap3A_1328, %swap3A_1329, %swap3A_1330] {strides = array<i32>} : memref<2x80x136xf32, #tpu.memory_space<vmem>>, vector<16xf32>,
        tpu.vector_store %arg11[%swap3A_1328, %swap3A_1329, %swap3A_1330], %mul3A_1327 {strides = array<i32>} : memref<2x80x136xf32, #tpu.memory_space<vmem>>, vector<16xf32>,
        %get3A_1332 = arith.index_cast %rem3A_199 : i32 to index
        %get3A_1333 = arith.index_cast %add3A_1277 : i32 to index
        %get3A_1334 = arith.constant 80 : index
        %get3A_1335 = tpu.vector_load %arg10[%get3A_1332, %get3A_1333, %get3A_1334] {strides = array<i32>} : memref<2x80x128xf32, #tpu.memory_space<vmem>>, vector<16xf32>,
        %mul3A_1336 = arith.mulf %get3A_1335, %gather3A_1286 : vector<16xf32>
        %swap3A_1337 = arith.index_cast %rem3A_199 : i32 to index
        %swap3A_1338 = arith.index_cast %add3A_1277 : i32 to index
        %swap3A_1339 = arith.constant 80 : index
        %swap3A_1340 = tpu.vector_load %arg11[%swap3A_1337, %swap3A_1338, %swap3A_1339] {strides = array<i32>} : memref<2x80x136xf32, #tpu.memory_space<vmem>>, vector<16xf32>,
        tpu.vector_store %arg11[%swap3A_1337, %swap3A_1338, %swap3A_1339], %mul3A_1336 {strides = array<i32>} : memref<2x80x136xf32, #tpu.memory_space<vmem>>, vector<16xf32>,
        %get3A_1341 = arith.index_cast %rem3A_199 : i32 to index
        %get3A_1342 = arith.index_cast %add3A_1277 : i32 to index
        %get3A_1343 = arith.constant 96 : index
        %get3A_1344 = tpu.vector_load %arg10[%get3A_1341, %get3A_1342, %get3A_1343] {strides = array<i32>} : memref<2x80x128xf32, #tpu.memory_space<vmem>>, vector<16xf32>,
        %mul3A_1345 = arith.mulf %get3A_1344, %gather3A_1286 : vector<16xf32>
        %swap3A_1346 = arith.index_cast %rem3A_199 : i32 to index
        %swap3A_1347 = arith.index_cast %add3A_1277 : i32 to index
        %swap3A_1348 = arith.constant 96 : index
        %swap3A_1349 = tpu.vector_load %arg11[%swap3A_1346, %swap3A_1347, %swap3A_1348] {strides = array<i32>} : memref<2x80x136xf32, #tpu.memory_space<vmem>>, vector<16xf32>,
        tpu.vector_store %arg11[%swap3A_1346, %swap3A_1347, %swap3A_1348], %mul3A_1345 {strides = array<i32>} : memref<2x80x136xf32, #tpu.memory_space<vmem>>, vector<16xf32>,
        %get3A_1350 = arith.index_cast %rem3A_199 : i32 to index
        %get3A_1351 = arith.index_cast %add3A_1277 : i32 to index
        %get3A_1352 = arith.constant 112 : index
        %get3A_1353 = tpu.vector_load %arg10[%get3A_1350, %get3A_1351, %get3A_1352] {strides = array<i32>} : memref<2x80x128xf32, #tpu.memory_space<vmem>>, vector<16xf32>,
        %mul3A_1354 = arith.mulf %get3A_1353, %gather3A_1286 : vector<16xf32>
        %swap3A_1355 = arith.index_cast %rem3A_199 : i32 to index
        %swap3A_1356 = arith.index_cast %add3A_1277 : i32 to index
        %swap3A_1357 = arith.constant 112 : index
        %swap3A_1358 = tpu.vector_load %arg11[%swap3A_1355, %swap3A_1356, %swap3A_1357] {strides = array<i32>} : memref<2x80x136xf32, #tpu.memory_space<vmem>>, vector<16xf32>,
        tpu.vector_store %arg11[%swap3A_1355, %swap3A_1356, %swap3A_1357], %mul3A_1354 {strides = array<i32>} : memref<2x80x136xf32, #tpu.memory_space<vmem>>, vector<16xf32>,
        %mul3A_1359 = arith.constant 16 : i32
        %mul3A_1360 = arith.muli %scan3A_251, %mul3A_1359 : i32
        %add3A_1361 = arith.constant 13 : i32
        %add3A_1362 = arith.addi %mul3A_1360, %add3A_1361 : i32
        %mul3A_1363 = arith.constant 0 : i32
        %mul3A_1364 = vector.broadcast %mul3A_1363 : i32 to vector<16xi32>
        %mul3A_1365 = arith.muli %iota3A, %mul3A_1364 : vector<16xi32>
        %add3A_1366 = arith.constant 13 : i32
        %add3A_1367 = vector.broadcast %add3A_1366 : i32 to vector<16xi32>
        %add3A_1368 = arith.addi %mul3A_1365, %add3A_1367 : vector<16xi32>
        %broadcast_in_dim3A_1369 = vector.shape_cast %add3A_1368 : vector<16xi32> to vector<16x1xi32>
        %gather3A_1370 = vector.shape_cast %broadcast_in_dim3A_1369 : vector<16x1xi32> to vector<16xi32>
        %gather3A_1371 = tpu.dynamic_gather %get3A_255[%gather3A_1370] in [0] : vector<16xf32>, vector<16xi32> -> vector<16xf32>
        %get3A_1372 = arith.index_cast %rem3A_199 : i32 to index
        %get3A_1373 = arith.index_cast %add3A_1362 : i32 to index
        %get3A_1374 = arith.constant 0 : index
        %get3A_1375 = tpu.vector_load %arg10[%get3A_1372, %get3A_1373, %get3A_1374] {strides = array<i32>} : memref<2x80x128xf32, #tpu.memory_space<vmem>>, vector<16xf32>,
        %mul3A_1376 = arith.mulf %get3A_1375, %gather3A_1371 : vector<16xf32>
        %swap3A_1377 = arith.index_cast %rem3A_199 : i32 to index
        %swap3A_1378 = arith.index_cast %add3A_1362 : i32 to index
        %swap3A_1379 = arith.constant 0 : index
        %swap3A_1380 = tpu.vector_load %arg11[%swap3A_1377, %swap3A_1378, %swap3A_1379] {strides = array<i32>} : memref<2x80x136xf32, #tpu.memory_space<vmem>>, vector<16xf32>,
        tpu.vector_store %arg11[%swap3A_1377, %swap3A_1378, %swap3A_1379], %mul3A_1376 {strides = array<i32>} : memref<2x80x136xf32, #tpu.memory_space<vmem>>, vector<16xf32>,
        %get3A_1381 = arith.index_cast %rem3A_199 : i32 to index
        %get3A_1382 = arith.index_cast %add3A_1362 : i32 to index
        %get3A_1383 = arith.constant 16 : index
        %get3A_1384 = tpu.vector_load %arg10[%get3A_1381, %get3A_1382, %get3A_1383] {strides = array<i32>} : memref<2x80x128xf32, #tpu.memory_space<vmem>>, vector<16xf32>,
        %mul3A_1385 = arith.mulf %get3A_1384, %gather3A_1371 : vector<16xf32>
        %swap3A_1386 = arith.index_cast %rem3A_199 : i32 to index
        %swap3A_1387 = arith.index_cast %add3A_1362 : i32 to index
        %swap3A_1388 = arith.constant 16 : index
        %swap3A_1389 = tpu.vector_load %arg11[%swap3A_1386, %swap3A_1387, %swap3A_1388] {strides = array<i32>} : memref<2x80x136xf32, #tpu.memory_space<vmem>>, vector<16xf32>,
        tpu.vector_store %arg11[%swap3A_1386, %swap3A_1387, %swap3A_1388], %mul3A_1385 {strides = array<i32>} : memref<2x80x136xf32, #tpu.memory_space<vmem>>, vector<16xf32>,
        %get3A_1390 = arith.index_cast %rem3A_199 : i32 to index
        %get3A_1391 = arith.index_cast %add3A_1362 : i32 to index
        %get3A_1392 = arith.constant 32 : index
        %get3A_1393 = tpu.vector_load %arg10[%get3A_1390, %get3A_1391, %get3A_1392] {strides = array<i32>} : memref<2x80x128xf32, #tpu.memory_space<vmem>>, vector<16xf32>,
        %mul3A_1394 = arith.mulf %get3A_1393, %gather3A_1371 : vector<16xf32>
        %swap3A_1395 = arith.index_cast %rem3A_199 : i32 to index
        %swap3A_1396 = arith.index_cast %add3A_1362 : i32 to index
        %swap3A_1397 = arith.constant 32 : index
        %swap3A_1398 = tpu.vector_load %arg11[%swap3A_1395, %swap3A_1396, %swap3A_1397] {strides = array<i32>} : memref<2x80x136xf32, #tpu.memory_space<vmem>>, vector<16xf32>,
        tpu.vector_store %arg11[%swap3A_1395, %swap3A_1396, %swap3A_1397], %mul3A_1394 {strides = array<i32>} : memref<2x80x136xf32, #tpu.memory_space<vmem>>, vector<16xf32>,
        %get3A_1399 = arith.index_cast %rem3A_199 : i32 to index
        %get3A_1400 = arith.index_cast %add3A_1362 : i32 to index
        %get3A_1401 = arith.constant 48 : index
        %get3A_1402 = tpu.vector_load %arg10[%get3A_1399, %get3A_1400, %get3A_1401] {strides = array<i32>} : memref<2x80x128xf32, #tpu.memory_space<vmem>>, vector<16xf32>,
        %mul3A_1403 = arith.mulf %get3A_1402, %gather3A_1371 : vector<16xf32>
        %swap3A_1404 = arith.index_cast %rem3A_199 : i32 to index
        %swap3A_1405 = arith.index_cast %add3A_1362 : i32 to index
        %swap3A_1406 = arith.constant 48 : index
        %swap3A_1407 = tpu.vector_load %arg11[%swap3A_1404, %swap3A_1405, %swap3A_1406] {strides = array<i32>} : memref<2x80x136xf32, #tpu.memory_space<vmem>>, vector<16xf32>,
        tpu.vector_store %arg11[%swap3A_1404, %swap3A_1405, %swap3A_1406], %mul3A_1403 {strides = array<i32>} : memref<2x80x136xf32, #tpu.memory_space<vmem>>, vector<16xf32>,
        %get3A_1408 = arith.index_cast %rem3A_199 : i32 to index
        %get3A_1409 = arith.index_cast %add3A_1362 : i32 to index
        %get3A_1410 = arith.constant 64 : index
        %get3A_1411 = tpu.vector_load %arg10[%get3A_1408, %get3A_1409, %get3A_1410] {strides = array<i32>} : memref<2x80x128xf32, #tpu.memory_space<vmem>>, vector<16xf32>,
        %mul3A_1412 = arith.mulf %get3A_1411, %gather3A_1371 : vector<16xf32>
        %swap3A_1413 = arith.index_cast %rem3A_199 : i32 to index
        %swap3A_1414 = arith.index_cast %add3A_1362 : i32 to index
        %swap3A_1415 = arith.constant 64 : index
        %swap3A_1416 = tpu.vector_load %arg11[%swap3A_1413, %swap3A_1414, %swap3A_1415] {strides = array<i32>} : memref<2x80x136xf32, #tpu.memory_space<vmem>>, vector<16xf32>,
        tpu.vector_store %arg11[%swap3A_1413, %swap3A_1414, %swap3A_1415], %mul3A_1412 {strides = array<i32>} : memref<2x80x136xf32, #tpu.memory_space<vmem>>, vector<16xf32>,
        %get3A_1417 = arith.index_cast %rem3A_199 : i32 to index
        %get3A_1418 = arith.index_cast %add3A_1362 : i32 to index
        %get3A_1419 = arith.constant 80 : index
        %get3A_1420 = tpu.vector_load %arg10[%get3A_1417, %get3A_1418, %get3A_1419] {strides = array<i32>} : memref<2x80x128xf32, #tpu.memory_space<vmem>>, vector<16xf32>,
        %mul3A_1421 = arith.mulf %get3A_1420, %gather3A_1371 : vector<16xf32>
        %swap3A_1422 = arith.index_cast %rem3A_199 : i32 to index
        %swap3A_1423 = arith.index_cast %add3A_1362 : i32 to index
        %swap3A_1424 = arith.constant 80 : index
        %swap3A_1425 = tpu.vector_load %arg11[%swap3A_1422, %swap3A_1423, %swap3A_1424] {strides = array<i32>} : memref<2x80x136xf32, #tpu.memory_space<vmem>>, vector<16xf32>,
        tpu.vector_store %arg11[%swap3A_1422, %swap3A_1423, %swap3A_1424], %mul3A_1421 {strides = array<i32>} : memref<2x80x136xf32, #tpu.memory_space<vmem>>, vector<16xf32>,
        %get3A_1426 = arith.index_cast %rem3A_199 : i32 to index
        %get3A_1427 = arith.index_cast %add3A_1362 : i32 to index
        %get3A_1428 = arith.constant 96 : index
        %get3A_1429 = tpu.vector_load %arg10[%get3A_1426, %get3A_1427, %get3A_1428] {strides = array<i32>} : memref<2x80x128xf32, #tpu.memory_space<vmem>>, vector<16xf32>,
        %mul3A_1430 = arith.mulf %get3A_1429, %gather3A_1371 : vector<16xf32>
        %swap3A_1431 = arith.index_cast %rem3A_199 : i32 to index
        %swap3A_1432 = arith.index_cast %add3A_1362 : i32 to index
        %swap3A_1433 = arith.constant 96 : index
        %swap3A_1434 = tpu.vector_load %arg11[%swap3A_1431, %swap3A_1432, %swap3A_1433] {strides = array<i32>} : memref<2x80x136xf32, #tpu.memory_space<vmem>>, vector<16xf32>,
        tpu.vector_store %arg11[%swap3A_1431, %swap3A_1432, %swap3A_1433], %mul3A_1430 {strides = array<i32>} : memref<2x80x136xf32, #tpu.memory_space<vmem>>, vector<16xf32>,
        %get3A_1435 = arith.index_cast %rem3A_199 : i32 to index
        %get3A_1436 = arith.index_cast %add3A_1362 : i32 to index
        %get3A_1437 = arith.constant 112 : index
        %get3A_1438 = tpu.vector_load %arg10[%get3A_1435, %get3A_1436, %get3A_1437] {strides = array<i32>} : memref<2x80x128xf32, #tpu.memory_space<vmem>>, vector<16xf32>,
        %mul3A_1439 = arith.mulf %get3A_1438, %gather3A_1371 : vector<16xf32>
        %swap3A_1440 = arith.index_cast %rem3A_199 : i32 to index
        %swap3A_1441 = arith.index_cast %add3A_1362 : i32 to index
        %swap3A_1442 = arith.constant 112 : index
        %swap3A_1443 = tpu.vector_load %arg11[%swap3A_1440, %swap3A_1441, %swap3A_1442] {strides = array<i32>} : memref<2x80x136xf32, #tpu.memory_space<vmem>>, vector<16xf32>,
        tpu.vector_store %arg11[%swap3A_1440, %swap3A_1441, %swap3A_1442], %mul3A_1439 {strides = array<i32>} : memref<2x80x136xf32, #tpu.memory_space<vmem>>, vector<16xf32>,
        %mul3A_1444 = arith.constant 16 : i32
        %mul3A_1445 = arith.muli %scan3A_251, %mul3A_1444 : i32
        %add3A_1446 = arith.constant 14 : i32
        %add3A_1447 = arith.addi %mul3A_1445, %add3A_1446 : i32
        %mul3A_1448 = arith.constant 0 : i32
        %mul3A_1449 = vector.broadcast %mul3A_1448 : i32 to vector<16xi32>
        %mul3A_1450 = arith.muli %iota3A, %mul3A_1449 : vector<16xi32>
        %add3A_1451 = arith.constant 14 : i32
        %add3A_1452 = vector.broadcast %add3A_1451 : i32 to vector<16xi32>
        %add3A_1453 = arith.addi %mul3A_1450, %add3A_1452 : vector<16xi32>
        %broadcast_in_dim3A_1454 = vector.shape_cast %add3A_1453 : vector<16xi32> to vector<16x1xi32>
        %gather3A_1455 = vector.shape_cast %broadcast_in_dim3A_1454 : vector<16x1xi32> to vector<16xi32>
        %gather3A_1456 = tpu.dynamic_gather %get3A_255[%gather3A_1455] in [0] : vector<16xf32>, vector<16xi32> -> vector<16xf32>
        %get3A_1457 = arith.index_cast %rem3A_199 : i32 to index
        %get3A_1458 = arith.index_cast %add3A_1447 : i32 to index
        %get3A_1459 = arith.constant 0 : index
        %get3A_1460 = tpu.vector_load %arg10[%get3A_1457, %get3A_1458, %get3A_1459] {strides = array<i32>} : memref<2x80x128xf32, #tpu.memory_space<vmem>>, vector<16xf32>,
        %mul3A_1461 = arith.mulf %get3A_1460, %gather3A_1456 : vector<16xf32>
        %swap3A_1462 = arith.index_cast %rem3A_199 : i32 to index
        %swap3A_1463 = arith.index_cast %add3A_1447 : i32 to index
        %swap3A_1464 = arith.constant 0 : index
        %swap3A_1465 = tpu.vector_load %arg11[%swap3A_1462, %swap3A_1463, %swap3A_1464] {strides = array<i32>} : memref<2x80x136xf32, #tpu.memory_space<vmem>>, vector<16xf32>,
        tpu.vector_store %arg11[%swap3A_1462, %swap3A_1463, %swap3A_1464], %mul3A_1461 {strides = array<i32>} : memref<2x80x136xf32, #tpu.memory_space<vmem>>, vector<16xf32>,
        %get3A_1466 = arith.index_cast %rem3A_199 : i32 to index
        %get3A_1467 = arith.index_cast %add3A_1447 : i32 to index
        %get3A_1468 = arith.constant 16 : index
        %get3A_1469 = tpu.vector_load %arg10[%get3A_1466, %get3A_1467, %get3A_1468] {strides = array<i32>} : memref<2x80x128xf32, #tpu.memory_space<vmem>>, vector<16xf32>,
        %mul3A_1470 = arith.mulf %get3A_1469, %gather3A_1456 : vector<16xf32>
        %swap3A_1471 = arith.index_cast %rem3A_199 : i32 to index
        %swap3A_1472 = arith.index_cast %add3A_1447 : i32 to index
        %swap3A_1473 = arith.constant 16 : index
        %swap3A_1474 = tpu.vector_load %arg11[%swap3A_1471, %swap3A_1472, %swap3A_1473] {strides = array<i32>} : memref<2x80x136xf32, #tpu.memory_space<vmem>>, vector<16xf32>,
        tpu.vector_store %arg11[%swap3A_1471, %swap3A_1472, %swap3A_1473], %mul3A_1470 {strides = array<i32>} : memref<2x80x136xf32, #tpu.memory_space<vmem>>, vector<16xf32>,
        %get3A_1475 = arith.index_cast %rem3A_199 : i32 to index
        %get3A_1476 = arith.index_cast %add3A_1447 : i32 to index
        %get3A_1477 = arith.constant 32 : index
        %get3A_1478 = tpu.vector_load %arg10[%get3A_1475, %get3A_1476, %get3A_1477] {strides = array<i32>} : memref<2x80x128xf32, #tpu.memory_space<vmem>>, vector<16xf32>,
        %mul3A_1479 = arith.mulf %get3A_1478, %gather3A_1456 : vector<16xf32>
        %swap3A_1480 = arith.index_cast %rem3A_199 : i32 to index
        %swap3A_1481 = arith.index_cast %add3A_1447 : i32 to index
        %swap3A_1482 = arith.constant 32 : index
        %swap3A_1483 = tpu.vector_load %arg11[%swap3A_1480, %swap3A_1481, %swap3A_1482] {strides = array<i32>} : memref<2x80x136xf32, #tpu.memory_space<vmem>>, vector<16xf32>,
        tpu.vector_store %arg11[%swap3A_1480, %swap3A_1481, %swap3A_1482], %mul3A_1479 {strides = array<i32>} : memref<2x80x136xf32, #tpu.memory_space<vmem>>, vector<16xf32>,
        %get3A_1484 = arith.index_cast %rem3A_199 : i32 to index
        %get3A_1485 = arith.index_cast %add3A_1447 : i32 to index
        %get3A_1486 = arith.constant 48 : index
        %get3A_1487 = tpu.vector_load %arg10[%get3A_1484, %get3A_1485, %get3A_1486] {strides = array<i32>} : memref<2x80x128xf32, #tpu.memory_space<vmem>>, vector<16xf32>,
        %mul3A_1488 = arith.mulf %get3A_1487, %gather3A_1456 : vector<16xf32>
        %swap3A_1489 = arith.index_cast %rem3A_199 : i32 to index
        %swap3A_1490 = arith.index_cast %add3A_1447 : i32 to index
        %swap3A_1491 = arith.constant 48 : index
        %swap3A_1492 = tpu.vector_load %arg11[%swap3A_1489, %swap3A_1490, %swap3A_1491] {strides = array<i32>} : memref<2x80x136xf32, #tpu.memory_space<vmem>>, vector<16xf32>,
        tpu.vector_store %arg11[%swap3A_1489, %swap3A_1490, %swap3A_1491], %mul3A_1488 {strides = array<i32>} : memref<2x80x136xf32, #tpu.memory_space<vmem>>, vector<16xf32>,
        %get3A_1493 = arith.index_cast %rem3A_199 : i32 to index
        %get3A_1494 = arith.index_cast %add3A_1447 : i32 to index
        %get3A_1495 = arith.constant 64 : index
        %get3A_1496 = tpu.vector_load %arg10[%get3A_1493, %get3A_1494, %get3A_1495] {strides = array<i32>} : memref<2x80x128xf32, #tpu.memory_space<vmem>>, vector<16xf32>,
        %mul3A_1497 = arith.mulf %get3A_1496, %gather3A_1456 : vector<16xf32>
        %swap3A_1498 = arith.index_cast %rem3A_199 : i32 to index
        %swap3A_1499 = arith.index_cast %add3A_1447 : i32 to index
        %swap3A_1500 = arith.constant 64 : index
        %swap3A_1501 = tpu.vector_load %arg11[%swap3A_1498, %swap3A_1499, %swap3A_1500] {strides = array<i32>} : memref<2x80x136xf32, #tpu.memory_space<vmem>>, vector<16xf32>,
        tpu.vector_store %arg11[%swap3A_1498, %swap3A_1499, %swap3A_1500], %mul3A_1497 {strides = array<i32>} : memref<2x80x136xf32, #tpu.memory_space<vmem>>, vector<16xf32>,
        %get3A_1502 = arith.index_cast %rem3A_199 : i32 to index
        %get3A_1503 = arith.index_cast %add3A_1447 : i32 to index
        %get3A_1504 = arith.constant 80 : index
        %get3A_1505 = tpu.vector_load %arg10[%get3A_1502, %get3A_1503, %get3A_1504] {strides = array<i32>} : memref<2x80x128xf32, #tpu.memory_space<vmem>>, vector<16xf32>,
        %mul3A_1506 = arith.mulf %get3A_1505, %gather3A_1456 : vector<16xf32>
        %swap3A_1507 = arith.index_cast %rem3A_199 : i32 to index
        %swap3A_1508 = arith.index_cast %add3A_1447 : i32 to index
        %swap3A_1509 = arith.constant 80 : index
        %swap3A_1510 = tpu.vector_load %arg11[%swap3A_1507, %swap3A_1508, %swap3A_1509] {strides = array<i32>} : memref<2x80x136xf32, #tpu.memory_space<vmem>>, vector<16xf32>,
        tpu.vector_store %arg11[%swap3A_1507, %swap3A_1508, %swap3A_1509], %mul3A_1506 {strides = array<i32>} : memref<2x80x136xf32, #tpu.memory_space<vmem>>, vector<16xf32>,
        %get3A_1511 = arith.index_cast %rem3A_199 : i32 to index
        %get3A_1512 = arith.index_cast %add3A_1447 : i32 to index
        %get3A_1513 = arith.constant 96 : index
        %get3A_1514 = tpu.vector_load %arg10[%get3A_1511, %get3A_1512, %get3A_1513] {strides = array<i32>} : memref<2x80x128xf32, #tpu.memory_space<vmem>>, vector<16xf32>,
        %mul3A_1515 = arith.mulf %get3A_1514, %gather3A_1456 : vector<16xf32>
        %swap3A_1516 = arith.index_cast %rem3A_199 : i32 to index
        %swap3A_1517 = arith.index_cast %add3A_1447 : i32 to index
        %swap3A_1518 = arith.constant 96 : index
        %swap3A_1519 = tpu.vector_load %arg11[%swap3A_1516, %swap3A_1517, %swap3A_1518] {strides = array<i32>} : memref<2x80x136xf32, #tpu.memory_space<vmem>>, vector<16xf32>,
        tpu.vector_store %arg11[%swap3A_1516, %swap3A_1517, %swap3A_1518], %mul3A_1515 {strides = array<i32>} : memref<2x80x136xf32, #tpu.memory_space<vmem>>, vector<16xf32>,
        %get3A_1520 = arith.index_cast %rem3A_199 : i32 to index
        %get3A_1521 = arith.index_cast %add3A_1447 : i32 to index
        %get3A_1522 = arith.constant 112 : index
        %get3A_1523 = tpu.vector_load %arg10[%get3A_1520, %get3A_1521, %get3A_1522] {strides = array<i32>} : memref<2x80x128xf32, #tpu.memory_space<vmem>>, vector<16xf32>,
        %mul3A_1524 = arith.mulf %get3A_1523, %gather3A_1456 : vector<16xf32>
        %swap3A_1525 = arith.index_cast %rem3A_199 : i32 to index
        %swap3A_1526 = arith.index_cast %add3A_1447 : i32 to index
        %swap3A_1527 = arith.constant 112 : index
        %swap3A_1528 = tpu.vector_load %arg11[%swap3A_1525, %swap3A_1526, %swap3A_1527] {strides = array<i32>} : memref<2x80x136xf32, #tpu.memory_space<vmem>>, vector<16xf32>,
        tpu.vector_store %arg11[%swap3A_1525, %swap3A_1526, %swap3A_1527], %mul3A_1524 {strides = array<i32>} : memref<2x80x136xf32, #tpu.memory_space<vmem>>, vector<16xf32>,
        %mul3A_1529 = arith.constant 16 : i32
        %mul3A_1530 = arith.muli %scan3A_251, %mul3A_1529 : i32
        %add3A_1531 = arith.constant 15 : i32
        %add3A_1532 = arith.addi %mul3A_1530, %add3A_1531 : i32
        %mul3A_1533 = arith.constant 0 : i32
        %mul3A_1534 = vector.broadcast %mul3A_1533 : i32 to vector<16xi32>
        %mul3A_1535 = arith.muli %iota3A, %mul3A_1534 : vector<16xi32>
        %add3A_1536 = arith.constant 15 : i32
        %add3A_1537 = vector.broadcast %add3A_1536 : i32 to vector<16xi32>
        %add3A_1538 = arith.addi %mul3A_1535, %add3A_1537 : vector<16xi32>
        %broadcast_in_dim3A_1539 = vector.shape_cast %add3A_1538 : vector<16xi32> to vector<16x1xi32>
        %gather3A_1540 = vector.shape_cast %broadcast_in_dim3A_1539 : vector<16x1xi32> to vector<16xi32>
        %gather3A_1541 = tpu.dynamic_gather %get3A_255[%gather3A_1540] in [0] : vector<16xf32>, vector<16xi32> -> vector<16xf32>
        %get3A_1542 = arith.index_cast %rem3A_199 : i32 to index
        %get3A_1543 = arith.index_cast %add3A_1532 : i32 to index
        %get3A_1544 = arith.constant 0 : index
        %get3A_1545 = tpu.vector_load %arg10[%get3A_1542, %get3A_1543, %get3A_1544] {strides = array<i32>} : memref<2x80x128xf32, #tpu.memory_space<vmem>>, vector<16xf32>,
        %mul3A_1546 = arith.mulf %get3A_1545, %gather3A_1541 : vector<16xf32>
        %swap3A_1547 = arith.index_cast %rem3A_199 : i32 to index
        %swap3A_1548 = arith.index_cast %add3A_1532 : i32 to index
        %swap3A_1549 = arith.constant 0 : index
        %swap3A_1550 = tpu.vector_load %arg11[%swap3A_1547, %swap3A_1548, %swap3A_1549] {strides = array<i32>} : memref<2x80x136xf32, #tpu.memory_space<vmem>>, vector<16xf32>,
        tpu.vector_store %arg11[%swap3A_1547, %swap3A_1548, %swap3A_1549], %mul3A_1546 {strides = array<i32>} : memref<2x80x136xf32, #tpu.memory_space<vmem>>, vector<16xf32>,
        %get3A_1551 = arith.index_cast %rem3A_199 : i32 to index
        %get3A_1552 = arith.index_cast %add3A_1532 : i32 to index
        %get3A_1553 = arith.constant 16 : index
        %get3A_1554 = tpu.vector_load %arg10[%get3A_1551, %get3A_1552, %get3A_1553] {strides = array<i32>} : memref<2x80x128xf32, #tpu.memory_space<vmem>>, vector<16xf32>,
        %mul3A_1555 = arith.mulf %get3A_1554, %gather3A_1541 : vector<16xf32>
        %swap3A_1556 = arith.index_cast %rem3A_199 : i32 to index
        %swap3A_1557 = arith.index_cast %add3A_1532 : i32 to index
        %swap3A_1558 = arith.constant 16 : index
        %swap3A_1559 = tpu.vector_load %arg11[%swap3A_1556, %swap3A_1557, %swap3A_1558] {strides = array<i32>} : memref<2x80x136xf32, #tpu.memory_space<vmem>>, vector<16xf32>,
        tpu.vector_store %arg11[%swap3A_1556, %swap3A_1557, %swap3A_1558], %mul3A_1555 {strides = array<i32>} : memref<2x80x136xf32, #tpu.memory_space<vmem>>, vector<16xf32>,
        %get3A_1560 = arith.index_cast %rem3A_199 : i32 to index
        %get3A_1561 = arith.index_cast %add3A_1532 : i32 to index
        %get3A_1562 = arith.constant 32 : index
        %get3A_1563 = tpu.vector_load %arg10[%get3A_1560, %get3A_1561, %get3A_1562] {strides = array<i32>} : memref<2x80x128xf32, #tpu.memory_space<vmem>>, vector<16xf32>,
        %mul3A_1564 = arith.mulf %get3A_1563, %gather3A_1541 : vector<16xf32>
        %swap3A_1565 = arith.index_cast %rem3A_199 : i32 to index
        %swap3A_1566 = arith.index_cast %add3A_1532 : i32 to index
        %swap3A_1567 = arith.constant 32 : index
        %swap3A_1568 = tpu.vector_load %arg11[%swap3A_1565, %swap3A_1566, %swap3A_1567] {strides = array<i32>} : memref<2x80x136xf32, #tpu.memory_space<vmem>>, vector<16xf32>,
        tpu.vector_store %arg11[%swap3A_1565, %swap3A_1566, %swap3A_1567], %mul3A_1564 {strides = array<i32>} : memref<2x80x136xf32, #tpu.memory_space<vmem>>, vector<16xf32>,
        %get3A_1569 = arith.index_cast %rem3A_199 : i32 to index
        %get3A_1570 = arith.index_cast %add3A_1532 : i32 to index
        %get3A_1571 = arith.constant 48 : index
        %get3A_1572 = tpu.vector_load %arg10[%get3A_1569, %get3A_1570, %get3A_1571] {strides = array<i32>} : memref<2x80x128xf32, #tpu.memory_space<vmem>>, vector<16xf32>,
        %mul3A_1573 = arith.mulf %get3A_1572, %gather3A_1541 : vector<16xf32>
        %swap3A_1574 = arith.index_cast %rem3A_199 : i32 to index
        %swap3A_1575 = arith.index_cast %add3A_1532 : i32 to index
        %swap3A_1576 = arith.constant 48 : index
        %swap3A_1577 = tpu.vector_load %arg11[%swap3A_1574, %swap3A_1575, %swap3A_1576] {strides = array<i32>} : memref<2x80x136xf32, #tpu.memory_space<vmem>>, vector<16xf32>,
        tpu.vector_store %arg11[%swap3A_1574, %swap3A_1575, %swap3A_1576], %mul3A_1573 {strides = array<i32>} : memref<2x80x136xf32, #tpu.memory_space<vmem>>, vector<16xf32>,
        %get3A_1578 = arith.index_cast %rem3A_199 : i32 to index
        %get3A_1579 = arith.index_cast %add3A_1532 : i32 to index
        %get3A_1580 = arith.constant 64 : index
        %get3A_1581 = tpu.vector_load %arg10[%get3A_1578, %get3A_1579, %get3A_1580] {strides = array<i32>} : memref<2x80x128xf32, #tpu.memory_space<vmem>>, vector<16xf32>,
        %mul3A_1582 = arith.mulf %get3A_1581, %gather3A_1541 : vector<16xf32>
        %swap3A_1583 = arith.index_cast %rem3A_199 : i32 to index
        %swap3A_1584 = arith.index_cast %add3A_1532 : i32 to index
        %swap3A_1585 = arith.constant 64 : index
        %swap3A_1586 = tpu.vector_load %arg11[%swap3A_1583, %swap3A_1584, %swap3A_1585] {strides = array<i32>} : memref<2x80x136xf32, #tpu.memory_space<vmem>>, vector<16xf32>,
        tpu.vector_store %arg11[%swap3A_1583, %swap3A_1584, %swap3A_1585], %mul3A_1582 {strides = array<i32>} : memref<2x80x136xf32, #tpu.memory_space<vmem>>, vector<16xf32>,
        %get3A_1587 = arith.index_cast %rem3A_199 : i32 to index
        %get3A_1588 = arith.index_cast %add3A_1532 : i32 to index
        %get3A_1589 = arith.constant 80 : index
        %get3A_1590 = tpu.vector_load %arg10[%get3A_1587, %get3A_1588, %get3A_1589] {strides = array<i32>} : memref<2x80x128xf32, #tpu.memory_space<vmem>>, vector<16xf32>,
        %mul3A_1591 = arith.mulf %get3A_1590, %gather3A_1541 : vector<16xf32>
        %swap3A_1592 = arith.index_cast %rem3A_199 : i32 to index
        %swap3A_1593 = arith.index_cast %add3A_1532 : i32 to index
        %swap3A_1594 = arith.constant 80 : index
        %swap3A_1595 = tpu.vector_load %arg11[%swap3A_1592, %swap3A_1593, %swap3A_1594] {strides = array<i32>} : memref<2x80x136xf32, #tpu.memory_space<vmem>>, vector<16xf32>,
        tpu.vector_store %arg11[%swap3A_1592, %swap3A_1593, %swap3A_1594], %mul3A_1591 {strides = array<i32>} : memref<2x80x136xf32, #tpu.memory_space<vmem>>, vector<16xf32>,
        %get3A_1596 = arith.index_cast %rem3A_199 : i32 to index
        %get3A_1597 = arith.index_cast %add3A_1532 : i32 to index
        %get3A_1598 = arith.constant 96 : index
        %get3A_1599 = tpu.vector_load %arg10[%get3A_1596, %get3A_1597, %get3A_1598] {strides = array<i32>} : memref<2x80x128xf32, #tpu.memory_space<vmem>>, vector<16xf32>,
        %mul3A_1600 = arith.mulf %get3A_1599, %gather3A_1541 : vector<16xf32>
        %swap3A_1601 = arith.index_cast %rem3A_199 : i32 to index
        %swap3A_1602 = arith.index_cast %add3A_1532 : i32 to index
        %swap3A_1603 = arith.constant 96 : index
        %swap3A_1604 = tpu.vector_load %arg11[%swap3A_1601, %swap3A_1602, %swap3A_1603] {strides = array<i32>} : memref<2x80x136xf32, #tpu.memory_space<vmem>>, vector<16xf32>,
        tpu.vector_store %arg11[%swap3A_1601, %swap3A_1602, %swap3A_1603], %mul3A_1600 {strides = array<i32>} : memref<2x80x136xf32, #tpu.memory_space<vmem>>, vector<16xf32>,
        %get3A_1605 = arith.index_cast %rem3A_199 : i32 to index
        %get3A_1606 = arith.index_cast %add3A_1532 : i32 to index
        %get3A_1607 = arith.constant 112 : index
        %get3A_1608 = tpu.vector_load %arg10[%get3A_1605, %get3A_1606, %get3A_1607] {strides = array<i32>} : memref<2x80x128xf32, #tpu.memory_space<vmem>>, vector<16xf32>,
        %mul3A_1609 = arith.mulf %get3A_1608, %gather3A_1541 : vector<16xf32>
        %swap3A_1610 = arith.index_cast %rem3A_199 : i32 to index
        %swap3A_1611 = arith.index_cast %add3A_1532 : i32 to index
        %swap3A_1612 = arith.constant 112 : index
        %swap3A_1613 = tpu.vector_load %arg11[%swap3A_1610, %swap3A_1611, %swap3A_1612] {strides = array<i32>} : memref<2x80x136xf32, #tpu.memory_space<vmem>>, vector<16xf32>,
        tpu.vector_store %arg11[%swap3A_1610, %swap3A_1611, %swap3A_1612], %mul3A_1609 {strides = array<i32>} : memref<2x80x136xf32, #tpu.memory_space<vmem>>, vector<16xf32>,
        %mul3A_1614 = arith.constant 16 : i32
        %mul3A_1615 = arith.muli %scan3A_251, %mul3A_1614 : i32
        %add3A_1616 = vector.broadcast %mul3A_1615 : i32 to vector<16xi32>
        %add3A_1617 = arith.addi %add3A_1616, %iota3A : vector<16xi32>
        %mul3A_1618 = arith.constant 0 : i32
        %mul3A_1619 = vector.broadcast %mul3A_1618 : i32 to vector<16xi32>
        %mul3A_1620 = arith.muli %iota3A, %mul3A_1619 : vector<16xi32>
        %add3A_1621 = arith.constant 128 : i32
        %add3A_1622 = vector.broadcast %add3A_1621 : i32 to vector<16xi32>
        %add3A_1623 = arith.addi %mul3A_1620, %add3A_1622 : vector<16xi32>
        tpu.vector_store_idx %arg11[%add3A_225, %add3A_1617, %add3A_1623], %get3A_255 : memref<2x80x136xf32, #tpu.memory_space<vmem>>[vector<16xi32>, vector<16xi32>, vector<16xi32>], vector<16xf32>,
      }
      %scan3A_231 = arith.constant 5 : i32
      %dma_start3A_232 = arith.constant 0 : i32
      %dma_start3A_233 = arith.constant 0 : i32
      %dma_start3A_234 = tpu.memref_slice %arg11[%rem3A_199, %dma_start3A_232, %dma_start3A_233] : memref<2x80x136xf32, #tpu.memory_space<vmem>> -> memref<1x80x136xf32, #tpu.memory_space<vmem>>
      %dma_start3A_235 = tpu.memref_squeeze %dma_start3A_234 : memref<1x80x136xf32, #tpu.memory_space<vmem>> -> memref<80x136xf32, #tpu.memory_space<vmem>>
      %dma_start3A_236 = arith.constant 0 : i32
      %dma_start3A_237 = tpu.memref_slice %arg8[%rem3A_197, %dma_start3A_236] : memref<4x80xi32, #tpu.memory_space<vmem>> -> memref<1x80xi32, #tpu.memory_space<vmem>>
      %dma_start3A_238 = tpu.memref_squeeze %dma_start3A_237 : memref<1x80xi32, #tpu.memory_space<vmem>> -> memref<80xi32, #tpu.memory_space<vmem>>
      %dma_start3A_239 = arith.constant 0 : i32
      %dma_start3A_240 = arith.constant 0 : i32
      %dma_start3A_241 = tpu.memref_slice %arg12[%dma_start3A_239, %dma_start3A_240] : memref<10000x136xf32, #tpu.memory_space<vmem_shared>> -> memref<10000x136xf32, #tpu.memory_space<vmem_shared>>
      %dma_start3A_242 = tpu.memref_slice %arg15[%rem3A_199] : memref<2x!tpu.dma_semaphore, #tpu.memory_space<semaphore_mem>> -> memref<1x!tpu.dma_semaphore, #tpu.memory_space<semaphore_mem>>
      %dma_start3A_243 = tpu.memref_squeeze %dma_start3A_242 : memref<1x!tpu.dma_semaphore, #tpu.memory_space<semaphore_mem>> -> memref<!tpu.dma_semaphore, #tpu.memory_space<semaphore_mem>>
      tpu.enqueue_indirect_dma source(%dma_start3A_235 : memref<80x136xf32, #tpu.memory_space<vmem>>) target(%dma_start3A_241 : memref<10000x136xf32, #tpu.memory_space<vmem_shared>>) offsets(%dma_start3A_238 : memref<80xi32, #tpu.memory_space<vmem>>) semaphore(%dma_start3A_243 : memref<!tpu.dma_semaphore, #tpu.memory_space<semaphore_mem>>) {add = true}
      %add3A_244 = arith.constant 2 : i32
      %add3A_245 = arith.addi %scan3A_195, %add3A_244 : i32
      %lt3A_246 = arith.constant 125 : i32
      %lt3A_247 = arith.cmpi slt, %add3A_245, %lt3A_246 : i32
      %convert_element_type3A_248 = arith.extui %lt3A_247 : i1 to i32
      %cond3A_249 = arith.constant 0 : i32
      %cond3A_250 = arith.cmpi ne, %convert_element_type3A_248, %cond3A_249 : i32
      scf.if %cond3A_250 {
        %add3A_251 = arith.constant 2 : i32
        %add3A_252 = arith.addi %scan3A_195, %add3A_251 : i32
        %rem3A_253 = arith.constant 4 : i32
        %rem3A_254 = arith.remsi %add3A_252, %rem3A_253 : i32
        %mul3A_255 = arith.constant 80 : i32
        %mul3A_256 = arith.muli %add3A_252, %mul3A_255 : i32
        %add3A_257 = arith.addi %mul3A_2, %mul3A_256 : i32
        %dma_start3A_258 = arith.constant 0 : i32
        %dma_start3A_259 = tpu.memref_slice %arg7[%rem3A_254, %dma_start3A_258] : memref<4x80xi32, #tpu.memory_space<vmem>> -> memref<1x80xi32, #tpu.memory_space<vmem>>
        %dma_start3A_260 = tpu.memref_squeeze %dma_start3A_259 : memref<1x80xi32, #tpu.memory_space<vmem>> -> memref<80xi32, #tpu.memory_space<vmem>>
        %dma_start3A_261 = tpu.memref_slice %arg3[%add3A_257] : memref<320000xi32, #tpu.memory_space<hbm>> -> memref<80xi32, #tpu.memory_space<hbm>>
        %dma_start3A_262 = tpu.memref_slice %arg13[%rem3A_254] : memref<4x!tpu.dma_semaphore, #tpu.memory_space<semaphore_mem>> -> memref<1x!tpu.dma_semaphore, #tpu.memory_space<semaphore_mem>>
        %dma_start3A_263 = tpu.memref_squeeze %dma_start3A_262 : memref<1x!tpu.dma_semaphore, #tpu.memory_space<semaphore_mem>> -> memref<!tpu.dma_semaphore, #tpu.memory_space<semaphore_mem>>
        %dma_start3A_264 = arith.constant 0 : i32
        %dma_start3A_265 = tpu.memref_slice %arg7[%rem3A_254, %dma_start3A_264] : memref<4x80xi32, #tpu.memory_space<vmem>> -> memref<1x80xi32, #tpu.memory_space<vmem>>
        %dma_start3A_266 = tpu.memref_squeeze %dma_start3A_265 : memref<1x80xi32, #tpu.memory_space<vmem>> -> memref<80xi32, #tpu.memory_space<vmem>>
        %dma_start3A_267 = tpu.memref_slice %arg3[%add3A_257] : memref<320000xi32, #tpu.memory_space<hbm>> -> memref<80xi32, #tpu.memory_space<hbm>>
        tpu.enqueue_dma source(%dma_start3A_267 : memref<80xi32, #tpu.memory_space<hbm>>) target(%dma_start3A_266 : memref<80xi32, #tpu.memory_space<vmem>>) target_semaphore(%dma_start3A_263 : memref<!tpu.dma_semaphore, #tpu.memory_space<semaphore_mem>>)
        %dma_start3A_268 = arith.constant 0 : i32
        %dma_start3A_269 = tpu.memref_slice %arg8[%rem3A_254, %dma_start3A_268] : memref<4x80xi32, #tpu.memory_space<vmem>> -> memref<1x80xi32, #tpu.memory_space<vmem>>
        %dma_start3A_270 = tpu.memref_squeeze %dma_start3A_269 : memref<1x80xi32, #tpu.memory_space<vmem>> -> memref<80xi32, #tpu.memory_space<vmem>>
        %dma_start3A_271 = tpu.memref_slice %arg4[%add3A_257] : memref<320000xi32, #tpu.memory_space<hbm>> -> memref<80xi32, #tpu.memory_space<hbm>>
        %dma_start3A_272 = tpu.memref_slice %arg13[%rem3A_254] : memref<4x!tpu.dma_semaphore, #tpu.memory_space<semaphore_mem>> -> memref<1x!tpu.dma_semaphore, #tpu.memory_space<semaphore_mem>>
        %dma_start3A_273 = tpu.memref_squeeze %dma_start3A_272 : memref<1x!tpu.dma_semaphore, #tpu.memory_space<semaphore_mem>> -> memref<!tpu.dma_semaphore, #tpu.memory_space<semaphore_mem>>
        %dma_start3A_274 = arith.constant 0 : i32
        %dma_start3A_275 = tpu.memref_slice %arg8[%rem3A_254, %dma_start3A_274] : memref<4x80xi32, #tpu.memory_space<vmem>> -> memref<1x80xi32, #tpu.memory_space<vmem>>
        %dma_start3A_276 = tpu.memref_squeeze %dma_start3A_275 : memref<1x80xi32, #tpu.memory_space<vmem>> -> memref<80xi32, #tpu.memory_space<vmem>>
        %dma_start3A_277 = tpu.memref_slice %arg4[%add3A_257] : memref<320000xi32, #tpu.memory_space<hbm>> -> memref<80xi32, #tpu.memory_space<hbm>>
        tpu.enqueue_dma source(%dma_start3A_277 : memref<80xi32, #tpu.memory_space<hbm>>) target(%dma_start3A_276 : memref<80xi32, #tpu.memory_space<vmem>>) target_semaphore(%dma_start3A_273 : memref<!tpu.dma_semaphore, #tpu.memory_space<semaphore_mem>>)
        %dma_start3A_278 = arith.constant 0 : i32
        %dma_start3A_279 = tpu.memref_slice %arg9[%rem3A_254, %dma_start3A_278] : memref<4x80xf32, #tpu.memory_space<vmem>> -> memref<1x80xf32, #tpu.memory_space<vmem>>
        %dma_start3A_280 = tpu.memref_squeeze %dma_start3A_279 : memref<1x80xf32, #tpu.memory_space<vmem>> -> memref<80xf32, #tpu.memory_space<vmem>>
        %dma_start3A_281 = tpu.memref_slice %arg2[%add3A_257] : memref<320000xf32, #tpu.memory_space<hbm>> -> memref<80xf32, #tpu.memory_space<hbm>>
        %dma_start3A_282 = tpu.memref_slice %arg13[%rem3A_254] : memref<4x!tpu.dma_semaphore, #tpu.memory_space<semaphore_mem>> -> memref<1x!tpu.dma_semaphore, #tpu.memory_space<semaphore_mem>>
        %dma_start3A_283 = tpu.memref_squeeze %dma_start3A_282 : memref<1x!tpu.dma_semaphore, #tpu.memory_space<semaphore_mem>> -> memref<!tpu.dma_semaphore, #tpu.memory_space<semaphore_mem>>
        %dma_start3A_284 = arith.constant 0 : i32
        %dma_start3A_285 = tpu.memref_slice %arg9[%rem3A_254, %dma_start3A_284] : memref<4x80xf32, #tpu.memory_space<vmem>> -> memref<1x80xf32, #tpu.memory_space<vmem>>
        %dma_start3A_286 = tpu.memref_squeeze %dma_start3A_285 : memref<1x80xf32, #tpu.memory_space<vmem>> -> memref<80xf32, #tpu.memory_space<vmem>>
        %dma_start3A_287 = tpu.memref_slice %arg2[%add3A_257] : memref<320000xf32, #tpu.memory_space<hbm>> -> memref<80xf32, #tpu.memory_space<hbm>>
        tpu.enqueue_dma source(%dma_start3A_287 : memref<80xf32, #tpu.memory_space<hbm>>) target(%dma_start3A_286 : memref<80xf32, #tpu.memory_space<vmem>>) target_semaphore(%dma_start3A_283 : memref<!tpu.dma_semaphore, #tpu.memory_space<semaphore_mem>>)
      } else {
      }
    }
    %scan3A_163 = arith.constant 125 : i32
    %dma_wait3A_164 = arith.constant 0 : i32
    %dma_wait3A_165 = arith.constant 0 : i32
    %dma_wait3A_166 = arith.constant 0 : i32
    %dma_wait3A_167 = arith.constant 0 : i32
    %dma_wait3A_168 = arith.constant 0 : i32
    %dma_wait3A_169 = tpu.memref_slice %arg11[%dma_wait3A_164, %dma_wait3A_167, %dma_wait3A_168] : memref<2x80x136xf32, #tpu.memory_space<vmem>> -> memref<1x80x136xf32, #tpu.memory_space<vmem>>
    %dma_wait3A_170 = tpu.memref_squeeze %dma_wait3A_169 : memref<1x80x136xf32, #tpu.memory_space<vmem>> -> memref<80x136xf32, #tpu.memory_space<vmem>>
    %dma_wait3A_171 = arith.constant 0 : i32
    %dma_wait3A_172 = tpu.memref_slice %arg8[%dma_wait3A_165, %dma_wait3A_171] : memref<4x80xi32, #tpu.memory_space<vmem>> -> memref<1x80xi32, #tpu.memory_space<vmem>>
    %dma_wait3A_173 = tpu.memref_squeeze %dma_wait3A_172 : memref<1x80xi32, #tpu.memory_space<vmem>> -> memref<80xi32, #tpu.memory_space<vmem>>
    %dma_wait3A_174 = arith.constant 0 : i32
    %dma_wait3A_175 = arith.constant 0 : i32
    %dma_wait3A_176 = tpu.memref_slice %arg12[%dma_wait3A_174, %dma_wait3A_175] : memref<10000x136xf32, #tpu.memory_space<vmem_shared>> -> memref<10000x136xf32, #tpu.memory_space<vmem_shared>>
    %dma_wait3A_177 = tpu.memref_slice %arg15[%dma_wait3A_166] : memref<2x!tpu.dma_semaphore, #tpu.memory_space<semaphore_mem>> -> memref<1x!tpu.dma_semaphore, #tpu.memory_space<semaphore_mem>>
    %dma_wait3A_178 = tpu.memref_squeeze %dma_wait3A_177 : memref<1x!tpu.dma_semaphore, #tpu.memory_space<semaphore_mem>> -> memref<!tpu.dma_semaphore, #tpu.memory_space<semaphore_mem>>
    tpu.wait_indirect_dma semaphore(%dma_wait3A_178 : memref<!tpu.dma_semaphore, #tpu.memory_space<semaphore_mem>>) src(%dma_wait3A_170 : memref<80x136xf32, #tpu.memory_space<vmem>>) dst(%dma_wait3A_176 : memref<10000x136xf32, #tpu.memory_space<vmem_shared>>)
    %dma_wait3A_179 = arith.constant 1 : i32
    %dma_wait3A_180 = arith.constant 0 : i32
    %dma_wait3A_181 = arith.constant 1 : i32
    %dma_wait3A_182 = arith.constant 0 : i32
    %dma_wait3A_183 = arith.constant 0 : i32
    %dma_wait3A_184 = tpu.memref_slice %arg11[%dma_wait3A_179, %dma_wait3A_182, %dma_wait3A_183] : memref<2x80x136xf32, #tpu.memory_space<vmem>> -> memref<1x80x136xf32, #tpu.memory_space<vmem>>
    %dma_wait3A_185 = tpu.memref_squeeze %dma_wait3A_184 : memref<1x80x136xf32, #tpu.memory_space<vmem>> -> memref<80x136xf32, #tpu.memory_space<vmem>>
    %dma_wait3A_186 = arith.constant 0 : i32
    %dma_wait3A_187 = tpu.memref_slice %arg8[%dma_wait3A_180, %dma_wait3A_186] : memref<4x80xi32, #tpu.memory_space<vmem>> -> memref<1x80xi32, #tpu.memory_space<vmem>>
    %dma_wait3A_188 = tpu.memref_squeeze %dma_wait3A_187 : memref<1x80xi32, #tpu.memory_space<vmem>> -> memref<80xi32, #tpu.memory_space<vmem>>
    %dma_wait3A_189 = arith.constant 0 : i32
    %dma_wait3A_190 = arith.constant 0 : i32
    %dma_wait3A_191 = tpu.memref_slice %arg12[%dma_wait3A_189, %dma_wait3A_190] : memref<10000x136xf32, #tpu.memory_space<vmem_shared>> -> memref<10000x136xf32, #tpu.memory_space<vmem_shared>>
    %dma_wait3A_192 = tpu.memref_slice %arg15[%dma_wait3A_181] : memref<2x!tpu.dma_semaphore, #tpu.memory_space<semaphore_mem>> -> memref<1x!tpu.dma_semaphore, #tpu.memory_space<semaphore_mem>>
    %dma_wait3A_193 = tpu.memref_squeeze %dma_wait3A_192 : memref<1x!tpu.dma_semaphore, #tpu.memory_space<semaphore_mem>> -> memref<!tpu.dma_semaphore, #tpu.memory_space<semaphore_mem>>
    tpu.wait_indirect_dma semaphore(%dma_wait3A_193 : memref<!tpu.dma_semaphore, #tpu.memory_space<semaphore_mem>>) src(%dma_wait3A_185 : memref<80x136xf32, #tpu.memory_space<vmem>>) dst(%dma_wait3A_191 : memref<10000x136xf32, #tpu.memory_space<vmem_shared>>)
    %barrier3A_194 = arith.constant 0 : index
    tpu.barrier barrier_id(%barrier3A_194)
    "tpu.region"() ({
      %run_scoped3A_195 = tpu.sem_alloc : memref<!tpu.dma_semaphore, #tpu.memory_space<semaphore_mem>>
      %dma_start3A_196 = arith.constant 0 : i32
      %dma_start3A_197 = tpu.memref_slice %arg6[%arg0, %mul3A_10, %dma_start3A_196] : memref<2x10000x136xf32, #tpu.memory_space<hbm>> -> memref<1x625x136xf32, #tpu.memory_space<hbm>>
      %dma_start3A_198 = tpu.memref_squeeze %dma_start3A_197 : memref<1x625x136xf32, #tpu.memory_space<hbm>> -> memref<625x136xf32, #tpu.memory_space<hbm>>
      %dma_start3A_199 = arith.constant 0 : i32
      %dma_start3A_200 = tpu.memref_slice %arg12[%mul3A_10, %dma_start3A_199] : memref<10000x136xf32, #tpu.memory_space<vmem_shared>> -> memref<625x136xf32, #tpu.memory_space<vmem_shared>>
      tpu.enqueue_dma source(%dma_start3A_200 : memref<625x136xf32, #tpu.memory_space<vmem_shared>>) target(%dma_start3A_198 : memref<625x136xf32, #tpu.memory_space<hbm>>) target_semaphore(%run_scoped3A_195 : memref<!tpu.dma_semaphore, #tpu.memory_space<semaphore_mem>>)
      %dma_wait3A_201 = arith.constant 0 : i32
      %dma_wait3A_202 = tpu.memref_slice %arg6[%arg0, %mul3A_10, %dma_wait3A_201] : memref<2x10000x136xf32, #tpu.memory_space<hbm>> -> memref<1x625x136xf32, #tpu.memory_space<hbm>>
      %dma_wait3A_203 = tpu.memref_squeeze %dma_wait3A_202 : memref<1x625x136xf32, #tpu.memory_space<hbm>> -> memref<625x136xf32, #tpu.memory_space<hbm>>
      %dma_wait3A_204 = arith.constant 0 : i32
      %dma_wait3A_205 = tpu.memref_slice %arg12[%mul3A_10, %dma_wait3A_204] : memref<10000x136xf32, #tpu.memory_space<vmem_shared>> -> memref<625x136xf32, #tpu.memory_space<vmem_shared>>
      tpu.wait_dma2 semaphore(%run_scoped3A_195 : memref<!tpu.dma_semaphore, #tpu.memory_space<semaphore_mem>>) src(%dma_wait3A_205 : memref<625x136xf32, #tpu.memory_space<vmem_shared>>) dst(%dma_wait3A_203 : memref<625x136xf32, #tpu.memory_space<hbm>>)
      tpu.yield
    }) : () -> ()
    return
  }
}

module attributes {stable_mosaic.version = 14 : i64} {
  func.func @_proj_body(%arg0: i32, %arg1: memref<80x128xf32, #tpu.memory_space<vmem>>, %arg2: memref<2560x16xf32, #tpu.memory_space<vmem>>, %arg3: memref<128x128xf32, #tpu.memory_space<vmem>>, %arg4: memref<128x16xf32, #tpu.memory_space<vmem>>, %arg5: memref<128x16xf32, #tpu.memory_space<vmem>>, %arg6: memref<16x16xf32, #tpu.memory_space<vmem>>, %arg7: memref<1x16xf32, #tpu.memory_space<vmem>>, %arg8: memref<80x128xf32, #tpu.memory_space<vmem>>, %arg9: memref<80x16xf32, #tpu.memory_space<vmem>>, %arg10: memref<80x16xf32, #tpu.memory_space<vmem>>, %arg11: memref<2560x16xf32, #tpu.memory_space<vmem>>) attributes {dimension_semantics = [#tpu.dimension_semantics<arbitrary>], iteration_bounds = array<i64: 125>, scalar_prefetch = 0 : i64, scratch_operands = 0 : i64, tpu.core_type = #tpu.core_type<tc>, window_params = [{transform_indices = @transform_0, window_bounds = array<i64: 80, 128>}, {transform_indices = @transform_1, window_bounds = array<i64: 2560, 16>}, {pipeline_mode = #tpu.pipeline_mode<synchronous>, transform_indices = @transform_2, window_bounds = array<i64: 128, 128>}, {pipeline_mode = #tpu.pipeline_mode<synchronous>, transform_indices = @transform_3, window_bounds = array<i64: 128, 16>}, {pipeline_mode = #tpu.pipeline_mode<synchronous>, transform_indices = @transform_4, window_bounds = array<i64: 128, 16>}, {pipeline_mode = #tpu.pipeline_mode<synchronous>, transform_indices = @transform_5, window_bounds = array<i64: 16, 16>}, {pipeline_mode = #tpu.pipeline_mode<synchronous>, transform_indices = @transform_6, window_bounds = array<i64: 1, 16>}, {transform_indices = @transform_7, window_bounds = array<i64: 80, 128>}, {transform_indices = @transform_8, window_bounds = array<i64: 80, 16>}, {transform_indices = @transform_9, window_bounds = array<i64: 80, 16>}, {transform_indices = @transform_10, window_bounds = array<i64: 2560, 16>}]} {
    %get3A = arith.constant 0 : index
    %get3A_0 = arith.constant 0 : index
    %get3A_1 = vector.load %arg1[%get3A, %get3A_0] : memref<80x128xf32, #tpu.memory_space<vmem>>, vector<80x128xf32>
    %get3A_2 = arith.constant 0 : index
    %get3A_3 = arith.constant 0 : index
    %get3A_4 = vector.load %arg3[%get3A_2, %get3A_3] : memref<128x128xf32, #tpu.memory_space<vmem>>, vector<128x128xf32>
    %dot_general3A = arith.constant dense<0.000000e+00> : vector<80x128xf32>
    %dot_general3A_5 = tpu.matmul %get3A_1, %get3A_4, %dot_general3A {dimension_numbers = #tpu.dot_dimension_numbers<[1], [0], [0], [1], [0, 0, 1, 1], [], []>, transpose_lhs_hint = false} : vector<80x128xf32>, vector<128x128xf32>, vector<80x128xf32> -> vector<80x128xf32>
    %swap3A = arith.constant 0 : index
    %swap3A_6 = arith.constant 0 : index
    %swap3A_7 = vector.load %arg8[%swap3A, %swap3A_6] : memref<80x128xf32, #tpu.memory_space<vmem>>, vector<80x128xf32>
    tpu.vector_store %arg8[%swap3A, %swap3A_6], %dot_general3A_5 {strides = array<i32>} : memref<80x128xf32, #tpu.memory_space<vmem>>, vector<80x128xf32>,
    %get3A_8 = arith.constant 0 : index
    %get3A_9 = arith.constant 0 : index
    %get3A_10 = vector.load %arg4[%get3A_8, %get3A_9] : memref<128x16xf32, #tpu.memory_space<vmem>>, vector<128x16xf32>
    %dot_general3A_11 = arith.constant dense<0.000000e+00> : vector<80x16xf32>
    %dot_general3A_12 = tpu.matmul %dot_general3A_5, %get3A_10, %dot_general3A_11 {dimension_numbers = #tpu.dot_dimension_numbers<[1], [0], [0], [1], [0, 0, 1, 1], [], []>, transpose_lhs_hint = false} : vector<80x128xf32>, vector<128x16xf32>, vector<80x16xf32> -> vector<80x16xf32>
    %get3A_13 = arith.constant 0 : index
    %get3A_14 = arith.constant 0 : index
    %get3A_15 = vector.load %arg7[%get3A_13, %get3A_14] : memref<1x16xf32, #tpu.memory_space<vmem>>, vector<1x16xf32>
    %add3A = vector.broadcast %get3A_15 : vector<1x16xf32> to vector<80x16xf32>
    %add3A_16 = arith.addf %dot_general3A_12, %add3A : vector<80x16xf32>
    %swap3A_17 = arith.constant 0 : index
    %swap3A_18 = arith.constant 0 : index
    %swap3A_19 = vector.load %arg9[%swap3A_17, %swap3A_18] : memref<80x16xf32, #tpu.memory_space<vmem>>, vector<80x16xf32>
    tpu.vector_store %arg9[%swap3A_17, %swap3A_18], %add3A_16 {strides = array<i32>} : memref<80x16xf32, #tpu.memory_space<vmem>>, vector<80x16xf32>,
    %get3A_20 = arith.constant 0 : index
    %get3A_21 = arith.constant 0 : index
    %get3A_22 = vector.load %arg5[%get3A_20, %get3A_21] : memref<128x16xf32, #tpu.memory_space<vmem>>, vector<128x16xf32>
    %dot_general3A_23 = arith.constant dense<0.000000e+00> : vector<80x16xf32>
    %dot_general3A_24 = tpu.matmul %dot_general3A_5, %get3A_22, %dot_general3A_23 {dimension_numbers = #tpu.dot_dimension_numbers<[1], [0], [0], [1], [0, 0, 1, 1], [], []>, transpose_lhs_hint = false} : vector<80x128xf32>, vector<128x16xf32>, vector<80x16xf32> -> vector<80x16xf32>
    %swap3A_25 = arith.constant 0 : index
    %swap3A_26 = arith.constant 0 : index
    %swap3A_27 = vector.load %arg10[%swap3A_25, %swap3A_26] : memref<80x16xf32, #tpu.memory_space<vmem>>, vector<80x16xf32>
    tpu.vector_store %arg10[%swap3A_25, %swap3A_26], %dot_general3A_24 {strides = array<i32>} : memref<80x16xf32, #tpu.memory_space<vmem>>, vector<80x16xf32>,
    %get3A_28 = arith.constant 0 : index
    %get3A_29 = arith.constant 0 : index
    %get3A_30 = vector.load %arg2[%get3A_28, %get3A_29] : memref<2560x16xf32, #tpu.memory_space<vmem>>, vector<2560x16xf32>
    %get3A_31 = arith.constant 0 : index
    %get3A_32 = arith.constant 0 : index
    %get3A_33 = vector.load %arg6[%get3A_31, %get3A_32] : memref<16x16xf32, #tpu.memory_space<vmem>>, vector<16x16xf32>
    %dot_general3A_34 = arith.constant dense<0.000000e+00> : vector<2560x16xf32>
    %dot_general3A_35 = tpu.matmul %get3A_30, %get3A_33, %dot_general3A_34 {dimension_numbers = #tpu.dot_dimension_numbers<[1], [0], [0], [1], [0, 0, 1, 1], [], []>, transpose_lhs_hint = false} : vector<2560x16xf32>, vector<16x16xf32>, vector<2560x16xf32> -> vector<2560x16xf32>
    %swap3A_36 = arith.constant 0 : index
    %swap3A_37 = arith.constant 0 : index
    %swap3A_38 = vector.load %arg11[%swap3A_36, %swap3A_37] : memref<2560x16xf32, #tpu.memory_space<vmem>>, vector<2560x16xf32>
    tpu.vector_store %arg11[%swap3A_36, %swap3A_37], %dot_general3A_35 {strides = array<i32>} : memref<2560x16xf32, #tpu.memory_space<vmem>>, vector<2560x16xf32>,
    return
  }
  func.func @transform_0(%arg0: i32) -> (i32, i32) {
    %c0_i32 = arith.constant 0 : i32
    %c0_i32_0 = arith.constant 0 : i32
    return %arg0, %c0_i32 : i32, i32
  }
  func.func @transform_1(%arg0: i32) -> (i32, i32) {
    %c0_i32 = arith.constant 0 : i32
    %c0_i32_0 = arith.constant 0 : i32
    return %arg0, %c0_i32 : i32, i32
  }
  func.func @transform_2(%arg0: i32) -> (i32, i32) {
    %c0_i32 = arith.constant 0 : i32
    %c0_i32_0 = arith.constant 0 : i32
    %c0_i32_1 = arith.constant 0 : i32
    return %c0_i32, %c0_i32_0 : i32, i32
  }
  func.func @transform_3(%arg0: i32) -> (i32, i32) {
    %c0_i32 = arith.constant 0 : i32
    %c0_i32_0 = arith.constant 0 : i32
    %c0_i32_1 = arith.constant 0 : i32
    return %c0_i32, %c0_i32_0 : i32, i32
  }
  func.func @transform_4(%arg0: i32) -> (i32, i32) {
    %c0_i32 = arith.constant 0 : i32
    %c0_i32_0 = arith.constant 0 : i32
    %c0_i32_1 = arith.constant 0 : i32
    return %c0_i32, %c0_i32_0 : i32, i32
  }
  func.func @transform_5(%arg0: i32) -> (i32, i32) {
    %c0_i32 = arith.constant 0 : i32
    %c0_i32_0 = arith.constant 0 : i32
    %c0_i32_1 = arith.constant 0 : i32
    return %c0_i32, %c0_i32_0 : i32, i32
  }
  func.func @transform_6(%arg0: i32) -> (i32, i32) {
    %c0_i32 = arith.constant 0 : i32
    %c0_i32_0 = arith.constant 0 : i32
    %c0_i32_1 = arith.constant 0 : i32
    return %c0_i32, %c0_i32_0 : i32, i32
  }
  func.func @transform_7(%arg0: i32) -> (i32, i32) {
    %c0_i32 = arith.constant 0 : i32
    %c0_i32_0 = arith.constant 0 : i32
    return %arg0, %c0_i32 : i32, i32
  }
  func.func @transform_8(%arg0: i32) -> (i32, i32) {
    %c0_i32 = arith.constant 0 : i32
    %c0_i32_0 = arith.constant 0 : i32
    return %arg0, %c0_i32 : i32, i32
  }
  func.func @transform_9(%arg0: i32) -> (i32, i32) {
    %c0_i32 = arith.constant 0 : i32
    %c0_i32_0 = arith.constant 0 : i32
    return %arg0, %c0_i32 : i32, i32
  }
  func.func @transform_10(%arg0: i32) -> (i32, i32) {
    %c0_i32 = arith.constant 0 : i32
    %c0_i32_0 = arith.constant 0 : i32
    return %arg0, %c0_i32 : i32, i32
  }
}

module attributes {stable_mosaic.version = 14 : i64} {
  func.func @_norm_body(%arg0: i32, %arg1: memref<2x1000x136xf32, #tpu.memory_space<vmem>>, %arg2: memref<1000x128xf32, #tpu.memory_space<vmem>>) attributes {dimension_semantics = [#tpu.dimension_semantics<arbitrary>], iteration_bounds = array<i64: 10>, scalar_prefetch = 0 : i64, scratch_operands = 0 : i64, tpu.core_type = #tpu.core_type<tc>, window_params = [{transform_indices = @transform_0, window_bounds = array<i64: 2, 1000, 136>}, {transform_indices = @transform_1, window_bounds = array<i64: 1000, 128>}]} {
    %get3A = arith.constant 0 : index
    %get3A_0 = arith.constant 0 : index
    %get3A_1 = arith.constant 0 : index
    %get3A_2 = vector.load %arg1[%get3A, %get3A_0, %get3A_1] : memref<2x1000x136xf32, #tpu.memory_space<vmem>>, vector<1x1000x136xf32>
    %get3A_3 = vector.shape_cast %get3A_2 : vector<1x1000x136xf32> to vector<1000x136xf32>
    %get3A_4 = arith.constant 1 : index
    %get3A_5 = arith.constant 0 : index
    %get3A_6 = arith.constant 0 : index
    %get3A_7 = vector.load %arg1[%get3A_4, %get3A_5, %get3A_6] : memref<2x1000x136xf32, #tpu.memory_space<vmem>>, vector<1x1000x136xf32>
    %get3A_8 = vector.shape_cast %get3A_7 : vector<1x1000x136xf32> to vector<1000x136xf32>
    %add3A = arith.addf %get3A_3, %get3A_8 : vector<1000x136xf32>
    %slice3A = vector.extract_strided_slice %add3A {offsets = [0, 128], sizes = [1000, 1], strides = [1, 1]} : vector<1000x136xf32> to vector<1000x1xf32>
    %gt3A = arith.constant 0.000000e+00 : f32
    %gt3A_9 = vector.broadcast %gt3A : f32 to vector<1000x1xf32>
    %gt3A_10 = arith.cmpf ogt, %slice3A, %gt3A_9 : vector<1000x1xf32>
    %slice3A_11 = vector.extract_strided_slice %add3A {offsets = [0, 0], sizes = [1000, 128], strides = [1, 1]} : vector<1000x136xf32> to vector<1000x128xf32>
    %div3A = vector.broadcast %slice3A : vector<1000x1xf32> to vector<1000x128xf32>
    %div3A_12 = arith.divf %slice3A_11, %div3A : vector<1000x128xf32>
    %jit3A = arith.constant 0.000000e+00 : f32
    %broadcast_in_dim3A = vector.shape_cast %gt3A_10 : vector<1000x1xi1> to vector<1000x1xi1>
    %broadcast_in_dim3A_13 = vector.broadcast %broadcast_in_dim3A : vector<1000x1xi1> to vector<1000x128xi1>
    %broadcast_in_dim3A_14 = vector.broadcast %jit3A : f32 to vector<1000x128xf32>
    %select_n3A = arith.select %broadcast_in_dim3A_13, %div3A_12, %broadcast_in_dim3A_14 : vector<1000x128xi1>, vector<1000x128xf32>
    %swap3A = arith.constant 0 : index
    %swap3A_15 = arith.constant 0 : index
    %swap3A_16 = vector.load %arg2[%swap3A, %swap3A_15] : memref<1000x128xf32, #tpu.memory_space<vmem>>, vector<1000x128xf32>
    tpu.vector_store %arg2[%swap3A, %swap3A_15], %select_n3A {strides = array<i32>} : memref<1000x128xf32, #tpu.memory_space<vmem>>, vector<1000x128xf32>,
    return
  }
  func.func @transform_0(%arg0: i32) -> (i32, i32, i32) {
    %c0_i32 = arith.constant 0 : i32
    %c0_i32_0 = arith.constant 0 : i32
    %c0_i32_1 = arith.constant 0 : i32
    return %c0_i32, %arg0, %c0_i32_0 : i32, i32, i32
  }
  func.func @transform_1(%arg0: i32) -> (i32, i32) {
    %c0_i32 = arith.constant 0 : i32
    %c0_i32_0 = arith.constant 0 : i32
    return %arg0, %c0_i32 : i32, i32
  }
}

</mosaic_0001>

<sc_bundles>
// kernel: kernel.10.cloned.1.call-start
scs
__scs_entry_jumppad:
0x0: {  	(pc) =	sbr.rel $0x88, $3  }
0x1: {  	(tag) =	ssettag $0x0;
	lr =	simm.s32 $0x1  }
0x2: {  	[smem:$0x3F9A] =	sst lr;
	_ =	strace $0xD0000000  }
0x3: {  	_ = 	snop  }
0x4: {  	_ = 	snop  }
0x5: {  	_ = 	snop  }
0x6: {  	_ = 	snop  }
0x7: {  	_ = 	snop  }
__scs_overlays_trampoline_lowered:
0x8: {  	[smem:$0x3FA9] =	sst s0  }
0x9: {  	[smem:$0x3FAA] =	sst s1  }
0xa: {  	[smem:$0x3FAB] =	sst s2  }
0xb: {  	[smem:$0x3FAC] =	sst s3  }
0xc: {  	[smem:$0x3FAD] =	sst s4  }
0xd: {  	[smem:$0x3FAE] =	sst s5  }
0xe: {  	[smem:$0x3FAF] =	sst s6  }
0xf: {  	[smem:$0x3FB0] =	sst s7  }
0x10: {  	[smem:$0x3FB1] =	sst s8  }
0x11: {  	[smem:$0x3FB2] =	sst s9;
	s0 =	simm.s32 @!p0 $0x0  }
0x12: {  	s1 =	sld [smem:$0x3F98];
	s0 =	simm.s32 @p0 $0x1  }
0x13: {  	[smem:$0x3FB3] =	sst s0;
	s0 =	simm.s32 @!p1 $0x0  }
0x14: {  	s2 =	sld [smem:$0x3F97];
	s0 =	simm.s32 @p1 $0x1  }
0x15: {  	[smem:$0x3FB4] =	sst s0;
	s0 =	simm.s32 @!p2 $0x0  }
0x16: {  	s3 =	sld [smem:$0x3FDB];
	s0 =	simm.s32 @p2 $0x1  }
0x17: {  	s4 =	simm.s32 $0x1BF5;
	[smem:$0x3FB6] =	sst s0  }
0x18: {  	s0 =	sld [smem:$0x3F99];
	_ =	swait.ge [sflag:s4], $0x0  }
0x19: {  	s7 =	sld [smem:$0x3F9A]  }
0x1a: {  	s8 =	sadd.s32 $0xFFFFE003, lr  }
0x1b: {  	s9 =	sadd.s32 $0xFFFFFEF7, lr;
	s5 =	simm.s32 $0xFFFFFFFF;
	p2 =	slt.u32 s8, $0xFFFFF086  }
0x1c: {  	p1 =	slt.u32 s9, $0xF7A;
	s5 =	simm.s32 @!p2 $0x0  }
0x1d: {  	s5 =	simm.s32 @p1 $0x1;
	p0 =	seq.s32 s7, s2  }
0x1e: {  	s7 =	smul.u32 @!p0 $0xF7A, s2;
	p2 =	seq.s32 @!p0 s5, $0x0  }
0x1f: {  	s9 =	smul.u32 $0xF7A, s1;
	s8 =	simm.s32 @!p0 $0x1BF5;
	p2 =	por !p2, p0  }
0x20: {  	[sflag:s8] =	ssyncset.s32 @!p0 $0xFFFFF086;
	s6 =	sadd.s32 @!p0 s3, s7;
	s7 =	simm.s32 @!p0 $0x108  }
0x21: {  	s3 =	sadd.s32 s3, s9;
	s6 =	sadd.s32 @!p0 $0x88, s6;
	s7 =	simm.s32 @p2 $0x1082  }
0x22: {  	[simem:s7], [sflag:s8] =	dma.local @!p0 [hbm:s6], $0xF7A  }
0x23: {  	s9 =	sor.u32 $0xD0000000, s2;
	s6 =	simm.s32 $0x108;
	_ =	swait.ge @!p0 [sflag:s8], $0x0  }
0x24: {  	s3 =	sadd.s32 $0x88, s3;
	s6 =	simm.s32 @!p1 $0x1082;
	[sflag:s4] =	ssyncset.s32 $0xFFFFF086  }
0x25: {  	[simem:s6], [sflag:s4] =	dma.local [hbm:s3], $0xF7A  }
0x26: {  	[smem:$0x3F9A] =	sst s1;
	(tag) =	ssettag s2;
	_ =	strace s9  }
0x27: {  	s1 =	sld [smem:$0x3FAA]  }
0x28: {  	s2 =	sld [smem:$0x3FAB]  }
0x29: {  	s4 =	sld [smem:$0x3FAD]  }
0x2a: {  	p0 =	seq.s32 s5, $0x0;
	s5 =	sld [smem:$0x3FAE]  }
0x2b: {  	s6 =	sld [smem:$0x3FAF]  }
0x2c: {  	s7 =	sld [smem:$0x3FB0]  }
0x2d: {  	s3 =	simm.s32 $0x108;
	s8 =	sld [smem:$0x3FB1]  }
0x2e: {  	s3 =	simm.s32 @!p0 $0x1082;
	s9 =	sld [smem:$0x3FB2]  }
0x2f: {  	lr =	sadd.s32 s0, s3;
	s0 =	sld [smem:$0x3FA9]  }
0x30: {  	s3 =	sld [smem:$0x3FAC]  }
0x31: {  	[smem:$0x3FB5] =	sst s10  }
0x32: {  	s10 =	sld [smem:$0x3FB3];
	_ =	sdelay $0x3  }
0x33: {  	p0 =	seq.s32 s10, $0x1;
	s10 =	sld [smem:$0x3FB5];
	_ =	sdelay $0x3  }
0x34: {  	[smem:$0x3FB5] =	sst s10  }
0x35: {  	s10 =	sld [smem:$0x3FB4];
	_ =	sdelay $0x3  }
0x36: {  	p1 =	seq.s32 s10, $0x1;
	s10 =	sld [smem:$0x3FB5];
	_ =	sdelay $0x3  }
0x37: {  	[smem:$0x3FB5] =	sst s10  }
0x38: {  	s10 =	sld [smem:$0x3FB6]  }
0x39: {  	_ = 	snop;
	(pc) =	sbr.ind lr, $3  }
0x3a: {  	_ = 	snop  }
0x3b: {  	_ = 	snop  }
0x3c: {  	p2 =	seq.s32 s10, $0x1;
	s10 =	sld [smem:$0x3FB5]  }
0x3d: {  	_ =	shalt  }
0x3e: {  	_ =	shalt  }
0x3f: {  	_ =	shalt  }
0x40: {  	_ =	shalt  }
0x41: {  	_ =	shalt  }
0x42: {  	_ =	shalt  }
0x43: {  	_ =	shalt  }
0x44: {  	_ =	shalt  }
0x45: {  	_ =	shalt  }
0x46: {  	_ =	shalt  }
0x47: {  	_ =	shalt  }
0x48: {  	_ =	shalt  }
0x49: {  	_ =	shalt  }
0x4a: {  	_ =	shalt  }
0x4b: {  	_ =	shalt  }
0x4c: {  	_ =	shalt  }
0x4d: {  	_ =	shalt  }
0x4e: {  	_ =	shalt  }
0x4f: {  	_ =	shalt  }
0x50: {  	_ =	shalt  }
0x51: {  	_ =	shalt  }
0x52: {  	_ =	shalt  }
0x53: {  	_ =	shalt  }
0x54: {  	_ =	shalt  }
0x55: {  	_ =	shalt  }
0x56: {  	_ =	shalt  }
0x57: {  	_ =	shalt  }
0x58: {  	_ =	shalt  }
0x59: {  	_ =	shalt  }
0x5a: {  	_ =	shalt  }
0x5b: {  	_ =	shalt  }
0x5c: {  	_ =	shalt  }
0x5d: {  	_ =	shalt  }
0x5e: {  	_ =	shalt  }
0x5f: {  	_ =	shalt  }
0x60: {  	_ =	shalt  }
0x61: {  	_ =	shalt  }
0x62: {  	_ =	shalt  }
0x63: {  	_ =	shalt  }
0x64: {  	_ =	shalt  }
0x65: {  	_ =	shalt  }
0x66: {  	_ =	shalt  }
0x67: {  	_ =	shalt  }
0x68: {  	_ =	shalt  }
0x69: {  	_ =	shalt  }
0x6a: {  	_ =	shalt  }
0x6b: {  	_ =	shalt  }
0x6c: {  	_ =	shalt  }
0x6d: {  	_ =	shalt  }
0x6e: {  	_ =	shalt  }
0x6f: {  	_ =	shalt  }
0x70: {  	_ =	shalt  }
0x71: {  	_ =	shalt  }
0x72: {  	_ =	shalt  }
0x73: {  	_ =	shalt  }
0x74: {  	_ =	shalt  }
0x75: {  	_ =	shalt  }
0x76: {  	_ =	shalt  }
0x77: {  	_ =	shalt  }
0x78: {  	_ =	shalt  }
0x79: {  	_ =	shalt  }
0x7a: {  	_ =	shalt  }
0x7b: {  	_ =	shalt  }
0x7c: {  	_ =	shalt  }
0x7d: {  	_ =	shalt  }
0x7e: {  	_ =	shalt  }
0x7f: {  	_ =	shalt  }
0x80: {  	_ =	shalt  }
0x81: {  	_ =	shalt  }
0x82: {  	_ =	shalt  }
0x83: {  	_ =	shalt  }
0x84: {  	_ =	shalt  }
0x85: {  	_ =	shalt  }
0x86: {  	_ =	shalt  }
0x87: {  	_ =	shalt  }
.Lfunc_end0:
.L_simem_size_0:
called_computation.1_lowered:
.L_overlay_start_0:
0x88: {  	s2 =	sld [smem:$0x3FD9]  }
0x89: {  	s3 =	sld [smem:$0x3FFE];
	_ =	sdelay $0x1  }
0x8a: {  	s1 =	srdreg.scid  }
0x8b: {  	s0 =	sand.u32 $0x1, s1  }
0x8c: {  	s16 =	sshll.u32 s0, $0xA;
	s2 =	sadd.s32 s3, s2  }
0x8d: {  	s2 =	sadd.s32 s2, s16  }
0x8e: {  	[smem:$0x3FC1] =	sst s2  }
0x8f: {  	_ = 	snop  }
0x90: {  	(tm) =	ssettm $0x1  }
0x91: {  	s17 =	sld [smem:$0x3FFB];
	_ =	sdelay $0x3  }
0x92: {  	_ =	strace s17  }
0x93: {  	s2 =	sld [smem:$0x3FFC];
	_ =	sdelay $0x3  }
0x94: {  	_ =	strace s2  }
0x95: {  	s2 =	sld [smem:$0x3FFD];
	_ =	sdelay $0x3  }
0x96: {  	_ =	strace s2  }
0x97: {  	_ =	strace $0x8FFFFFFF  }
0x98: {  	s18 =	sld [smem:$0x3FDB];
	_ =	sdelay $0x1  }
0x99: {  	s19 =	simm.s32 $_scs_section_size  }
0x9a: {  	s4 =	simm.s32 $_size__tile_overlayer_lowered;
	s5 =	simm.s32 $_tile_overlayer_lowered  }
0x9b: {  	s22 =	simm.s32 $0x1BFF;
	s21 =	sshll.u32 s5, $0x1;
	s2 =	sadd.s32 s19, s18  }
0x9c: {  	s6 =	simm.s32 $0x0;
	s20 =	sshll.u32 s4, $0x1;
	s4 =	sadd.s32 s21, s2  }
0x9d: {  	[timem:s6], [sflag:s22] =	dma.local [hbm:s4], s20  }
0x9e: {  	_ =	swait.ge [sflag:s22], s20  }
0x9f: {  	s3 =	ssub.s32 $0x0, s20;
	[sflag:s22] =	ssyncset.done $0x0  }
0xa0: {  	[sflag:s22] =	ssyncadd.s32 s3;
	_ =	sdelay $0x1  }
0xa1: {  	s23 =	simm.s32 $0x1B8B  }
0xa2: {  	_ =	swait.ge [sflag:s23], $0x1  }
0xa3: {  	[sflag:s23] =	ssyncset.done $0x0  }
0xa4: {  	s25 =	simm.s32 $0x1B8E;
	s24 =	sld [smem:$0x3FFE];
	[sflag:s23] =	ssyncadd.s32 $0xFFFFFFFF  }
0xa5: {  	s26 =	simm.s32 $execute0_lowered;
	[smem:$0x3FD2] =	sst s25  }
0xa6: {  	s4 =	sshll.u32 s26, $0x1;
	_ =	strace $0x80000049;
	[dreg:$0x1] =	wrdreg $0xFFFFFFFF  }
0xa7: {  	s28 =	simm.s32 $_size_execute0_lowered;
	s2 =	sadd.s32 s2, s4;
	[dreg:$0x0] =	wrdreg $0x0  }
0xa8: {  	s4 =	sshll.u32 s28, $0x1;
	[dreg:$0x2] =	wrdreg s2  }
0xa9: {  	[dreg:$0x3] =	wrdreg s4  }
0xaa: {  	[dreg:$0x4] =	wrdreg $0xC0  }
0xab: {  	_ =	task [dreg:s6], $0x5FFFF  }
0xac: {  	[dreg:$0x1] =	wrdreg $0xFFFFFFFF  }
0xad: {  	[dreg:$0x0] =	wrdreg $0x60  }
0xae: {  	[dreg:$0x2] =	wrdreg s24  }
0xaf: {  	[dreg:$0x3] =	wrdreg $0x9  }
0xb0: {  	_ =	task.clear_ibuf [dreg:s6], $0x4FFFF;
	_ =	strace $0x90000049  }
0xb1: {  	s29 =	simm.s32 $0x9;
	_ =	strace $0x8000004B  }
0xb2: {  	_ =	swait.ge [sflag:s29], $0x1  }
0xb3: {  	[sflag:s29] =	ssyncadd.s32 $0xFFFFFFFF  }
0xb4: {  	_ =	strace $0x9000004B  }
0xb5: {  	_ =	sfence  }
0xb6: {  	s30 =	sld [smem:$0x0];
	_ =	sdelay $0x2  }
0xb7: {  	s31 =	sshll.u32 s1, $0xD;
	s1 =	sshrl.u32 s1, $0x2  }
0xb8: {  	s3 =	sand.u32 $0x4000, s31;
	s1 =	sadd.s32 s1, s30  }
0xb9: {  	s0 =	sor.u32 s3, s0;
	s1 =	sshll.u32 s1, $0x11  }
0xba: {  	s0 =	sor.u32 s1, s0  }
0xbb: {  	s0 =	sadd.s32 $0x8F2B, s0  }
0xbc: {  	[sflag:s0] =	ssyncadd.remote.s32 $0x1  }
0xbd: {  	_ =	sfence.sel $0xFFFF  }
0xbe: {  	[dreg:$0x0] =	wrdreg $0xFFFFFFFF;
	(pc) =	sbr.abs _section_cstart, $3  }
0xbf: {  	[dreg:$0x1] =	wrdreg $0xFFFFFFFF  }
0xc0: {  	_ =	task.clear_ibuf [dreg:s6], $0x2FFFF;
	_ =	strace $0x9FFFFFFF  }
0xc1: {  	(tm) =	ssettm $0x7FFFFFFF  }
tec
execute0_lowered:
.L_overlay_start_1:
0x0: {  	(tag) =	ssettag $0x1  }
0x1: {  	s4 =	rddreg [dreg:$0x0]  }
0x2: {  	s0 =	rddreg [dreg:$0x1]  }
0x3: {  	s2 =	simm.s32 $0x0;
	s3 =	srdreg.scid;
	s1 =	stileid.u32  }
0x4: {  	s15 =	simm.s32 $0x4E20;
	s16 =	simm.s32 $0x4F60;
	s17 =	simm.s32 $0x4E70  }
0x5: {  	s18 =	simm.s32 $0x4FB0;
	s19 =	simm.s32 $0x5;
	s20 =	simm.s32 $0x6  }
0x6: {  	s21 =	simm.s32 $0x0;
	[smem:$0x7FF] =	sst s2;
	s5 =	sand.u32 $0x1, s3  }
0x7: {  	s6 =	smul.u32 $0x4E20, s1;
	s8 =	sshll.u32 s1, $0x1;
	s10 =	sadd.s32 $0x1F800, s4  }
0x8: {  	s3 =	sadd.s32 $0x29600, s4;
	s7 =	smul.u32 $0x2710, s5;
	s8 =	sor.u32 s5, s8  }
0x9: {  	s11 =	sadd.s32 $0xBC00, s4;
	s5 =	ssub.s32 $0x2, s5;
	s28 =	smul.u32 $0x2710, s8  }
0xa: {  	_ =	strace $0x8000004A;
	s29 =	sshrl.u32 s5, $0x1;
	s9 =	sadd.s32 s7, s6  }
0xb: {  	s13 =	ssub.s32 s5, s29;
	s7 =	sshrl.u32 s9, $0x3;
	s6 =	sshrl.u32 s28, $0x3  }
0xc: {  	s14 =	sadd.s32 $0xA0, s9;
	s9 =	smax.u32 s13, $0x1;
	s13 =	simm.s32 $0x7  }
0xd: {  	s12 =	sadd.s32 s7, s4;
	s4 =	sadd.s32 $0x29AE2, s4;
	s5 =	sadd.s32 s11, s6  }
0xe: {  	s30 =	sadd.s32 $0xA, s6;
	s6 =	sadd.s32 s10, s6;
	s31 =	sshrl.u32 s14, $0x3  }
0xf: {  	s14 =	simm.s32 $0x2710;
	s7 =	sadd.s32 s11, s30;
	s8 =	sadd.s32 s10, s30  }
0x10: {  	s10 =	sadd.s32 s31, s10;
	s11 =	sadd.s32 s31, s11;
	s12 =	sadd.s32 $0x1C00, s12  }
.LBB2_1:
0x11: {  	[tilespmem:s2], [sflag:$0x7] =	stream.linear.gather [hbm4b:s3+s2], $0x2710, $0x38;
	[tilespmem:$0x5140] =	vst v63  }
0x12: {  	_ =	swait.ge [sflag:s13], $0x2710  }
0x13: {  	[sflag:s13] =	ssyncset.done $0x0  }
0x14: {  	[sflag:s13] =	ssyncadd.s32 $0xFFFFD8F0  }
0x15: {  	[tilespmem:s14], [sflag:$0x7] =	stream.linear.gather [hbm4b:s4+s2], $0x2710, $0x38;
	[tilespmem:$0x5140] =	vst v63  }
0x16: {  	_ =	swait.ge [sflag:s13], $0x2710  }
0x17: {  	[sflag:s13] =	ssyncset.done $0x0  }
0x18: {  	s22 =	simm.s32 $0x0;
	[sflag:s13] =	ssyncadd.s32 $0xFFFFD8F0  }
0x19: {  	s23 =	simm.s32 $0x40;
	v0 =	vld [tilespmem:s22+$0x2710]  }
.LBB2_2:
0x1a: {  	p0 =	sne.s32 s23, $0x9C00;
	v1 =	vld [tilespmem:s22+$0x0];
	_ =	sdelay $0x1  }
.Ltmp0:
0x1b: {  	(pc) =	sbr.rel @p0 .LBB2_2-.Ltmp0, $3  }
0x1c: {  	_ =	sdelay $0x1  }
0x1d: {  	s24 =	sshra.s32 s23, $0x2;
	v1 =	vmax.f32 v1, v0  }
0x1e: {  	s23 =	sadd.s32 $0x40, s23;
	v0 =	vld [tilespmem:s24+$0x2710];
	[tilespmem:s22+$0x0] =	vst v1;
	s22 =	smov.u32 s24  }
0x1f: {  	v1 =	vld [tilespmem:s22+$0x0];
	_ =	sdelay $0x4  }
0x20: {  	v0 =	vmax.f32 v1, v0  }
0x21: {  	[tilespmem:s22+$0x0] =	vst v0  }
0x22: {  	[tilespmem:s15], [sflag:$0x1] =	stream.linear.gather [hbm4b:s5+s2], $0x50, $0x38;
	[tilespmem:$0x5140] =	vst v63  }
0x23: {  	_ = 	snop  }
0x24: {  	[tilespmem:s16], [sflag:$0x1] =	stream.linear.gather [hbm4b:s6+s2], $0x50, $0x38;
	[tilespmem:$0x5140] =	vst v63  }
0x25: {  	s23 =	smov.u32 s12  }
0x26: {  	[tilespmem:s17], [sflag:$0x2] =	stream.linear.gather [hbm4b:s7+s2], $0x50, $0x38;
	[tilespmem:$0x5140] =	vst v63  }
0x27: {  	s24 =	smov.u32 s11;
	s25 =	smov.u32 s10;
	s22 =	simm.s32 $0x2  }
0x28: {  	[tilespmem:s18], [sflag:$0x2] =	stream.linear.gather [hbm4b:s8+s2], $0x50, $0x38;
	[tilespmem:$0x5140] =	vst v63  }
.LBB2_4:
0x29: {  	s26 =	sadd.s32 $0xFFFFFFFE, s22  }
0x2a: {  	s28 =	sand.u32 $0x3, s26  }
0x2b: {  	s29 =	sadd.s32 $0x1, s28  }
0x2c: {  	_ =	swait.ge [sflag:s29], $0x50  }
0x2d: {  	[sflag:s29] =	ssyncset.done $0x0  }
0x2e: {  	[sflag:s29] =	ssyncadd.s32 $0xFFFFFFB0  }
0x2f: {  	_ =	swait.ge [sflag:s29], $0x50  }
0x30: {  	s30 =	sand.u32 $0x1, s26;
	p0 =	slt.u32 s26, $0x2;
	[sflag:s29] =	ssyncset.done $0x0  }
0x31: {  	[sflag:s29] =	ssyncadd.s32 $0xFFFFFFB0;
	s29 =	sadd.s32 @!p0 $0x5, s30  }
0x32: {  	_ =	swait.ge @!p0 [sflag:s29], $0x50  }
0x33: {  	s28 =	smul.u32 $0x50, s28;
	[sflag:s29] =	ssyncset.done @!p0 $0x0  }
0x34: {  	[sflag:s29] =	ssyncadd.s32 @!p0 $0xFFFFFFB0  }
0x35: {  	v0 =	vld [tilespmem:s28+$0x4E20];
	_ =	sdelay $0x6  }
0x36: {  	v1 =	vld [tilespmem:s28+$0x4F60]  }
0x37: {  	v0 =	vld.idx.msk [tilespmem:v0+s2+$0x0], $0xffff;
	_ =	sdelay $0x4  }
0x38: {  	v0 =	vsub.f32 v1, v0;
	_ =	sdelay $0x1  }
0x39: {  	v0 =	vmul.f32 $1.442695020e+00, v0;
	_ =	sdelay $0x1  }
0x3a: {  	(erf) = vpow2.f32 v0;
	_ =	sdelay $0x6  }
0x3b: {  	s31 =	smul.u32 $0x140, s30;
	_ =	sdelay $0x1  }
0x3c: {  	s29 =	sshrl.u32 s31, $0x2;
	v0 =	vpop (erf)  }
0x3d: {  	[tilespmem:s29+$0x50A0] =	vst v0  }
0x3e: {  	v0 =	vld [tilespmem:s28+$0x4E30];
	_ =	sdelay $0x6  }
0x3f: {  	v60 =	vld [tilespmem:s28+$0x4F70]  }
0x40: {  	v0 =	vld.idx.msk [tilespmem:v0+s2+$0x0], $0xffff;
	_ =	sdelay $0x4  }
0x41: {  	v0 =	vsub.f32 v60, v0;
	_ =	sdelay $0x1  }
0x42: {  	v0 =	vmul.f32 $1.442695020e+00, v0;
	_ =	sdelay $0x1  }
0x43: {  	(erf) = vpow2.f32 v0;
	_ =	sdelay $0x8  }
0x44: {  	v0 =	vpop (erf)  }
0x45: {  	[tilespmem:s29+$0x50B0] =	vst v0  }
0x46: {  	v0 =	vld [tilespmem:s28+$0x4E40];
	_ =	sdelay $0x6  }
0x47: {  	v61 =	vld [tilespmem:s28+$0x4F80]  }
0x48: {  	v0 =	vld.idx.msk [tilespmem:v0+s2+$0x0], $0xffff;
	_ =	sdelay $0x4  }
0x49: {  	v0 =	vsub.f32 v61, v0;
	_ =	sdelay $0x1  }
0x4a: {  	v0 =	vmul.f32 $1.442695020e+00, v0;
	_ =	sdelay $0x1  }
0x4b: {  	(erf) = vpow2.f32 v0;
	_ =	sdelay $0x8  }
0x4c: {  	v0 =	vpop (erf)  }
0x4d: {  	[tilespmem:s29+$0x50C0] =	vst v0  }
0x4e: {  	v0 =	vld [tilespmem:s28+$0x4E50];
	_ =	sdelay $0x6  }
0x4f: {  	v62 =	vld [tilespmem:s28+$0x4F90]  }
0x50: {  	v0 =	vld.idx.msk [tilespmem:v0+s2+$0x0], $0xffff;
	_ =	sdelay $0x4  }
0x51: {  	v0 =	vsub.f32 v62, v0;
	_ =	sdelay $0x1  }
0x52: {  	v0 =	vmul.f32 $1.442695020e+00, v0;
	_ =	sdelay $0x1  }
0x53: {  	(erf) = vpow2.f32 v0;
	_ =	sdelay $0x8  }
0x54: {  	v0 =	vpop (erf)  }
0x55: {  	[tilespmem:s29+$0x50D0] =	vst v0  }
0x56: {  	v0 =	vld [tilespmem:s28+$0x4E60];
	_ =	sdelay $0x6  }
0x57: {  	v63 =	vld [tilespmem:s28+$0x4FA0]  }
0x58: {  	v0 =	vld.idx.msk [tilespmem:v0+s2+$0x0], $0xffff;
	_ =	sdelay $0x4  }
0x59: {  	v0 =	vsub.f32 v63, v0;
	_ =	sdelay $0x1  }
0x5a: {  	v0 =	vmul.f32 $1.442695020e+00, v0;
	_ =	sdelay $0x1  }
0x5b: {  	(erf) = vpow2.f32 v0;
	_ =	sdelay $0x7  }
0x5c: {  	p0 =	sgt.u32 s26, $0x7A  }
0x5d: {  	s26 =	sand.u32 @!p0 $0x3, s22;
	v0 =	vpop (erf)  }
0x5e: {  	s31 =	sadd.s32 $0x5, s30;
	s30 =	smul.u32 @!p0 $0x50, s26;
	s28 =	sadd.s32 $0x50A0, s29;
	[tilespmem:s29+$0x50E0] =	vst v0  }
0x5f: {  	[hbm4b:s23+s2] =	stream.linear.scatter [tilespmem:s28], [sflag:s31], $0x50, $0x38;
	[tilespmem:$0x5140] =	vst v63  }
0x60: {  	s26 =	sadd.s32 @!p0 $0x1, s26;
	s29 =	simm.s32 @!p0 $0x0;
	s28 =	sadd.s32 @!p0 $0x4E20, s30  }
0x61: {  	[tilespmem:s28], [sflag:s26] =	stream.linear.gather @!p0 [hbm4b:s24+s29], $0x50, $0x38;
	[tilespmem:$0x5140] =	vst v63  }
0x62: {  	s22 =	sadd.s32 $0x1, s22;
	s28 =	sadd.s32 @!p0 $0x4F60, s30  }
0x63: {  	[tilespmem:s28], [sflag:s26] =	stream.linear.gather @!p0 [hbm4b:s25+s29], $0x50, $0x38;
	[tilespmem:$0x5140] =	vst v63  }
0x64: {  	p0 =	sne.s32 s22, $0x7F  }
.Ltmp1:
0x65: {  	_ = 	snop;
	(pc) =	sbr.rel @p0 .LBB2_4-.Ltmp1, $2  }
0x66: {  	_ =	sdelay $0x2  }
0x67: {  	s23 =	sadd.s32 $0xA, s23;
	s24 =	sadd.s32 $0xA, s24;
	s25 =	sadd.s32 $0xA, s25  }
0x68: {  	s21 =	sadd.s32 $0x1, s21  }
0x69: {  	_ =	swait.ge [sflag:s19], $0x50;
	p0 =	sne.s32 s21, s9  }
.Ltmp2:
0x6a: {  	[sflag:s19] =	ssyncset.done $0x0;
	(pc) =	sbr.rel @p0 .LBB2_1-.Ltmp2, $4  }
0x6b: {  	[sflag:s19] =	ssyncadd.s32 $0xFFFFFFB0  }
0x6c: {  	_ =	swait.ge [sflag:s20], $0x50  }
0x6d: {  	[sflag:s20] =	ssyncset.done $0x0  }
0x6e: {  	[sflag:s20] =	ssyncadd.s32 $0xFFFFFFB0  }
0x6f: {  	_ =	sfence.sel $0x180000  }
0x70: {  	[bflag:$0x0] =	sbarrier.arrive $0xFFFF  }
0x71: {  	p0 =	sne.s32 s1, $0x0;
	_ =	strace $0x9000004A  }
0x72: {  	s0 =	sadd.s32 @!p0 $0x100000, s0;
	[bflag:$0x2] =	sbarrier.arrive $0xFFFF  }
0x73: {  	[sflag:s0] =	ssyncadd.tile.s32 @!p0 $0x1;
	_ =	shalt  }
.Lfunc_end2:
_tile_overlayer_lowered:
.L_overlay_start_2:
0x74: {  	(tag) =	ssettag $0x2  }
0x75: {  	s0 =	rddreg [dreg:$0x0];
	s2 =	stileid.u32  }
0x76: {  	s1 =	rddreg [dreg:$0x1];
	p0 =	sne.s32 s2, $0x0  }
0x77: {  	s3 =	rddreg [dreg:$0x2];
	[bflag:$0x3] =	sbarrier.arrive $0xFFFF;
	s2 =	simm.s32 @!p0 $0x1C07  }
0x78: {  	[timem:s3], [sflag:s2] =	dma.local @!p0 [hbm:s0], s1  }
0x79: {  	s0 =	simm.s32 @!p0 $0x7  }
0x7a: {  	_ =	swait.ge @!p0 [sflag:s0], s1  }
0x7b: {  	s1 =	ssub.s32 @!p0 $0x0, s1;
	[sflag:s0] =	ssyncset.done @!p0 $0x0  }
0x7c: {  	[sflag:s0] =	ssyncadd.s32 @!p0 s1  }
0x7d: {  	[bflag:$0x3] =	sbarrier.arrive $0xFFFF  }
0x7e: {  	_ =	shalt  }

// kernel: kernel.13.cloned.1.call-start
scs
__scs_entry_jumppad:
0x0: {  	(pc) =	sbr.rel $0x88, $3  }
0x1: {  	(tag) =	ssettag $0x0;
	lr =	simm.s32 $0x1  }
0x2: {  	[smem:$0x3F9A] =	sst lr;
	_ =	strace $0xD0000000  }
0x3: {  	_ = 	snop  }
0x4: {  	_ = 	snop  }
0x5: {  	_ = 	snop  }
0x6: {  	_ = 	snop  }
0x7: {  	_ = 	snop  }
__scs_overlays_trampoline_lowered:
0x8: {  	[smem:$0x3FA9] =	sst s0  }
0x9: {  	[smem:$0x3FAA] =	sst s1  }
0xa: {  	[smem:$0x3FAB] =	sst s2  }
0xb: {  	[smem:$0x3FAC] =	sst s3  }
0xc: {  	[smem:$0x3FAD] =	sst s4  }
0xd: {  	[smem:$0x3FAE] =	sst s5  }
0xe: {  	[smem:$0x3FAF] =	sst s6  }
0xf: {  	[smem:$0x3FB0] =	sst s7  }
0x10: {  	[smem:$0x3FB1] =	sst s8  }
0x11: {  	[smem:$0x3FB2] =	sst s9;
	s0 =	simm.s32 @!p0 $0x0  }
0x12: {  	s1 =	sld [smem:$0x3F98];
	s0 =	simm.s32 @p0 $0x1  }
0x13: {  	[smem:$0x3FB3] =	sst s0;
	s0 =	simm.s32 @!p1 $0x0  }
0x14: {  	s2 =	sld [smem:$0x3F97];
	s0 =	simm.s32 @p1 $0x1  }
0x15: {  	[smem:$0x3FB4] =	sst s0;
	s0 =	simm.s32 @!p2 $0x0  }
0x16: {  	s3 =	sld [smem:$0x3FDB];
	s0 =	simm.s32 @p2 $0x1  }
0x17: {  	s4 =	simm.s32 $0x1BF5;
	[smem:$0x3FB6] =	sst s0  }
0x18: {  	s0 =	sld [smem:$0x3F99];
	_ =	swait.ge [sflag:s4], $0x0  }
0x19: {  	s7 =	sld [smem:$0x3F9A]  }
0x1a: {  	s8 =	sadd.s32 $0xFFFFE003, lr  }
0x1b: {  	s9 =	sadd.s32 $0xFFFFFEF7, lr;
	s5 =	simm.s32 $0xFFFFFFFF;
	p2 =	slt.u32 s8, $0xFFFFF086  }
0x1c: {  	p1 =	slt.u32 s9, $0xF7A;
	s5 =	simm.s32 @!p2 $0x0  }
0x1d: {  	s5 =	simm.s32 @p1 $0x1;
	p0 =	seq.s32 s7, s2  }
0x1e: {  	s7 =	smul.u32 @!p0 $0xF7A, s2;
	p2 =	seq.s32 @!p0 s5, $0x0  }
0x1f: {  	s9 =	smul.u32 $0xF7A, s1;
	s8 =	simm.s32 @!p0 $0x1BF5;
	p2 =	por !p2, p0  }
0x20: {  	[sflag:s8] =	ssyncset.s32 @!p0 $0xFFFFF086;
	s6 =	sadd.s32 @!p0 s3, s7;
	s7 =	simm.s32 @!p0 $0x108  }
0x21: {  	s3 =	sadd.s32 s3, s9;
	s6 =	sadd.s32 @!p0 $0x88, s6;
	s7 =	simm.s32 @p2 $0x1082  }
0x22: {  	[simem:s7], [sflag:s8] =	dma.local @!p0 [hbm:s6], $0xF7A  }
0x23: {  	s9 =	sor.u32 $0xD0000000, s2;
	s6 =	simm.s32 $0x108;
	_ =	swait.ge @!p0 [sflag:s8], $0x0  }
0x24: {  	s3 =	sadd.s32 $0x88, s3;
	s6 =	simm.s32 @!p1 $0x1082;
	[sflag:s4] =	ssyncset.s32 $0xFFFFF086  }
0x25: {  	[simem:s6], [sflag:s4] =	dma.local [hbm:s3], $0xF7A  }
0x26: {  	[smem:$0x3F9A] =	sst s1;
	(tag) =	ssettag s2;
	_ =	strace s9  }
0x27: {  	s1 =	sld [smem:$0x3FAA]  }
0x28: {  	s2 =	sld [smem:$0x3FAB]  }
0x29: {  	s4 =	sld [smem:$0x3FAD]  }
0x2a: {  	p0 =	seq.s32 s5, $0x0;
	s5 =	sld [smem:$0x3FAE]  }
0x2b: {  	s6 =	sld [smem:$0x3FAF]  }
0x2c: {  	s7 =	sld [smem:$0x3FB0]  }
0x2d: {  	s3 =	simm.s32 $0x108;
	s8 =	sld [smem:$0x3FB1]  }
0x2e: {  	s3 =	simm.s32 @!p0 $0x1082;
	s9 =	sld [smem:$0x3FB2]  }
0x2f: {  	lr =	sadd.s32 s0, s3;
	s0 =	sld [smem:$0x3FA9]  }
0x30: {  	s3 =	sld [smem:$0x3FAC]  }
0x31: {  	[smem:$0x3FB5] =	sst s10  }
0x32: {  	s10 =	sld [smem:$0x3FB3];
	_ =	sdelay $0x3  }
0x33: {  	p0 =	seq.s32 s10, $0x1;
	s10 =	sld [smem:$0x3FB5];
	_ =	sdelay $0x3  }
0x34: {  	[smem:$0x3FB5] =	sst s10  }
0x35: {  	s10 =	sld [smem:$0x3FB4];
	_ =	sdelay $0x3  }
0x36: {  	p1 =	seq.s32 s10, $0x1;
	s10 =	sld [smem:$0x3FB5];
	_ =	sdelay $0x3  }
0x37: {  	[smem:$0x3FB5] =	sst s10  }
0x38: {  	s10 =	sld [smem:$0x3FB6]  }
0x39: {  	_ = 	snop;
	(pc) =	sbr.ind lr, $3  }
0x3a: {  	_ = 	snop  }
0x3b: {  	_ = 	snop  }
0x3c: {  	p2 =	seq.s32 s10, $0x1;
	s10 =	sld [smem:$0x3FB5]  }
0x3d: {  	_ =	shalt  }
0x3e: {  	_ =	shalt  }
0x3f: {  	_ =	shalt  }
0x40: {  	_ =	shalt  }
0x41: {  	_ =	shalt  }
0x42: {  	_ =	shalt  }
0x43: {  	_ =	shalt  }
0x44: {  	_ =	shalt  }
0x45: {  	_ =	shalt  }
0x46: {  	_ =	shalt  }
0x47: {  	_ =	shalt  }
0x48: {  	_ =	shalt  }
0x49: {  	_ =	shalt  }
0x4a: {  	_ =	shalt  }
0x4b: {  	_ =	shalt  }
0x4c: {  	_ =	shalt  }
0x4d: {  	_ =	shalt  }
0x4e: {  	_ =	shalt  }
0x4f: {  	_ =	shalt  }
0x50: {  	_ =	shalt  }
0x51: {  	_ =	shalt  }
0x52: {  	_ =	shalt  }
0x53: {  	_ =	shalt  }
0x54: {  	_ =	shalt  }
0x55: {  	_ =	shalt  }
0x56: {  	_ =	shalt  }
0x57: {  	_ =	shalt  }
0x58: {  	_ =	shalt  }
0x59: {  	_ =	shalt  }
0x5a: {  	_ =	shalt  }
0x5b: {  	_ =	shalt  }
0x5c: {  	_ =	shalt  }
0x5d: {  	_ =	shalt  }
0x5e: {  	_ =	shalt  }
0x5f: {  	_ =	shalt  }
0x60: {  	_ =	shalt  }
0x61: {  	_ =	shalt  }
0x62: {  	_ =	shalt  }
0x63: {  	_ =	shalt  }
0x64: {  	_ =	shalt  }
0x65: {  	_ =	shalt  }
0x66: {  	_ =	shalt  }
0x67: {  	_ =	shalt  }
0x68: {  	_ =	shalt  }
0x69: {  	_ =	shalt  }
0x6a: {  	_ =	shalt  }
0x6b: {  	_ =	shalt  }
0x6c: {  	_ =	shalt  }
0x6d: {  	_ =	shalt  }
0x6e: {  	_ =	shalt  }
0x6f: {  	_ =	shalt  }
0x70: {  	_ =	shalt  }
0x71: {  	_ =	shalt  }
0x72: {  	_ =	shalt  }
0x73: {  	_ =	shalt  }
0x74: {  	_ =	shalt  }
0x75: {  	_ =	shalt  }
0x76: {  	_ =	shalt  }
0x77: {  	_ =	shalt  }
0x78: {  	_ =	shalt  }
0x79: {  	_ =	shalt  }
0x7a: {  	_ =	shalt  }
0x7b: {  	_ =	shalt  }
0x7c: {  	_ =	shalt  }
0x7d: {  	_ =	shalt  }
0x7e: {  	_ =	shalt  }
0x7f: {  	_ =	shalt  }
0x80: {  	_ =	shalt  }
0x81: {  	_ =	shalt  }
0x82: {  	_ =	shalt  }
0x83: {  	_ =	shalt  }
0x84: {  	_ =	shalt  }
0x85: {  	_ =	shalt  }
0x86: {  	_ =	shalt  }
0x87: {  	_ =	shalt  }
.Lfunc_end0:
.L_simem_size_0:
called_computation.2_lowered:
.L_overlay_start_0:
0x88: {  	s2 =	sld [smem:$0x3FD9]  }
0x89: {  	s3 =	sld [smem:$0x3FFE];
	_ =	sdelay $0x1  }
0x8a: {  	s1 =	srdreg.scid  }
0x8b: {  	s0 =	sand.u32 $0x1, s1  }
0x8c: {  	s14 =	sshll.u32 s0, $0xA;
	s2 =	sadd.s32 s3, s2  }
0x8d: {  	s2 =	sadd.s32 s2, s14  }
0x8e: {  	[smem:$0x3FC1] =	sst s2  }
0x8f: {  	_ = 	snop  }
0x90: {  	s2 =	sld [smem:$0x3FD0];
	_ =	sdelay $0x2  }
0x91: {  	s15 =	simm.s32 $0xA;
	s4 =	simm.s32 $0x10  }
0x92: {  	[smem:s4], [sflag:s15] =	dma.local [hbm:s2], $0x1  }
0x93: {  	_ =	swait.eq [sflag:s15], $0x1  }
0x94: {  	[sflag:s15] =	ssyncset.done $0x0  }
0x95: {  	[sflag:s15] =	ssyncadd.s32 $0xFFFFFFFF  }
0x96: {  	s16 =	sld [smem:$0x10];
	(tm) =	ssettm $0x1  }
0x97: {  	s17 =	sld [smem:$0x3FFB];
	_ =	sdelay $0x3  }
0x98: {  	_ =	strace s17  }
0x99: {  	s3 =	sld [smem:$0x3FFC];
	_ =	sdelay $0x3  }
0x9a: {  	_ =	strace s3  }
0x9b: {  	s3 =	sld [smem:$0x3FFD];
	_ =	sdelay $0x3  }
0x9c: {  	_ =	strace s3  }
0x9d: {  	_ =	strace $0x8FFFFFFF  }
0x9e: {  	s18 =	sld [smem:$0x3FDB];
	_ =	sdelay $0x1  }
0x9f: {  	s19 =	simm.s32 $_scs_section_size  }
0xa0: {  	s5 =	simm.s32 $_size__tile_overlayer_lowered;
	s6 =	simm.s32 $_tile_overlayer_lowered  }
0xa1: {  	s22 =	simm.s32 $0x1BFF;
	s21 =	sshll.u32 s6, $0x1;
	s3 =	sadd.s32 s19, s18  }
0xa2: {  	s7 =	simm.s32 $0x0;
	s20 =	sshll.u32 s5, $0x1;
	s5 =	sadd.s32 s21, s3  }
0xa3: {  	[timem:s7], [sflag:s22] =	dma.local [hbm:s5], s20  }
0xa4: {  	_ =	swait.ge [sflag:s22], s20  }
0xa5: {  	s4 =	ssub.s32 $0x0, s20;
	[sflag:s22] =	ssyncset.done $0x0  }
0xa6: {  	[sflag:s22] =	ssyncadd.s32 s4;
	_ =	sdelay $0x1  }
0xa7: {  	s23 =	simm.s32 $0x1B8B  }
0xa8: {  	_ =	swait.ge [sflag:s23], $0x1  }
0xa9: {  	[sflag:s23] =	ssyncset.done $0x0  }
0xaa: {  	s25 =	simm.s32 $0x1B8E;
	s24 =	sld [smem:$0x3FFE];
	[sflag:s23] =	ssyncadd.s32 $0xFFFFFFFF  }
0xab: {  	s26 =	simm.s32 $execute0_lowered;
	[smem:$0x3FD2] =	sst s25  }
0xac: {  	s5 =	sshll.u32 s26, $0x1;
	_ =	strace $0x8000004C;
	[dreg:$0x1] =	wrdreg $0xFFFFFFFF  }
0xad: {  	s28 =	simm.s32 $_size_execute0_lowered;
	s3 =	sadd.s32 s3, s5;
	[dreg:$0x0] =	wrdreg $0x0  }
0xae: {  	s5 =	sshll.u32 s28, $0x1;
	[dreg:$0x2] =	wrdreg s3  }
0xaf: {  	[dreg:$0x3] =	wrdreg s5  }
0xb0: {  	[dreg:$0x4] =	wrdreg $0xC0  }
0xb1: {  	_ =	task [dreg:s7], $0x5FFFF  }
0xb2: {  	[dreg:$0x1] =	wrdreg $0xFFFFFFFF  }
0xb3: {  	[dreg:$0x0] =	wrdreg $0x60  }
0xb4: {  	[dreg:$0x2] =	wrdreg s24  }
0xb5: {  	[dreg:$0x3] =	wrdreg s16  }
0xb6: {  	[dreg:$0x4] =	wrdreg $0xA8C00  }
0xb7: {  	[dreg:$0x5] =	wrdreg $0x9  }
0xb8: {  	_ =	task.clear_ibuf [dreg:s7], $0x6FFFF;
	_ =	strace $0x9000004C  }
0xb9: {  	s29 =	simm.s32 $0x9;
	_ =	strace $0x8000004E  }
0xba: {  	_ =	swait.ge [sflag:s29], $0x1  }
0xbb: {  	[sflag:s29] =	ssyncadd.s32 $0xFFFFFFFF  }
0xbc: {  	_ =	strace $0x9000004E  }
0xbd: {  	_ =	sfence  }
0xbe: {  	s30 =	sld [smem:$0x0];
	_ =	sdelay $0x2  }
0xbf: {  	s31 =	sshll.u32 s1, $0xD;
	s1 =	sshrl.u32 s1, $0x2  }
0xc0: {  	s3 =	sand.u32 $0x4000, s31;
	s1 =	sadd.s32 s1, s30  }
0xc1: {  	s0 =	sor.u32 s3, s0;
	s1 =	sshll.u32 s1, $0x11  }
0xc2: {  	s0 =	sor.u32 s1, s0  }
0xc3: {  	s0 =	sadd.s32 $0x8F2B, s0  }
0xc4: {  	[sflag:s0] =	ssyncadd.remote.s32 $0x1  }
0xc5: {  	_ =	sfence.sel $0xFFFF  }
0xc6: {  	[dreg:$0x0] =	wrdreg $0xFFFFFFFF;
	(pc) =	sbr.abs _section_cstart, $3  }
0xc7: {  	[dreg:$0x1] =	wrdreg $0xFFFFFFFF  }
0xc8: {  	_ =	task.clear_ibuf [dreg:s7], $0x2FFFF;
	_ =	strace $0x9FFFFFFF  }
0xc9: {  	(tm) =	ssettm $0x7FFFFFFF  }
tec
execute0_lowered:
.L_overlay_start_1:
0x0: {  	(tag) =	ssettag $0x1  }
0x1: {  	s0 =	rddreg [dreg:$0x0]  }
0x2: {  	s1 =	rddreg [dreg:$0x1]  }
0x3: {  	s2 =	rddreg [dreg:$0x2];
	s3 =	srdreg.scid;
	s4 =	simm.s32 $0x0  }
0x4: {  	s11 =	stileid.u32;
	s28 =	simm.s32 $0x9;
	s31 =	simm.s32 $0x50  }
0x5: {  	s30 =	simm.s32 $0x1;
	s29 =	simm.s32 $0x7;
	s3 =	sand.u32 $0x1, s3  }
0x6: {  	[smem:$0x7FF] =	sst s4;
	s10 =	smul.u32 $0x14C08, s11;
	s5 =	sadd.s32 $0x1C00, s0  }
0x7: {  	s6 =	sadd.s32 $0x15A00, s0;
	s9 =	sshll.u32 s11, $0x1;
	s11 =	smul.u32 $0x53020, s11  }
0x8: {  	s7 =	smul.u32 $0x14C080, s3;
	s14 =	sor.u32 s3, s9;
	s3 =	ssub.s32 $0x2, s3  }
0x9: {  	_ =	strace $0x8000004D;
	s15 =	sshrl.u32 s11, $0x2;
	s16 =	sshrl.u32 s3, $0x1  }
0xa: {  	s8 =	sadd.s32 s10, s7;
	s7 =	sadd.s32 $0xBC00, s0;
	s9 =	sadd.s32 s15, s2  }
0xb: {  	s3 =	ssub.s32 s3, s16;
	s12 =	sshrl.u32 s8, $0x3;
	s17 =	sadd.s32 $0x12980, s9  }
0xc: {  	s8 =	smul.u32 $0x2710, s14;
	s3 =	smax.u32 s3, $0x1;
	[dreg:$0x4] =	wrdreg s17  }
0xd: {  	s26 =	sadd.s32 $0x2A80, s9;
	s0 =	sadd.s32 s12, s0;
	[dreg:$0xc] =	wrdreg s3  }
0xe: {  	[dreg:$0xd] =	wrdreg s26;
	s18 =	sshrl.u32 s8, $0x3;
	s0 =	sadd.s32 $0xC6400, s0  }
0xf: {  	s25 =	sadd.s32 s10, s2;
	s19 =	sadd.s32 s6, s18;
	[dreg:$0xb] =	wrdreg s0  }
0x10: {  	v0 =	vimm.f32 $0.0e+00;
	v1 =	vimm.s32 $0x0;
	s25 =	sshrl.u32 s25, $0x3;
	s20 =	sadd.s32 s7, s18;
	[dreg:$0x5] =	wrdreg s19  }
0x11: {  	v2 =	vimm.s32 $0x1;
	v3 =	vimm.s32 $0x2;
	v4 =	vimm.s32 $0x3;
	s21 =	sadd.s32 $0xA, s18;
	s11 =	sadd.s32 s5, s18;
	[dreg:$0x6] =	wrdreg s20  }
0x12: {  	v5 =	vimm.s32 $0x4;
	v6 =	vimm.s32 $0x5;
	v7 =	vimm.s32 $0x6;
	s26 =	simm.s32 $0x53C0;
	[dreg:$0x7] =	wrdreg s11;
	s22 =	sadd.s32 s6, s21  }
0x13: {  	v8 =	vimm.s32 $0x7;
	v9 =	vimm.s32 $0x8;
	v12 =	vlaneseq.u32;
	s3 =	simm.s32 $0x8;
	s23 =	sadd.s32 s7, s21;
	[dreg:$0x8] =	wrdreg s22  }
0x14: {  	v10 =	vimm.s32 $0x9;
	v11 =	vimm.s32 $0xA;
	v17 =	vmul.u32 $0x88, v12;
	s0 =	simm.s32 $0x28;
	s24 =	sadd.s32 s5, s21;
	[dreg:$0x9] =	wrdreg s23  }
0x15: {  	v13 =	vimm.s32 $0xC;
	v14 =	vimm.s32 $0xD;
	v15 =	vimm.s32 $0xE;
	s20 =	sadd.s32 $0x5500, s9;
	s21 =	sadd.s32 $0x7F80, s9;
	[dreg:$0xa] =	wrdreg s24  }
0x16: {  	v16 =	vimm.s32 $0xF;
	v12 =	vimm.s32 $0xB;
	v17 =	vadd.s32 $0x80, v17;
	s22 =	sadd.s32 $0xAA00, s9;
	s23 =	sadd.s32 $0xD480, s9;
	s24 =	sadd.s32 $0xFF00, s9  }
.LBB2_1:
0x17: {  	s10 =	simm.s32 $0xFFFFD580  }
0x18: {  	s11 =	simm.s32 $0xFFFF5820;
	[tilespmem:s10+$0x7EB0] =	vst v0  }
.LBB2_2:
0x19: {  	p0 =	sne.s32 s11, $0xFFFFFDE0;
	[tilespmem:s10+$0x7EB8] =	vst v0  }
0x1a: {  	[tilespmem:s10+$0x7E40] =	vst v0  }
0x1b: {  	[tilespmem:s10+$0x7E50] =	vst v0  }
0x1c: {  	[tilespmem:s10+$0x7E60] =	vst v0  }
0x1d: {  	[tilespmem:s10+$0x7E70] =	vst v0  }
.Ltmp0:
0x1e: {  	[tilespmem:s10+$0x7E80] =	vst v0;
	(pc) =	sbr.rel @p0 .LBB2_2-.Ltmp0, $4  }
0x1f: {  	[tilespmem:s10+$0x7E90] =	vst v0  }
0x20: {  	[tilespmem:s10+$0x7EA0] =	vst v0  }
0x21: {  	[tilespmem:s10+$0xA938] =	vst v0;
	s10 =	sshra.s32 s11, $0x2  }
0x22: {  	s11 =	sadd.s32 $0x220, s11;
	[tilespmem:s10+$0x7EB0] =	vst v0  }
0x23: {  	[tilespmem:s10+$0x7EB8] =	vst v0  }
0x24: {  	[tilespmem:s10+$0x7E40] =	vst v0  }
0x25: {  	[tilespmem:s10+$0x7E50] =	vst v0  }
0x26: {  	[tilespmem:s10+$0x7E60] =	vst v0  }
0x27: {  	[tilespmem:s10+$0x7E70] =	vst v0  }
0x28: {  	[tilespmem:s10+$0x7E80] =	vst v0  }
0x29: {  	[tilespmem:s10+$0x7E90] =	vst v0  }
0x2a: {  	[tilespmem:s10+$0x7EA0] =	vst v0  }
0x2b: {  	[tilespmem:s10+$0xA938] =	vst v0  }
0x2c: {  	[spmem:s9] =	stream.linear.scatter [tilespmem:s26], [sflag:$0x9], $0x2A80, $0x38;
	[tilespmem:$0x1F4C8] =	vst v63  }
0x2d: {  	_ =	swait.ge [sflag:s28], $0x2A80  }
0x2e: {  	[sflag:s28] =	ssyncset.done $0x0  }
0x2f: {  	s15 =	rddreg [dreg:$0xd];
	[sflag:s28] =	ssyncadd.s32 $0xFFFFD580  }
0x30: {  	[spmem:s15] =	stream.linear.scatter [tilespmem:s26], [sflag:$0x9], $0x2A80, $0x38;
	[tilespmem:$0x1F4C8] =	vst v63  }
0x31: {  	_ =	swait.ge [sflag:s28], $0x2A80  }
0x32: {  	[sflag:s28] =	ssyncset.done $0x0  }
0x33: {  	[sflag:s28] =	ssyncadd.s32 $0xFFFFD580  }
0x34: {  	[spmem:s20] =	stream.linear.scatter [tilespmem:s26], [sflag:$0x9], $0x2A80, $0x38;
	[tilespmem:$0x1F4C8] =	vst v63  }
0x35: {  	_ =	swait.ge [sflag:s28], $0x2A80  }
0x36: {  	[sflag:s28] =	ssyncset.done $0x0  }
0x37: {  	[sflag:s28] =	ssyncadd.s32 $0xFFFFD580  }
0x38: {  	[spmem:s21] =	stream.linear.scatter [tilespmem:s26], [sflag:$0x9], $0x2A80, $0x38;
	[tilespmem:$0x1F4C8] =	vst v63  }
0x39: {  	_ =	swait.ge [sflag:s28], $0x2A80  }
0x3a: {  	[sflag:s28] =	ssyncset.done $0x0  }
0x3b: {  	[sflag:s28] =	ssyncadd.s32 $0xFFFFD580  }
0x3c: {  	[spmem:s22] =	stream.linear.scatter [tilespmem:s26], [sflag:$0x9], $0x2A80, $0x38;
	[tilespmem:$0x1F4C8] =	vst v63  }
0x3d: {  	_ =	swait.ge [sflag:s28], $0x2A80  }
0x3e: {  	[sflag:s28] =	ssyncset.done $0x0  }
0x3f: {  	[sflag:s28] =	ssyncadd.s32 $0xFFFFD580  }
0x40: {  	[spmem:s23] =	stream.linear.scatter [tilespmem:s26], [sflag:$0x9], $0x2A80, $0x38;
	[tilespmem:$0x1F4C8] =	vst v63  }
0x41: {  	_ =	swait.ge [sflag:s28], $0x2A80  }
0x42: {  	[sflag:s28] =	ssyncset.done $0x0  }
0x43: {  	[sflag:s28] =	ssyncadd.s32 $0xFFFFD580  }
0x44: {  	[spmem:s24] =	stream.linear.scatter [tilespmem:s26], [sflag:$0x9], $0x2A80, $0x38;
	[tilespmem:$0x1F4C8] =	vst v63  }
0x45: {  	_ =	swait.ge [sflag:s28], $0x2A80  }
0x46: {  	[sflag:s28] =	ssyncset.done $0x0  }
0x47: {  	s16 =	rddreg [dreg:$0x4];
	[sflag:s28] =	ssyncadd.s32 $0xFFFFD580  }
0x48: {  	[spmem:s16] =	stream.linear.scatter [tilespmem:s26], [sflag:$0x9], $0x2288, $0x38;
	[tilespmem:$0x1F4C8] =	vst v63  }
0x49: {  	_ =	swait.ge [sflag:s28], $0x2288  }
0x4a: {  	[sflag:s28] =	ssyncset.done $0x0  }
0x4b: {  	[sflag:s28] =	ssyncadd.s32 $0xFFFFDD78  }
0x4c: {  	[bflag:$0x0] =	sbarrier.arrive $0xFFFF  }
0x4d: {  	s10 =	simm.s32 $0x0;
	s11 =	rddreg [dreg:$0x5]  }
0x4e: {  	[tilespmem:s10], [sflag:$0x1] =	stream.linear.gather [hbm4b:s11+s10], $0x50, $0x38;
	[tilespmem:$0x1F4C8] =	vst v63  }
0x4f: {  	s12 =	simm.s32 $0x140;
	s17 =	rddreg [dreg:$0x6]  }
0x50: {  	[tilespmem:s12], [sflag:$0x1] =	stream.linear.gather [hbm4b:s17+s10], $0x50, $0x38;
	[tilespmem:$0x1F4C8] =	vst v63  }
0x51: {  	s19 =	simm.s32 $0x280;
	s18 =	rddreg [dreg:$0x7]  }
0x52: {  	[tilespmem:s19], [sflag:$0x1] =	stream.linear.gather [hbm4b:s18+s10], $0x50, $0x38;
	[tilespmem:$0x1F4C8] =	vst v63  }
0x53: {  	s13 =	rddreg [dreg:$0x8]  }
0x54: {  	[tilespmem:s31], [sflag:$0x2] =	stream.linear.gather [hbm4b:s13+s10], $0x50, $0x38;
	[tilespmem:$0x1F4C8] =	vst v63  }
0x55: {  	s15 =	simm.s32 $0x190;
	s14 =	rddreg [dreg:$0x9]  }
0x56: {  	[tilespmem:s15], [sflag:$0x2] =	stream.linear.gather [hbm4b:s14+s10], $0x50, $0x38;
	[tilespmem:$0x1F4C8] =	vst v63  }
0x57: {  	s16 =	rddreg [dreg:$0xa];
	s17 =	simm.s32 $0x2D0  }
0x58: {  	[tilespmem:s17], [sflag:$0x2] =	stream.linear.gather [hbm4b:s16+s10], $0x50, $0x38;
	[tilespmem:$0x1F4C8] =	vst v63  }
0x59: {  	_ =	swait.ge [sflag:s30], $0x50  }
0x5a: {  	[sflag:s30] =	ssyncset.done $0x0  }
0x5b: {  	[sflag:s30] =	ssyncadd.s32 $0xFFFFFFB0  }
0x5c: {  	_ =	swait.ge [sflag:s30], $0x50  }
0x5d: {  	[sflag:s30] =	ssyncset.done $0x0  }
0x5e: {  	[sflag:s30] =	ssyncadd.s32 $0xFFFFFFB0  }
0x5f: {  	_ =	swait.ge [sflag:s30], $0x50  }
0x60: {  	[sflag:s30] =	ssyncset.done $0x0  }
0x61: {  	s18 =	simm.s32 $0x3C0;
	[sflag:s30] =	ssyncadd.s32 $0xFFFFFFB0  }
0x62: {  	[tilespmem:s18], [sflag:$0x5] =	stream.indirect.gather [hbm4b:s1+s0], $0x80, s10, s0, $0xb8;
	[tilespmem:$0x1F4C8] =	vst v63  }
0x63: {  	s19 =	simm.s32 $0x17C0  }
0x64: {  	[tilespmem:s19], [sflag:$0x5] =	stream.indirect.gather [hbm4b:s1+s0], $0x80, s0, s0, $0xb8;
	[tilespmem:$0x1F4C8] =	vst v63  }
.LBB2_4:
0x65: {  	s11 =	sadd.s32 $0x1, s10;
	p0 =	seq.s32 s10, $0x7C  }
0x66: {  	s12 =	sand.u32 @!p0 $0x3, s11  }
0x67: {  	s13 =	sadd.s32 @!p0 $0x1, s12  }
0x68: {  	_ =	swait.ge @!p0 [sflag:s13], $0x50  }
0x69: {  	[sflag:s13] =	ssyncset.done @!p0 $0x0  }
0x6a: {  	[sflag:s13] =	ssyncadd.s32 @!p0 $0xFFFFFFB0  }
0x6b: {  	_ =	swait.ge @!p0 [sflag:s13], $0x50  }
0x6c: {  	s14 =	sand.u32 @!p0 $0x1, s11;
	[sflag:s13] =	ssyncset.done @!p0 $0x0  }
0x6d: {  	s15 =	smul.u32 @!p0 $0xA000, s14;
	[sflag:s13] =	ssyncadd.s32 @!p0 $0xFFFFFFB0  }
0x6e: {  	s17 =	simm.s32 @!p0 $0x28;
	s12 =	smul.u32 @!p0 $0x140, s12;
	_ =	swait.ge @!p0 [sflag:s13], $0x50  }
0x6f: {  	s14 =	sadd.s32 @!p0 $0x5, s14;
	s15 =	sshrl.u32 @!p0 s15, $0x2;
	[sflag:s13] =	ssyncset.done @!p0 $0x0  }
0x70: {  	s16 =	sshrl.u32 @!p0 s12, $0x2;
	[sflag:s13] =	ssyncadd.s32 @!p0 $0xFFFFFFB0;
	s13 =	sor.u32 @!p0 $0x3C0, s15  }
0x71: {  	[tilespmem:s13], [sflag:s14] =	stream.indirect.gather @!p0 [hbm4b:s1+s17], $0x80, s16, s17, $0xb8;
	[tilespmem:$0x1F4C8] =	vst v63  }
0x72: {  	s12 =	sand.u32 $0x1, s10;
	s13 =	sadd.s32 @!p0 $0x17C0, s15;
	s15 =	sadd.s32 @!p0 $0x28, s16  }
0x73: {  	[tilespmem:s13], [sflag:s14] =	stream.indirect.gather @!p0 [hbm4b:s1+s17], $0x80, s15, s17, $0xb8;
	[tilespmem:$0x1F4C8] =	vst v63  }
0x74: {  	s18 =	smul.u32 $0xA000, s12;
	s17 =	sand.u32 $0x3, s10  }
0x75: {  	s14 =	smul.u32 $0x140, s17  }
0x76: {  	s19 =	smul.u32 $0xAA00, s12;
	s16 =	sadd.s32 $0x5, s12  }
0x77: {  	p0 =	slt.u32 s10, $0x2;
	_ =	swait.ge [sflag:s16], $0x2800;
	s13 =	sshrl.u32 s14, $0x2  }
0x78: {  	s17 =	sshrl.u32 s19, $0x2;
	[sflag:s16] =	ssyncset.done $0x0;
	s19 =	sadd.s32 $0x280, s13  }
0x79: {  	s15 =	sadd.s32 @!p0 $0x7, s12;
	[sflag:s16] =	ssyncadd.s32 $0xFFFFD800;
	s16 =	sshrl.u32 s18, $0x2;
	v19 =	vmov s19  }
0x7a: {  	_ =	swait.ge @!p0 [sflag:s15], $0x2A80;
	s18 =	sor.u32 $0x3C0, s16  }
0x7b: {  	v18 =	vmov s12;
	s14 =	sadd.s32 $0x53C0, s17;
	[sflag:s15] =	ssyncset.done @!p0 $0x0;
	v20 =	vmov s18  }
0x7c: {  	v18 =	vmul.u32 $0x2A80, v18;
	v21 =	vmov s14;
	[sflag:s15] =	ssyncadd.s32 @!p0 $0xFFFFD580;
	s15 =	simm.s32 $0x0  }
.LBB2_5:
0x7d: {  	s16 =	sshll.u32 s15, $0x4  }
0x7e: {  	s17 =	sshll.u32 s15, $0xB;
	v22 =	vld.idx.msk [tilespmem:v19+s16+$0x0 ss:$0x1], $0xffff  }
0x7f: {  	s17 =	sand.u32 $0x3FFFF800, s17  }
0x80: {  	v23 =	vld.idx.msk [tilespmem:v20+s17+$0x0 ss:$0x1], $0xffff;
	_ =	sdelay $0x2  }
0x81: {  	v24 =	vperm.xlane v22, v1  }
0x82: {  	s18 =	smul.u32 $0x2200, s15  }
0x83: {  	v23 =	vmul.f32 v23, v24  }
0x84: {  	s18 =	sshra.s32 s18, $0x2  }
0x85: {  	[tilespmem:v21+s18+$0x0 ss:$0x1] =	vst.idx.msk $0xffff, v23  }
0x86: {  	v23 =	vld.idx.msk [tilespmem:v20+s17+$0x10 ss:$0x1], $0xffff;
	_ =	sdelay $0x4  }
0x87: {  	v23 =	vmul.f32 v23, v24;
	_ =	sdelay $0x1  }
0x88: {  	[tilespmem:v21+s18+$0x10 ss:$0x1] =	vst.idx.msk $0xffff, v23  }
0x89: {  	v23 =	vld.idx.msk [tilespmem:v20+s17+$0x20 ss:$0x1], $0xffff;
	_ =	sdelay $0x4  }
0x8a: {  	v23 =	vmul.f32 v23, v24;
	_ =	sdelay $0x1  }
0x8b: {  	[tilespmem:v21+s18+$0x20 ss:$0x1] =	vst.idx.msk $0xffff, v23  }
0x8c: {  	v23 =	vld.idx.msk [tilespmem:v20+s17+$0x30 ss:$0x1], $0xffff;
	_ =	sdelay $0x4  }
0x8d: {  	v23 =	vmul.f32 v23, v24;
	_ =	sdelay $0x1  }
0x8e: {  	[tilespmem:v21+s18+$0x30 ss:$0x1] =	vst.idx.msk $0xffff, v23  }
0x8f: {  	v23 =	vld.idx.msk [tilespmem:v20+s17+$0x40 ss:$0x1], $0xffff;
	_ =	sdelay $0x4  }
0x90: {  	v23 =	vmul.f32 v23, v24;
	_ =	sdelay $0x1  }
0x91: {  	[tilespmem:v21+s18+$0x40 ss:$0x1] =	vst.idx.msk $0xffff, v23  }
0x92: {  	v23 =	vld.idx.msk [tilespmem:v20+s17+$0x50 ss:$0x1], $0xffff;
	_ =	sdelay $0x4  }
0x93: {  	v23 =	vmul.f32 v23, v24;
	_ =	sdelay $0x1  }
0x94: {  	[tilespmem:v21+s18+$0x50 ss:$0x1] =	vst.idx.msk $0xffff, v23  }
0x95: {  	v23 =	vld.idx.msk [tilespmem:v20+s17+$0x60 ss:$0x1], $0xffff;
	_ =	sdelay $0x4  }
0x96: {  	v23 =	vmul.f32 v23, v24;
	_ =	sdelay $0x1  }
0x97: {  	[tilespmem:v21+s18+$0x60 ss:$0x1] =	vst.idx.msk $0xffff, v23  }
0x98: {  	v23 =	vld.idx.msk [tilespmem:v20+s17+$0x70 ss:$0x1], $0xffff;
	_ =	sdelay $0x4  }
0x99: {  	s17 =	sor.u32 $0x1, s16;
	v23 =	vmul.f32 v23, v24  }
0x9a: {  	s19 =	sshll.u32 s17, $0x7  }
0x9b: {  	s19 =	sand.u32 $0x3FFFF880, s19;
	[tilespmem:v21+s18+$0x70 ss:$0x1] =	vst.idx.msk $0xffff, v23  }
0x9c: {  	v23 =	vld.idx.msk [tilespmem:v20+s19+$0x0 ss:$0x1], $0xffff;
	_ =	sdelay $0x2  }
0x9d: {  	v49 =	vperm.xlane v22, v2  }
0x9e: {  	s17 =	smul.u32 $0x220, s17  }
0x9f: {  	v23 =	vmul.f32 v23, v49  }
0xa0: {  	s17 =	sshra.s32 s17, $0x2  }
0xa1: {  	[tilespmem:v21+s17+$0x0 ss:$0x1] =	vst.idx.msk $0xffff, v23  }
0xa2: {  	v23 =	vld.idx.msk [tilespmem:v20+s19+$0x10 ss:$0x1], $0xffff;
	_ =	sdelay $0x4  }
0xa3: {  	v23 =	vmul.f32 v23, v49;
	_ =	sdelay $0x1  }
0xa4: {  	[tilespmem:v21+s17+$0x10 ss:$0x1] =	vst.idx.msk $0xffff, v23  }
0xa5: {  	v23 =	vld.idx.msk [tilespmem:v20+s19+$0x20 ss:$0x1], $0xffff;
	_ =	sdelay $0x4  }
0xa6: {  	v23 =	vmul.f32 v23, v49;
	_ =	sdelay $0x1  }
0xa7: {  	[tilespmem:v21+s17+$0x20 ss:$0x1] =	vst.idx.msk $0xffff, v23  }
0xa8: {  	v23 =	vld.idx.msk [tilespmem:v20+s19+$0x30 ss:$0x1], $0xffff;
	_ =	sdelay $0x4  }
0xa9: {  	v23 =	vmul.f32 v23, v49;
	_ =	sdelay $0x1  }
0xaa: {  	[tilespmem:v21+s17+$0x30 ss:$0x1] =	vst.idx.msk $0xffff, v23  }
0xab: {  	v23 =	vld.idx.msk [tilespmem:v20+s19+$0x40 ss:$0x1], $0xffff;
	_ =	sdelay $0x4  }
0xac: {  	v23 =	vmul.f32 v23, v49;
	_ =	sdelay $0x1  }
0xad: {  	[tilespmem:v21+s17+$0x40 ss:$0x1] =	vst.idx.msk $0xffff, v23  }
0xae: {  	v23 =	vld.idx.msk [tilespmem:v20+s19+$0x50 ss:$0x1], $0xffff;
	_ =	sdelay $0x4  }
0xaf: {  	v23 =	vmul.f32 v23, v49;
	_ =	sdelay $0x1  }
0xb0: {  	[tilespmem:v21+s17+$0x50 ss:$0x1] =	vst.idx.msk $0xffff, v23  }
0xb1: {  	v23 =	vld.idx.msk [tilespmem:v20+s19+$0x60 ss:$0x1], $0xffff;
	_ =	sdelay $0x4  }
0xb2: {  	v23 =	vmul.f32 v23, v49;
	_ =	sdelay $0x1  }
0xb3: {  	[tilespmem:v21+s17+$0x60 ss:$0x1] =	vst.idx.msk $0xffff, v23  }
0xb4: {  	v23 =	vld.idx.msk [tilespmem:v20+s19+$0x70 ss:$0x1], $0xffff;
	_ =	sdelay $0x4  }
0xb5: {  	s18 =	sor.u32 $0x2, s16;
	v23 =	vmul.f32 v23, v49  }
0xb6: {  	s19 =	sshll.u32 s18, $0x7  }
0xb7: {  	s19 =	sand.u32 $0x3FFFF900, s19;
	[tilespmem:v21+s17+$0x70 ss:$0x1] =	vst.idx.msk $0xffff, v23  }
0xb8: {  	v23 =	vld.idx.msk [tilespmem:v20+s19+$0x0 ss:$0x1], $0xffff;
	_ =	sdelay $0x2  }
0xb9: {  	v50 =	vperm.xlane v22, v3  }
0xba: {  	s18 =	smul.u32 $0x220, s18  }
0xbb: {  	v23 =	vmul.f32 v23, v50  }
0xbc: {  	s18 =	sshra.s32 s18, $0x2  }
0xbd: {  	[tilespmem:v21+s18+$0x0 ss:$0x1] =	vst.idx.msk $0xffff, v23  }
0xbe: {  	v23 =	vld.idx.msk [tilespmem:v20+s19+$0x10 ss:$0x1], $0xffff;
	_ =	sdelay $0x4  }
0xbf: {  	v23 =	vmul.f32 v23, v50;
	_ =	sdelay $0x1  }
0xc0: {  	[tilespmem:v21+s18+$0x10 ss:$0x1] =	vst.idx.msk $0xffff, v23  }
0xc1: {  	v23 =	vld.idx.msk [tilespmem:v20+s19+$0x20 ss:$0x1], $0xffff;
	_ =	sdelay $0x4  }
0xc2: {  	v23 =	vmul.f32 v23, v50;
	_ =	sdelay $0x1  }
0xc3: {  	[tilespmem:v21+s18+$0x20 ss:$0x1] =	vst.idx.msk $0xffff, v23  }
0xc4: {  	v23 =	vld.idx.msk [tilespmem:v20+s19+$0x30 ss:$0x1], $0xffff;
	_ =	sdelay $0x4  }
0xc5: {  	v23 =	vmul.f32 v23, v50;
	_ =	sdelay $0x1  }
0xc6: {  	[tilespmem:v21+s18+$0x30 ss:$0x1] =	vst.idx.msk $0xffff, v23  }
0xc7: {  	v23 =	vld.idx.msk [tilespmem:v20+s19+$0x40 ss:$0x1], $0xffff;
	_ =	sdelay $0x4  }
0xc8: {  	v23 =	vmul.f32 v23, v50;
	_ =	sdelay $0x1  }
0xc9: {  	[tilespmem:v21+s18+$0x40 ss:$0x1] =	vst.idx.msk $0xffff, v23  }
0xca: {  	v23 =	vld.idx.msk [tilespmem:v20+s19+$0x50 ss:$0x1], $0xffff;
	_ =	sdelay $0x4  }
0xcb: {  	v23 =	vmul.f32 v23, v50;
	_ =	sdelay $0x1  }
0xcc: {  	[tilespmem:v21+s18+$0x50 ss:$0x1] =	vst.idx.msk $0xffff, v23  }
0xcd: {  	v23 =	vld.idx.msk [tilespmem:v20+s19+$0x60 ss:$0x1], $0xffff;
	_ =	sdelay $0x4  }
0xce: {  	v23 =	vmul.f32 v23, v50;
	_ =	sdelay $0x1  }
0xcf: {  	[tilespmem:v21+s18+$0x60 ss:$0x1] =	vst.idx.msk $0xffff, v23  }
0xd0: {  	v23 =	vld.idx.msk [tilespmem:v20+s19+$0x70 ss:$0x1], $0xffff;
	_ =	sdelay $0x4  }
0xd1: {  	s17 =	sor.u32 $0x3, s16;
	v23 =	vmul.f32 v23, v50  }
0xd2: {  	s19 =	sshll.u32 s17, $0x7  }
0xd3: {  	s19 =	sand.u32 $0x3FFFF980, s19;
	[tilespmem:v21+s18+$0x70 ss:$0x1] =	vst.idx.msk $0xffff, v23  }
0xd4: {  	v23 =	vld.idx.msk [tilespmem:v20+s19+$0x0 ss:$0x1], $0xffff;
	_ =	sdelay $0x2  }
0xd5: {  	v51 =	vperm.xlane v22, v4  }
0xd6: {  	s17 =	smul.u32 $0x220, s17  }
0xd7: {  	v23 =	vmul.f32 v23, v51  }
0xd8: {  	s17 =	sshra.s32 s17, $0x2  }
0xd9: {  	[tilespmem:v21+s17+$0x0 ss:$0x1] =	vst.idx.msk $0xffff, v23  }
0xda: {  	v23 =	vld.idx.msk [tilespmem:v20+s19+$0x10 ss:$0x1], $0xffff;
	_ =	sdelay $0x4  }
0xdb: {  	v23 =	vmul.f32 v23, v51;
	_ =	sdelay $0x1  }
0xdc: {  	[tilespmem:v21+s17+$0x10 ss:$0x1] =	vst.idx.msk $0xffff, v23  }
0xdd: {  	v23 =	vld.idx.msk [tilespmem:v20+s19+$0x20 ss:$0x1], $0xffff;
	_ =	sdelay $0x4  }
0xde: {  	v23 =	vmul.f32 v23, v51;
	_ =	sdelay $0x1  }
0xdf: {  	[tilespmem:v21+s17+$0x20 ss:$0x1] =	vst.idx.msk $0xffff, v23  }
0xe0: {  	v23 =	vld.idx.msk [tilespmem:v20+s19+$0x30 ss:$0x1], $0xffff;
	_ =	sdelay $0x4  }
0xe1: {  	v23 =	vmul.f32 v23, v51;
	_ =	sdelay $0x1  }
0xe2: {  	[tilespmem:v21+s17+$0x30 ss:$0x1] =	vst.idx.msk $0xffff, v23  }
0xe3: {  	v23 =	vld.idx.msk [tilespmem:v20+s19+$0x40 ss:$0x1], $0xffff;
	_ =	sdelay $0x4  }
0xe4: {  	v23 =	vmul.f32 v23, v51;
	_ =	sdelay $0x1  }
0xe5: {  	[tilespmem:v21+s17+$0x40 ss:$0x1] =	vst.idx.msk $0xffff, v23  }
0xe6: {  	v23 =	vld.idx.msk [tilespmem:v20+s19+$0x50 ss:$0x1], $0xffff;
	_ =	sdelay $0x4  }
0xe7: {  	v23 =	vmul.f32 v23, v51;
	_ =	sdelay $0x1  }
0xe8: {  	[tilespmem:v21+s17+$0x50 ss:$0x1] =	vst.idx.msk $0xffff, v23  }
0xe9: {  	v23 =	vld.idx.msk [tilespmem:v20+s19+$0x60 ss:$0x1], $0xffff;
	_ =	sdelay $0x4  }
0xea: {  	v23 =	vmul.f32 v23, v51;
	_ =	sdelay $0x1  }
0xeb: {  	[tilespmem:v21+s17+$0x60 ss:$0x1] =	vst.idx.msk $0xffff, v23  }
0xec: {  	v23 =	vld.idx.msk [tilespmem:v20+s19+$0x70 ss:$0x1], $0xffff;
	_ =	sdelay $0x4  }
0xed: {  	s18 =	sor.u32 $0x4, s16;
	v23 =	vmul.f32 v23, v51  }
0xee: {  	s19 =	sshll.u32 s18, $0x7  }
0xef: {  	s19 =	sand.u32 $0x3FFFFA00, s19;
	[tilespmem:v21+s17+$0x70 ss:$0x1] =	vst.idx.msk $0xffff, v23  }
0xf0: {  	v23 =	vld.idx.msk [tilespmem:v20+s19+$0x0 ss:$0x1], $0xffff;
	_ =	sdelay $0x2  }
0xf1: {  	v52 =	vperm.xlane v22, v5  }
0xf2: {  	s18 =	smul.u32 $0x220, s18  }
0xf3: {  	v23 =	vmul.f32 v23, v52  }
0xf4: {  	s18 =	sshra.s32 s18, $0x2  }
0xf5: {  	[tilespmem:v21+s18+$0x0 ss:$0x1] =	vst.idx.msk $0xffff, v23  }
0xf6: {  	v23 =	vld.idx.msk [tilespmem:v20+s19+$0x10 ss:$0x1], $0xffff;
	_ =	sdelay $0x4  }
0xf7: {  	v23 =	vmul.f32 v23, v52;
	_ =	sdelay $0x1  }
0xf8: {  	[tilespmem:v21+s18+$0x10 ss:$0x1] =	vst.idx.msk $0xffff, v23  }
0xf9: {  	v23 =	vld.idx.msk [tilespmem:v20+s19+$0x20 ss:$0x1], $0xffff;
	_ =	sdelay $0x4  }
0xfa: {  	v23 =	vmul.f32 v23, v52;
	_ =	sdelay $0x1  }
0xfb: {  	[tilespmem:v21+s18+$0x20 ss:$0x1] =	vst.idx.msk $0xffff, v23  }
0xfc: {  	v23 =	vld.idx.msk [tilespmem:v20+s19+$0x30 ss:$0x1], $0xffff;
	_ =	sdelay $0x4  }
0xfd: {  	v23 =	vmul.f32 v23, v52;
	_ =	sdelay $0x1  }
0xfe: {  	[tilespmem:v21+s18+$0x30 ss:$0x1] =	vst.idx.msk $0xffff, v23  }
0xff: {  	v23 =	vld.idx.msk [tilespmem:v20+s19+$0x40 ss:$0x1], $0xffff;
	_ =	sdelay $0x4  }
0x100: {  	v23 =	vmul.f32 v23, v52;
	_ =	sdelay $0x1  }
0x101: {  	[tilespmem:v21+s18+$0x40 ss:$0x1] =	vst.idx.msk $0xffff, v23  }
0x102: {  	v23 =	vld.idx.msk [tilespmem:v20+s19+$0x50 ss:$0x1], $0xffff;
	_ =	sdelay $0x4  }
0x103: {  	v23 =	vmul.f32 v23, v52;
	_ =	sdelay $0x1  }
0x104: {  	[tilespmem:v21+s18+$0x50 ss:$0x1] =	vst.idx.msk $0xffff, v23  }
0x105: {  	v23 =	vld.idx.msk [tilespmem:v20+s19+$0x60 ss:$0x1], $0xffff;
	_ =	sdelay $0x4  }
0x106: {  	v23 =	vmul.f32 v23, v52;
	_ =	sdelay $0x1  }
0x107: {  	[tilespmem:v21+s18+$0x60 ss:$0x1] =	vst.idx.msk $0xffff, v23  }
0x108: {  	v23 =	vld.idx.msk [tilespmem:v20+s19+$0x70 ss:$0x1], $0xffff;
	_ =	sdelay $0x4  }
0x109: {  	s17 =	sor.u32 $0x5, s16;
	v23 =	vmul.f32 v23, v52  }
0x10a: {  	s19 =	sshll.u32 s17, $0x7  }
0x10b: {  	s19 =	sand.u32 $0x3FFFFA80, s19;
	[tilespmem:v21+s18+$0x70 ss:$0x1] =	vst.idx.msk $0xffff, v23  }
0x10c: {  	v23 =	vld.idx.msk [tilespmem:v20+s19+$0x0 ss:$0x1], $0xffff;
	_ =	sdelay $0x2  }
0x10d: {  	v53 =	vperm.xlane v22, v6  }
0x10e: {  	s17 =	smul.u32 $0x220, s17  }
0x10f: {  	v23 =	vmul.f32 v23, v53  }
0x110: {  	s17 =	sshra.s32 s17, $0x2  }
0x111: {  	[tilespmem:v21+s17+$0x0 ss:$0x1] =	vst.idx.msk $0xffff, v23  }
0x112: {  	v23 =	vld.idx.msk [tilespmem:v20+s19+$0x10 ss:$0x1], $0xffff;
	_ =	sdelay $0x4  }
0x113: {  	v23 =	vmul.f32 v23, v53;
	_ =	sdelay $0x1  }
0x114: {  	[tilespmem:v21+s17+$0x10 ss:$0x1] =	vst.idx.msk $0xffff, v23  }
0x115: {  	v23 =	vld.idx.msk [tilespmem:v20+s19+$0x20 ss:$0x1], $0xffff;
	_ =	sdelay $0x4  }
0x116: {  	v23 =	vmul.f32 v23, v53;
	_ =	sdelay $0x1  }
0x117: {  	[tilespmem:v21+s17+$0x20 ss:$0x1] =	vst.idx.msk $0xffff, v23  }
0x118: {  	v23 =	vld.idx.msk [tilespmem:v20+s19+$0x30 ss:$0x1], $0xffff;
	_ =	sdelay $0x4  }
0x119: {  	v23 =	vmul.f32 v23, v53;
	_ =	sdelay $0x1  }
0x11a: {  	[tilespmem:v21+s17+$0x30 ss:$0x1] =	vst.idx.msk $0xffff, v23  }
0x11b: {  	v23 =	vld.idx.msk [tilespmem:v20+s19+$0x40 ss:$0x1], $0xffff;
	_ =	sdelay $0x4  }
0x11c: {  	v23 =	vmul.f32 v23, v53;
	_ =	sdelay $0x1  }
0x11d: {  	[tilespmem:v21+s17+$0x40 ss:$0x1] =	vst.idx.msk $0xffff, v23  }
0x11e: {  	v23 =	vld.idx.msk [tilespmem:v20+s19+$0x50 ss:$0x1], $0xffff;
	_ =	sdelay $0x4  }
0x11f: {  	v23 =	vmul.f32 v23, v53;
	_ =	sdelay $0x1  }
0x120: {  	[tilespmem:v21+s17+$0x50 ss:$0x1] =	vst.idx.msk $0xffff, v23  }
0x121: {  	v23 =	vld.idx.msk [tilespmem:v20+s19+$0x60 ss:$0x1], $0xffff;
	_ =	sdelay $0x4  }
0x122: {  	v23 =	vmul.f32 v23, v53;
	_ =	sdelay $0x1  }
0x123: {  	[tilespmem:v21+s17+$0x60 ss:$0x1] =	vst.idx.msk $0xffff, v23  }
0x124: {  	v23 =	vld.idx.msk [tilespmem:v20+s19+$0x70 ss:$0x1], $0xffff;
	_ =	sdelay $0x4  }
0x125: {  	s18 =	sor.u32 $0x6, s16;
	v23 =	vmul.f32 v23, v53  }
0x126: {  	s19 =	sshll.u32 s18, $0x7  }
0x127: {  	s19 =	sand.u32 $0x3FFFFB00, s19;
	[tilespmem:v21+s17+$0x70 ss:$0x1] =	vst.idx.msk $0xffff, v23  }
0x128: {  	v23 =	vld.idx.msk [tilespmem:v20+s19+$0x0 ss:$0x1], $0xffff;
	_ =	sdelay $0x2  }
0x129: {  	v54 =	vperm.xlane v22, v7  }
0x12a: {  	s18 =	smul.u32 $0x220, s18  }
0x12b: {  	v23 =	vmul.f32 v23, v54  }
0x12c: {  	s18 =	sshra.s32 s18, $0x2  }
0x12d: {  	[tilespmem:v21+s18+$0x0 ss:$0x1] =	vst.idx.msk $0xffff, v23  }
0x12e: {  	v23 =	vld.idx.msk [tilespmem:v20+s19+$0x10 ss:$0x1], $0xffff;
	_ =	sdelay $0x4  }
0x12f: {  	v23 =	vmul.f32 v23, v54;
	_ =	sdelay $0x1  }
0x130: {  	[tilespmem:v21+s18+$0x10 ss:$0x1] =	vst.idx.msk $0xffff, v23  }
0x131: {  	v23 =	vld.idx.msk [tilespmem:v20+s19+$0x20 ss:$0x1], $0xffff;
	_ =	sdelay $0x4  }
0x132: {  	v23 =	vmul.f32 v23, v54;
	_ =	sdelay $0x1  }
0x133: {  	[tilespmem:v21+s18+$0x20 ss:$0x1] =	vst.idx.msk $0xffff, v23  }
0x134: {  	v23 =	vld.idx.msk [tilespmem:v20+s19+$0x30 ss:$0x1], $0xffff;
	_ =	sdelay $0x4  }
0x135: {  	v23 =	vmul.f32 v23, v54;
	_ =	sdelay $0x1  }
0x136: {  	[tilespmem:v21+s18+$0x30 ss:$0x1] =	vst.idx.msk $0xffff, v23  }
0x137: {  	v23 =	vld.idx.msk [tilespmem:v20+s19+$0x40 ss:$0x1], $0xffff;
	_ =	sdelay $0x4  }
0x138: {  	v23 =	vmul.f32 v23, v54;
	_ =	sdelay $0x1  }
0x139: {  	[tilespmem:v21+s18+$0x40 ss:$0x1] =	vst.idx.msk $0xffff, v23  }
0x13a: {  	v23 =	vld.idx.msk [tilespmem:v20+s19+$0x50 ss:$0x1], $0xffff;
	_ =	sdelay $0x4  }
0x13b: {  	v23 =	vmul.f32 v23, v54;
	_ =	sdelay $0x1  }
0x13c: {  	[tilespmem:v21+s18+$0x50 ss:$0x1] =	vst.idx.msk $0xffff, v23  }
0x13d: {  	v23 =	vld.idx.msk [tilespmem:v20+s19+$0x60 ss:$0x1], $0xffff;
	_ =	sdelay $0x4  }
0x13e: {  	v23 =	vmul.f32 v23, v54;
	_ =	sdelay $0x1  }
0x13f: {  	[tilespmem:v21+s18+$0x60 ss:$0x1] =	vst.idx.msk $0xffff, v23  }
0x140: {  	v23 =	vld.idx.msk [tilespmem:v20+s19+$0x70 ss:$0x1], $0xffff;
	_ =	sdelay $0x4  }
0x141: {  	s17 =	sor.u32 $0x7, s16;
	v23 =	vmul.f32 v23, v54  }
0x142: {  	s19 =	sshll.u32 s17, $0x7  }
0x143: {  	s19 =	sand.u32 $0x3FFFFB80, s19;
	[tilespmem:v21+s18+$0x70 ss:$0x1] =	vst.idx.msk $0xffff, v23  }
0x144: {  	v23 =	vld.idx.msk [tilespmem:v20+s19+$0x0 ss:$0x1], $0xffff;
	_ =	sdelay $0x2  }
0x145: {  	v55 =	vperm.xlane v22, v8  }
0x146: {  	s17 =	smul.u32 $0x220, s17  }
0x147: {  	v23 =	vmul.f32 v23, v55  }
0x148: {  	s17 =	sshra.s32 s17, $0x2  }
0x149: {  	[tilespmem:v21+s17+$0x0 ss:$0x1] =	vst.idx.msk $0xffff, v23  }
0x14a: {  	v23 =	vld.idx.msk [tilespmem:v20+s19+$0x10 ss:$0x1], $0xffff;
	_ =	sdelay $0x4  }
0x14b: {  	v23 =	vmul.f32 v23, v55;
	_ =	sdelay $0x1  }
0x14c: {  	[tilespmem:v21+s17+$0x10 ss:$0x1] =	vst.idx.msk $0xffff, v23  }
0x14d: {  	v23 =	vld.idx.msk [tilespmem:v20+s19+$0x20 ss:$0x1], $0xffff;
	_ =	sdelay $0x4  }
0x14e: {  	v23 =	vmul.f32 v23, v55;
	_ =	sdelay $0x1  }
0x14f: {  	[tilespmem:v21+s17+$0x20 ss:$0x1] =	vst.idx.msk $0xffff, v23  }
0x150: {  	v23 =	vld.idx.msk [tilespmem:v20+s19+$0x30 ss:$0x1], $0xffff;
	_ =	sdelay $0x4  }
0x151: {  	v23 =	vmul.f32 v23, v55;
	_ =	sdelay $0x1  }
0x152: {  	[tilespmem:v21+s17+$0x30 ss:$0x1] =	vst.idx.msk $0xffff, v23  }
0x153: {  	v23 =	vld.idx.msk [tilespmem:v20+s19+$0x40 ss:$0x1], $0xffff;
	_ =	sdelay $0x4  }
0x154: {  	v23 =	vmul.f32 v23, v55;
	_ =	sdelay $0x1  }
0x155: {  	[tilespmem:v21+s17+$0x40 ss:$0x1] =	vst.idx.msk $0xffff, v23  }
0x156: {  	v23 =	vld.idx.msk [tilespmem:v20+s19+$0x50 ss:$0x1], $0xffff;
	_ =	sdelay $0x4  }
0x157: {  	v23 =	vmul.f32 v23, v55;
	_ =	sdelay $0x1  }
0x158: {  	[tilespmem:v21+s17+$0x50 ss:$0x1] =	vst.idx.msk $0xffff, v23  }
0x159: {  	v23 =	vld.idx.msk [tilespmem:v20+s19+$0x60 ss:$0x1], $0xffff;
	_ =	sdelay $0x4  }
0x15a: {  	v23 =	vmul.f32 v23, v55;
	_ =	sdelay $0x1  }
0x15b: {  	[tilespmem:v21+s17+$0x60 ss:$0x1] =	vst.idx.msk $0xffff, v23  }
0x15c: {  	v23 =	vld.idx.msk [tilespmem:v20+s19+$0x70 ss:$0x1], $0xffff;
	_ =	sdelay $0x4  }
0x15d: {  	s18 =	sor.u32 $0x8, s16;
	v23 =	vmul.f32 v23, v55  }
0x15e: {  	s19 =	sshll.u32 s18, $0x7  }
0x15f: {  	s19 =	sand.u32 $0x3FFFFC00, s19;
	[tilespmem:v21+s17+$0x70 ss:$0x1] =	vst.idx.msk $0xffff, v23  }
0x160: {  	v23 =	vld.idx.msk [tilespmem:v20+s19+$0x0 ss:$0x1], $0xffff;
	_ =	sdelay $0x2  }
0x161: {  	v56 =	vperm.xlane v22, v9  }
0x162: {  	s18 =	smul.u32 $0x220, s18  }
0x163: {  	v23 =	vmul.f32 v23, v56  }
0x164: {  	s18 =	sshra.s32 s18, $0x2  }
0x165: {  	[tilespmem:v21+s18+$0x0 ss:$0x1] =	vst.idx.msk $0xffff, v23  }
0x166: {  	v23 =	vld.idx.msk [tilespmem:v20+s19+$0x10 ss:$0x1], $0xffff;
	_ =	sdelay $0x4  }
0x167: {  	v23 =	vmul.f32 v23, v56;
	_ =	sdelay $0x1  }
0x168: {  	[tilespmem:v21+s18+$0x10 ss:$0x1] =	vst.idx.msk $0xffff, v23  }
0x169: {  	v23 =	vld.idx.msk [tilespmem:v20+s19+$0x20 ss:$0x1], $0xffff;
	_ =	sdelay $0x4  }
0x16a: {  	v23 =	vmul.f32 v23, v56;
	_ =	sdelay $0x1  }
0x16b: {  	[tilespmem:v21+s18+$0x20 ss:$0x1] =	vst.idx.msk $0xffff, v23  }
0x16c: {  	v23 =	vld.idx.msk [tilespmem:v20+s19+$0x30 ss:$0x1], $0xffff;
	_ =	sdelay $0x4  }
0x16d: {  	v23 =	vmul.f32 v23, v56;
	_ =	sdelay $0x1  }
0x16e: {  	[tilespmem:v21+s18+$0x30 ss:$0x1] =	vst.idx.msk $0xffff, v23  }
0x16f: {  	v23 =	vld.idx.msk [tilespmem:v20+s19+$0x40 ss:$0x1], $0xffff;
	_ =	sdelay $0x4  }
0x170: {  	v23 =	vmul.f32 v23, v56;
	_ =	sdelay $0x1  }
0x171: {  	[tilespmem:v21+s18+$0x40 ss:$0x1] =	vst.idx.msk $0xffff, v23  }
0x172: {  	v23 =	vld.idx.msk [tilespmem:v20+s19+$0x50 ss:$0x1], $0xffff;
	_ =	sdelay $0x4  }
0x173: {  	v23 =	vmul.f32 v23, v56;
	_ =	sdelay $0x1  }
0x174: {  	[tilespmem:v21+s18+$0x50 ss:$0x1] =	vst.idx.msk $0xffff, v23  }
0x175: {  	v23 =	vld.idx.msk [tilespmem:v20+s19+$0x60 ss:$0x1], $0xffff;
	_ =	sdelay $0x4  }
0x176: {  	v23 =	vmul.f32 v23, v56;
	_ =	sdelay $0x1  }
0x177: {  	[tilespmem:v21+s18+$0x60 ss:$0x1] =	vst.idx.msk $0xffff, v23  }
0x178: {  	v23 =	vld.idx.msk [tilespmem:v20+s19+$0x70 ss:$0x1], $0xffff;
	_ =	sdelay $0x4  }
0x179: {  	s17 =	sor.u32 $0x9, s16;
	v23 =	vmul.f32 v23, v56  }
0x17a: {  	s19 =	sshll.u32 s17, $0x7  }
0x17b: {  	s19 =	sand.u32 $0x3FFFFC80, s19;
	[tilespmem:v21+s18+$0x70 ss:$0x1] =	vst.idx.msk $0xffff, v23  }
0x17c: {  	v23 =	vld.idx.msk [tilespmem:v20+s19+$0x0 ss:$0x1], $0xffff;
	_ =	sdelay $0x2  }
0x17d: {  	v57 =	vperm.xlane v22, v10  }
0x17e: {  	s17 =	smul.u32 $0x220, s17  }
0x17f: {  	v23 =	vmul.f32 v23, v57  }
0x180: {  	s17 =	sshra.s32 s17, $0x2  }
0x181: {  	[tilespmem:v21+s17+$0x0 ss:$0x1] =	vst.idx.msk $0xffff, v23  }
0x182: {  	v23 =	vld.idx.msk [tilespmem:v20+s19+$0x10 ss:$0x1], $0xffff;
	_ =	sdelay $0x4  }
0x183: {  	v23 =	vmul.f32 v23, v57;
	_ =	sdelay $0x1  }
0x184: {  	[tilespmem:v21+s17+$0x10 ss:$0x1] =	vst.idx.msk $0xffff, v23  }
0x185: {  	v23 =	vld.idx.msk [tilespmem:v20+s19+$0x20 ss:$0x1], $0xffff;
	_ =	sdelay $0x4  }
0x186: {  	v23 =	vmul.f32 v23, v57;
	_ =	sdelay $0x1  }
0x187: {  	[tilespmem:v21+s17+$0x20 ss:$0x1] =	vst.idx.msk $0xffff, v23  }
0x188: {  	v23 =	vld.idx.msk [tilespmem:v20+s19+$0x30 ss:$0x1], $0xffff;
	_ =	sdelay $0x4  }
0x189: {  	v23 =	vmul.f32 v23, v57;
	_ =	sdelay $0x1  }
0x18a: {  	[tilespmem:v21+s17+$0x30 ss:$0x1] =	vst.idx.msk $0xffff, v23  }
0x18b: {  	v23 =	vld.idx.msk [tilespmem:v20+s19+$0x40 ss:$0x1], $0xffff;
	_ =	sdelay $0x4  }
0x18c: {  	v23 =	vmul.f32 v23, v57;
	_ =	sdelay $0x1  }
0x18d: {  	[tilespmem:v21+s17+$0x40 ss:$0x1] =	vst.idx.msk $0xffff, v23  }
0x18e: {  	v23 =	vld.idx.msk [tilespmem:v20+s19+$0x50 ss:$0x1], $0xffff;
	_ =	sdelay $0x4  }
0x18f: {  	v23 =	vmul.f32 v23, v57;
	_ =	sdelay $0x1  }
0x190: {  	[tilespmem:v21+s17+$0x50 ss:$0x1] =	vst.idx.msk $0xffff, v23  }
0x191: {  	v23 =	vld.idx.msk [tilespmem:v20+s19+$0x60 ss:$0x1], $0xffff;
	_ =	sdelay $0x4  }
0x192: {  	v23 =	vmul.f32 v23, v57;
	_ =	sdelay $0x1  }
0x193: {  	[tilespmem:v21+s17+$0x60 ss:$0x1] =	vst.idx.msk $0xffff, v23  }
0x194: {  	v23 =	vld.idx.msk [tilespmem:v20+s19+$0x70 ss:$0x1], $0xffff;
	_ =	sdelay $0x4  }
0x195: {  	s18 =	sor.u32 $0xA, s16;
	v23 =	vmul.f32 v23, v57  }
0x196: {  	s19 =	sshll.u32 s18, $0x7  }
0x197: {  	s19 =	sand.u32 $0x3FFFFD00, s19;
	[tilespmem:v21+s17+$0x70 ss:$0x1] =	vst.idx.msk $0xffff, v23  }
0x198: {  	v23 =	vld.idx.msk [tilespmem:v20+s19+$0x0 ss:$0x1], $0xffff;
	_ =	sdelay $0x2  }
0x199: {  	v58 =	vperm.xlane v22, v11  }
0x19a: {  	s18 =	smul.u32 $0x220, s18  }
0x19b: {  	v23 =	vmul.f32 v23, v58  }
0x19c: {  	s18 =	sshra.s32 s18, $0x2  }
0x19d: {  	[tilespmem:v21+s18+$0x0 ss:$0x1] =	vst.idx.msk $0xffff, v23  }
0x19e: {  	v23 =	vld.idx.msk [tilespmem:v20+s19+$0x10 ss:$0x1], $0xffff;
	_ =	sdelay $0x4  }
0x19f: {  	v23 =	vmul.f32 v23, v58;
	_ =	sdelay $0x1  }
0x1a0: {  	[tilespmem:v21+s18+$0x10 ss:$0x1] =	vst.idx.msk $0xffff, v23  }
0x1a1: {  	v23 =	vld.idx.msk [tilespmem:v20+s19+$0x20 ss:$0x1], $0xffff;
	_ =	sdelay $0x4  }
0x1a2: {  	v23 =	vmul.f32 v23, v58;
	_ =	sdelay $0x1  }
0x1a3: {  	[tilespmem:v21+s18+$0x20 ss:$0x1] =	vst.idx.msk $0xffff, v23  }
0x1a4: {  	v23 =	vld.idx.msk [tilespmem:v20+s19+$0x30 ss:$0x1], $0xffff;
	_ =	sdelay $0x4  }
0x1a5: {  	v23 =	vmul.f32 v23, v58;
	_ =	sdelay $0x1  }
0x1a6: {  	[tilespmem:v21+s18+$0x30 ss:$0x1] =	vst.idx.msk $0xffff, v23  }
0x1a7: {  	v23 =	vld.idx.msk [tilespmem:v20+s19+$0x40 ss:$0x1], $0xffff;
	_ =	sdelay $0x4  }
0x1a8: {  	v23 =	vmul.f32 v23, v58;
	_ =	sdelay $0x1  }
0x1a9: {  	[tilespmem:v21+s18+$0x40 ss:$0x1] =	vst.idx.msk $0xffff, v23  }
0x1aa: {  	v23 =	vld.idx.msk [tilespmem:v20+s19+$0x50 ss:$0x1], $0xffff;
	_ =	sdelay $0x4  }
0x1ab: {  	v23 =	vmul.f32 v23, v58;
	_ =	sdelay $0x1  }
0x1ac: {  	[tilespmem:v21+s18+$0x50 ss:$0x1] =	vst.idx.msk $0xffff, v23  }
0x1ad: {  	v23 =	vld.idx.msk [tilespmem:v20+s19+$0x60 ss:$0x1], $0xffff;
	_ =	sdelay $0x4  }
0x1ae: {  	v23 =	vmul.f32 v23, v58;
	_ =	sdelay $0x1  }
0x1af: {  	[tilespmem:v21+s18+$0x60 ss:$0x1] =	vst.idx.msk $0xffff, v23  }
0x1b0: {  	v23 =	vld.idx.msk [tilespmem:v20+s19+$0x70 ss:$0x1], $0xffff;
	_ =	sdelay $0x4  }
0x1b1: {  	s17 =	sor.u32 $0xB, s16;
	v23 =	vmul.f32 v23, v58  }
0x1b2: {  	s19 =	sshll.u32 s17, $0x7  }
0x1b3: {  	s19 =	sand.u32 $0x3FFFFD80, s19;
	[tilespmem:v21+s18+$0x70 ss:$0x1] =	vst.idx.msk $0xffff, v23  }
0x1b4: {  	v23 =	vld.idx.msk [tilespmem:v20+s19+$0x0 ss:$0x1], $0xffff;
	_ =	sdelay $0x2  }
0x1b5: {  	v59 =	vperm.xlane v22, v12  }
0x1b6: {  	s17 =	smul.u32 $0x220, s17  }
0x1b7: {  	v23 =	vmul.f32 v23, v59  }
0x1b8: {  	s17 =	sshra.s32 s17, $0x2  }
0x1b9: {  	[tilespmem:v21+s17+$0x0 ss:$0x1] =	vst.idx.msk $0xffff, v23  }
0x1ba: {  	v23 =	vld.idx.msk [tilespmem:v20+s19+$0x10 ss:$0x1], $0xffff;
	_ =	sdelay $0x4  }
0x1bb: {  	v23 =	vmul.f32 v23, v59;
	_ =	sdelay $0x1  }
0x1bc: {  	[tilespmem:v21+s17+$0x10 ss:$0x1] =	vst.idx.msk $0xffff, v23  }
0x1bd: {  	v23 =	vld.idx.msk [tilespmem:v20+s19+$0x20 ss:$0x1], $0xffff;
	_ =	sdelay $0x4  }
0x1be: {  	v23 =	vmul.f32 v23, v59;
	_ =	sdelay $0x1  }
0x1bf: {  	[tilespmem:v21+s17+$0x20 ss:$0x1] =	vst.idx.msk $0xffff, v23  }
0x1c0: {  	v23 =	vld.idx.msk [tilespmem:v20+s19+$0x30 ss:$0x1], $0xffff;
	_ =	sdelay $0x4  }
0x1c1: {  	v23 =	vmul.f32 v23, v59;
	_ =	sdelay $0x1  }
0x1c2: {  	[tilespmem:v21+s17+$0x30 ss:$0x1] =	vst.idx.msk $0xffff, v23  }
0x1c3: {  	v23 =	vld.idx.msk [tilespmem:v20+s19+$0x40 ss:$0x1], $0xffff;
	_ =	sdelay $0x4  }
0x1c4: {  	v23 =	vmul.f32 v23, v59;
	_ =	sdelay $0x1  }
0x1c5: {  	[tilespmem:v21+s17+$0x40 ss:$0x1] =	vst.idx.msk $0xffff, v23  }
0x1c6: {  	v23 =	vld.idx.msk [tilespmem:v20+s19+$0x50 ss:$0x1], $0xffff;
	_ =	sdelay $0x4  }
0x1c7: {  	v23 =	vmul.f32 v23, v59;
	_ =	sdelay $0x1  }
0x1c8: {  	[tilespmem:v21+s17+$0x50 ss:$0x1] =	vst.idx.msk $0xffff, v23  }
0x1c9: {  	v23 =	vld.idx.msk [tilespmem:v20+s19+$0x60 ss:$0x1], $0xffff;
	_ =	sdelay $0x4  }
0x1ca: {  	v23 =	vmul.f32 v23, v59;
	_ =	sdelay $0x1  }
0x1cb: {  	[tilespmem:v21+s17+$0x60 ss:$0x1] =	vst.idx.msk $0xffff, v23  }
0x1cc: {  	v23 =	vld.idx.msk [tilespmem:v20+s19+$0x70 ss:$0x1], $0xffff;
	_ =	sdelay $0x4  }
0x1cd: {  	s18 =	sor.u32 $0xC, s16;
	v23 =	vmul.f32 v23, v59  }
0x1ce: {  	s19 =	sshll.u32 s18, $0x7  }
0x1cf: {  	s19 =	sand.u32 $0x3FFFFE00, s19;
	[tilespmem:v21+s17+$0x70 ss:$0x1] =	vst.idx.msk $0xffff, v23  }
0x1d0: {  	v23 =	vld.idx.msk [tilespmem:v20+s19+$0x0 ss:$0x1], $0xffff;
	_ =	sdelay $0x2  }
0x1d1: {  	v60 =	vperm.xlane v22, v13  }
0x1d2: {  	s18 =	smul.u32 $0x220, s18  }
0x1d3: {  	v23 =	vmul.f32 v23, v60  }
0x1d4: {  	s18 =	sshra.s32 s18, $0x2  }
0x1d5: {  	[tilespmem:v21+s18+$0x0 ss:$0x1] =	vst.idx.msk $0xffff, v23  }
0x1d6: {  	v23 =	vld.idx.msk [tilespmem:v20+s19+$0x10 ss:$0x1], $0xffff;
	_ =	sdelay $0x4  }
0x1d7: {  	v23 =	vmul.f32 v23, v60;
	_ =	sdelay $0x1  }
0x1d8: {  	[tilespmem:v21+s18+$0x10 ss:$0x1] =	vst.idx.msk $0xffff, v23  }
0x1d9: {  	v23 =	vld.idx.msk [tilespmem:v20+s19+$0x20 ss:$0x1], $0xffff;
	_ =	sdelay $0x4  }
0x1da: {  	v23 =	vmul.f32 v23, v60;
	_ =	sdelay $0x1  }
0x1db: {  	[tilespmem:v21+s18+$0x20 ss:$0x1] =	vst.idx.msk $0xffff, v23  }
0x1dc: {  	v23 =	vld.idx.msk [tilespmem:v20+s19+$0x30 ss:$0x1], $0xffff;
	_ =	sdelay $0x4  }
0x1dd: {  	v23 =	vmul.f32 v23, v60;
	_ =	sdelay $0x1  }
0x1de: {  	[tilespmem:v21+s18+$0x30 ss:$0x1] =	vst.idx.msk $0xffff, v23  }
0x1df: {  	v23 =	vld.idx.msk [tilespmem:v20+s19+$0x40 ss:$0x1], $0xffff;
	_ =	sdelay $0x4  }
0x1e0: {  	v23 =	vmul.f32 v23, v60;
	_ =	sdelay $0x1  }
0x1e1: {  	[tilespmem:v21+s18+$0x40 ss:$0x1] =	vst.idx.msk $0xffff, v23  }
0x1e2: {  	v23 =	vld.idx.msk [tilespmem:v20+s19+$0x50 ss:$0x1], $0xffff;
	_ =	sdelay $0x4  }
0x1e3: {  	v23 =	vmul.f32 v23, v60;
	_ =	sdelay $0x1  }
0x1e4: {  	[tilespmem:v21+s18+$0x50 ss:$0x1] =	vst.idx.msk $0xffff, v23  }
0x1e5: {  	v23 =	vld.idx.msk [tilespmem:v20+s19+$0x60 ss:$0x1], $0xffff;
	_ =	sdelay $0x4  }
0x1e6: {  	v23 =	vmul.f32 v23, v60;
	_ =	sdelay $0x1  }
0x1e7: {  	[tilespmem:v21+s18+$0x60 ss:$0x1] =	vst.idx.msk $0xffff, v23  }
0x1e8: {  	v23 =	vld.idx.msk [tilespmem:v20+s19+$0x70 ss:$0x1], $0xffff;
	_ =	sdelay $0x4  }
0x1e9: {  	s17 =	sor.u32 $0xD, s16;
	v23 =	vmul.f32 v23, v60  }
0x1ea: {  	s19 =	sshll.u32 s17, $0x7  }
0x1eb: {  	s19 =	sand.u32 $0x3FFFFE80, s19;
	[tilespmem:v21+s18+$0x70 ss:$0x1] =	vst.idx.msk $0xffff, v23  }
0x1ec: {  	v23 =	vld.idx.msk [tilespmem:v20+s19+$0x0 ss:$0x1], $0xffff;
	_ =	sdelay $0x2  }
0x1ed: {  	v61 =	vperm.xlane v22, v14  }
0x1ee: {  	s17 =	smul.u32 $0x220, s17  }
0x1ef: {  	v23 =	vmul.f32 v23, v61  }
0x1f0: {  	s17 =	sshra.s32 s17, $0x2  }
0x1f1: {  	[tilespmem:v21+s17+$0x0 ss:$0x1] =	vst.idx.msk $0xffff, v23  }
0x1f2: {  	v23 =	vld.idx.msk [tilespmem:v20+s19+$0x10 ss:$0x1], $0xffff;
	_ =	sdelay $0x4  }
0x1f3: {  	v23 =	vmul.f32 v23, v61;
	_ =	sdelay $0x1  }
0x1f4: {  	[tilespmem:v21+s17+$0x10 ss:$0x1] =	vst.idx.msk $0xffff, v23  }
0x1f5: {  	v23 =	vld.idx.msk [tilespmem:v20+s19+$0x20 ss:$0x1], $0xffff;
	_ =	sdelay $0x4  }
0x1f6: {  	v23 =	vmul.f32 v23, v61;
	_ =	sdelay $0x1  }
0x1f7: {  	[tilespmem:v21+s17+$0x20 ss:$0x1] =	vst.idx.msk $0xffff, v23  }
0x1f8: {  	v23 =	vld.idx.msk [tilespmem:v20+s19+$0x30 ss:$0x1], $0xffff;
	_ =	sdelay $0x4  }
0x1f9: {  	v23 =	vmul.f32 v23, v61;
	_ =	sdelay $0x1  }
0x1fa: {  	[tilespmem:v21+s17+$0x30 ss:$0x1] =	vst.idx.msk $0xffff, v23  }
0x1fb: {  	v23 =	vld.idx.msk [tilespmem:v20+s19+$0x40 ss:$0x1], $0xffff;
	_ =	sdelay $0x4  }
0x1fc: {  	v23 =	vmul.f32 v23, v61;
	_ =	sdelay $0x1  }
0x1fd: {  	[tilespmem:v21+s17+$0x40 ss:$0x1] =	vst.idx.msk $0xffff, v23  }
0x1fe: {  	v23 =	vld.idx.msk [tilespmem:v20+s19+$0x50 ss:$0x1], $0xffff;
	_ =	sdelay $0x4  }
0x1ff: {  	v23 =	vmul.f32 v23, v61;
	_ =	sdelay $0x1  }
0x200: {  	[tilespmem:v21+s17+$0x50 ss:$0x1] =	vst.idx.msk $0xffff, v23  }
0x201: {  	v23 =	vld.idx.msk [tilespmem:v20+s19+$0x60 ss:$0x1], $0xffff;
	_ =	sdelay $0x4  }
0x202: {  	v23 =	vmul.f32 v23, v61;
	_ =	sdelay $0x1  }
0x203: {  	[tilespmem:v21+s17+$0x60 ss:$0x1] =	vst.idx.msk $0xffff, v23  }
0x204: {  	v23 =	vld.idx.msk [tilespmem:v20+s19+$0x70 ss:$0x1], $0xffff;
	_ =	sdelay $0x4  }
0x205: {  	s18 =	sor.u32 $0xE, s16;
	v23 =	vmul.f32 v23, v61  }
0x206: {  	s19 =	sshll.u32 s18, $0x7  }
0x207: {  	s19 =	sand.u32 $0x3FFFFF00, s19;
	[tilespmem:v21+s17+$0x70 ss:$0x1] =	vst.idx.msk $0xffff, v23  }
0x208: {  	v23 =	vld.idx.msk [tilespmem:v20+s19+$0x0 ss:$0x1], $0xffff;
	_ =	sdelay $0x2  }
0x209: {  	v62 =	vperm.xlane v22, v15  }
0x20a: {  	s18 =	smul.u32 $0x220, s18  }
0x20b: {  	v23 =	vmul.f32 v23, v62  }
0x20c: {  	s18 =	sshra.s32 s18, $0x2  }
0x20d: {  	[tilespmem:v21+s18+$0x0 ss:$0x1] =	vst.idx.msk $0xffff, v23  }
0x20e: {  	v23 =	vld.idx.msk [tilespmem:v20+s19+$0x10 ss:$0x1], $0xffff;
	_ =	sdelay $0x4  }
0x20f: {  	v23 =	vmul.f32 v23, v62;
	_ =	sdelay $0x1  }
0x210: {  	[tilespmem:v21+s18+$0x10 ss:$0x1] =	vst.idx.msk $0xffff, v23  }
0x211: {  	v23 =	vld.idx.msk [tilespmem:v20+s19+$0x20 ss:$0x1], $0xffff;
	_ =	sdelay $0x4  }
0x212: {  	v23 =	vmul.f32 v23, v62;
	_ =	sdelay $0x1  }
0x213: {  	[tilespmem:v21+s18+$0x20 ss:$0x1] =	vst.idx.msk $0xffff, v23  }
0x214: {  	v23 =	vld.idx.msk [tilespmem:v20+s19+$0x30 ss:$0x1], $0xffff;
	_ =	sdelay $0x4  }
0x215: {  	v23 =	vmul.f32 v23, v62;
	_ =	sdelay $0x1  }
0x216: {  	[tilespmem:v21+s18+$0x30 ss:$0x1] =	vst.idx.msk $0xffff, v23  }
0x217: {  	v23 =	vld.idx.msk [tilespmem:v20+s19+$0x40 ss:$0x1], $0xffff;
	_ =	sdelay $0x4  }
0x218: {  	v23 =	vmul.f32 v23, v62;
	_ =	sdelay $0x1  }
0x219: {  	[tilespmem:v21+s18+$0x40 ss:$0x1] =	vst.idx.msk $0xffff, v23  }
0x21a: {  	v23 =	vld.idx.msk [tilespmem:v20+s19+$0x50 ss:$0x1], $0xffff;
	_ =	sdelay $0x4  }
0x21b: {  	v23 =	vmul.f32 v23, v62;
	_ =	sdelay $0x1  }
0x21c: {  	[tilespmem:v21+s18+$0x50 ss:$0x1] =	vst.idx.msk $0xffff, v23  }
0x21d: {  	v23 =	vld.idx.msk [tilespmem:v20+s19+$0x60 ss:$0x1], $0xffff;
	_ =	sdelay $0x4  }
0x21e: {  	v23 =	vmul.f32 v23, v62;
	_ =	sdelay $0x1  }
0x21f: {  	[tilespmem:v21+s18+$0x60 ss:$0x1] =	vst.idx.msk $0xffff, v23  }
0x220: {  	v23 =	vld.idx.msk [tilespmem:v20+s19+$0x70 ss:$0x1], $0xffff;
	_ =	sdelay $0x4  }
0x221: {  	s17 =	sshllo.u32 s15, $0x4;
	v23 =	vmul.f32 v23, v62  }
0x222: {  	s19 =	sshll.u32 s17, $0x7  }
0x223: {  	s19 =	sand.u32 $0x3FFFFF80, s19;
	[tilespmem:v21+s18+$0x70 ss:$0x1] =	vst.idx.msk $0xffff, v23  }
0x224: {  	v23 =	vld.idx.msk [tilespmem:v20+s19+$0x0 ss:$0x1], $0xffff;
	_ =	sdelay $0x2  }
0x225: {  	v63 =	vperm.xlane v22, v16  }
0x226: {  	s17 =	smul.u32 $0x220, s17  }
0x227: {  	v23 =	vmul.f32 v23, v63  }
0x228: {  	s17 =	sshra.s32 s17, $0x2  }
0x229: {  	[tilespmem:v21+s17+$0x0 ss:$0x1] =	vst.idx.msk $0xffff, v23  }
0x22a: {  	v23 =	vld.idx.msk [tilespmem:v20+s19+$0x10 ss:$0x1], $0xffff;
	_ =	sdelay $0x4  }
0x22b: {  	v23 =	vmul.f32 v23, v63;
	_ =	sdelay $0x1  }
0x22c: {  	[tilespmem:v21+s17+$0x10 ss:$0x1] =	vst.idx.msk $0xffff, v23  }
0x22d: {  	v23 =	vld.idx.msk [tilespmem:v20+s19+$0x20 ss:$0x1], $0xffff;
	_ =	sdelay $0x4  }
0x22e: {  	v23 =	vmul.f32 v23, v63;
	_ =	sdelay $0x1  }
0x22f: {  	[tilespmem:v21+s17+$0x20 ss:$0x1] =	vst.idx.msk $0xffff, v23  }
0x230: {  	v23 =	vld.idx.msk [tilespmem:v20+s19+$0x30 ss:$0x1], $0xffff;
	_ =	sdelay $0x4  }
0x231: {  	v23 =	vmul.f32 v23, v63;
	_ =	sdelay $0x1  }
0x232: {  	[tilespmem:v21+s17+$0x30 ss:$0x1] =	vst.idx.msk $0xffff, v23  }
0x233: {  	v23 =	vld.idx.msk [tilespmem:v20+s19+$0x40 ss:$0x1], $0xffff;
	_ =	sdelay $0x4  }
0x234: {  	v23 =	vmul.f32 v23, v63;
	_ =	sdelay $0x1  }
0x235: {  	[tilespmem:v21+s17+$0x40 ss:$0x1] =	vst.idx.msk $0xffff, v23  }
0x236: {  	v23 =	vld.idx.msk [tilespmem:v20+s19+$0x50 ss:$0x1], $0xffff;
	_ =	sdelay $0x4  }
0x237: {  	v23 =	vmul.f32 v23, v63;
	_ =	sdelay $0x1  }
0x238: {  	[tilespmem:v21+s17+$0x50 ss:$0x1] =	vst.idx.msk $0xffff, v23  }
0x239: {  	v23 =	vld.idx.msk [tilespmem:v20+s19+$0x60 ss:$0x1], $0xffff;
	_ =	sdelay $0x4  }
0x23a: {  	v25 =	vmov s16;
	v23 =	vmul.f32 v23, v63  }
0x23b: {  	v25 =	vmul.u32 $0x88, v25  }
0x23c: {  	[tilespmem:v21+s17+$0x60 ss:$0x1] =	vst.idx.msk $0xffff, v23  }
0x23d: {  	v25 =	vadd.s32 v18, v25;
	v23 =	vld.idx.msk [tilespmem:v20+s19+$0x70 ss:$0x1], $0xffff  }
0x23e: {  	v25 =	vbroadcast v25, $0x0;
	_ =	sdelay $0x1  }
0x23f: {  	p0 =	sne.s32 s15, $0x4;
	v25 =	vadd.s32 v17, v25  }
.Ltmp1:
0x240: {  	_ = 	snop;
	(pc) =	sbr.rel @p0 .LBB2_5-.Ltmp1, $3  }
0x241: {  	v23 =	vmul.f32 v23, v63;
	_ =	sdelay $0x1  }
0x242: {  	[tilespmem:v21+s17+$0x70 ss:$0x1] =	vst.idx.msk $0xffff, v23  }
0x243: {  	s15 =	sadd.s32 $0x1, s15;
	[tilespmem:v25+s26+$0x0] =	vst.idx.msk $0xffff, v22  }
0x244: {  	p0 =	sgt.u32 s10, $0x7A  }
0x245: {  	s10 =	sadd.s32 @!p0 $0x2, s10  }
0x246: {  	s13 =	sadd.s32 $0x140, s13;
	s12 =	sadd.s32 $0x7, s12;
	s15 =	smul.u32 @!p0 $0x50, s10  }
0x247: {  	[spmem:s2] =	stream.indirect.scatter.add.f32 [tilespmem:s14], [sflag:s12], $0x88, s13, s31, $0xb8;
	[tilespmem:$0x1F4C8] =	vst v63  }
0x248: {  	s10 =	sand.u32 @!p0 $0x3, s10;
	s12 =	sadd.s32 @!p0 s8, s15  }
0x249: {  	s13 =	smul.u32 @!p0 $0x50, s10;
	s12 =	sshrl.u32 @!p0 s12, $0x3  }
0x24a: {  	s10 =	sadd.s32 @!p0 $0x1, s10;
	s15 =	simm.s32 @!p0 $0x0;
	s14 =	sadd.s32 @!p0 s6, s12  }
0x24b: {  	[tilespmem:s13], [sflag:s10] =	stream.linear.gather @!p0 [hbm4b:s14+s15], $0x50, $0x38;
	[tilespmem:$0x1F4C8] =	vst v63  }
0x24c: {  	s16 =	sadd.s32 @!p0 s7, s12;
	s14 =	sadd.s32 @!p0 $0x140, s13  }
0x24d: {  	[tilespmem:s14], [sflag:s10] =	stream.linear.gather @!p0 [hbm4b:s16+s15], $0x50, $0x38;
	[tilespmem:$0x1F4C8] =	vst v63  }
0x24e: {  	s12 =	sadd.s32 @!p0 s5, s12;
	s13 =	sadd.s32 @!p0 $0x280, s13  }
0x24f: {  	[tilespmem:s13], [sflag:s10] =	stream.linear.gather @!p0 [hbm4b:s12+s15], $0x50, $0x38;
	[tilespmem:$0x1F4C8] =	vst v63  }
0x250: {  	p0 =	sne.s32 s11, $0x7D  }
.Ltmp2:
0x251: {  	_ = 	snop;
	(pc) =	sbr.rel @p0 .LBB2_4-.Ltmp2, $2  }
0x252: {  	_ =	sdelay $0x2  }
0x253: {  	s10 =	smov.u32 s11  }
0x254: {  	_ =	swait.ge [sflag:s29], $0x2A80  }
0x255: {  	[sflag:s29] =	ssyncset.done $0x0  }
0x256: {  	[sflag:s29] =	ssyncadd.s32 $0xFFFFD580  }
0x257: {  	_ =	swait.ge [sflag:s3], $0x2A80  }
0x258: {  	[sflag:s3] =	ssyncset.done $0x0  }
0x259: {  	s10 =	stileid.u32;
	[sflag:s3] =	ssyncadd.s32 $0xFFFFD580  }
0x25a: {  	s10 =	sshll.u32 s10, $0x6;
	[bflag:$0x0] =	sbarrier.arrive $0xFFFF  }
0x25b: {  	s10 =	sor.u32 $0x1C09, s10;
	s11 =	rddreg [dreg:$0xb]  }
0x25c: {  	[hbm:s11], [sflag:s10] =	dma.local [spmem:s25], $0x2981  }
0x25d: {  	_ =	swait.ge [sflag:s28], $0x2981  }
0x25e: {  	s4 =	sadd.s32 $0x1, s4;
	s19 =	rddreg [dreg:$0xc]  }
0x25f: {  	p0 =	sne.s32 s4, s19  }
.Ltmp3:
0x260: {  	_ = 	snop;
	(pc) =	sbr.rel @p0 .LBB2_1-.Ltmp3, $3  }
0x261: {  	_ =	sdelay $0x1  }
0x262: {  	[sflag:s28] =	ssyncset.done $0x0  }
0x263: {  	[sflag:s28] =	ssyncadd.s32 $0xFFFFD67F  }
0x264: {  	_ =	sfence.sel $0x180000  }
0x265: {  	[bflag:$0x0] =	sbarrier.arrive $0xFFFF  }
0x266: {  	_ =	strace $0x9000004D  }
0x267: {  	s0 =	stileid.u32;
	[bflag:$0x2] =	sbarrier.arrive $0xFFFF  }
0x268: {  	p0 =	sne.s32 s0, $0x0;
	s0 =	rddreg [dreg:$0x3]  }
0x269: {  	s0 =	sadd.s32 @!p0 $0x100000, s0  }
0x26a: {  	[sflag:s0] =	ssyncadd.tile.s32 @!p0 $0x1;
	_ =	shalt  }
.Lfunc_end2:
_tile_overlayer_lowered:
.L_overlay_start_2:
0x26b: {  	(tag) =	ssettag $0x2  }
0x26c: {  	s0 =	rddreg [dreg:$0x0];
	s2 =	stileid.u32  }
0x26d: {  	s1 =	rddreg [dreg:$0x1];
	p0 =	sne.s32 s2, $0x0  }
0x26e: {  	s3 =	rddreg [dreg:$0x2];
	[bflag:$0x3] =	sbarrier.arrive $0xFFFF;
	s2 =	simm.s32 @!p0 $0x1C09  }
0x26f: {  	[timem:s3], [sflag:s2] =	dma.local @!p0 [hbm:s0], s1  }
0x270: {  	s0 =	simm.s32 @!p0 $0x9  }
0x271: {  	_ =	swait.ge @!p0 [sflag:s0], s1  }
0x272: {  	s1 =	ssub.s32 @!p0 $0x0, s1;
	[sflag:s0] =	ssyncset.done @!p0 $0x0  }
0x273: {  	[sflag:s0] =	ssyncadd.s32 @!p0 s1  }
0x274: {  	[bflag:$0x3] =	sbarrier.arrive $0xFFFF  }
0x275: {  	_ =	shalt  }

// kernel: kernel.7.cloned.1.call-start
scs
__scs_entry_jumppad:
0x0: {  	(pc) =	sbr.rel $0x88, $3  }
0x1: {  	(tag) =	ssettag $0x0;
	lr =	simm.s32 $0x1  }
0x2: {  	[smem:$0x3F9A] =	sst lr;
	_ =	strace $0xD0000000  }
0x3: {  	_ = 	snop  }
0x4: {  	_ = 	snop  }
0x5: {  	_ = 	snop  }
0x6: {  	_ = 	snop  }
0x7: {  	_ = 	snop  }
__scs_overlays_trampoline_lowered:
0x8: {  	[smem:$0x3FA9] =	sst s0  }
0x9: {  	[smem:$0x3FAA] =	sst s1  }
0xa: {  	[smem:$0x3FAB] =	sst s2  }
0xb: {  	[smem:$0x3FAC] =	sst s3  }
0xc: {  	[smem:$0x3FAD] =	sst s4  }
0xd: {  	[smem:$0x3FAE] =	sst s5  }
0xe: {  	[smem:$0x3FAF] =	sst s6  }
0xf: {  	[smem:$0x3FB0] =	sst s7  }
0x10: {  	[smem:$0x3FB1] =	sst s8  }
0x11: {  	[smem:$0x3FB2] =	sst s9;
	s0 =	simm.s32 @!p0 $0x0  }
0x12: {  	s1 =	sld [smem:$0x3F98];
	s0 =	simm.s32 @p0 $0x1  }
0x13: {  	[smem:$0x3FB3] =	sst s0;
	s0 =	simm.s32 @!p1 $0x0  }
0x14: {  	s2 =	sld [smem:$0x3F97];
	s0 =	simm.s32 @p1 $0x1  }
0x15: {  	[smem:$0x3FB4] =	sst s0;
	s0 =	simm.s32 @!p2 $0x0  }
0x16: {  	s3 =	sld [smem:$0x3FDB];
	s0 =	simm.s32 @p2 $0x1  }
0x17: {  	s4 =	simm.s32 $0x1BF5;
	[smem:$0x3FB6] =	sst s0  }
0x18: {  	s0 =	sld [smem:$0x3F99];
	_ =	swait.ge [sflag:s4], $0x0  }
0x19: {  	s7 =	sld [smem:$0x3F9A]  }
0x1a: {  	s8 =	sadd.s32 $0xFFFFE003, lr  }
0x1b: {  	s9 =	sadd.s32 $0xFFFFFEF7, lr;
	s5 =	simm.s32 $0xFFFFFFFF;
	p2 =	slt.u32 s8, $0xFFFFF086  }
0x1c: {  	p1 =	slt.u32 s9, $0xF7A;
	s5 =	simm.s32 @!p2 $0x0  }
0x1d: {  	s5 =	simm.s32 @p1 $0x1;
	p0 =	seq.s32 s7, s2  }
0x1e: {  	s7 =	smul.u32 @!p0 $0xF7A, s2;
	p2 =	seq.s32 @!p0 s5, $0x0  }
0x1f: {  	s9 =	smul.u32 $0xF7A, s1;
	s8 =	simm.s32 @!p0 $0x1BF5;
	p2 =	por !p2, p0  }
0x20: {  	[sflag:s8] =	ssyncset.s32 @!p0 $0xFFFFF086;
	s6 =	sadd.s32 @!p0 s3, s7;
	s7 =	simm.s32 @!p0 $0x108  }
0x21: {  	s3 =	sadd.s32 s3, s9;
	s6 =	sadd.s32 @!p0 $0x88, s6;
	s7 =	simm.s32 @p2 $0x1082  }
0x22: {  	[simem:s7], [sflag:s8] =	dma.local @!p0 [hbm:s6], $0xF7A  }
0x23: {  	s9 =	sor.u32 $0xD0000000, s2;
	s6 =	simm.s32 $0x108;
	_ =	swait.ge @!p0 [sflag:s8], $0x0  }
0x24: {  	s3 =	sadd.s32 $0x88, s3;
	s6 =	simm.s32 @!p1 $0x1082;
	[sflag:s4] =	ssyncset.s32 $0xFFFFF086  }
0x25: {  	[simem:s6], [sflag:s4] =	dma.local [hbm:s3], $0xF7A  }
0x26: {  	[smem:$0x3F9A] =	sst s1;
	(tag) =	ssettag s2;
	_ =	strace s9  }
0x27: {  	s1 =	sld [smem:$0x3FAA]  }
0x28: {  	s2 =	sld [smem:$0x3FAB]  }
0x29: {  	s4 =	sld [smem:$0x3FAD]  }
0x2a: {  	p0 =	seq.s32 s5, $0x0;
	s5 =	sld [smem:$0x3FAE]  }
0x2b: {  	s6 =	sld [smem:$0x3FAF]  }
0x2c: {  	s7 =	sld [smem:$0x3FB0]  }
0x2d: {  	s3 =	simm.s32 $0x108;
	s8 =	sld [smem:$0x3FB1]  }
0x2e: {  	s3 =	simm.s32 @!p0 $0x1082;
	s9 =	sld [smem:$0x3FB2]  }
0x2f: {  	lr =	sadd.s32 s0, s3;
	s0 =	sld [smem:$0x3FA9]  }
0x30: {  	s3 =	sld [smem:$0x3FAC]  }
0x31: {  	[smem:$0x3FB5] =	sst s10  }
0x32: {  	s10 =	sld [smem:$0x3FB3];
	_ =	sdelay $0x3  }
0x33: {  	p0 =	seq.s32 s10, $0x1;
	s10 =	sld [smem:$0x3FB5];
	_ =	sdelay $0x3  }
0x34: {  	[smem:$0x3FB5] =	sst s10  }
0x35: {  	s10 =	sld [smem:$0x3FB4];
	_ =	sdelay $0x3  }
0x36: {  	p1 =	seq.s32 s10, $0x1;
	s10 =	sld [smem:$0x3FB5];
	_ =	sdelay $0x3  }
0x37: {  	[smem:$0x3FB5] =	sst s10  }
0x38: {  	s10 =	sld [smem:$0x3FB6]  }
0x39: {  	_ = 	snop;
	(pc) =	sbr.ind lr, $3  }
0x3a: {  	_ = 	snop  }
0x3b: {  	_ = 	snop  }
0x3c: {  	p2 =	seq.s32 s10, $0x1;
	s10 =	sld [smem:$0x3FB5]  }
0x3d: {  	_ =	shalt  }
0x3e: {  	_ =	shalt  }
0x3f: {  	_ =	shalt  }
0x40: {  	_ =	shalt  }
0x41: {  	_ =	shalt  }
0x42: {  	_ =	shalt  }
0x43: {  	_ =	shalt  }
0x44: {  	_ =	shalt  }
0x45: {  	_ =	shalt  }
0x46: {  	_ =	shalt  }
0x47: {  	_ =	shalt  }
0x48: {  	_ =	shalt  }
0x49: {  	_ =	shalt  }
0x4a: {  	_ =	shalt  }
0x4b: {  	_ =	shalt  }
0x4c: {  	_ =	shalt  }
0x4d: {  	_ =	shalt  }
0x4e: {  	_ =	shalt  }
0x4f: {  	_ =	shalt  }
0x50: {  	_ =	shalt  }
0x51: {  	_ =	shalt  }
0x52: {  	_ =	shalt  }
0x53: {  	_ =	shalt  }
0x54: {  	_ =	shalt  }
0x55: {  	_ =	shalt  }
0x56: {  	_ =	shalt  }
0x57: {  	_ =	shalt  }
0x58: {  	_ =	shalt  }
0x59: {  	_ =	shalt  }
0x5a: {  	_ =	shalt  }
0x5b: {  	_ =	shalt  }
0x5c: {  	_ =	shalt  }
0x5d: {  	_ =	shalt  }
0x5e: {  	_ =	shalt  }
0x5f: {  	_ =	shalt  }
0x60: {  	_ =	shalt  }
0x61: {  	_ =	shalt  }
0x62: {  	_ =	shalt  }
0x63: {  	_ =	shalt  }
0x64: {  	_ =	shalt  }
0x65: {  	_ =	shalt  }
0x66: {  	_ =	shalt  }
0x67: {  	_ =	shalt  }
0x68: {  	_ =	shalt  }
0x69: {  	_ =	shalt  }
0x6a: {  	_ =	shalt  }
0x6b: {  	_ =	shalt  }
0x6c: {  	_ =	shalt  }
0x6d: {  	_ =	shalt  }
0x6e: {  	_ =	shalt  }
0x6f: {  	_ =	shalt  }
0x70: {  	_ =	shalt  }
0x71: {  	_ =	shalt  }
0x72: {  	_ =	shalt  }
0x73: {  	_ =	shalt  }
0x74: {  	_ =	shalt  }
0x75: {  	_ =	shalt  }
0x76: {  	_ =	shalt  }
0x77: {  	_ =	shalt  }
0x78: {  	_ =	shalt  }
0x79: {  	_ =	shalt  }
0x7a: {  	_ =	shalt  }
0x7b: {  	_ =	shalt  }
0x7c: {  	_ =	shalt  }
0x7d: {  	_ =	shalt  }
0x7e: {  	_ =	shalt  }
0x7f: {  	_ =	shalt  }
0x80: {  	_ =	shalt  }
0x81: {  	_ =	shalt  }
0x82: {  	_ =	shalt  }
0x83: {  	_ =	shalt  }
0x84: {  	_ =	shalt  }
0x85: {  	_ =	shalt  }
0x86: {  	_ =	shalt  }
0x87: {  	_ =	shalt  }
.Lfunc_end0:
.L_simem_size_0:
called_computation_lowered:
.L_overlay_start_0:
0x88: {  	s2 =	sld [smem:$0x3FD9]  }
0x89: {  	s3 =	sld [smem:$0x3FFE];
	_ =	sdelay $0x1  }
0x8a: {  	s1 =	srdreg.scid  }
0x8b: {  	s0 =	sand.u32 $0x1, s1  }
0x8c: {  	s14 =	sshll.u32 s0, $0xA;
	s2 =	sadd.s32 s3, s2  }
0x8d: {  	s2 =	sadd.s32 s2, s14  }
0x8e: {  	[smem:$0x3FC1] =	sst s2  }
0x8f: {  	_ = 	snop  }
0x90: {  	s2 =	sld [smem:$0x3FD0];
	_ =	sdelay $0x2  }
0x91: {  	s4 =	simm.s32 $0xA;
	s5 =	simm.s32 $0x10;
	s15 =	sld [smem:$0x3FC3]  }
0x92: {  	[smem:s5], [sflag:s4] =	dma.local [hbm:s2], $0x1  }
0x93: {  	_ =	swait.eq [sflag:s4], $0x1  }
0x94: {  	[sflag:s4] =	ssyncset.done $0x0  }
0x95: {  	[sflag:s4] =	ssyncadd.s32 $0xFFFFFFFF  }
0x96: {  	s16 =	sld [smem:$0x11];
	(tm) =	ssettm $0x1  }
0x97: {  	s17 =	sld [smem:$0x3FFB];
	_ =	sdelay $0x3  }
0x98: {  	_ =	strace s17  }
0x99: {  	s4 =	sld [smem:$0x3FFC];
	_ =	sdelay $0x3  }
0x9a: {  	_ =	strace s4  }
0x9b: {  	s4 =	sld [smem:$0x3FFD];
	_ =	sdelay $0x3  }
0x9c: {  	_ =	strace s4  }
0x9d: {  	_ =	strace $0x8FFFFFFF  }
0x9e: {  	s18 =	sld [smem:$0x3FDB];
	_ =	sdelay $0x1  }
0x9f: {  	s19 =	simm.s32 $_scs_section_size  }
0xa0: {  	s6 =	simm.s32 $_size__tile_overlayer_lowered;
	s7 =	simm.s32 $_tile_overlayer_lowered  }
0xa1: {  	s22 =	simm.s32 $0x1BFF;
	s21 =	sshll.u32 s7, $0x1;
	s4 =	sadd.s32 s19, s18  }
0xa2: {  	s8 =	simm.s32 $0x0;
	s20 =	sshll.u32 s6, $0x1;
	s6 =	sadd.s32 s21, s4  }
0xa3: {  	[timem:s8], [sflag:s22] =	dma.local [hbm:s6], s20  }
0xa4: {  	_ =	swait.ge [sflag:s22], s20  }
0xa5: {  	s5 =	ssub.s32 $0x0, s20;
	[sflag:s22] =	ssyncset.done $0x0  }
0xa6: {  	[sflag:s22] =	ssyncadd.s32 s5;
	_ =	sdelay $0x1  }
0xa7: {  	s23 =	simm.s32 $0x1B8B  }
0xa8: {  	_ =	swait.ge [sflag:s23], $0x1  }
0xa9: {  	[sflag:s23] =	ssyncset.done $0x0  }
0xaa: {  	s25 =	simm.s32 $0x1B8E;
	s24 =	sld [smem:$0x3FFE];
	[sflag:s23] =	ssyncadd.s32 $0xFFFFFFFF  }
0xab: {  	s26 =	simm.s32 $execute0_lowered;
	[smem:$0x3FD2] =	sst s25  }
0xac: {  	s6 =	sshll.u32 s26, $0x1;
	_ =	strace $0x80000046;
	[dreg:$0x1] =	wrdreg $0xFFFFFFFF  }
0xad: {  	s28 =	simm.s32 $_size_execute0_lowered;
	s4 =	sadd.s32 s4, s6;
	[dreg:$0x0] =	wrdreg $0x0  }
0xae: {  	s6 =	sshll.u32 s28, $0x1;
	[dreg:$0x2] =	wrdreg s4  }
0xaf: {  	[dreg:$0x3] =	wrdreg s6  }
0xb0: {  	[dreg:$0x4] =	wrdreg $0xC0  }
0xb1: {  	_ =	task [dreg:s8], $0x5FFFF  }
0xb2: {  	[dreg:$0x1] =	wrdreg $0xFFFFFFFF  }
0xb3: {  	[dreg:$0x0] =	wrdreg $0x60  }
0xb4: {  	[dreg:$0x2] =	wrdreg s24  }
0xb5: {  	[dreg:$0x3] =	wrdreg s16  }
0xb6: {  	[dreg:$0x4] =	wrdreg s15  }
0xb7: {  	[dreg:$0x5] =	wrdreg $0x57400  }
0xb8: {  	[dreg:$0x6] =	wrdreg $0x9  }
0xb9: {  	_ =	task.clear_ibuf [dreg:s8], $0x7FFFF;
	_ =	strace $0x90000046  }
0xba: {  	s29 =	simm.s32 $0x9;
	_ =	strace $0x80000048  }
0xbb: {  	_ =	swait.ge [sflag:s29], $0x1  }
0xbc: {  	[sflag:s29] =	ssyncadd.s32 $0xFFFFFFFF  }
0xbd: {  	_ =	strace $0x90000048  }
0xbe: {  	_ =	sfence  }
0xbf: {  	s30 =	sld [smem:$0x0];
	_ =	sdelay $0x2  }
0xc0: {  	s31 =	sshll.u32 s1, $0xD;
	s1 =	sshrl.u32 s1, $0x2  }
0xc1: {  	s3 =	sand.u32 $0x4000, s31;
	s1 =	sadd.s32 s1, s30  }
0xc2: {  	s0 =	sor.u32 s3, s0;
	s1 =	sshll.u32 s1, $0x11  }
0xc3: {  	s0 =	sor.u32 s1, s0  }
0xc4: {  	s0 =	sadd.s32 $0x8F2B, s0  }
0xc5: {  	[sflag:s0] =	ssyncadd.remote.s32 $0x1  }
0xc6: {  	_ =	sfence.sel $0xFFFF  }
0xc7: {  	[dreg:$0x0] =	wrdreg $0xFFFFFFFF;
	(pc) =	sbr.abs _section_cstart, $3  }
0xc8: {  	[dreg:$0x1] =	wrdreg $0xFFFFFFFF  }
0xc9: {  	_ =	task.clear_ibuf [dreg:s8], $0x2FFFF;
	_ =	strace $0x9FFFFFFF  }
0xca: {  	(tm) =	ssettm $0x7FFFFFFF  }
0xcb: {  	_ =	shalt  }
tec
execute0_lowered:
.L_overlay_start_1:
0x0: {  	(tag) =	ssettag $0x1  }
0x1: {  	s0 =	rddreg [dreg:$0x0]  }
0x2: {  	s1 =	rddreg [dreg:$0x1]  }
0x3: {  	s3 =	rddreg [dreg:$0x3];
	s4 =	simm.s32 $0x0  }
0x4: {  	s2 =	srdreg.scid;
	s16 =	stileid.u32;
	s28 =	simm.s32 $0x50  }
0x5: {  	s30 =	simm.s32 $0x1;
	s20 =	simm.s32 $0x8;
	s21 =	simm.s32 $0x5240  }
0x6: {  	s29 =	simm.s32 $0x54C0;
	[smem:$0x7FF] =	sst s4;
	s6 =	sadd.s32 $0x6C00, s0  }
0x7: {  	s7 =	sadd.s32 $0x1C00, s0;
	s2 =	sand.u32 $0x1, s2;
	s5 =	sshll.u32 s16, $0x1  }
0x8: {  	s8 =	sadd.s32 $0x15A00, s0;
	s9 =	sadd.s32 $0xBC00, s0;
	s10 =	sadd.s32 $0x2A000, s0  }
0x9: {  	s11 =	sadd.s32 $0x1F800, s0;
	s0 =	sadd.s32 $0x29600, s0;
	s17 =	smul.u32 $0x9C40, s16  }
0xa: {  	s23 =	smul.u32 $0x280, s16;
	s31 =	sadd.s32 $0x2580, s3;
	p0 =	seq.s32 s16, $0xF  }
0xb: {  	s5 =	sor.u32 s2, s5;
	s13 =	ssub.s32 $0x2, s2;
	s2 =	smul.u32 $0x2710, s2  }
0xc: {  	_ =	strace $0x80000047;
	[dreg:$0xb] =	wrdreg s31;
	s12 =	smul.u32 $0x2710, s5  }
0xd: {  	s5 =	smul.u32 $0x4E20, s5;
	s14 =	sshrl.u32 s13, $0x1;
	s25 =	sshrl.u32 s17, $0x2  }
0xe: {  	s19 =	sadd.s32 s23, s3;
	s13 =	ssub.s32 s13, s14;
	s26 =	sadd.s32 s23, s2  }
0xf: {  	s2 =	sshrl.u32 s2, $0x3;
	s15 =	sshrl.u32 s12, $0x3;
	s5 =	sadd.s32 s1, s5  }
0x10: {  	s23 =	smax.u32 s13, $0x1;
	s22 =	sadd.s32 s8, s15;
	[dreg:$0x9] =	wrdreg s5  }
0x11: {  	s18 =	sadd.s32 s9, s15;
	s15 =	sadd.s32 $0xA, s15;
	[dreg:$0x5] =	wrdreg s22  }
0x12: {  	v0 =	vimm.f32 $-3.000000010e+38;
	v1 =	vimm.s32 $0xF;
	vm0 =	vmmov $0x1;
	s5 =	sshrl.u32 s26, $0x3;
	s26 =	simm.s32 $0x140;
	[dreg:$0x6] =	wrdreg s18  }
.Ltmp0:
0x13: {  	vm1 =	vmmov $0x3;
	vm2 =	vmmov $0x7;
	vm3 =	vmmov $0xf;
	s24 =	sadd.s32 s8, s15;
	s15 =	sadd.s32 s9, s15;
	(pc) =	sbr.rel .LBB2_1-.Ltmp0, $4  }
0x14: {  	vm4 =	vmmov $0x1f;
	vm5 =	vmmov $0x3f;
	vm6 =	vmmov $0x7f;
	s18 =	sadd.s32 s25, s3;
	s5 =	sadd.s32 s0, s5;
	[dreg:$0x7] =	wrdreg s24  }
0x15: {  	vm7 =	vmmov $0xff;
	vm8 =	vmmov $0x1ff;
	vm9 =	vmmov $0x3ff;
	s0 =	sadd.s32 s0, s2;
	s25 =	simm.s32 $0x9;
	[dreg:$0x8] =	wrdreg s15  }
0x16: {  	vm10 =	vmmov $0x7ff;
	vm11 =	vmmov $0xfff;
	vm12 =	vmmov $0x1fff;
	s2 =	simm.s32 $0x2B30;
	[dreg:$0xa] =	wrdreg s5;
	s0 =	sadd.s32 $0x4B0, s0  }
0x17: {  	vm13 =	vmmov $0x3fff;
	vm14 =	vmmov $0x7fff;
	v2 =	vlaneseq.u32;
	s22 =	simm.s32 $0x0;
	s24 =	simm.s32 $0x7;
	[dreg:$0xc] =	wrdreg s0  }
.LBB2_22:
0x18: {  	s22 =	sadd.s32 $0x1, s22  }
0x19: {  	p1 =	sne.s32 s22, s23  }
.Ltmp1:
0x1a: {  	_ = 	snop;
	(pc) =	sbr.rel @!p1 .LBB2_23-.Ltmp1, $1  }
0x1b: {  	_ =	sdelay $0x3  }
.LBB2_1:
0x1c: {  	s0 =	rddreg [dreg:$0x2];
	s5 =	simm.s32 $0x2B20  }
0x1d: {  	[tilespmem:s5], [sflag:$0x9] =	stream.linear.gather [hbm4b:s0+s4], $0x10, $0x38;
	[tilespmem:$0x7E50] =	vst v63  }
0x1e: {  	_ =	swait.ge [sflag:s25], $0x10  }
0x1f: {  	[sflag:s25] =	ssyncset.done $0x0  }
0x20: {  	[sflag:s25] =	ssyncadd.s32 $0xFFFFFFF0  }
0x21: {  	s0 =	simm.s32 $0x40;
	s5 =	simm.s32 $0x0;
	v3 =	vld [tilespmem:$0x2B20]  }
.LBB2_2:
0x22: {  	p1 =	sne.s32 s0, $0x9C00;
	[tilespmem:s5+$0x2B30] =	vst v0;
	s5 =	smov.u32 s0;
	s0 =	sadd.s32 $0x40, s0  }
.Ltmp2:
0x23: {  	(pc) =	sbr.rel @p1 .LBB2_2-.Ltmp2, $2  }
0x24: {  	_ =	sdelay $0x2  }
0x25: {  	s5 =	sshra.s32 s5, $0x2  }
0x26: {  	[tilespmem:s5+$0x2B30] =	vst v0;
	s31 =	simm.s32 $0x0;
	s0 =	rddreg [dreg:$0x5]  }
0x27: {  	[tilespmem:s31], [sflag:$0x1] =	stream.linear.gather [hbm4b:s0+s31], $0x50, $0x38;
	[tilespmem:$0x7E50] =	vst v63  }
0x28: {  	s16 =	rddreg [dreg:$0x6]  }
0x29: {  	[tilespmem:s26], [sflag:$0x1] =	stream.linear.gather [hbm4b:s16+s31], $0x50, $0x38;
	[tilespmem:$0x7E50] =	vst v63  }
0x2a: {  	s17 =	rddreg [dreg:$0x7]  }
0x2b: {  	[tilespmem:s28], [sflag:$0x2] =	stream.linear.gather [hbm4b:s17+s31], $0x50, $0x38;
	[tilespmem:$0x7E50] =	vst v63  }
0x2c: {  	s5 =	rddreg [dreg:$0x8];
	s13 =	simm.s32 $0x190  }
0x2d: {  	[tilespmem:s13], [sflag:$0x2] =	stream.linear.gather [hbm4b:s5+s31], $0x50, $0x38;
	[tilespmem:$0x7E50] =	vst v63  }
0x2e: {  	_ =	swait.ge [sflag:s30], $0x50  }
0x2f: {  	[sflag:s30] =	ssyncset.done $0x0  }
0x30: {  	[sflag:s30] =	ssyncadd.s32 $0xFFFFFFB0  }
0x31: {  	_ =	swait.ge [sflag:s30], $0x50  }
0x32: {  	[sflag:s30] =	ssyncset.done $0x0  }
0x33: {  	s14 =	simm.s32 $0x280;
	[sflag:s30] =	ssyncadd.s32 $0xFFFFFFB0  }
0x34: {  	[tilespmem:s14], [sflag:$0x5] =	stream.indirect.gather [hbm4b:s6+s28], $0x10, s31, s28, $0xb8;
	[tilespmem:$0x7E50] =	vst v63  }
.Ltmp3:
0x35: {  	_ = 	snop;
	(pc) =	sbr.rel .LBB2_4-.Ltmp3, $4  }
0x36: {  	s15 =	simm.s32 $0xC80  }
0x37: {  	[tilespmem:s15], [sflag:$0x5] =	stream.indirect.gather [hbm4b:s7+s28], $0x10, s26, s28, $0xb8;
	[tilespmem:$0x7E50] =	vst v63  }
0x38: {  	s17 =	simm.s32 $0x1680;
	s16 =	rddreg [dreg:$0x9]  }
0x39: {  	[tilespmem:s17], [sflag:$0x5] =	stream.linear.gather [hbm4b:s16+s31], $0x500, $0x38;
	[tilespmem:$0x7E50] =	vst v63  }
.LBB2_10:
0x3a: {  	s14 =	smul.u32 $0x50, s31  }
0x3b: {  	s15 =	smul.u32 $0x1400, s5  }
0x3c: {  	s14 =	sadd.s32 s12, s14  }
0x3d: {  	s17 =	sadd.s32 $0x7, s5;
	s15 =	sshrl.u32 s15, $0x2;
	s16 =	sshll.u32 s14, $0x1  }
0x3e: {  	p1 =	sgt.u32 s31, $0x7A;
	s15 =	sor.u32 $0x2080, s15;
	s16 =	sadd.s32 s10, s16  }
0x3f: {  	[hbm4b:s16+s4] =	stream.linear.scatter [tilespmem:s15], [sflag:s17], $0x500, $0x38;
	[tilespmem:$0x7E50] =	vst v63  }
0x40: {  	s14 =	sshrl.u32 s14, $0x3;
	s15 =	sadd.s32 @!p1 $0x2, s31  }
0x41: {  	s14 =	sadd.s32 s11, s14;
	s16 =	smul.u32 @!p1 $0x50, s15  }
0x42: {  	[hbm4b:s14+s4] =	stream.linear.scatter [tilespmem:s13], [sflag:s17], $0x50, $0x38;
	[tilespmem:$0x7E50] =	vst v63  }
0x43: {  	s5 =	sand.u32 @!p1 $0x3, s15;
	s13 =	sadd.s32 @!p1 s12, s16  }
0x44: {  	s14 =	smul.u32 @!p1 $0x50, s5;
	s13 =	sshrl.u32 @!p1 s13, $0x3  }
0x45: {  	s5 =	sadd.s32 @!p1 $0x1, s5;
	s16 =	simm.s32 @!p1 $0x0;
	s15 =	sadd.s32 @!p1 s8, s13  }
0x46: {  	[tilespmem:s14], [sflag:s5] =	stream.linear.gather @!p1 [hbm4b:s15+s16], $0x50, $0x38;
	[tilespmem:$0x7E50] =	vst v63  }
0x47: {  	s13 =	sadd.s32 @!p1 s9, s13;
	s14 =	sadd.s32 @!p1 $0x140, s14  }
0x48: {  	[tilespmem:s14], [sflag:s5] =	stream.linear.gather @!p1 [hbm4b:s13+s16], $0x50, $0x38;
	[tilespmem:$0x7E50] =	vst v63  }
0x49: {  	p1 =	sne.s32 s0, $0x7D  }
.Ltmp4:
0x4a: {  	_ = 	snop;
	(pc) =	sbr.rel @!p1 .LBB2_11-.Ltmp4, $2  }
0x4b: {  	_ =	sdelay $0x2  }
0x4c: {  	s31 =	smov.u32 s0  }
.LBB2_4:
0x4d: {  	s0 =	sadd.s32 $0x1, s31;
	p1 =	seq.s32 s31, $0x7C  }
0x4e: {  	s5 =	sand.u32 @!p1 $0x3, s0  }
0x4f: {  	s13 =	sadd.s32 @!p1 $0x1, s5  }
0x50: {  	_ =	swait.ge @!p1 [sflag:s13], $0x50  }
0x51: {  	[sflag:s13] =	ssyncset.done @!p1 $0x0  }
0x52: {  	s14 =	sand.u32 @!p1 $0x1, s0;
	[sflag:s13] =	ssyncadd.s32 @!p1 $0xFFFFFFB0  }
0x53: {  	s15 =	smul.u32 @!p1 $0x500, s14;
	_ =	swait.ge @!p1 [sflag:s13], $0x50  }
0x54: {  	s16 =	simm.s32 @!p1 $0x50;
	s5 =	smul.u32 @!p1 $0x50, s5;
	[sflag:s13] =	ssyncset.done @!p1 $0x0  }
0x55: {  	s14 =	sadd.s32 @!p1 $0x5, s14;
	[sflag:s13] =	ssyncadd.s32 @!p1 $0xFFFFFFB0;
	s13 =	sadd.s32 @!p1 $0x280, s15  }
0x56: {  	[tilespmem:s13], [sflag:s14] =	stream.indirect.gather @!p1 [hbm4b:s6+s16], $0x10, s5, s16, $0xb8;
	[tilespmem:$0x7E50] =	vst v63  }
0x57: {  	s17 =	smul.u32 @!p1 $0x50, s0;
	s5 =	sadd.s32 @!p1 $0x140, s5;
	s13 =	sadd.s32 @!p1 $0xC80, s15  }
0x58: {  	[tilespmem:s13], [sflag:s14] =	stream.indirect.gather @!p1 [hbm4b:s7+s16], $0x10, s5, s16, $0xb8;
	[tilespmem:$0x7E50] =	vst v63  }
0x59: {  	s5 =	sadd.s32 @!p1 s12, s17  }
0x5a: {  	s13 =	sshll.u32 @!p1 s5, $0x1  }
0x5b: {  	s15 =	sadd.s32 @!p1 $0x1680, s15;
	s13 =	sand.u32 @!p1 $0x1FFFFFE0, s13  }
0x5c: {  	s16 =	simm.s32 @!p1 $0x0;
	s5 =	sand.u32 $0x1, s31;
	s13 =	sadd.s32 @!p1 s1, s13  }
0x5d: {  	[tilespmem:s15], [sflag:s14] =	stream.linear.gather @!p1 [hbm4b:s13+s16], $0x500, $0x38;
	[tilespmem:$0x7E50] =	vst v63  }
0x5e: {  	s15 =	sadd.s32 $0x5, s5  }
0x5f: {  	_ =	swait.ge [sflag:s15], $0x500  }
0x60: {  	[sflag:s15] =	ssyncset.done $0x0  }
0x61: {  	[sflag:s15] =	ssyncadd.s32 $0xFFFFFB00  }
0x62: {  	_ =	swait.ge [sflag:s15], $0x500  }
0x63: {  	[sflag:s15] =	ssyncset.done $0x0  }
0x64: {  	[sflag:s15] =	ssyncadd.s32 $0xFFFFFB00  }
0x65: {  	_ =	swait.ge [sflag:s15], $0x500  }
0x66: {  	s17 =	smul.u32 $0x140, s5;
	p1 =	slt.u32 s31, $0x2;
	[sflag:s15] =	ssyncset.done $0x0  }
0x67: {  	s16 =	sand.u32 $0x3, s31;
	s14 =	sadd.s32 @!p1 $0x7, s5;
	[sflag:s15] =	ssyncadd.s32 $0xFFFFFB00  }
0x68: {  	s13 =	smul.u32 $0x140, s16;
	_ =	swait.ge @!p1 [sflag:s14], $0x500  }
.Ltmp5:
0x69: {  	[sflag:s14] =	ssyncset.done @!p1 $0x0;
	(pc) =	sbr.rel .LBB2_5-.Ltmp5, $4  }
0x6a: {  	s16 =	smul.u32 $0x500, s5;
	[sflag:s14] =	ssyncadd.s32 @!p1 $0xFFFFFB00  }
0x6b: {  	s15 =	sshrl.u32 s17, $0x2;
	s17 =	sshrl.u32 s13, $0x2;
	_ =	swait.ge @!p1 [sflag:s14], $0x50  }
0x6c: {  	s13 =	sor.u32 $0x2A80, s15;
	s17 =	sadd.s32 $0x140, s17;
	[sflag:s14] =	ssyncset.done @!p1 $0x0  }
0x6d: {  	v4 =	vmov s16;
	v5 =	vmov s13;
	v6 =	vmov s17;
	[sflag:s14] =	ssyncadd.s32 @!p1 $0xFFFFFFB0;
	s14 =	simm.s32 $0x0  }
.LBB2_8:
0x6e: {  	v7 =	vsel vm15, v9, v7  }
.LBB2_9:
0x6f: {  	_ =	sdelay $0x3  }
0x70: {  	v9 =	vld.idx.msk [tilespmem:v8+s2+$0x0], $0xffff;
	s14 =	sadd.s32 $0x1, s14  }
0x71: {  	p1 =	sne.s32 s14, $0x5  }
.Ltmp6:
0x72: {  	_ = 	snop;
	(pc) =	sbr.rel @!p1 .LBB2_10-.Ltmp6, $3  }
0x73: {  	_ =	sdelay $0x1  }
0x74: {  	v7 =	vmax.f32 v9, v7  }
0x75: {  	[tilespmem:v8+s2+$0x0] =	vst.idx.msk $0xffff, v7  }
.LBB2_5:
0x76: {  	_ =	sdelay $0x2  }
0x77: {  	s15 =	sshll.u32 s14, $0x8  }
0x78: {  	v7 =	vld.idx.msk [tilespmem:v4+s15+$0x280 ss:$0x1], $0xffff  }
0x79: {  	v8 =	vld.idx.msk [tilespmem:v4+s15+$0xC80 ss:$0x1], $0xffff;
	_ =	sdelay $0x1  }
0x7a: {  	v9 =	vld.idx.msk [tilespmem:v4+s15+$0x1680 ss:$0x1], $0xffff;
	_ =	sdelay $0x2  }
0x7b: {  	v7 =	vadd.f32 v8, v7;
	_ =	sdelay $0x1  }
0x7c: {  	v7 =	vadd.f32 v9, v7;
	_ =	sdelay $0x1  }
0x7d: {  	v8 =	vmul.f32 $9.999999770e-03, v7  }
0x7e: {  	vm15 =	vge.f32 v7, $0.0e+00  }
0x7f: {  	v7 =	vsel vm15, v7, v8  }
0x80: {  	[tilespmem:v4+s15+$0x2080 ss:$0x1] =	vst.idx.msk $0xffff, v7  }
0x81: {  	v8 =	vld.idx.msk [tilespmem:v4+s15+$0x290 ss:$0x1], $0xffff  }
0x82: {  	v9 =	vld.idx.msk [tilespmem:v4+s15+$0xC90 ss:$0x1], $0xffff;
	_ =	sdelay $0x1  }
0x83: {  	v10 =	vld.idx.msk [tilespmem:v4+s15+$0x1690 ss:$0x1], $0xffff;
	_ =	sdelay $0x2  }
0x84: {  	v8 =	vadd.f32 v9, v8;
	_ =	sdelay $0x1  }
0x85: {  	v8 =	vadd.f32 v10, v8;
	_ =	sdelay $0x1  }
0x86: {  	v9 =	vmul.f32 $9.999999770e-03, v8  }
0x87: {  	vm15 =	vge.f32 v8, $0.0e+00  }
0x88: {  	v8 =	vsel vm15, v8, v9  }
0x89: {  	[tilespmem:v4+s15+$0x2090 ss:$0x1] =	vst.idx.msk $0xffff, v8  }
0x8a: {  	v9 =	vld.idx.msk [tilespmem:v4+s15+$0x2A0 ss:$0x1], $0xffff  }
0x8b: {  	v10 =	vld.idx.msk [tilespmem:v4+s15+$0xCA0 ss:$0x1], $0xffff;
	_ =	sdelay $0x1  }
0x8c: {  	v11 =	vld.idx.msk [tilespmem:v4+s15+$0x16A0 ss:$0x1], $0xffff;
	_ =	sdelay $0x2  }
0x8d: {  	v9 =	vadd.f32 v10, v9;
	_ =	sdelay $0x1  }
0x8e: {  	v9 =	vadd.f32 v11, v9;
	_ =	sdelay $0x1  }
0x8f: {  	v10 =	vmul.f32 $9.999999770e-03, v9  }
0x90: {  	vm15 =	vge.f32 v9, $0.0e+00  }
0x91: {  	v9 =	vsel vm15, v9, v10  }
0x92: {  	[tilespmem:v4+s15+$0x20A0 ss:$0x1] =	vst.idx.msk $0xffff, v9  }
0x93: {  	v10 =	vld.idx.msk [tilespmem:v4+s15+$0x2B0 ss:$0x1], $0xffff  }
0x94: {  	v11 =	vld.idx.msk [tilespmem:v4+s15+$0xCB0 ss:$0x1], $0xffff;
	_ =	sdelay $0x1  }
0x95: {  	v12 =	vld.idx.msk [tilespmem:v4+s15+$0x16B0 ss:$0x1], $0xffff;
	_ =	sdelay $0x2  }
0x96: {  	v10 =	vadd.f32 v11, v10;
	_ =	sdelay $0x1  }
0x97: {  	v10 =	vadd.f32 v12, v10;
	_ =	sdelay $0x1  }
0x98: {  	v11 =	vmul.f32 $9.999999770e-03, v10  }
0x99: {  	vm15 =	vge.f32 v10, $0.0e+00  }
0x9a: {  	v10 =	vsel vm15, v10, v11  }
0x9b: {  	[tilespmem:v4+s15+$0x20B0 ss:$0x1] =	vst.idx.msk $0xffff, v10  }
0x9c: {  	v11 =	vld.idx.msk [tilespmem:v4+s15+$0x2C0 ss:$0x1], $0xffff  }
0x9d: {  	v24 =	vld.idx.msk [tilespmem:v4+s15+$0xCC0 ss:$0x1], $0xffff;
	_ =	sdelay $0x1  }
0x9e: {  	v13 =	vld.idx.msk [tilespmem:v4+s15+$0x16C0 ss:$0x1], $0xffff;
	_ =	sdelay $0x2  }
0x9f: {  	v11 =	vadd.f32 v24, v11;
	_ =	sdelay $0x1  }
0xa0: {  	v11 =	vadd.f32 v13, v11;
	_ =	sdelay $0x1  }
0xa1: {  	v25 =	vmul.f32 $9.999999770e-03, v11  }
0xa2: {  	vm15 =	vge.f32 v11, $0.0e+00  }
0xa3: {  	v11 =	vsel vm15, v11, v25  }
0xa4: {  	[tilespmem:v4+s15+$0x20C0 ss:$0x1] =	vst.idx.msk $0xffff, v11  }
0xa5: {  	v26 =	vld.idx.msk [tilespmem:v4+s15+$0x2D0 ss:$0x1], $0xffff  }
0xa6: {  	v27 =	vld.idx.msk [tilespmem:v4+s15+$0xCD0 ss:$0x1], $0xffff;
	_ =	sdelay $0x1  }
0xa7: {  	v14 =	vld.idx.msk [tilespmem:v4+s15+$0x16D0 ss:$0x1], $0xffff;
	_ =	sdelay $0x2  }
0xa8: {  	v12 =	vadd.f32 v27, v26;
	_ =	sdelay $0x1  }
0xa9: {  	v12 =	vadd.f32 v14, v12;
	_ =	sdelay $0x1  }
0xaa: {  	v28 =	vmul.f32 $9.999999770e-03, v12  }
0xab: {  	vm15 =	vge.f32 v12, $0.0e+00  }
0xac: {  	v12 =	vsel vm15, v12, v28  }
0xad: {  	[tilespmem:v4+s15+$0x20D0 ss:$0x1] =	vst.idx.msk $0xffff, v12  }
0xae: {  	v29 =	vld.idx.msk [tilespmem:v4+s15+$0x2E0 ss:$0x1], $0xffff  }
0xaf: {  	v30 =	vld.idx.msk [tilespmem:v4+s15+$0xCE0 ss:$0x1], $0xffff;
	_ =	sdelay $0x1  }
0xb0: {  	v15 =	vld.idx.msk [tilespmem:v4+s15+$0x16E0 ss:$0x1], $0xffff;
	_ =	sdelay $0x2  }
0xb1: {  	v13 =	vadd.f32 v30, v29;
	_ =	sdelay $0x1  }
0xb2: {  	v13 =	vadd.f32 v15, v13;
	_ =	sdelay $0x1  }
0xb3: {  	v31 =	vmul.f32 $9.999999770e-03, v13  }
0xb4: {  	vm15 =	vge.f32 v13, $0.0e+00  }
0xb5: {  	v13 =	vsel vm15, v13, v31  }
0xb6: {  	[tilespmem:v4+s15+$0x20E0 ss:$0x1] =	vst.idx.msk $0xffff, v13  }
0xb7: {  	v32 =	vld.idx.msk [tilespmem:v4+s15+$0x2F0 ss:$0x1], $0xffff  }
0xb8: {  	v33 =	vld.idx.msk [tilespmem:v4+s15+$0xCF0 ss:$0x1], $0xffff;
	_ =	sdelay $0x1  }
0xb9: {  	v16 =	vld.idx.msk [tilespmem:v4+s15+$0x16F0 ss:$0x1], $0xffff;
	_ =	sdelay $0x2  }
0xba: {  	v14 =	vadd.f32 v33, v32;
	_ =	sdelay $0x1  }
0xbb: {  	v14 =	vadd.f32 v16, v14;
	_ =	sdelay $0x1  }
0xbc: {  	v34 =	vmul.f32 $9.999999770e-03, v14  }
0xbd: {  	vm15 =	vge.f32 v14, $0.0e+00  }
0xbe: {  	v14 =	vsel vm15, v14, v34  }
0xbf: {  	[tilespmem:v4+s15+$0x20F0 ss:$0x1] =	vst.idx.msk $0xffff, v14  }
0xc0: {  	v35 =	vld.idx.msk [tilespmem:v4+s15+$0x300 ss:$0x1], $0xffff  }
0xc1: {  	v36 =	vld.idx.msk [tilespmem:v4+s15+$0xD00 ss:$0x1], $0xffff;
	_ =	sdelay $0x1  }
0xc2: {  	v17 =	vld.idx.msk [tilespmem:v4+s15+$0x1700 ss:$0x1], $0xffff;
	_ =	sdelay $0x2  }
0xc3: {  	v15 =	vadd.f32 v36, v35;
	_ =	sdelay $0x1  }
0xc4: {  	v15 =	vadd.f32 v17, v15;
	_ =	sdelay $0x1  }
0xc5: {  	v37 =	vmul.f32 $9.999999770e-03, v15  }
0xc6: {  	vm15 =	vge.f32 v15, $0.0e+00  }
0xc7: {  	v15 =	vsel vm15, v15, v37  }
0xc8: {  	[tilespmem:v4+s15+$0x2100 ss:$0x1] =	vst.idx.msk $0xffff, v15  }
0xc9: {  	v38 =	vld.idx.msk [tilespmem:v4+s15+$0x310 ss:$0x1], $0xffff  }
0xca: {  	v39 =	vld.idx.msk [tilespmem:v4+s15+$0xD10 ss:$0x1], $0xffff;
	_ =	sdelay $0x1  }
0xcb: {  	v18 =	vld.idx.msk [tilespmem:v4+s15+$0x1710 ss:$0x1], $0xffff;
	_ =	sdelay $0x2  }
0xcc: {  	v16 =	vadd.f32 v39, v38;
	_ =	sdelay $0x1  }
0xcd: {  	v16 =	vadd.f32 v18, v16;
	_ =	sdelay $0x1  }
0xce: {  	v40 =	vmul.f32 $9.999999770e-03, v16  }
0xcf: {  	vm15 =	vge.f32 v16, $0.0e+00  }
0xd0: {  	v16 =	vsel vm15, v16, v40  }
0xd1: {  	[tilespmem:v4+s15+$0x2110 ss:$0x1] =	vst.idx.msk $0xffff, v16  }
0xd2: {  	v41 =	vld.idx.msk [tilespmem:v4+s15+$0x320 ss:$0x1], $0xffff  }
0xd3: {  	v42 =	vld.idx.msk [tilespmem:v4+s15+$0xD20 ss:$0x1], $0xffff;
	_ =	sdelay $0x1  }
0xd4: {  	v19 =	vld.idx.msk [tilespmem:v4+s15+$0x1720 ss:$0x1], $0xffff;
	_ =	sdelay $0x2  }
0xd5: {  	v17 =	vadd.f32 v42, v41;
	_ =	sdelay $0x1  }
0xd6: {  	v17 =	vadd.f32 v19, v17;
	_ =	sdelay $0x1  }
0xd7: {  	v43 =	vmul.f32 $9.999999770e-03, v17  }
0xd8: {  	vm15 =	vge.f32 v17, $0.0e+00  }
0xd9: {  	v17 =	vsel vm15, v17, v43  }
0xda: {  	[tilespmem:v4+s15+$0x2120 ss:$0x1] =	vst.idx.msk $0xffff, v17  }
0xdb: {  	v44 =	vld.idx.msk [tilespmem:v4+s15+$0x330 ss:$0x1], $0xffff  }
0xdc: {  	v45 =	vld.idx.msk [tilespmem:v4+s15+$0xD30 ss:$0x1], $0xffff;
	_ =	sdelay $0x1  }
0xdd: {  	v20 =	vld.idx.msk [tilespmem:v4+s15+$0x1730 ss:$0x1], $0xffff;
	_ =	sdelay $0x2  }
0xde: {  	v18 =	vadd.f32 v45, v44;
	_ =	sdelay $0x1  }
0xdf: {  	v18 =	vadd.f32 v20, v18;
	_ =	sdelay $0x1  }
0xe0: {  	v46 =	vmul.f32 $9.999999770e-03, v18  }
0xe1: {  	vm15 =	vge.f32 v18, $0.0e+00  }
0xe2: {  	v18 =	vsel vm15, v18, v46  }
0xe3: {  	[tilespmem:v4+s15+$0x2130 ss:$0x1] =	vst.idx.msk $0xffff, v18  }
0xe4: {  	v47 =	vld.idx.msk [tilespmem:v4+s15+$0x340 ss:$0x1], $0xffff  }
0xe5: {  	v48 =	vld.idx.msk [tilespmem:v4+s15+$0xD40 ss:$0x1], $0xffff;
	_ =	sdelay $0x1  }
0xe6: {  	v21 =	vld.idx.msk [tilespmem:v4+s15+$0x1740 ss:$0x1], $0xffff;
	_ =	sdelay $0x2  }
0xe7: {  	v19 =	vadd.f32 v48, v47;
	_ =	sdelay $0x1  }
0xe8: {  	v19 =	vadd.f32 v21, v19;
	_ =	sdelay $0x1  }
0xe9: {  	v49 =	vmul.f32 $9.999999770e-03, v19  }
0xea: {  	vm15 =	vge.f32 v19, $0.0e+00  }
0xeb: {  	v19 =	vsel vm15, v19, v49  }
0xec: {  	[tilespmem:v4+s15+$0x2140 ss:$0x1] =	vst.idx.msk $0xffff, v19  }
0xed: {  	v50 =	vld.idx.msk [tilespmem:v4+s15+$0x350 ss:$0x1], $0xffff  }
0xee: {  	v51 =	vld.idx.msk [tilespmem:v4+s15+$0xD50 ss:$0x1], $0xffff;
	_ =	sdelay $0x1  }
0xef: {  	v22 =	vld.idx.msk [tilespmem:v4+s15+$0x1750 ss:$0x1], $0xffff;
	_ =	sdelay $0x2  }
0xf0: {  	v20 =	vadd.f32 v51, v50;
	_ =	sdelay $0x1  }
0xf1: {  	v20 =	vadd.f32 v22, v20;
	_ =	sdelay $0x1  }
0xf2: {  	v52 =	vmul.f32 $9.999999770e-03, v20  }
0xf3: {  	vm15 =	vge.f32 v20, $0.0e+00  }
0xf4: {  	v20 =	vsel vm15, v20, v52  }
0xf5: {  	[tilespmem:v4+s15+$0x2150 ss:$0x1] =	vst.idx.msk $0xffff, v20  }
0xf6: {  	v53 =	vld.idx.msk [tilespmem:v4+s15+$0x360 ss:$0x1], $0xffff  }
0xf7: {  	v54 =	vld.idx.msk [tilespmem:v4+s15+$0xD60 ss:$0x1], $0xffff;
	_ =	sdelay $0x1  }
0xf8: {  	v23 =	vld.idx.msk [tilespmem:v4+s15+$0x1760 ss:$0x1], $0xffff;
	_ =	sdelay $0x2  }
0xf9: {  	v21 =	vadd.f32 v54, v53;
	_ =	sdelay $0x1  }
0xfa: {  	v21 =	vadd.f32 v23, v21;
	_ =	sdelay $0x1  }
0xfb: {  	v55 =	vmul.f32 $9.999999770e-03, v21  }
0xfc: {  	vm15 =	vge.f32 v21, $0.0e+00  }
0xfd: {  	v7 =	vmul.f32 v7, v3;
	v21 =	vsel vm15, v21, v55  }
0xfe: {  	v8 =	vmul.f32 v8, v3;
	[tilespmem:v4+s15+$0x2160 ss:$0x1] =	vst.idx.msk $0xffff, v21  }
0xff: {  	(xrf2) =	vadd.scan.msk.f32 $0xffff, v7;
	v7 =	vmul.f32 v9, v3;
	v9 =	vld.idx.msk [tilespmem:v4+s15+$0x370 ss:$0x1], $0xffff  }
0x100: {  	(xrf2) =	vadd.scan.msk.f32 $0xffff, v8;
	v8 =	vmul.f32 v10, v3;
	v10 =	vld.idx.msk [tilespmem:v4+s15+$0xD70 ss:$0x1], $0xffff  }
0x101: {  	(xrf2) =	vadd.scan.msk.f32 $0xffff, v7;
	v7 =	vmul.f32 v11, v3  }
0x102: {  	(xrf2) =	vadd.scan.msk.f32 $0xffff, v8;
	v8 =	vmul.f32 v12, v3;
	v11 =	vld.idx.msk [tilespmem:v4+s15+$0x1770 ss:$0x1], $0xffff  }
0x103: {  	(xrf2) =	vadd.scan.msk.f32 $0xffff, v7;
	v7 =	vmul.f32 v13, v3  }
0x104: {  	(xrf2) =	vadd.scan.msk.f32 $0xffff, v8  }
0x105: {  	(xrf2) =	vadd.scan.msk.f32 $0xffff, v7;
	v7 =	vadd.f32 v10, v9  }
0x106: {  	v8 =	vmul.f32 v14, v3  }
0x107: {  	v9 =	vmul.f32 v15, v3;
	v7 =	vadd.f32 v11, v7  }
0x108: {  	(xrf2) =	vadd.scan.msk.f32 $0xffff, v8;
	v8 =	vmul.f32 v16, v3  }
0x109: {  	v10, _, _ =	vpop (xrf2);
	(xrf2) =	vadd.scan.msk.f32 $0xffff, v9;
	v9 =	vmul.f32 v17, v3;
	v11 =	vmul.f32 $9.999999770e-03, v7  }
0x10a: {  	v56, _, _ =	vpop (xrf2);
	(xrf2) =	vadd.scan.msk.f32 $0xffff, v8;
	v8 =	vmul.f32 v18, v3;
	vm15 =	vge.f32 v7, $0.0e+00  }
0x10b: {  	(xrf2) =	vadd.scan.msk.f32 $0xffff, v9;
	v9 =	vmul.f32 v19, v3;
	v7 =	vsel vm15, v7, v11;
	v11 =	vperm.xlane v56, v1  }
0x10c: {  	(xrf2) =	vadd.scan.msk.f32 $0xffff, v8;
	v8 =	vperm.xlane v10, v1;
	v10 =	vmul.f32 v20, v3  }
0x10d: {  	v57, _, _ =	vpop (xrf2);
	(xrf2) =	vadd.scan.msk.f32 $0xffff, v9  }
0x10e: {  	v58, _, _ =	vpop (xrf2);
	v9 =	vmul.f32 v21, v3;
	(xrf2) =	vadd.scan.msk.f32 $0xffff, v10;
	v10 =	vmul.f32 v7, v3  }
0x10f: {  	v12 =	vperm.xlane v57, v1;
	v8 =	vsel vm0, v8, v11;
	v11, _, _ =	vpop (xrf2)  }
0x110: {  	(xrf2) =	vadd.scan.msk.f32 $0xffff, v9;
	v9 =	vperm.xlane v58, v1;
	v11 =	vperm.xlane v11, v1  }
0x111: {  	v8 =	vsel vm1, v8, v12;
	v59, _, _ =	vpop (xrf2);
	(xrf2) =	vadd.scan.msk.f32 $0xffff, v10  }
0x112: {  	v10, _, _ =	vpop (xrf2);
	v8 =	vsel vm2, v8, v9;
	v9 =	vperm.xlane v59, v1  }
0x113: {  	v60, _, _ =	vpop (xrf2);
	v8 =	vsel vm3, v8, v11;
	v10 =	vperm.xlane v10, v1  }
0x114: {  	v8 =	vsel vm4, v8, v9;
	v9 =	vperm.xlane v60, v1;
	v11, _, _ =	vpop (xrf2)  }
0x115: {  	v8 =	vsel vm5, v8, v10;
	v61, _, _ =	vpop (xrf2);
	v10 =	vperm.xlane v11, v1  }
0x116: {  	v8 =	vsel vm6, v8, v9;
	v11, _, _ =	vpop (xrf2);
	v9 =	vperm.xlane v61, v1  }
0x117: {  	v62, _, _ =	vpop (xrf2);
	v8 =	vsel vm7, v8, v10;
	v10 =	vperm.xlane v11, v1  }
0x118: {  	v11, _, _ =	vpop (xrf2);
	v8 =	vsel vm8, v8, v9;
	v9 =	vperm.xlane v62, v1  }
0x119: {  	v63, _, _ =	vpop (xrf2);
	v8 =	vsel vm9, v8, v10;
	v10 =	vperm.xlane v11, v1  }
0x11a: {  	v11, _, _ =	vpop (xrf2);
	v8 =	vsel vm10, v8, v9;
	v9 =	vperm.xlane v63, v1  }
0x11b: {  	v8 =	vsel vm11, v8, v10;
	v10 =	vperm.xlane v11, v1;
	v11, _, _ =	vpop (xrf2)  }
0x11c: {  	v8 =	vsel vm12, v8, v9;
	v9 =	vperm.xlane v11, v1  }
0x11d: {  	v8 =	vsel vm13, v8, v10  }
0x11e: {  	v8 =	vsel vm14, v8, v9  }
0x11f: {  	v9 =	vmul.f32 $9.999999770e-03, v8  }
0x120: {  	vm15 =	vge.f32 v8, $0.0e+00  }
0x121: {  	v8 =	vsel vm15, v8, v9  }
0x122: {  	v9 =	vmul.f32 $9.999999770e-03, v8  }
0x123: {  	vm15 =	vge.f32 v8, $0.0e+00  }
0x124: {  	s16 =	sshll.u32 s14, $0x4;
	[tilespmem:v4+s15+$0x2170 ss:$0x1] =	vst.idx.msk $0xffff, v7;
	v7 =	vsel vm15, v8, v9  }
0x125: {  	[tilespmem:v5+s16+$0x0 ss:$0x1] =	vst.idx.msk $0xffff, v7  }
0x126: {  	v8 =	vld.idx.msk [tilespmem:v6+s16+$0x0 ss:$0x1], $0xffff;
	_ =	sdelay $0x4  }
0x127: {  	(xrf1) =	vunique.msk.u32 $0xffff, v8;
	_ =	sdelay $0xd  }
0x128: {  	_, v9, _ =	vpop (xrf1)  }
0x129: {  	v9 =	vxor.u32 $0x80000000, v9  }
0x12a: {  	(xrf0) =	vmax.scan.msk.u32 $0xffff, v9  }
0x12b: {  	(xrf0) =	vmin.scan.msk.u32 $0xffff, v9;
	_ =	sdelay $0x4  }
0x12c: {  	v9, _, _ =	vpop (xrf0)  }
0x12d: {  	(v2sf) =	vpush v9, $0xF;
	v9, _, _ =	vpop (xrf0)  }
0x12e: {  	(v2sf) =	vpush v9, $0xF;
	_ =	sdelay $0xd  }
0x12f: {  	s17 =	spop (v2sf)  }
0x130: {  	s16 =	spop (v2sf)  }
0x131: {  	p1 =	sle.u32 s17, s16  }
.Ltmp7:
0x132: {  	_ = 	snop;
	(pc) =	sbr.rel @p1 .LBB2_9-.Ltmp7, $2  }
0x133: {  	_ =	sdelay $0x2  }
0x134: {  	s15 =	simm.s32 $0x1  }
0x135: {  	v9 =	vadd.s32 s15, v2  }
0x136: {  	v9 =	vand.u32 $0xF, v9  }
0x137: {  	v10 =	vperm.xlane v8, v9;
	v9 =	vperm.xlane v7, v9;
	_ =	sdelay $0x1  }
0x138: {  	s15 =	simm.s32 $0x2;
	vm15 =	veq.s32 v8, v10;
	v9 =	vmax.f32 v7, v9  }
.LBB2_7:
0x139: {  	p1 =	sne.s32 s15, $0xF;
	v7 =	vsel vm15, v9, v7;
	s16 =	smov.u32 s15;
	s15 =	sadd.s32 $0x1, s15  }
.Ltmp8:
0x13a: {  	v9 =	vadd.s32 s16, v2;
	(pc) =	sbr.rel @p1 .LBB2_7-.Ltmp8, $3  }
0x13b: {  	v9 =	vand.u32 $0xF, v9  }
0x13c: {  	v10 =	vperm.xlane v8, v9;
	v9 =	vperm.xlane v7, v9;
	_ =	sdelay $0x1  }
0x13d: {  	vm15 =	veq.s32 v8, v10;
	v9 =	vmax.f32 v7, v9  }
.Ltmp9:
0x13e: {  	_ = 	snop;
	(pc) =	sbr.rel .LBB2_8-.Ltmp9, $1  }
0x13f: {  	_ =	sdelay $0x3  }
.LBB2_11:
0x140: {  	_ =	swait.ge [sflag:s24], $0x500  }
0x141: {  	[sflag:s24] =	ssyncset.done $0x0  }
0x142: {  	[sflag:s24] =	ssyncadd.s32 $0xFFFFFB00  }
0x143: {  	_ =	swait.ge [sflag:s24], $0x50  }
0x144: {  	[sflag:s24] =	ssyncset.done $0x0  }
0x145: {  	[sflag:s24] =	ssyncadd.s32 $0xFFFFFFB0  }
0x146: {  	_ =	swait.ge [sflag:s20], $0x500  }
0x147: {  	[sflag:s20] =	ssyncset.done $0x0  }
0x148: {  	[sflag:s20] =	ssyncadd.s32 $0xFFFFFB00  }
0x149: {  	_ =	swait.ge [sflag:s20], $0x50  }
0x14a: {  	[sflag:s20] =	ssyncset.done $0x0  }
0x14b: {  	[sflag:s20] =	ssyncadd.s32 $0xFFFFFFB0  }
0x14c: {  	[spmem:s18] =	stream.linear.scatter [tilespmem:s2], [sflag:$0x9], $0x2710, $0x38;
	[tilespmem:$0x7E50] =	vst v63  }
.Ltmp10:
0x14d: {  	_ =	swait.ge [sflag:s25], $0x2710;
	(pc) =	sbr.rel @!p0 .LBB2_12-.Ltmp10, $3  }
0x14e: {  	[sflag:s25] =	ssyncset.done $0x0  }
0x14f: {  	[sflag:s25] =	ssyncadd.s32 $0xFFFFD8F0  }
0x150: {  	[bflag:$0x0] =	sbarrier.arrive $0xFFFF;
	_ =	sdelay $0x1  }
0x151: {  	s0 =	rddreg [dreg:$0xb]  }
0x152: {  	[tilespmem:s21], [sflag:$0x9] =	stream.linear.gather [spmem:s0], $0x190, $0x38;
	[tilespmem:$0x7E50] =	vst v63  }
0x153: {  	_ =	swait.ge [sflag:s25], $0x190  }
0x154: {  	[sflag:s25] =	ssyncset.done $0x0  }
0x155: {  	s0 =	simm.s32 $0x1;
	[sflag:s25] =	ssyncadd.s32 $0xFFFFFE70  }
.LBB2_18:
0x156: {  	s5 =	smul.u32 $0x9C40, s0;
	_ =	sdelay $0x1  }
0x157: {  	s5 =	sshra.s32 s5, $0x2  }
0x158: {  	s5 =	sadd.s32 s5, s3  }
0x159: {  	s5 =	sadd.s32 $0x2580, s5  }
0x15a: {  	[tilespmem:s29], [sflag:$0x9] =	stream.linear.gather [spmem:s5], $0x190, $0x38;
	[tilespmem:$0x7E50] =	vst v63  }
0x15b: {  	_ =	swait.ge [sflag:s25], $0x190  }
0x15c: {  	[sflag:s25] =	ssyncset.done $0x0  }
0x15d: {  	s5 =	simm.s32 $0x0;
	[sflag:s25] =	ssyncadd.s32 $0xFFFFFE70  }
0x15e: {  	s13 =	simm.s32 $0x40;
	v3 =	vld [tilespmem:s5+$0x54C0]  }
.LBB2_19:
0x15f: {  	p1 =	sne.s32 s13, $0x600;
	v4 =	vld [tilespmem:s5+$0x5240];
	_ =	sdelay $0x1  }
.Ltmp11:
0x160: {  	(pc) =	sbr.rel @p1 .LBB2_19-.Ltmp11, $3  }
0x161: {  	_ =	sdelay $0x1  }
0x162: {  	s14 =	sshra.s32 s13, $0x2;
	v4 =	vmax.f32 v4, v3  }
0x163: {  	s13 =	sadd.s32 $0x40, s13;
	v3 =	vld [tilespmem:s14+$0x54C0];
	[tilespmem:s5+$0x5240] =	vst v4;
	s5 =	smov.u32 s14  }
0x164: {  	v4 =	vld [tilespmem:s5+$0x5240];
	s0 =	sadd.s32 $0x1, s0  }
0x165: {  	p1 =	sne.s32 s0, $0x10  }
.Ltmp12:
0x166: {  	_ = 	snop;
	(pc) =	sbr.rel @p1 .LBB2_18-.Ltmp12, $3  }
0x167: {  	_ =	sdelay $0x1  }
0x168: {  	v3 =	vmax.f32 v4, v3  }
0x169: {  	[tilespmem:s5+$0x5240] =	vst v3  }
.Ltmp13:
0x16a: {  	s0 =	rddreg [dreg:$0xc];
	(pc) =	sbr.rel .LBB2_22-.Ltmp13, $4  }
0x16b: {  	[hbm4b:s0+s4] =	stream.linear.scatter [tilespmem:s21], [sflag:$0x9], $0x190, $0x38;
	[tilespmem:$0x7E50] =	vst v63  }
0x16c: {  	_ =	swait.ge [sflag:s25], $0x190  }
0x16d: {  	[sflag:s25] =	ssyncset.done $0x0  }
0x16e: {  	[sflag:s25] =	ssyncadd.s32 $0xFFFFFE70  }
.LBB2_12:
0x16f: {  	[tilespmem:s21], [sflag:$0x9] =	stream.linear.gather [spmem:s19], $0x280, $0x38;
	[tilespmem:$0x7E50] =	vst v63  }
0x170: {  	_ =	swait.ge [sflag:s25], $0x280  }
0x171: {  	[sflag:s25] =	ssyncset.done $0x0  }
0x172: {  	s0 =	simm.s32 $0x1;
	[sflag:s25] =	ssyncadd.s32 $0xFFFFFD80  }
.LBB2_13:
0x173: {  	s5 =	smul.u32 $0x9C40, s0;
	_ =	sdelay $0x1  }
0x174: {  	s5 =	sshra.s32 s5, $0x2  }
0x175: {  	s5 =	sadd.s32 s5, s19  }
0x176: {  	[tilespmem:s29], [sflag:$0x9] =	stream.linear.gather [spmem:s5], $0x280, $0x38;
	[tilespmem:$0x7E50] =	vst v63  }
0x177: {  	_ =	swait.ge [sflag:s25], $0x280  }
0x178: {  	[sflag:s25] =	ssyncset.done $0x0  }
0x179: {  	s5 =	simm.s32 $0x0;
	[sflag:s25] =	ssyncadd.s32 $0xFFFFFD80  }
0x17a: {  	s13 =	simm.s32 $0x40;
	v3 =	vld [tilespmem:s5+$0x54C0]  }
.LBB2_14:
0x17b: {  	p1 =	sne.s32 s13, $0x9C0;
	v4 =	vld [tilespmem:s5+$0x5240];
	_ =	sdelay $0x1  }
.Ltmp14:
0x17c: {  	(pc) =	sbr.rel @p1 .LBB2_14-.Ltmp14, $3  }
0x17d: {  	_ =	sdelay $0x1  }
0x17e: {  	s14 =	sshra.s32 s13, $0x2;
	v4 =	vmax.f32 v4, v3  }
0x17f: {  	s13 =	sadd.s32 $0x40, s13;
	v3 =	vld [tilespmem:s14+$0x54C0];
	[tilespmem:s5+$0x5240] =	vst v4;
	s5 =	smov.u32 s14  }
0x180: {  	v4 =	vld [tilespmem:s5+$0x5240];
	s0 =	sadd.s32 $0x1, s0  }
0x181: {  	p1 =	sne.s32 s0, $0x10  }
.Ltmp15:
0x182: {  	_ = 	snop;
	(pc) =	sbr.rel @p1 .LBB2_13-.Ltmp15, $3  }
0x183: {  	_ =	sdelay $0x1  }
0x184: {  	v3 =	vmax.f32 v4, v3  }
0x185: {  	[tilespmem:s5+$0x5240] =	vst v3  }
.Ltmp16:
0x186: {  	s0 =	rddreg [dreg:$0xa];
	(pc) =	sbr.rel .LBB2_22-.Ltmp16, $4  }
0x187: {  	[hbm4b:s0+s4] =	stream.linear.scatter [tilespmem:s21], [sflag:$0x9], $0x280, $0x38;
	[tilespmem:$0x7E50] =	vst v63  }
0x188: {  	_ =	swait.ge [sflag:s25], $0x280  }
0x189: {  	[sflag:s25] =	ssyncset.done $0x0  }
0x18a: {  	[sflag:s25] =	ssyncadd.s32 $0xFFFFFD80  }
.LBB2_23:
0x18b: {  	_ =	sfence.sel $0x180000  }
0x18c: {  	[bflag:$0x0] =	sbarrier.arrive $0xFFFF  }
0x18d: {  	_ =	strace $0x90000047  }
0x18e: {  	s0 =	stileid.u32;
	[bflag:$0x2] =	sbarrier.arrive $0xFFFF  }
0x18f: {  	p0 =	sne.s32 s0, $0x0;
	s0 =	rddreg [dreg:$0x4]  }
0x190: {  	s0 =	sadd.s32 @!p0 $0x100000, s0  }
0x191: {  	[sflag:s0] =	ssyncadd.tile.s32 @!p0 $0x1;
	_ =	shalt  }
.Lfunc_end2:
_tile_overlayer_lowered:
.L_overlay_start_2:
0x192: {  	(tag) =	ssettag $0x2  }
0x193: {  	s0 =	rddreg [dreg:$0x0];
	s2 =	stileid.u32  }
0x194: {  	s1 =	rddreg [dreg:$0x1];
	p0 =	sne.s32 s2, $0x0  }
0x195: {  	s3 =	rddreg [dreg:$0x2];
	[bflag:$0x3] =	sbarrier.arrive $0xFFFF;
	s2 =	simm.s32 @!p0 $0x1C09  }
0x196: {  	[timem:s3], [sflag:s2] =	dma.local @!p0 [hbm:s0], s1  }
0x197: {  	s0 =	simm.s32 @!p0 $0x9  }
0x198: {  	_ =	swait.ge @!p0 [sflag:s0], s1  }
0x199: {  	s1 =	ssub.s32 @!p0 $0x0, s1;
	[sflag:s0] =	ssyncset.done @!p0 $0x0  }
0x19a: {  	[sflag:s0] =	ssyncadd.s32 @!p0 s1  }
0x19b: {  	[bflag:$0x3] =	sbarrier.arrive $0xFFFF  }
0x19c: {  	_ =	shalt  }

</sc_bundles>
